<compile_context>
chip_gen: v7x
topology: tpu7x:2x2x1
jax: 0.10.2.dev20260603
libtpu: 0.0.44.dev20260713+nightly
codegen_flags: <defaults>
</compile_context>

<pallas_src>
import jax
import jax.numpy as jnp
from jax import lax
from jax.experimental import pallas as pl
from jax.experimental.pallas import tpu as pltpu
from jax.experimental.pallas import tpu_sc as plsc

_D = 32
_BB = 128
_KS = 5


def _sc_body(mel_tok, chd_tok, mel_emb, chd_emb, mel_pos, chd_pos,
             mel_z, chd_z, idx_all, pb_v0, pb_v1, buf_v0, buf_v1,
             out_v0, out_v1, gsem0, gsem1, osem0, osem1):
    cid = lax.axis_index("c")
    sid = lax.axis_index("s")
    wid = sid * 2 + cid
    seq = mel_pos.shape[0]
    n_blocks = seq // _KS
    bufs = (buf_v0, buf_v1)
    pbufs = (pb_v0, pb_v1)
    outs = (out_v0, out_v1)
    gsems = (gsem0, gsem1)
    osems = (osem0, osem1)
    iota16 = lax.iota(jnp.int32, 16)
    rows16 = [iota16 + (g * 16) for g in range(_BB // 16)]

    def run_table(tok_hbm, table_hbm, pos_hbm, z_hbm):
        pltpu.sync_copy(tok_hbm.at[wid], idx_all)

        def gather(b, half):
            pltpu.async_copy(
                table_hbm.at[idx_all.at[pl.ds(b * (_KS * _BB), _KS * _BB)]],
                bufs[half], gsems[half])
            pltpu.async_copy(pos_hbm.at[pl.ds(b * _KS, _KS)], pbufs[half],
                             gsems[half])

        def drain_out(half):
            pltpu.make_async_copy(outs[half],
                                  z_hbm.at[pl.ds(0, _KS), :, wid],
                                  osems[half]).wait()

        gather(0, 0)

        def block_pair(b2, carry):
            for half in range(2):
                b = 2 * b2 + half
                nxt = b + 1

                @pl.when(nxt < n_blocks)
                def _():
                    gather(nxt, 1 - half)

                pltpu.make_async_copy(
                    table_hbm.at[idx_all.at[pl.ds(b * (_KS * _BB),
                                                  _KS * _BB)]],
                    bufs[half], gsems[half]).wait()
                pltpu.make_async_copy(pos_hbm.at[pl.ds(b * _KS, _KS)],
                                      pbufs[half], gsems[half]).wait()

                @pl.when(b >= 2)
                def _():
                    drain_out(half)

                for j in range(_KS):
                    jbuf = bufs[half].at[pl.ds(j * _BB, _BB)]
                    jfull = jnp.full((16,), j, jnp.int32)

                    def d_body(d, c3, jbuf=jbuf, jfull=jfull, half=half):
                        dvec = (iota16 + d) & (_D - 1)
                        dt_vec = dvec >> 3
                        di_vec = dvec & 7
                        p = plsc.load_gather(pbufs[half],
                                             [jfull, dvec, iota16])
                        vs = [plsc.load_gather(jbuf, [rows16[g], dvec])
                              for g in range(_BB // 16)]
                        for g in range(_BB // 16):
                            plsc.store_scatter(
                                outs[half],
                                [jfull, dt_vec, di_vec, rows16[g]],
                                vs[g] + p)
                        return c3

                    lax.fori_loop(0, _D, d_body, 0)
                pltpu.async_copy(outs[half],
                                 z_hbm.at[pl.ds(b * _KS, _KS), :, wid],
                                 osems[half])
            return carry

        lax.fori_loop(0, n_blocks // 2, block_pair, 0)
        drain_out(0)
        drain_out(1)

    run_table(mel_tok, mel_emb, mel_pos, mel_z)
    run_table(chd_tok, chd_emb, chd_pos, chd_z)


def kernel(melody_tokens, chord_tokens, melody_emb, chord_emb, enc_pos, dec_pos):
    batch, seq = melody_tokens.shape
    nb = batch // _BB

    def to_worker_major(tok):
        t = jnp.transpose(tok.astype(jnp.int32))
        return t.reshape(seq, nb, _BB).transpose(1, 0, 2).reshape(nb, seq * _BB)

    mel_t = to_worker_major(melody_tokens)
    chd_t = to_worker_major(chord_tokens)

    mesh = plsc.VectorSubcoreMesh(
        core_axis_name="c", subcore_axis_name="s", num_cores=2, num_subcores=16
    )
    z_shape = (seq, _D // 8, batch // _BB, 8, _BB)
    run = pl.kernel(
        _sc_body,
        out_type=(
            jax.ShapeDtypeStruct(z_shape, jnp.float32),
            jax.ShapeDtypeStruct(z_shape, jnp.float32),
        ),
        mesh=mesh,
        scratch_types=[
            pltpu.VMEM((seq * _BB,), jnp.int32),
            pltpu.VMEM((_KS, _D, 16), jnp.float32),
            pltpu.VMEM((_KS, _D, 16), jnp.float32),
            pltpu.VMEM((_KS * _BB, _D), jnp.float32),
            pltpu.VMEM((_KS * _BB, _D), jnp.float32),
            pltpu.VMEM((_KS, _D // 8, 8, _BB), jnp.float32),
            pltpu.VMEM((_KS, _D // 8, 8, _BB), jnp.float32),
            pltpu.SemaphoreType.DMA,
            pltpu.SemaphoreType.DMA,
            pltpu.SemaphoreType.DMA,
            pltpu.SemaphoreType.DMA,
        ],
        compiler_params=pltpu.CompilerParams(
            use_tc_tiling_on_sc=False, needs_layout_passes=False),
    )
    mel_pb = jnp.broadcast_to(enc_pos[:seq, :, None], (seq, _D, 16))
    chd_pb = jnp.broadcast_to(dec_pos[:seq, :, None], (seq, _D, 16))
    mel_z, chd_z = run(mel_t, chd_t, melody_emb, chord_emb, mel_pb, chd_pb)
    mel_out = mel_z.transpose(2, 4, 0, 1, 3).reshape(batch, seq, _D)
    chd_out = chd_z.transpose(2, 4, 0, 1, 3).reshape(batch, seq, _D)
    return (mel_out, chd_out)

# --- scband reference (transcript-rebuilt; emitter-appended) ---
"""Pipeline reference for scband-offline-teacher-embeddings-12515534700572 (READ-ONLY COPY).

The authoritative reference and input builder live on the scoring server;
editing this copy changes nothing except your own understanding.
"""

import jax, jax.numpy as jnp
import numpy as np

VOCAB_MEL = 100000
VOCAB_CHD = 100000
EMBED_DIM = 32
MAX_SEQ = 512
BATCH = 4096
SEQ = 200

def setup_inputs(seed: int = 0) -> dict:
    key = jax.random.key(seed)
    k1, k2, k3, k4, k5, k6 = jax.random.split(key, 6)
    melody_tokens = jax.random.randint(k1, (BATCH, SEQ), 0, VOCAB_MEL)
    chord_tokens = jax.random.randint(k2, (BATCH, SEQ), 0, VOCAB_CHD)
    melody_emb = jax.random.normal(k3, (VOCAB_MEL, EMBED_DIM), dtype=jnp.float32) * 0.02
    chord_emb = jax.random.normal(k4, (VOCAB_CHD, EMBED_DIM), dtype=jnp.float32) * 0.02
    enc_pos = jax.random.normal(k5, (MAX_SEQ, EMBED_DIM), dtype=jnp.float32) * 0.02
    dec_pos = jax.random.normal(k6, (MAX_SEQ, EMBED_DIM), dtype=jnp.float32) * 0.02
    return {"melody_tokens": melody_tokens, "chord_tokens": chord_tokens,
            "melody_emb": melody_emb, "chord_emb": chord_emb,
            "enc_pos": enc_pos, "dec_pos": dec_pos}

def reference(melody_tokens, chord_tokens, melody_emb, chord_emb, enc_pos, dec_pos):
    # encode_melody: token embedding gather + encoder position embedding
    seq_m = melody_tokens.shape[1]
    mel_tok = jnp.take(melody_emb, melody_tokens, axis=0)
    mel_pos = jnp.take(enc_pos, jnp.arange(seq_m), axis=0)[None, :, :]
    mel_out = mel_tok + mel_pos
    # encode_chords: token embedding gather + decoder position embedding
    seq_c = chord_tokens.shape[1]
    chd_tok = jnp.take(chord_emb, chord_tokens, axis=0)
    chd_pos = jnp.take(dec_pos, jnp.arange(seq_c), axis=0)[None, :, :]
    chd_out = chd_tok + chd_pos
    return (mel_out, chd_out)

if __name__ == "__main__":
    import jax
    _d = setup_inputs()
    print(jax.jit(kernel)(*tuple(_d.values())))

</pallas_src>

<mosaic_0001>
#map = affine_map<(d0, d1) -> (0, 0)>
#map1 = affine_map<(d0, d1) -> (0, 0, 0)>
#map2 = affine_map<(d0, d1) -> (0, 0, 0, 0, 0)>
module attributes {stable_mosaic.version = 14 : i64} {
  func.func @_sc_body(%arg0: i32, %arg1: i32, %arg2: memref<32x25600xi32, #tpu.memory_space<hbm>>, %arg3: memref<32x25600xi32, #tpu.memory_space<hbm>>, %arg4: memref<100000x32xf32, #tpu.memory_space<hbm>>, %arg5: memref<100000x32xf32, #tpu.memory_space<hbm>>, %arg6: memref<200x32x16xf32, #tpu.memory_space<hbm>>, %arg7: memref<200x32x16xf32, #tpu.memory_space<hbm>>, %arg8: memref<200x4x32x8x128xf32, #tpu.memory_space<hbm>>, %arg9: memref<200x4x32x8x128xf32, #tpu.memory_space<hbm>>, %arg10: memref<25600xi32, #tpu.memory_space<vmem>>, %arg11: memref<5x32x16xf32, #tpu.memory_space<vmem>>, %arg12: memref<5x32x16xf32, #tpu.memory_space<vmem>>, %arg13: memref<640x32xf32, #tpu.memory_space<vmem>>, %arg14: memref<640x32xf32, #tpu.memory_space<vmem>>, %arg15: memref<5x4x8x128xf32, #tpu.memory_space<vmem>>, %arg16: memref<5x4x8x128xf32, #tpu.memory_space<vmem>>, %arg17: memref<!tpu.dma_semaphore, #tpu.memory_space<semaphore_mem>>, %arg18: memref<!tpu.dma_semaphore, #tpu.memory_space<semaphore_mem>>, %arg19: memref<!tpu.dma_semaphore, #tpu.memory_space<semaphore_mem>>, %arg20: memref<!tpu.dma_semaphore, #tpu.memory_space<semaphore_mem>>) attributes {dimension_semantics = [#tpu.dimension_semantics<core_parallel>, #tpu.dimension_semantics<subcore_parallel>], iteration_bounds = array<i64: 2, 16>, scalar_prefetch = 0 : i64, scratch_operands = 11 : i64, tpu.core_type = #tpu.core_type<sc_vector_subcore>, window_params = [{transform_indices = #map}, {transform_indices = #map}, {transform_indices = #map}, {transform_indices = #map}, {transform_indices = #map1}, {transform_indices = #map1}, {transform_indices = #map2}, {transform_indices = #map2}]} {
    %mul3A = arith.constant 2 : i32
    %mul3A_0 = arith.muli %arg1, %mul3A : i32
    %add3A = arith.addi %mul3A_0, %arg0 : i32
    %iota3A = tpu.iota {dimensions = array<i32: 0>} : vector<16xi32>
    %add3A_1 = arith.constant 0 : i32
    %add3A_2 = vector.broadcast %add3A_1 : i32 to vector<16xi32>
    %add3A_3 = arith.addi %iota3A, %add3A_2 : vector<16xi32>
    %add3A_4 = arith.constant 16 : i32
    %add3A_5 = vector.broadcast %add3A_4 : i32 to vector<16xi32>
    %add3A_6 = arith.addi %iota3A, %add3A_5 : vector<16xi32>
    %add3A_7 = arith.constant 32 : i32
    %add3A_8 = vector.broadcast %add3A_7 : i32 to vector<16xi32>
    %add3A_9 = arith.addi %iota3A, %add3A_8 : vector<16xi32>
    %add3A_10 = arith.constant 48 : i32
    %add3A_11 = vector.broadcast %add3A_10 : i32 to vector<16xi32>
    %add3A_12 = arith.addi %iota3A, %add3A_11 : vector<16xi32>
    %add3A_13 = arith.constant 64 : i32
    %add3A_14 = vector.broadcast %add3A_13 : i32 to vector<16xi32>
    %add3A_15 = arith.addi %iota3A, %add3A_14 : vector<16xi32>
    %add3A_16 = arith.constant 80 : i32
    %add3A_17 = vector.broadcast %add3A_16 : i32 to vector<16xi32>
    %add3A_18 = arith.addi %iota3A, %add3A_17 : vector<16xi32>
    %add3A_19 = arith.constant 96 : i32
    %add3A_20 = vector.broadcast %add3A_19 : i32 to vector<16xi32>
    %add3A_21 = arith.addi %iota3A, %add3A_20 : vector<16xi32>
    %add3A_22 = arith.constant 112 : i32
    %add3A_23 = vector.broadcast %add3A_22 : i32 to vector<16xi32>
    %add3A_24 = arith.addi %iota3A, %add3A_23 : vector<16xi32>
    "tpu.region"() ({
      %run_scoped3A = tpu.sem_alloc : memref<!tpu.dma_semaphore, #tpu.memory_space<semaphore_mem>>
      %dma_start3A_108 = arith.constant 0 : i32
      %dma_start3A_109 = tpu.memref_slice %arg2[%add3A, %dma_start3A_108] : memref<32x25600xi32, #tpu.memory_space<hbm>> -> memref<1x25600xi32, #tpu.memory_space<hbm>>
      %dma_start3A_110 = tpu.memref_squeeze %dma_start3A_109 : memref<1x25600xi32, #tpu.memory_space<hbm>> -> memref<25600xi32, #tpu.memory_space<hbm>>
      %dma_start3A_111 = arith.constant 0 : i32
      %dma_start3A_112 = tpu.memref_slice %arg2[%add3A, %dma_start3A_111] : memref<32x25600xi32, #tpu.memory_space<hbm>> -> memref<1x25600xi32, #tpu.memory_space<hbm>>
      %dma_start3A_113 = tpu.memref_squeeze %dma_start3A_112 : memref<1x25600xi32, #tpu.memory_space<hbm>> -> memref<25600xi32, #tpu.memory_space<hbm>>
      tpu.enqueue_dma source(%dma_start3A_113 : memref<25600xi32, #tpu.memory_space<hbm>>) target(%arg10 : memref<25600xi32, #tpu.memory_space<vmem>>) target_semaphore(%run_scoped3A : memref<!tpu.dma_semaphore, #tpu.memory_space<semaphore_mem>>)
      %dma_wait3A_114 = arith.constant 0 : i32
      %dma_wait3A_115 = tpu.memref_slice %arg2[%add3A, %dma_wait3A_114] : memref<32x25600xi32, #tpu.memory_space<hbm>> -> memref<1x25600xi32, #tpu.memory_space<hbm>>
      %dma_wait3A_116 = tpu.memref_squeeze %dma_wait3A_115 : memref<1x25600xi32, #tpu.memory_space<hbm>> -> memref<25600xi32, #tpu.memory_space<hbm>>
      %dma_wait3A_117 = arith.constant 0 : i32
      %dma_wait3A_118 = tpu.memref_slice %arg2[%add3A, %dma_wait3A_117] : memref<32x25600xi32, #tpu.memory_space<hbm>> -> memref<1x25600xi32, #tpu.memory_space<hbm>>
      %dma_wait3A_119 = tpu.memref_squeeze %dma_wait3A_118 : memref<1x25600xi32, #tpu.memory_space<hbm>> -> memref<25600xi32, #tpu.memory_space<hbm>>
      tpu.wait_dma2 semaphore(%run_scoped3A : memref<!tpu.dma_semaphore, #tpu.memory_space<semaphore_mem>>) src(%dma_wait3A_119 : memref<25600xi32, #tpu.memory_space<hbm>>) dst(%arg10 : memref<25600xi32, #tpu.memory_space<vmem>>)
      tpu.yield
    }) : () -> ()
    %dma_start3A = arith.constant 0 : i32
    %dma_start3A_25 = tpu.memref_slice %arg10[%dma_start3A] : memref<25600xi32, #tpu.memory_space<vmem>> -> memref<640xi32, #tpu.memory_space<vmem>>
    %dma_start3A_26 = arith.constant 0 : i32
    %dma_start3A_27 = arith.constant 0 : i32
    %dma_start3A_28 = tpu.memref_slice %arg4[%dma_start3A_26, %dma_start3A_27] : memref<100000x32xf32, #tpu.memory_space<hbm>> -> memref<100000x32xf32, #tpu.memory_space<hbm>>
    tpu.enqueue_indirect_dma source(%dma_start3A_28 : memref<100000x32xf32, #tpu.memory_space<hbm>>) target(%arg13 : memref<640x32xf32, #tpu.memory_space<vmem>>) offsets(%dma_start3A_25 : memref<640xi32, #tpu.memory_space<vmem>>) semaphore(%arg17 : memref<!tpu.dma_semaphore, #tpu.memory_space<semaphore_mem>>)
    %dma_start3A_29 = arith.constant 0 : i32
    %dma_start3A_30 = arith.constant 0 : i32
    %dma_start3A_31 = arith.constant 0 : i32
    %dma_start3A_32 = tpu.memref_slice %arg6[%dma_start3A_29, %dma_start3A_30, %dma_start3A_31] : memref<200x32x16xf32, #tpu.memory_space<hbm>> -> memref<5x32x16xf32, #tpu.memory_space<hbm>>
    %dma_start3A_33 = arith.constant 0 : i32
    %dma_start3A_34 = arith.constant 0 : i32
    %dma_start3A_35 = arith.constant 0 : i32
    %dma_start3A_36 = tpu.memref_slice %arg6[%dma_start3A_33, %dma_start3A_34, %dma_start3A_35] : memref<200x32x16xf32, #tpu.memory_space<hbm>> -> memref<5x32x16xf32, #tpu.memory_space<hbm>>
    tpu.enqueue_dma source(%dma_start3A_36 : memref<5x32x16xf32, #tpu.memory_space<hbm>>) target(%arg11 : memref<5x32x16xf32, #tpu.memory_space<vmem>>) target_semaphore(%arg17 : memref<!tpu.dma_semaphore, #tpu.memory_space<semaphore_mem>>)
    %scan3A = arith.constant 0 : i32
    %scan3A_37 = arith.constant 0 : i32
    %scan3A_38 = arith.constant 20 : i32
    %scan3A_39 = arith.addi %scan3A_37, %scan3A_38 : i32
    %scan3A_40 = arith.constant 1 : i32
    scf.for %scan3A_108 = %scan3A_37 to %scan3A_39 step %scan3A_40  : i32 {
      %mul3A_109 = arith.constant 2 : i32
      %mul3A_110 = arith.muli %mul3A_109, %scan3A_108 : i32
      %add3A_111 = arith.constant 0 : i32
      %add3A_112 = arith.addi %mul3A_110, %add3A_111 : i32
      %add3A_113 = arith.constant 1 : i32
      %add3A_114 = arith.addi %add3A_112, %add3A_113 : i32
      %lt3A = arith.constant 40 : i32
      %lt3A_115 = arith.cmpi slt, %add3A_114, %lt3A : i32
      %convert_element_type3A = arith.extui %lt3A_115 : i1 to i32
      %cond3A = arith.constant 0 : i32
      %cond3A_116 = arith.cmpi ne, %convert_element_type3A, %cond3A : i32
      scf.if %cond3A_116 {
        %mul3A_268 = arith.constant 640 : i32
        %mul3A_269 = arith.muli %add3A_114, %mul3A_268 : i32
        %dma_start3A_270 = tpu.memref_slice %arg10[%mul3A_269] : memref<25600xi32, #tpu.memory_space<vmem>> -> memref<640xi32, #tpu.memory_space<vmem>>
        %dma_start3A_271 = arith.constant 0 : i32
        %dma_start3A_272 = arith.constant 0 : i32
        %dma_start3A_273 = tpu.memref_slice %arg4[%dma_start3A_271, %dma_start3A_272] : memref<100000x32xf32, #tpu.memory_space<hbm>> -> memref<100000x32xf32, #tpu.memory_space<hbm>>
        tpu.enqueue_indirect_dma source(%dma_start3A_273 : memref<100000x32xf32, #tpu.memory_space<hbm>>) target(%arg14 : memref<640x32xf32, #tpu.memory_space<vmem>>) offsets(%dma_start3A_270 : memref<640xi32, #tpu.memory_space<vmem>>) semaphore(%arg18 : memref<!tpu.dma_semaphore, #tpu.memory_space<semaphore_mem>>)
        %mul3A_274 = arith.constant 5 : i32
        %mul3A_275 = arith.muli %add3A_114, %mul3A_274 : i32
        %dma_start3A_276 = arith.constant 0 : i32
        %dma_start3A_277 = arith.constant 0 : i32
        %dma_start3A_278 = tpu.memref_slice %arg6[%mul3A_275, %dma_start3A_276, %dma_start3A_277] : memref<200x32x16xf32, #tpu.memory_space<hbm>> -> memref<5x32x16xf32, #tpu.memory_space<hbm>>
        %dma_start3A_279 = arith.constant 0 : i32
        %dma_start3A_280 = arith.constant 0 : i32
        %dma_start3A_281 = tpu.memref_slice %arg6[%mul3A_275, %dma_start3A_279, %dma_start3A_280] : memref<200x32x16xf32, #tpu.memory_space<hbm>> -> memref<5x32x16xf32, #tpu.memory_space<hbm>>
        tpu.enqueue_dma source(%dma_start3A_281 : memref<5x32x16xf32, #tpu.memory_space<hbm>>) target(%arg12 : memref<5x32x16xf32, #tpu.memory_space<vmem>>) target_semaphore(%arg18 : memref<!tpu.dma_semaphore, #tpu.memory_space<semaphore_mem>>)
      } else {
      }
      %mul3A_117 = arith.constant 640 : i32
      %mul3A_118 = arith.muli %add3A_112, %mul3A_117 : i32
      %dma_wait3A_119 = tpu.memref_slice %arg10[%mul3A_118] : memref<25600xi32, #tpu.memory_space<vmem>> -> memref<640xi32, #tpu.memory_space<vmem>>
      %dma_wait3A_120 = arith.constant 0 : i32
      %dma_wait3A_121 = arith.constant 0 : i32
      %dma_wait3A_122 = tpu.memref_slice %arg4[%dma_wait3A_120, %dma_wait3A_121] : memref<100000x32xf32, #tpu.memory_space<hbm>> -> memref<100000x32xf32, #tpu.memory_space<hbm>>
      tpu.wait_indirect_dma semaphore(%arg17 : memref<!tpu.dma_semaphore, #tpu.memory_space<semaphore_mem>>) src(%dma_wait3A_122 : memref<100000x32xf32, #tpu.memory_space<hbm>>) dst(%arg13 : memref<640x32xf32, #tpu.memory_space<vmem>>)
      %mul3A_123 = arith.constant 5 : i32
      %mul3A_124 = arith.muli %add3A_112, %mul3A_123 : i32
      %dma_wait3A_125 = arith.constant 0 : i32
      %dma_wait3A_126 = arith.constant 0 : i32
      %dma_wait3A_127 = tpu.memref_slice %arg6[%mul3A_124, %dma_wait3A_125, %dma_wait3A_126] : memref<200x32x16xf32, #tpu.memory_space<hbm>> -> memref<5x32x16xf32, #tpu.memory_space<hbm>>
      %dma_wait3A_128 = arith.constant 0 : i32
      %dma_wait3A_129 = arith.constant 0 : i32
      %dma_wait3A_130 = tpu.memref_slice %arg6[%mul3A_124, %dma_wait3A_128, %dma_wait3A_129] : memref<200x32x16xf32, #tpu.memory_space<hbm>> -> memref<5x32x16xf32, #tpu.memory_space<hbm>>
      tpu.wait_dma2 semaphore(%arg17 : memref<!tpu.dma_semaphore, #tpu.memory_space<semaphore_mem>>) src(%dma_wait3A_130 : memref<5x32x16xf32, #tpu.memory_space<hbm>>) dst(%arg11 : memref<5x32x16xf32, #tpu.memory_space<vmem>>)
      %ge3A = arith.constant 2 : i32
      %ge3A_131 = arith.cmpi sge, %add3A_112, %ge3A : i32
      %convert_element_type3A_132 = arith.extui %ge3A_131 : i1 to i32
      %cond3A_133 = arith.constant 0 : i32
      %cond3A_134 = arith.cmpi ne, %convert_element_type3A_132, %cond3A_133 : i32
      scf.if %cond3A_134 {
        %dma_wait3A_268 = arith.constant 0 : i32
        %dma_wait3A_269 = arith.constant 0 : i32
        %dma_wait3A_270 = arith.constant 0 : i32
        %dma_wait3A_271 = arith.constant 0 : i32
        %dma_wait3A_272 = tpu.memref_slice %arg8[%dma_wait3A_268, %dma_wait3A_269, %add3A, %dma_wait3A_270, %dma_wait3A_271] : memref<200x4x32x8x128xf32, #tpu.memory_space<hbm>> -> memref<5x4x1x8x128xf32, #tpu.memory_space<hbm>>
        %dma_wait3A_273 = tpu.memref_squeeze %dma_wait3A_272 : memref<5x4x1x8x128xf32, #tpu.memory_space<hbm>> -> memref<5x4x8x128xf32, #tpu.memory_space<hbm>>
        %dma_wait3A_274 = arith.constant 0 : i32
        %dma_wait3A_275 = arith.constant 0 : i32
        %dma_wait3A_276 = arith.constant 0 : i32
        %dma_wait3A_277 = arith.constant 0 : i32
        %dma_wait3A_278 = tpu.memref_slice %arg8[%dma_wait3A_274, %dma_wait3A_275, %add3A, %dma_wait3A_276, %dma_wait3A_277] : memref<200x4x32x8x128xf32, #tpu.memory_space<hbm>> -> memref<5x4x1x8x128xf32, #tpu.memory_space<hbm>>
        %dma_wait3A_279 = tpu.memref_squeeze %dma_wait3A_278 : memref<5x4x1x8x128xf32, #tpu.memory_space<hbm>> -> memref<5x4x8x128xf32, #tpu.memory_space<hbm>>
        tpu.wait_dma2 semaphore(%arg19 : memref<!tpu.dma_semaphore, #tpu.memory_space<semaphore_mem>>) src(%arg15 : memref<5x4x8x128xf32, #tpu.memory_space<vmem>>) dst(%dma_wait3A_279 : memref<5x4x8x128xf32, #tpu.memory_space<hbm>>)
      } else {
      }
      %broadcast_in_dim3A = arith.constant 0 : i32
      %broadcast_in_dim3A_135 = vector.broadcast %broadcast_in_dim3A : i32 to vector<16xi32>
      %scan3A_136 = arith.constant 0 : i32
      %scan3A_137 = arith.constant 0 : i32
      %scan3A_138 = arith.constant 32 : i32
      %scan3A_139 = arith.addi %scan3A_137, %scan3A_138 : i32
      %scan3A_140 = arith.constant 1 : i32
      scf.for %scan3A_268 = %scan3A_137 to %scan3A_139 step %scan3A_140  : i32 {
        %add3A_269 = vector.broadcast %scan3A_268 : i32 to vector<16xi32>
        %add3A_270 = arith.addi %iota3A, %add3A_269 : vector<16xi32>
        %and3A = arith.constant 31 : i32
        %and3A_271 = vector.broadcast %and3A : i32 to vector<16xi32>
        %and3A_272 = arith.andi %add3A_270, %and3A_271 : vector<16xi32>
        %shift_right_arithmetic3A = arith.constant 3 : i32
        %shift_right_arithmetic3A_273 = vector.broadcast %shift_right_arithmetic3A : i32 to vector<16xi32>
        %shift_right_arithmetic3A_274 = arith.shrsi %and3A_272, %shift_right_arithmetic3A_273 : vector<16xi32>
        %and3A_275 = arith.constant 7 : i32
        %and3A_276 = vector.broadcast %and3A_275 : i32 to vector<16xi32>
        %and3A_277 = arith.andi %and3A_272, %and3A_276 : vector<16xi32>
        %gather3A = tpu.vector_load_idx %arg11[%broadcast_in_dim3A_135, %and3A_272, %iota3A] : memref<5x32x16xf32, #tpu.memory_space<vmem>>[vector<16xi32>, vector<16xi32>, vector<16xi32>], vector<16xf32>,
        %gather3A_278 = arith.constant 0 : i32
        %gather3A_279 = arith.constant 0 : i32
        %gather3A_280 = tpu.memref_slice %arg13[%gather3A_278, %gather3A_279] : memref<640x32xf32, #tpu.memory_space<vmem>> -> memref<128x32xf32, #tpu.memory_space<vmem>>
        %gather3A_281 = tpu.vector_load_idx %gather3A_280[%add3A_3, %and3A_272] : memref<128x32xf32, #tpu.memory_space<vmem>>[vector<16xi32>, vector<16xi32>], vector<16xf32>,
        %gather3A_282 = arith.constant 0 : i32
        %gather3A_283 = arith.constant 0 : i32
        %gather3A_284 = tpu.memref_slice %arg13[%gather3A_282, %gather3A_283] : memref<640x32xf32, #tpu.memory_space<vmem>> -> memref<128x32xf32, #tpu.memory_space<vmem>>
        %gather3A_285 = tpu.vector_load_idx %gather3A_284[%add3A_6, %and3A_272] : memref<128x32xf32, #tpu.memory_space<vmem>>[vector<16xi32>, vector<16xi32>], vector<16xf32>,
        %gather3A_286 = arith.constant 0 : i32
        %gather3A_287 = arith.constant 0 : i32
        %gather3A_288 = tpu.memref_slice %arg13[%gather3A_286, %gather3A_287] : memref<640x32xf32, #tpu.memory_space<vmem>> -> memref<128x32xf32, #tpu.memory_space<vmem>>
        %gather3A_289 = tpu.vector_load_idx %gather3A_288[%add3A_9, %and3A_272] : memref<128x32xf32, #tpu.memory_space<vmem>>[vector<16xi32>, vector<16xi32>], vector<16xf32>,
        %gather3A_290 = arith.constant 0 : i32
        %gather3A_291 = arith.constant 0 : i32
        %gather3A_292 = tpu.memref_slice %arg13[%gather3A_290, %gather3A_291] : memref<640x32xf32, #tpu.memory_space<vmem>> -> memref<128x32xf32, #tpu.memory_space<vmem>>
        %gather3A_293 = tpu.vector_load_idx %gather3A_292[%add3A_12, %and3A_272] : memref<128x32xf32, #tpu.memory_space<vmem>>[vector<16xi32>, vector<16xi32>], vector<16xf32>,
        %gather3A_294 = arith.constant 0 : i32
        %gather3A_295 = arith.constant 0 : i32
        %gather3A_296 = tpu.memref_slice %arg13[%gather3A_294, %gather3A_295] : memref<640x32xf32, #tpu.memory_space<vmem>> -> memref<128x32xf32, #tpu.memory_space<vmem>>
        %gather3A_297 = tpu.vector_load_idx %gather3A_296[%add3A_15, %and3A_272] : memref<128x32xf32, #tpu.memory_space<vmem>>[vector<16xi32>, vector<16xi32>], vector<16xf32>,
        %gather3A_298 = arith.constant 0 : i32
        %gather3A_299 = arith.constant 0 : i32
        %gather3A_300 = tpu.memref_slice %arg13[%gather3A_298, %gather3A_299] : memref<640x32xf32, #tpu.memory_space<vmem>> -> memref<128x32xf32, #tpu.memory_space<vmem>>
        %gather3A_301 = tpu.vector_load_idx %gather3A_300[%add3A_18, %and3A_272] : memref<128x32xf32, #tpu.memory_space<vmem>>[vector<16xi32>, vector<16xi32>], vector<16xf32>,
        %gather3A_302 = arith.constant 0 : i32
        %gather3A_303 = arith.constant 0 : i32
        %gather3A_304 = tpu.memref_slice %arg13[%gather3A_302, %gather3A_303] : memref<640x32xf32, #tpu.memory_space<vmem>> -> memref<128x32xf32, #tpu.memory_space<vmem>>
        %gather3A_305 = tpu.vector_load_idx %gather3A_304[%add3A_21, %and3A_272] : memref<128x32xf32, #tpu.memory_space<vmem>>[vector<16xi32>, vector<16xi32>], vector<16xf32>,
        %gather3A_306 = arith.constant 0 : i32
        %gather3A_307 = arith.constant 0 : i32
        %gather3A_308 = tpu.memref_slice %arg13[%gather3A_306, %gather3A_307] : memref<640x32xf32, #tpu.memory_space<vmem>> -> memref<128x32xf32, #tpu.memory_space<vmem>>
        %gather3A_309 = tpu.vector_load_idx %gather3A_308[%add3A_24, %and3A_272] : memref<128x32xf32, #tpu.memory_space<vmem>>[vector<16xi32>, vector<16xi32>], vector<16xf32>,
        %add3A_310 = arith.addf %gather3A_281, %gather3A : vector<16xf32>
        tpu.vector_store_idx %arg15[%broadcast_in_dim3A_135, %shift_right_arithmetic3A_274, %and3A_277, %add3A_3], %add3A_310 : memref<5x4x8x128xf32, #tpu.memory_space<vmem>>[vector<16xi32>, vector<16xi32>, vector<16xi32>, vector<16xi32>], vector<16xf32>,
        %add3A_311 = arith.addf %gather3A_285, %gather3A : vector<16xf32>
        tpu.vector_store_idx %arg15[%broadcast_in_dim3A_135, %shift_right_arithmetic3A_274, %and3A_277, %add3A_6], %add3A_311 : memref<5x4x8x128xf32, #tpu.memory_space<vmem>>[vector<16xi32>, vector<16xi32>, vector<16xi32>, vector<16xi32>], vector<16xf32>,
        %add3A_312 = arith.addf %gather3A_289, %gather3A : vector<16xf32>
        tpu.vector_store_idx %arg15[%broadcast_in_dim3A_135, %shift_right_arithmetic3A_274, %and3A_277, %add3A_9], %add3A_312 : memref<5x4x8x128xf32, #tpu.memory_space<vmem>>[vector<16xi32>, vector<16xi32>, vector<16xi32>, vector<16xi32>], vector<16xf32>,
        %add3A_313 = arith.addf %gather3A_293, %gather3A : vector<16xf32>
        tpu.vector_store_idx %arg15[%broadcast_in_dim3A_135, %shift_right_arithmetic3A_274, %and3A_277, %add3A_12], %add3A_313 : memref<5x4x8x128xf32, #tpu.memory_space<vmem>>[vector<16xi32>, vector<16xi32>, vector<16xi32>, vector<16xi32>], vector<16xf32>,
        %add3A_314 = arith.addf %gather3A_297, %gather3A : vector<16xf32>
        tpu.vector_store_idx %arg15[%broadcast_in_dim3A_135, %shift_right_arithmetic3A_274, %and3A_277, %add3A_15], %add3A_314 : memref<5x4x8x128xf32, #tpu.memory_space<vmem>>[vector<16xi32>, vector<16xi32>, vector<16xi32>, vector<16xi32>], vector<16xf32>,
        %add3A_315 = arith.addf %gather3A_301, %gather3A : vector<16xf32>
        tpu.vector_store_idx %arg15[%broadcast_in_dim3A_135, %shift_right_arithmetic3A_274, %and3A_277, %add3A_18], %add3A_315 : memref<5x4x8x128xf32, #tpu.memory_space<vmem>>[vector<16xi32>, vector<16xi32>, vector<16xi32>, vector<16xi32>], vector<16xf32>,
        %add3A_316 = arith.addf %gather3A_305, %gather3A : vector<16xf32>
        tpu.vector_store_idx %arg15[%broadcast_in_dim3A_135, %shift_right_arithmetic3A_274, %and3A_277, %add3A_21], %add3A_316 : memref<5x4x8x128xf32, #tpu.memory_space<vmem>>[vector<16xi32>, vector<16xi32>, vector<16xi32>, vector<16xi32>], vector<16xf32>,
        %add3A_317 = arith.addf %gather3A_309, %gather3A : vector<16xf32>
        tpu.vector_store_idx %arg15[%broadcast_in_dim3A_135, %shift_right_arithmetic3A_274, %and3A_277, %add3A_24], %add3A_317 : memref<5x4x8x128xf32, #tpu.memory_space<vmem>>[vector<16xi32>, vector<16xi32>, vector<16xi32>, vector<16xi32>], vector<16xf32>,
      }
      %scan3A_141 = arith.constant 32 : i32
      %broadcast_in_dim3A_142 = arith.constant 1 : i32
      %broadcast_in_dim3A_143 = vector.broadcast %broadcast_in_dim3A_142 : i32 to vector<16xi32>
      %scan3A_144 = arith.constant 0 : i32
      %scan3A_145 = arith.constant 0 : i32
      %scan3A_146 = arith.constant 32 : i32
      %scan3A_147 = arith.addi %scan3A_145, %scan3A_146 : i32
      %scan3A_148 = arith.constant 1 : i32
      scf.for %scan3A_268 = %scan3A_145 to %scan3A_147 step %scan3A_148  : i32 {
        %add3A_269 = vector.broadcast %scan3A_268 : i32 to vector<16xi32>
        %add3A_270 = arith.addi %iota3A, %add3A_269 : vector<16xi32>
        %and3A = arith.constant 31 : i32
        %and3A_271 = vector.broadcast %and3A : i32 to vector<16xi32>
        %and3A_272 = arith.andi %add3A_270, %and3A_271 : vector<16xi32>
        %shift_right_arithmetic3A = arith.constant 3 : i32
        %shift_right_arithmetic3A_273 = vector.broadcast %shift_right_arithmetic3A : i32 to vector<16xi32>
        %shift_right_arithmetic3A_274 = arith.shrsi %and3A_272, %shift_right_arithmetic3A_273 : vector<16xi32>
        %and3A_275 = arith.constant 7 : i32
        %and3A_276 = vector.broadcast %and3A_275 : i32 to vector<16xi32>
        %and3A_277 = arith.andi %and3A_272, %and3A_276 : vector<16xi32>
        %gather3A = tpu.vector_load_idx %arg11[%broadcast_in_dim3A_143, %and3A_272, %iota3A] : memref<5x32x16xf32, #tpu.memory_space<vmem>>[vector<16xi32>, vector<16xi32>, vector<16xi32>], vector<16xf32>,
        %gather3A_278 = arith.constant 128 : i32
        %gather3A_279 = arith.constant 0 : i32
        %gather3A_280 = tpu.memref_slice %arg13[%gather3A_278, %gather3A_279] : memref<640x32xf32, #tpu.memory_space<vmem>> -> memref<128x32xf32, #tpu.memory_space<vmem>>
        %gather3A_281 = tpu.vector_load_idx %gather3A_280[%add3A_3, %and3A_272] : memref<128x32xf32, #tpu.memory_space<vmem>>[vector<16xi32>, vector<16xi32>], vector<16xf32>,
        %gather3A_282 = arith.constant 128 : i32
        %gather3A_283 = arith.constant 0 : i32
        %gather3A_284 = tpu.memref_slice %arg13[%gather3A_282, %gather3A_283] : memref<640x32xf32, #tpu.memory_space<vmem>> -> memref<128x32xf32, #tpu.memory_space<vmem>>
        %gather3A_285 = tpu.vector_load_idx %gather3A_284[%add3A_6, %and3A_272] : memref<128x32xf32, #tpu.memory_space<vmem>>[vector<16xi32>, vector<16xi32>], vector<16xf32>,
        %gather3A_286 = arith.constant 128 : i32
        %gather3A_287 = arith.constant 0 : i32
        %gather3A_288 = tpu.memref_slice %arg13[%gather3A_286, %gather3A_287] : memref<640x32xf32, #tpu.memory_space<vmem>> -> memref<128x32xf32, #tpu.memory_space<vmem>>
        %gather3A_289 = tpu.vector_load_idx %gather3A_288[%add3A_9, %and3A_272] : memref<128x32xf32, #tpu.memory_space<vmem>>[vector<16xi32>, vector<16xi32>], vector<16xf32>,
        %gather3A_290 = arith.constant 128 : i32
        %gather3A_291 = arith.constant 0 : i32
        %gather3A_292 = tpu.memref_slice %arg13[%gather3A_290, %gather3A_291] : memref<640x32xf32, #tpu.memory_space<vmem>> -> memref<128x32xf32, #tpu.memory_space<vmem>>
        %gather3A_293 = tpu.vector_load_idx %gather3A_292[%add3A_12, %and3A_272] : memref<128x32xf32, #tpu.memory_space<vmem>>[vector<16xi32>, vector<16xi32>], vector<16xf32>,
        %gather3A_294 = arith.constant 128 : i32
        %gather3A_295 = arith.constant 0 : i32
        %gather3A_296 = tpu.memref_slice %arg13[%gather3A_294, %gather3A_295] : memref<640x32xf32, #tpu.memory_space<vmem>> -> memref<128x32xf32, #tpu.memory_space<vmem>>
        %gather3A_297 = tpu.vector_load_idx %gather3A_296[%add3A_15, %and3A_272] : memref<128x32xf32, #tpu.memory_space<vmem>>[vector<16xi32>, vector<16xi32>], vector<16xf32>,
        %gather3A_298 = arith.constant 128 : i32
        %gather3A_299 = arith.constant 0 : i32
        %gather3A_300 = tpu.memref_slice %arg13[%gather3A_298, %gather3A_299] : memref<640x32xf32, #tpu.memory_space<vmem>> -> memref<128x32xf32, #tpu.memory_space<vmem>>
        %gather3A_301 = tpu.vector_load_idx %gather3A_300[%add3A_18, %and3A_272] : memref<128x32xf32, #tpu.memory_space<vmem>>[vector<16xi32>, vector<16xi32>], vector<16xf32>,
        %gather3A_302 = arith.constant 128 : i32
        %gather3A_303 = arith.constant 0 : i32
        %gather3A_304 = tpu.memref_slice %arg13[%gather3A_302, %gather3A_303] : memref<640x32xf32, #tpu.memory_space<vmem>> -> memref<128x32xf32, #tpu.memory_space<vmem>>
        %gather3A_305 = tpu.vector_load_idx %gather3A_304[%add3A_21, %and3A_272] : memref<128x32xf32, #tpu.memory_space<vmem>>[vector<16xi32>, vector<16xi32>], vector<16xf32>,
        %gather3A_306 = arith.constant 128 : i32
        %gather3A_307 = arith.constant 0 : i32
        %gather3A_308 = tpu.memref_slice %arg13[%gather3A_306, %gather3A_307] : memref<640x32xf32, #tpu.memory_space<vmem>> -> memref<128x32xf32, #tpu.memory_space<vmem>>
        %gather3A_309 = tpu.vector_load_idx %gather3A_308[%add3A_24, %and3A_272] : memref<128x32xf32, #tpu.memory_space<vmem>>[vector<16xi32>, vector<16xi32>], vector<16xf32>,
        %add3A_310 = arith.addf %gather3A_281, %gather3A : vector<16xf32>
        tpu.vector_store_idx %arg15[%broadcast_in_dim3A_143, %shift_right_arithmetic3A_274, %and3A_277, %add3A_3], %add3A_310 : memref<5x4x8x128xf32, #tpu.memory_space<vmem>>[vector<16xi32>, vector<16xi32>, vector<16xi32>, vector<16xi32>], vector<16xf32>,
        %add3A_311 = arith.addf %gather3A_285, %gather3A : vector<16xf32>
        tpu.vector_store_idx %arg15[%broadcast_in_dim3A_143, %shift_right_arithmetic3A_274, %and3A_277, %add3A_6], %add3A_311 : memref<5x4x8x128xf32, #tpu.memory_space<vmem>>[vector<16xi32>, vector<16xi32>, vector<16xi32>, vector<16xi32>], vector<16xf32>,
        %add3A_312 = arith.addf %gather3A_289, %gather3A : vector<16xf32>
        tpu.vector_store_idx %arg15[%broadcast_in_dim3A_143, %shift_right_arithmetic3A_274, %and3A_277, %add3A_9], %add3A_312 : memref<5x4x8x128xf32, #tpu.memory_space<vmem>>[vector<16xi32>, vector<16xi32>, vector<16xi32>, vector<16xi32>], vector<16xf32>,
        %add3A_313 = arith.addf %gather3A_293, %gather3A : vector<16xf32>
        tpu.vector_store_idx %arg15[%broadcast_in_dim3A_143, %shift_right_arithmetic3A_274, %and3A_277, %add3A_12], %add3A_313 : memref<5x4x8x128xf32, #tpu.memory_space<vmem>>[vector<16xi32>, vector<16xi32>, vector<16xi32>, vector<16xi32>], vector<16xf32>,
        %add3A_314 = arith.addf %gather3A_297, %gather3A : vector<16xf32>
        tpu.vector_store_idx %arg15[%broadcast_in_dim3A_143, %shift_right_arithmetic3A_274, %and3A_277, %add3A_15], %add3A_314 : memref<5x4x8x128xf32, #tpu.memory_space<vmem>>[vector<16xi32>, vector<16xi32>, vector<16xi32>, vector<16xi32>], vector<16xf32>,
        %add3A_315 = arith.addf %gather3A_301, %gather3A : vector<16xf32>
        tpu.vector_store_idx %arg15[%broadcast_in_dim3A_143, %shift_right_arithmetic3A_274, %and3A_277, %add3A_18], %add3A_315 : memref<5x4x8x128xf32, #tpu.memory_space<vmem>>[vector<16xi32>, vector<16xi32>, vector<16xi32>, vector<16xi32>], vector<16xf32>,
        %add3A_316 = arith.addf %gather3A_305, %gather3A : vector<16xf32>
        tpu.vector_store_idx %arg15[%broadcast_in_dim3A_143, %shift_right_arithmetic3A_274, %and3A_277, %add3A_21], %add3A_316 : memref<5x4x8x128xf32, #tpu.memory_space<vmem>>[vector<16xi32>, vector<16xi32>, vector<16xi32>, vector<16xi32>], vector<16xf32>,
        %add3A_317 = arith.addf %gather3A_309, %gather3A : vector<16xf32>
        tpu.vector_store_idx %arg15[%broadcast_in_dim3A_143, %shift_right_arithmetic3A_274, %and3A_277, %add3A_24], %add3A_317 : memref<5x4x8x128xf32, #tpu.memory_space<vmem>>[vector<16xi32>, vector<16xi32>, vector<16xi32>, vector<16xi32>], vector<16xf32>,
      }
      %scan3A_149 = arith.constant 32 : i32
      %broadcast_in_dim3A_150 = arith.constant 2 : i32
      %broadcast_in_dim3A_151 = vector.broadcast %broadcast_in_dim3A_150 : i32 to vector<16xi32>
      %scan3A_152 = arith.constant 0 : i32
      %scan3A_153 = arith.constant 0 : i32
      %scan3A_154 = arith.constant 32 : i32
      %scan3A_155 = arith.addi %scan3A_153, %scan3A_154 : i32
      %scan3A_156 = arith.constant 1 : i32
      scf.for %scan3A_268 = %scan3A_153 to %scan3A_155 step %scan3A_156  : i32 {
        %add3A_269 = vector.broadcast %scan3A_268 : i32 to vector<16xi32>
        %add3A_270 = arith.addi %iota3A, %add3A_269 : vector<16xi32>
        %and3A = arith.constant 31 : i32
        %and3A_271 = vector.broadcast %and3A : i32 to vector<16xi32>
        %and3A_272 = arith.andi %add3A_270, %and3A_271 : vector<16xi32>
        %shift_right_arithmetic3A = arith.constant 3 : i32
        %shift_right_arithmetic3A_273 = vector.broadcast %shift_right_arithmetic3A : i32 to vector<16xi32>
        %shift_right_arithmetic3A_274 = arith.shrsi %and3A_272, %shift_right_arithmetic3A_273 : vector<16xi32>
        %and3A_275 = arith.constant 7 : i32
        %and3A_276 = vector.broadcast %and3A_275 : i32 to vector<16xi32>
        %and3A_277 = arith.andi %and3A_272, %and3A_276 : vector<16xi32>
        %gather3A = tpu.vector_load_idx %arg11[%broadcast_in_dim3A_151, %and3A_272, %iota3A] : memref<5x32x16xf32, #tpu.memory_space<vmem>>[vector<16xi32>, vector<16xi32>, vector<16xi32>], vector<16xf32>,
        %gather3A_278 = arith.constant 256 : i32
        %gather3A_279 = arith.constant 0 : i32
        %gather3A_280 = tpu.memref_slice %arg13[%gather3A_278, %gather3A_279] : memref<640x32xf32, #tpu.memory_space<vmem>> -> memref<128x32xf32, #tpu.memory_space<vmem>>
        %gather3A_281 = tpu.vector_load_idx %gather3A_280[%add3A_3, %and3A_272] : memref<128x32xf32, #tpu.memory_space<vmem>>[vector<16xi32>, vector<16xi32>], vector<16xf32>,
        %gather3A_282 = arith.constant 256 : i32
        %gather3A_283 = arith.constant 0 : i32
        %gather3A_284 = tpu.memref_slice %arg13[%gather3A_282, %gather3A_283] : memref<640x32xf32, #tpu.memory_space<vmem>> -> memref<128x32xf32, #tpu.memory_space<vmem>>
        %gather3A_285 = tpu.vector_load_idx %gather3A_284[%add3A_6, %and3A_272] : memref<128x32xf32, #tpu.memory_space<vmem>>[vector<16xi32>, vector<16xi32>], vector<16xf32>,
        %gather3A_286 = arith.constant 256 : i32
        %gather3A_287 = arith.constant 0 : i32
        %gather3A_288 = tpu.memref_slice %arg13[%gather3A_286, %gather3A_287] : memref<640x32xf32, #tpu.memory_space<vmem>> -> memref<128x32xf32, #tpu.memory_space<vmem>>
        %gather3A_289 = tpu.vector_load_idx %gather3A_288[%add3A_9, %and3A_272] : memref<128x32xf32, #tpu.memory_space<vmem>>[vector<16xi32>, vector<16xi32>], vector<16xf32>,
        %gather3A_290 = arith.constant 256 : i32
        %gather3A_291 = arith.constant 0 : i32
        %gather3A_292 = tpu.memref_slice %arg13[%gather3A_290, %gather3A_291] : memref<640x32xf32, #tpu.memory_space<vmem>> -> memref<128x32xf32, #tpu.memory_space<vmem>>
        %gather3A_293 = tpu.vector_load_idx %gather3A_292[%add3A_12, %and3A_272] : memref<128x32xf32, #tpu.memory_space<vmem>>[vector<16xi32>, vector<16xi32>], vector<16xf32>,
        %gather3A_294 = arith.constant 256 : i32
        %gather3A_295 = arith.constant 0 : i32
        %gather3A_296 = tpu.memref_slice %arg13[%gather3A_294, %gather3A_295] : memref<640x32xf32, #tpu.memory_space<vmem>> -> memref<128x32xf32, #tpu.memory_space<vmem>>
        %gather3A_297 = tpu.vector_load_idx %gather3A_296[%add3A_15, %and3A_272] : memref<128x32xf32, #tpu.memory_space<vmem>>[vector<16xi32>, vector<16xi32>], vector<16xf32>,
        %gather3A_298 = arith.constant 256 : i32
        %gather3A_299 = arith.constant 0 : i32
        %gather3A_300 = tpu.memref_slice %arg13[%gather3A_298, %gather3A_299] : memref<640x32xf32, #tpu.memory_space<vmem>> -> memref<128x32xf32, #tpu.memory_space<vmem>>
        %gather3A_301 = tpu.vector_load_idx %gather3A_300[%add3A_18, %and3A_272] : memref<128x32xf32, #tpu.memory_space<vmem>>[vector<16xi32>, vector<16xi32>], vector<16xf32>,
        %gather3A_302 = arith.constant 256 : i32
        %gather3A_303 = arith.constant 0 : i32
        %gather3A_304 = tpu.memref_slice %arg13[%gather3A_302, %gather3A_303] : memref<640x32xf32, #tpu.memory_space<vmem>> -> memref<128x32xf32, #tpu.memory_space<vmem>>
        %gather3A_305 = tpu.vector_load_idx %gather3A_304[%add3A_21, %and3A_272] : memref<128x32xf32, #tpu.memory_space<vmem>>[vector<16xi32>, vector<16xi32>], vector<16xf32>,
        %gather3A_306 = arith.constant 256 : i32
        %gather3A_307 = arith.constant 0 : i32
        %gather3A_308 = tpu.memref_slice %arg13[%gather3A_306, %gather3A_307] : memref<640x32xf32, #tpu.memory_space<vmem>> -> memref<128x32xf32, #tpu.memory_space<vmem>>
        %gather3A_309 = tpu.vector_load_idx %gather3A_308[%add3A_24, %and3A_272] : memref<128x32xf32, #tpu.memory_space<vmem>>[vector<16xi32>, vector<16xi32>], vector<16xf32>,
        %add3A_310 = arith.addf %gather3A_281, %gather3A : vector<16xf32>
        tpu.vector_store_idx %arg15[%broadcast_in_dim3A_151, %shift_right_arithmetic3A_274, %and3A_277, %add3A_3], %add3A_310 : memref<5x4x8x128xf32, #tpu.memory_space<vmem>>[vector<16xi32>, vector<16xi32>, vector<16xi32>, vector<16xi32>], vector<16xf32>,
        %add3A_311 = arith.addf %gather3A_285, %gather3A : vector<16xf32>
        tpu.vector_store_idx %arg15[%broadcast_in_dim3A_151, %shift_right_arithmetic3A_274, %and3A_277, %add3A_6], %add3A_311 : memref<5x4x8x128xf32, #tpu.memory_space<vmem>>[vector<16xi32>, vector<16xi32>, vector<16xi32>, vector<16xi32>], vector<16xf32>,
        %add3A_312 = arith.addf %gather3A_289, %gather3A : vector<16xf32>
        tpu.vector_store_idx %arg15[%broadcast_in_dim3A_151, %shift_right_arithmetic3A_274, %and3A_277, %add3A_9], %add3A_312 : memref<5x4x8x128xf32, #tpu.memory_space<vmem>>[vector<16xi32>, vector<16xi32>, vector<16xi32>, vector<16xi32>], vector<16xf32>,
        %add3A_313 = arith.addf %gather3A_293, %gather3A : vector<16xf32>
        tpu.vector_store_idx %arg15[%broadcast_in_dim3A_151, %shift_right_arithmetic3A_274, %and3A_277, %add3A_12], %add3A_313 : memref<5x4x8x128xf32, #tpu.memory_space<vmem>>[vector<16xi32>, vector<16xi32>, vector<16xi32>, vector<16xi32>], vector<16xf32>,
        %add3A_314 = arith.addf %gather3A_297, %gather3A : vector<16xf32>
        tpu.vector_store_idx %arg15[%broadcast_in_dim3A_151, %shift_right_arithmetic3A_274, %and3A_277, %add3A_15], %add3A_314 : memref<5x4x8x128xf32, #tpu.memory_space<vmem>>[vector<16xi32>, vector<16xi32>, vector<16xi32>, vector<16xi32>], vector<16xf32>,
        %add3A_315 = arith.addf %gather3A_301, %gather3A : vector<16xf32>
        tpu.vector_store_idx %arg15[%broadcast_in_dim3A_151, %shift_right_arithmetic3A_274, %and3A_277, %add3A_18], %add3A_315 : memref<5x4x8x128xf32, #tpu.memory_space<vmem>>[vector<16xi32>, vector<16xi32>, vector<16xi32>, vector<16xi32>], vector<16xf32>,
        %add3A_316 = arith.addf %gather3A_305, %gather3A : vector<16xf32>
        tpu.vector_store_idx %arg15[%broadcast_in_dim3A_151, %shift_right_arithmetic3A_274, %and3A_277, %add3A_21], %add3A_316 : memref<5x4x8x128xf32, #tpu.memory_space<vmem>>[vector<16xi32>, vector<16xi32>, vector<16xi32>, vector<16xi32>], vector<16xf32>,
        %add3A_317 = arith.addf %gather3A_309, %gather3A : vector<16xf32>
        tpu.vector_store_idx %arg15[%broadcast_in_dim3A_151, %shift_right_arithmetic3A_274, %and3A_277, %add3A_24], %add3A_317 : memref<5x4x8x128xf32, #tpu.memory_space<vmem>>[vector<16xi32>, vector<16xi32>, vector<16xi32>, vector<16xi32>], vector<16xf32>,
      }
      %scan3A_157 = arith.constant 32 : i32
      %broadcast_in_dim3A_158 = arith.constant 3 : i32
      %broadcast_in_dim3A_159 = vector.broadcast %broadcast_in_dim3A_158 : i32 to vector<16xi32>
      %scan3A_160 = arith.constant 0 : i32
      %scan3A_161 = arith.constant 0 : i32
      %scan3A_162 = arith.constant 32 : i32
      %scan3A_163 = arith.addi %scan3A_161, %scan3A_162 : i32
      %scan3A_164 = arith.constant 1 : i32
      scf.for %scan3A_268 = %scan3A_161 to %scan3A_163 step %scan3A_164  : i32 {
        %add3A_269 = vector.broadcast %scan3A_268 : i32 to vector<16xi32>
        %add3A_270 = arith.addi %iota3A, %add3A_269 : vector<16xi32>
        %and3A = arith.constant 31 : i32
        %and3A_271 = vector.broadcast %and3A : i32 to vector<16xi32>
        %and3A_272 = arith.andi %add3A_270, %and3A_271 : vector<16xi32>
        %shift_right_arithmetic3A = arith.constant 3 : i32
        %shift_right_arithmetic3A_273 = vector.broadcast %shift_right_arithmetic3A : i32 to vector<16xi32>
        %shift_right_arithmetic3A_274 = arith.shrsi %and3A_272, %shift_right_arithmetic3A_273 : vector<16xi32>
        %and3A_275 = arith.constant 7 : i32
        %and3A_276 = vector.broadcast %and3A_275 : i32 to vector<16xi32>
        %and3A_277 = arith.andi %and3A_272, %and3A_276 : vector<16xi32>
        %gather3A = tpu.vector_load_idx %arg11[%broadcast_in_dim3A_159, %and3A_272, %iota3A] : memref<5x32x16xf32, #tpu.memory_space<vmem>>[vector<16xi32>, vector<16xi32>, vector<16xi32>], vector<16xf32>,
        %gather3A_278 = arith.constant 384 : i32
        %gather3A_279 = arith.constant 0 : i32
        %gather3A_280 = tpu.memref_slice %arg13[%gather3A_278, %gather3A_279] : memref<640x32xf32, #tpu.memory_space<vmem>> -> memref<128x32xf32, #tpu.memory_space<vmem>>
        %gather3A_281 = tpu.vector_load_idx %gather3A_280[%add3A_3, %and3A_272] : memref<128x32xf32, #tpu.memory_space<vmem>>[vector<16xi32>, vector<16xi32>], vector<16xf32>,
        %gather3A_282 = arith.constant 384 : i32
        %gather3A_283 = arith.constant 0 : i32
        %gather3A_284 = tpu.memref_slice %arg13[%gather3A_282, %gather3A_283] : memref<640x32xf32, #tpu.memory_space<vmem>> -> memref<128x32xf32, #tpu.memory_space<vmem>>
        %gather3A_285 = tpu.vector_load_idx %gather3A_284[%add3A_6, %and3A_272] : memref<128x32xf32, #tpu.memory_space<vmem>>[vector<16xi32>, vector<16xi32>], vector<16xf32>,
        %gather3A_286 = arith.constant 384 : i32
        %gather3A_287 = arith.constant 0 : i32
        %gather3A_288 = tpu.memref_slice %arg13[%gather3A_286, %gather3A_287] : memref<640x32xf32, #tpu.memory_space<vmem>> -> memref<128x32xf32, #tpu.memory_space<vmem>>
        %gather3A_289 = tpu.vector_load_idx %gather3A_288[%add3A_9, %and3A_272] : memref<128x32xf32, #tpu.memory_space<vmem>>[vector<16xi32>, vector<16xi32>], vector<16xf32>,
        %gather3A_290 = arith.constant 384 : i32
        %gather3A_291 = arith.constant 0 : i32
        %gather3A_292 = tpu.memref_slice %arg13[%gather3A_290, %gather3A_291] : memref<640x32xf32, #tpu.memory_space<vmem>> -> memref<128x32xf32, #tpu.memory_space<vmem>>
        %gather3A_293 = tpu.vector_load_idx %gather3A_292[%add3A_12, %and3A_272] : memref<128x32xf32, #tpu.memory_space<vmem>>[vector<16xi32>, vector<16xi32>], vector<16xf32>,
        %gather3A_294 = arith.constant 384 : i32
        %gather3A_295 = arith.constant 0 : i32
        %gather3A_296 = tpu.memref_slice %arg13[%gather3A_294, %gather3A_295] : memref<640x32xf32, #tpu.memory_space<vmem>> -> memref<128x32xf32, #tpu.memory_space<vmem>>
        %gather3A_297 = tpu.vector_load_idx %gather3A_296[%add3A_15, %and3A_272] : memref<128x32xf32, #tpu.memory_space<vmem>>[vector<16xi32>, vector<16xi32>], vector<16xf32>,
        %gather3A_298 = arith.constant 384 : i32
        %gather3A_299 = arith.constant 0 : i32
        %gather3A_300 = tpu.memref_slice %arg13[%gather3A_298, %gather3A_299] : memref<640x32xf32, #tpu.memory_space<vmem>> -> memref<128x32xf32, #tpu.memory_space<vmem>>
        %gather3A_301 = tpu.vector_load_idx %gather3A_300[%add3A_18, %and3A_272] : memref<128x32xf32, #tpu.memory_space<vmem>>[vector<16xi32>, vector<16xi32>], vector<16xf32>,
        %gather3A_302 = arith.constant 384 : i32
        %gather3A_303 = arith.constant 0 : i32
        %gather3A_304 = tpu.memref_slice %arg13[%gather3A_302, %gather3A_303] : memref<640x32xf32, #tpu.memory_space<vmem>> -> memref<128x32xf32, #tpu.memory_space<vmem>>
        %gather3A_305 = tpu.vector_load_idx %gather3A_304[%add3A_21, %and3A_272] : memref<128x32xf32, #tpu.memory_space<vmem>>[vector<16xi32>, vector<16xi32>], vector<16xf32>,
        %gather3A_306 = arith.constant 384 : i32
        %gather3A_307 = arith.constant 0 : i32
        %gather3A_308 = tpu.memref_slice %arg13[%gather3A_306, %gather3A_307] : memref<640x32xf32, #tpu.memory_space<vmem>> -> memref<128x32xf32, #tpu.memory_space<vmem>>
        %gather3A_309 = tpu.vector_load_idx %gather3A_308[%add3A_24, %and3A_272] : memref<128x32xf32, #tpu.memory_space<vmem>>[vector<16xi32>, vector<16xi32>], vector<16xf32>,
        %add3A_310 = arith.addf %gather3A_281, %gather3A : vector<16xf32>
        tpu.vector_store_idx %arg15[%broadcast_in_dim3A_159, %shift_right_arithmetic3A_274, %and3A_277, %add3A_3], %add3A_310 : memref<5x4x8x128xf32, #tpu.memory_space<vmem>>[vector<16xi32>, vector<16xi32>, vector<16xi32>, vector<16xi32>], vector<16xf32>,
        %add3A_311 = arith.addf %gather3A_285, %gather3A : vector<16xf32>
        tpu.vector_store_idx %arg15[%broadcast_in_dim3A_159, %shift_right_arithmetic3A_274, %and3A_277, %add3A_6], %add3A_311 : memref<5x4x8x128xf32, #tpu.memory_space<vmem>>[vector<16xi32>, vector<16xi32>, vector<16xi32>, vector<16xi32>], vector<16xf32>,
        %add3A_312 = arith.addf %gather3A_289, %gather3A : vector<16xf32>
        tpu.vector_store_idx %arg15[%broadcast_in_dim3A_159, %shift_right_arithmetic3A_274, %and3A_277, %add3A_9], %add3A_312 : memref<5x4x8x128xf32, #tpu.memory_space<vmem>>[vector<16xi32>, vector<16xi32>, vector<16xi32>, vector<16xi32>], vector<16xf32>,
        %add3A_313 = arith.addf %gather3A_293, %gather3A : vector<16xf32>
        tpu.vector_store_idx %arg15[%broadcast_in_dim3A_159, %shift_right_arithmetic3A_274, %and3A_277, %add3A_12], %add3A_313 : memref<5x4x8x128xf32, #tpu.memory_space<vmem>>[vector<16xi32>, vector<16xi32>, vector<16xi32>, vector<16xi32>], vector<16xf32>,
        %add3A_314 = arith.addf %gather3A_297, %gather3A : vector<16xf32>
        tpu.vector_store_idx %arg15[%broadcast_in_dim3A_159, %shift_right_arithmetic3A_274, %and3A_277, %add3A_15], %add3A_314 : memref<5x4x8x128xf32, #tpu.memory_space<vmem>>[vector<16xi32>, vector<16xi32>, vector<16xi32>, vector<16xi32>], vector<16xf32>,
        %add3A_315 = arith.addf %gather3A_301, %gather3A : vector<16xf32>
        tpu.vector_store_idx %arg15[%broadcast_in_dim3A_159, %shift_right_arithmetic3A_274, %and3A_277, %add3A_18], %add3A_315 : memref<5x4x8x128xf32, #tpu.memory_space<vmem>>[vector<16xi32>, vector<16xi32>, vector<16xi32>, vector<16xi32>], vector<16xf32>,
        %add3A_316 = arith.addf %gather3A_305, %gather3A : vector<16xf32>
        tpu.vector_store_idx %arg15[%broadcast_in_dim3A_159, %shift_right_arithmetic3A_274, %and3A_277, %add3A_21], %add3A_316 : memref<5x4x8x128xf32, #tpu.memory_space<vmem>>[vector<16xi32>, vector<16xi32>, vector<16xi32>, vector<16xi32>], vector<16xf32>,
        %add3A_317 = arith.addf %gather3A_309, %gather3A : vector<16xf32>
        tpu.vector_store_idx %arg15[%broadcast_in_dim3A_159, %shift_right_arithmetic3A_274, %and3A_277, %add3A_24], %add3A_317 : memref<5x4x8x128xf32, #tpu.memory_space<vmem>>[vector<16xi32>, vector<16xi32>, vector<16xi32>, vector<16xi32>], vector<16xf32>,
      }
      %scan3A_165 = arith.constant 32 : i32
      %broadcast_in_dim3A_166 = arith.constant 4 : i32
      %broadcast_in_dim3A_167 = vector.broadcast %broadcast_in_dim3A_166 : i32 to vector<16xi32>
      %scan3A_168 = arith.constant 0 : i32
      %scan3A_169 = arith.constant 0 : i32
      %scan3A_170 = arith.constant 32 : i32
      %scan3A_171 = arith.addi %scan3A_169, %scan3A_170 : i32
      %scan3A_172 = arith.constant 1 : i32
      scf.for %scan3A_268 = %scan3A_169 to %scan3A_171 step %scan3A_172  : i32 {
        %add3A_269 = vector.broadcast %scan3A_268 : i32 to vector<16xi32>
        %add3A_270 = arith.addi %iota3A, %add3A_269 : vector<16xi32>
        %and3A = arith.constant 31 : i32
        %and3A_271 = vector.broadcast %and3A : i32 to vector<16xi32>
        %and3A_272 = arith.andi %add3A_270, %and3A_271 : vector<16xi32>
        %shift_right_arithmetic3A = arith.constant 3 : i32
        %shift_right_arithmetic3A_273 = vector.broadcast %shift_right_arithmetic3A : i32 to vector<16xi32>
        %shift_right_arithmetic3A_274 = arith.shrsi %and3A_272, %shift_right_arithmetic3A_273 : vector<16xi32>
        %and3A_275 = arith.constant 7 : i32
        %and3A_276 = vector.broadcast %and3A_275 : i32 to vector<16xi32>
        %and3A_277 = arith.andi %and3A_272, %and3A_276 : vector<16xi32>
        %gather3A = tpu.vector_load_idx %arg11[%broadcast_in_dim3A_167, %and3A_272, %iota3A] : memref<5x32x16xf32, #tpu.memory_space<vmem>>[vector<16xi32>, vector<16xi32>, vector<16xi32>], vector<16xf32>,
        %gather3A_278 = arith.constant 512 : i32
        %gather3A_279 = arith.constant 0 : i32
        %gather3A_280 = tpu.memref_slice %arg13[%gather3A_278, %gather3A_279] : memref<640x32xf32, #tpu.memory_space<vmem>> -> memref<128x32xf32, #tpu.memory_space<vmem>>
        %gather3A_281 = tpu.vector_load_idx %gather3A_280[%add3A_3, %and3A_272] : memref<128x32xf32, #tpu.memory_space<vmem>>[vector<16xi32>, vector<16xi32>], vector<16xf32>,
        %gather3A_282 = arith.constant 512 : i32
        %gather3A_283 = arith.constant 0 : i32
        %gather3A_284 = tpu.memref_slice %arg13[%gather3A_282, %gather3A_283] : memref<640x32xf32, #tpu.memory_space<vmem>> -> memref<128x32xf32, #tpu.memory_space<vmem>>
        %gather3A_285 = tpu.vector_load_idx %gather3A_284[%add3A_6, %and3A_272] : memref<128x32xf32, #tpu.memory_space<vmem>>[vector<16xi32>, vector<16xi32>], vector<16xf32>,
        %gather3A_286 = arith.constant 512 : i32
        %gather3A_287 = arith.constant 0 : i32
        %gather3A_288 = tpu.memref_slice %arg13[%gather3A_286, %gather3A_287] : memref<640x32xf32, #tpu.memory_space<vmem>> -> memref<128x32xf32, #tpu.memory_space<vmem>>
        %gather3A_289 = tpu.vector_load_idx %gather3A_288[%add3A_9, %and3A_272] : memref<128x32xf32, #tpu.memory_space<vmem>>[vector<16xi32>, vector<16xi32>], vector<16xf32>,
        %gather3A_290 = arith.constant 512 : i32
        %gather3A_291 = arith.constant 0 : i32
        %gather3A_292 = tpu.memref_slice %arg13[%gather3A_290, %gather3A_291] : memref<640x32xf32, #tpu.memory_space<vmem>> -> memref<128x32xf32, #tpu.memory_space<vmem>>
        %gather3A_293 = tpu.vector_load_idx %gather3A_292[%add3A_12, %and3A_272] : memref<128x32xf32, #tpu.memory_space<vmem>>[vector<16xi32>, vector<16xi32>], vector<16xf32>,
        %gather3A_294 = arith.constant 512 : i32
        %gather3A_295 = arith.constant 0 : i32
        %gather3A_296 = tpu.memref_slice %arg13[%gather3A_294, %gather3A_295] : memref<640x32xf32, #tpu.memory_space<vmem>> -> memref<128x32xf32, #tpu.memory_space<vmem>>
        %gather3A_297 = tpu.vector_load_idx %gather3A_296[%add3A_15, %and3A_272] : memref<128x32xf32, #tpu.memory_space<vmem>>[vector<16xi32>, vector<16xi32>], vector<16xf32>,
        %gather3A_298 = arith.constant 512 : i32
        %gather3A_299 = arith.constant 0 : i32
        %gather3A_300 = tpu.memref_slice %arg13[%gather3A_298, %gather3A_299] : memref<640x32xf32, #tpu.memory_space<vmem>> -> memref<128x32xf32, #tpu.memory_space<vmem>>
        %gather3A_301 = tpu.vector_load_idx %gather3A_300[%add3A_18, %and3A_272] : memref<128x32xf32, #tpu.memory_space<vmem>>[vector<16xi32>, vector<16xi32>], vector<16xf32>,
        %gather3A_302 = arith.constant 512 : i32
        %gather3A_303 = arith.constant 0 : i32
        %gather3A_304 = tpu.memref_slice %arg13[%gather3A_302, %gather3A_303] : memref<640x32xf32, #tpu.memory_space<vmem>> -> memref<128x32xf32, #tpu.memory_space<vmem>>
        %gather3A_305 = tpu.vector_load_idx %gather3A_304[%add3A_21, %and3A_272] : memref<128x32xf32, #tpu.memory_space<vmem>>[vector<16xi32>, vector<16xi32>], vector<16xf32>,
        %gather3A_306 = arith.constant 512 : i32
        %gather3A_307 = arith.constant 0 : i32
        %gather3A_308 = tpu.memref_slice %arg13[%gather3A_306, %gather3A_307] : memref<640x32xf32, #tpu.memory_space<vmem>> -> memref<128x32xf32, #tpu.memory_space<vmem>>
        %gather3A_309 = tpu.vector_load_idx %gather3A_308[%add3A_24, %and3A_272] : memref<128x32xf32, #tpu.memory_space<vmem>>[vector<16xi32>, vector<16xi32>], vector<16xf32>,
        %add3A_310 = arith.addf %gather3A_281, %gather3A : vector<16xf32>
        tpu.vector_store_idx %arg15[%broadcast_in_dim3A_167, %shift_right_arithmetic3A_274, %and3A_277, %add3A_3], %add3A_310 : memref<5x4x8x128xf32, #tpu.memory_space<vmem>>[vector<16xi32>, vector<16xi32>, vector<16xi32>, vector<16xi32>], vector<16xf32>,
        %add3A_311 = arith.addf %gather3A_285, %gather3A : vector<16xf32>
        tpu.vector_store_idx %arg15[%broadcast_in_dim3A_167, %shift_right_arithmetic3A_274, %and3A_277, %add3A_6], %add3A_311 : memref<5x4x8x128xf32, #tpu.memory_space<vmem>>[vector<16xi32>, vector<16xi32>, vector<16xi32>, vector<16xi32>], vector<16xf32>,
        %add3A_312 = arith.addf %gather3A_289, %gather3A : vector<16xf32>
        tpu.vector_store_idx %arg15[%broadcast_in_dim3A_167, %shift_right_arithmetic3A_274, %and3A_277, %add3A_9], %add3A_312 : memref<5x4x8x128xf32, #tpu.memory_space<vmem>>[vector<16xi32>, vector<16xi32>, vector<16xi32>, vector<16xi32>], vector<16xf32>,
        %add3A_313 = arith.addf %gather3A_293, %gather3A : vector<16xf32>
        tpu.vector_store_idx %arg15[%broadcast_in_dim3A_167, %shift_right_arithmetic3A_274, %and3A_277, %add3A_12], %add3A_313 : memref<5x4x8x128xf32, #tpu.memory_space<vmem>>[vector<16xi32>, vector<16xi32>, vector<16xi32>, vector<16xi32>], vector<16xf32>,
        %add3A_314 = arith.addf %gather3A_297, %gather3A : vector<16xf32>
        tpu.vector_store_idx %arg15[%broadcast_in_dim3A_167, %shift_right_arithmetic3A_274, %and3A_277, %add3A_15], %add3A_314 : memref<5x4x8x128xf32, #tpu.memory_space<vmem>>[vector<16xi32>, vector<16xi32>, vector<16xi32>, vector<16xi32>], vector<16xf32>,
        %add3A_315 = arith.addf %gather3A_301, %gather3A : vector<16xf32>
        tpu.vector_store_idx %arg15[%broadcast_in_dim3A_167, %shift_right_arithmetic3A_274, %and3A_277, %add3A_18], %add3A_315 : memref<5x4x8x128xf32, #tpu.memory_space<vmem>>[vector<16xi32>, vector<16xi32>, vector<16xi32>, vector<16xi32>], vector<16xf32>,
        %add3A_316 = arith.addf %gather3A_305, %gather3A : vector<16xf32>
        tpu.vector_store_idx %arg15[%broadcast_in_dim3A_167, %shift_right_arithmetic3A_274, %and3A_277, %add3A_21], %add3A_316 : memref<5x4x8x128xf32, #tpu.memory_space<vmem>>[vector<16xi32>, vector<16xi32>, vector<16xi32>, vector<16xi32>], vector<16xf32>,
        %add3A_317 = arith.addf %gather3A_309, %gather3A : vector<16xf32>
        tpu.vector_store_idx %arg15[%broadcast_in_dim3A_167, %shift_right_arithmetic3A_274, %and3A_277, %add3A_24], %add3A_317 : memref<5x4x8x128xf32, #tpu.memory_space<vmem>>[vector<16xi32>, vector<16xi32>, vector<16xi32>, vector<16xi32>], vector<16xf32>,
      }
      %scan3A_173 = arith.constant 32 : i32
      %mul3A_174 = arith.constant 5 : i32
      %mul3A_175 = arith.muli %add3A_112, %mul3A_174 : i32
      %dma_start3A_176 = arith.constant 0 : i32
      %dma_start3A_177 = arith.constant 0 : i32
      %dma_start3A_178 = arith.constant 0 : i32
      %dma_start3A_179 = tpu.memref_slice %arg8[%mul3A_175, %dma_start3A_176, %add3A, %dma_start3A_177, %dma_start3A_178] : memref<200x4x32x8x128xf32, #tpu.memory_space<hbm>> -> memref<5x4x1x8x128xf32, #tpu.memory_space<hbm>>
      %dma_start3A_180 = tpu.memref_squeeze %dma_start3A_179 : memref<5x4x1x8x128xf32, #tpu.memory_space<hbm>> -> memref<5x4x8x128xf32, #tpu.memory_space<hbm>>
      %dma_start3A_181 = arith.constant 0 : i32
      %dma_start3A_182 = arith.constant 0 : i32
      %dma_start3A_183 = arith.constant 0 : i32
      %dma_start3A_184 = tpu.memref_slice %arg8[%mul3A_175, %dma_start3A_181, %add3A, %dma_start3A_182, %dma_start3A_183] : memref<200x4x32x8x128xf32, #tpu.memory_space<hbm>> -> memref<5x4x1x8x128xf32, #tpu.memory_space<hbm>>
      %dma_start3A_185 = tpu.memref_squeeze %dma_start3A_184 : memref<5x4x1x8x128xf32, #tpu.memory_space<hbm>> -> memref<5x4x8x128xf32, #tpu.memory_space<hbm>>
      tpu.enqueue_dma source(%arg15 : memref<5x4x8x128xf32, #tpu.memory_space<vmem>>) target(%dma_start3A_185 : memref<5x4x8x128xf32, #tpu.memory_space<hbm>>) target_semaphore(%arg19 : memref<!tpu.dma_semaphore, #tpu.memory_space<semaphore_mem>>)
      %mul3A_186 = arith.constant 2 : i32
      %mul3A_187 = arith.muli %mul3A_186, %scan3A_108 : i32
      %add3A_188 = arith.constant 1 : i32
      %add3A_189 = arith.addi %mul3A_187, %add3A_188 : i32
      %add3A_190 = arith.constant 1 : i32
      %add3A_191 = arith.addi %add3A_189, %add3A_190 : i32
      %lt3A_192 = arith.constant 40 : i32
      %lt3A_193 = arith.cmpi slt, %add3A_191, %lt3A_192 : i32
      %convert_element_type3A_194 = arith.extui %lt3A_193 : i1 to i32
      %cond3A_195 = arith.constant 0 : i32
      %cond3A_196 = arith.cmpi ne, %convert_element_type3A_194, %cond3A_195 : i32
      scf.if %cond3A_196 {
        %mul3A_268 = arith.constant 640 : i32
        %mul3A_269 = arith.muli %add3A_191, %mul3A_268 : i32
        %dma_start3A_270 = tpu.memref_slice %arg10[%mul3A_269] : memref<25600xi32, #tpu.memory_space<vmem>> -> memref<640xi32, #tpu.memory_space<vmem>>
        %dma_start3A_271 = arith.constant 0 : i32
        %dma_start3A_272 = arith.constant 0 : i32
        %dma_start3A_273 = tpu.memref_slice %arg4[%dma_start3A_271, %dma_start3A_272] : memref<100000x32xf32, #tpu.memory_space<hbm>> -> memref<100000x32xf32, #tpu.memory_space<hbm>>
        tpu.enqueue_indirect_dma source(%dma_start3A_273 : memref<100000x32xf32, #tpu.memory_space<hbm>>) target(%arg13 : memref<640x32xf32, #tpu.memory_space<vmem>>) offsets(%dma_start3A_270 : memref<640xi32, #tpu.memory_space<vmem>>) semaphore(%arg17 : memref<!tpu.dma_semaphore, #tpu.memory_space<semaphore_mem>>)
        %mul3A_274 = arith.constant 5 : i32
        %mul3A_275 = arith.muli %add3A_191, %mul3A_274 : i32
        %dma_start3A_276 = arith.constant 0 : i32
        %dma_start3A_277 = arith.constant 0 : i32
        %dma_start3A_278 = tpu.memref_slice %arg6[%mul3A_275, %dma_start3A_276, %dma_start3A_277] : memref<200x32x16xf32, #tpu.memory_space<hbm>> -> memref<5x32x16xf32, #tpu.memory_space<hbm>>
        %dma_start3A_279 = arith.constant 0 : i32
        %dma_start3A_280 = arith.constant 0 : i32
        %dma_start3A_281 = tpu.memref_slice %arg6[%mul3A_275, %dma_start3A_279, %dma_start3A_280] : memref<200x32x16xf32, #tpu.memory_space<hbm>> -> memref<5x32x16xf32, #tpu.memory_space<hbm>>
        tpu.enqueue_dma source(%dma_start3A_281 : memref<5x32x16xf32, #tpu.memory_space<hbm>>) target(%arg11 : memref<5x32x16xf32, #tpu.memory_space<vmem>>) target_semaphore(%arg17 : memref<!tpu.dma_semaphore, #tpu.memory_space<semaphore_mem>>)
      } else {
      }
      %mul3A_197 = arith.constant 640 : i32
      %mul3A_198 = arith.muli %add3A_189, %mul3A_197 : i32
      %dma_wait3A_199 = tpu.memref_slice %arg10[%mul3A_198] : memref<25600xi32, #tpu.memory_space<vmem>> -> memref<640xi32, #tpu.memory_space<vmem>>
      %dma_wait3A_200 = arith.constant 0 : i32
      %dma_wait3A_201 = arith.constant 0 : i32
      %dma_wait3A_202 = tpu.memref_slice %arg4[%dma_wait3A_200, %dma_wait3A_201] : memref<100000x32xf32, #tpu.memory_space<hbm>> -> memref<100000x32xf32, #tpu.memory_space<hbm>>
      tpu.wait_indirect_dma semaphore(%arg18 : memref<!tpu.dma_semaphore, #tpu.memory_space<semaphore_mem>>) src(%dma_wait3A_202 : memref<100000x32xf32, #tpu.memory_space<hbm>>) dst(%arg14 : memref<640x32xf32, #tpu.memory_space<vmem>>)
      %mul3A_203 = arith.constant 5 : i32
      %mul3A_204 = arith.muli %add3A_189, %mul3A_203 : i32
      %dma_wait3A_205 = arith.constant 0 : i32
      %dma_wait3A_206 = arith.constant 0 : i32
      %dma_wait3A_207 = tpu.memref_slice %arg6[%mul3A_204, %dma_wait3A_205, %dma_wait3A_206] : memref<200x32x16xf32, #tpu.memory_space<hbm>> -> memref<5x32x16xf32, #tpu.memory_space<hbm>>
      %dma_wait3A_208 = arith.constant 0 : i32
      %dma_wait3A_209 = arith.constant 0 : i32
      %dma_wait3A_210 = tpu.memref_slice %arg6[%mul3A_204, %dma_wait3A_208, %dma_wait3A_209] : memref<200x32x16xf32, #tpu.memory_space<hbm>> -> memref<5x32x16xf32, #tpu.memory_space<hbm>>
      tpu.wait_dma2 semaphore(%arg18 : memref<!tpu.dma_semaphore, #tpu.memory_space<semaphore_mem>>) src(%dma_wait3A_210 : memref<5x32x16xf32, #tpu.memory_space<hbm>>) dst(%arg12 : memref<5x32x16xf32, #tpu.memory_space<vmem>>)
      %ge3A_211 = arith.constant 2 : i32
      %ge3A_212 = arith.cmpi sge, %add3A_189, %ge3A_211 : i32
      %convert_element_type3A_213 = arith.extui %ge3A_212 : i1 to i32
      %cond3A_214 = arith.constant 0 : i32
      %cond3A_215 = arith.cmpi ne, %convert_element_type3A_213, %cond3A_214 : i32
      scf.if %cond3A_215 {
        %dma_wait3A_268 = arith.constant 0 : i32
        %dma_wait3A_269 = arith.constant 0 : i32
        %dma_wait3A_270 = arith.constant 0 : i32
        %dma_wait3A_271 = arith.constant 0 : i32
        %dma_wait3A_272 = tpu.memref_slice %arg8[%dma_wait3A_268, %dma_wait3A_269, %add3A, %dma_wait3A_270, %dma_wait3A_271] : memref<200x4x32x8x128xf32, #tpu.memory_space<hbm>> -> memref<5x4x1x8x128xf32, #tpu.memory_space<hbm>>
        %dma_wait3A_273 = tpu.memref_squeeze %dma_wait3A_272 : memref<5x4x1x8x128xf32, #tpu.memory_space<hbm>> -> memref<5x4x8x128xf32, #tpu.memory_space<hbm>>
        %dma_wait3A_274 = arith.constant 0 : i32
        %dma_wait3A_275 = arith.constant 0 : i32
        %dma_wait3A_276 = arith.constant 0 : i32
        %dma_wait3A_277 = arith.constant 0 : i32
        %dma_wait3A_278 = tpu.memref_slice %arg8[%dma_wait3A_274, %dma_wait3A_275, %add3A, %dma_wait3A_276, %dma_wait3A_277] : memref<200x4x32x8x128xf32, #tpu.memory_space<hbm>> -> memref<5x4x1x8x128xf32, #tpu.memory_space<hbm>>
        %dma_wait3A_279 = tpu.memref_squeeze %dma_wait3A_278 : memref<5x4x1x8x128xf32, #tpu.memory_space<hbm>> -> memref<5x4x8x128xf32, #tpu.memory_space<hbm>>
        tpu.wait_dma2 semaphore(%arg20 : memref<!tpu.dma_semaphore, #tpu.memory_space<semaphore_mem>>) src(%arg16 : memref<5x4x8x128xf32, #tpu.memory_space<vmem>>) dst(%dma_wait3A_279 : memref<5x4x8x128xf32, #tpu.memory_space<hbm>>)
      } else {
      }
      %broadcast_in_dim3A_216 = arith.constant 0 : i32
      %broadcast_in_dim3A_217 = vector.broadcast %broadcast_in_dim3A_216 : i32 to vector<16xi32>
      %scan3A_218 = arith.constant 0 : i32
      %scan3A_219 = arith.constant 0 : i32
      %scan3A_220 = arith.constant 32 : i32
      %scan3A_221 = arith.addi %scan3A_219, %scan3A_220 : i32
      %scan3A_222 = arith.constant 1 : i32
      scf.for %scan3A_268 = %scan3A_219 to %scan3A_221 step %scan3A_222  : i32 {
        %add3A_269 = vector.broadcast %scan3A_268 : i32 to vector<16xi32>
        %add3A_270 = arith.addi %iota3A, %add3A_269 : vector<16xi32>
        %and3A = arith.constant 31 : i32
        %and3A_271 = vector.broadcast %and3A : i32 to vector<16xi32>
        %and3A_272 = arith.andi %add3A_270, %and3A_271 : vector<16xi32>
        %shift_right_arithmetic3A = arith.constant 3 : i32
        %shift_right_arithmetic3A_273 = vector.broadcast %shift_right_arithmetic3A : i32 to vector<16xi32>
        %shift_right_arithmetic3A_274 = arith.shrsi %and3A_272, %shift_right_arithmetic3A_273 : vector<16xi32>
        %and3A_275 = arith.constant 7 : i32
        %and3A_276 = vector.broadcast %and3A_275 : i32 to vector<16xi32>
        %and3A_277 = arith.andi %and3A_272, %and3A_276 : vector<16xi32>
        %gather3A = tpu.vector_load_idx %arg12[%broadcast_in_dim3A_217, %and3A_272, %iota3A] : memref<5x32x16xf32, #tpu.memory_space<vmem>>[vector<16xi32>, vector<16xi32>, vector<16xi32>], vector<16xf32>,
        %gather3A_278 = arith.constant 0 : i32
        %gather3A_279 = arith.constant 0 : i32
        %gather3A_280 = tpu.memref_slice %arg14[%gather3A_278, %gather3A_279] : memref<640x32xf32, #tpu.memory_space<vmem>> -> memref<128x32xf32, #tpu.memory_space<vmem>>
        %gather3A_281 = tpu.vector_load_idx %gather3A_280[%add3A_3, %and3A_272] : memref<128x32xf32, #tpu.memory_space<vmem>>[vector<16xi32>, vector<16xi32>], vector<16xf32>,
        %gather3A_282 = arith.constant 0 : i32
        %gather3A_283 = arith.constant 0 : i32
        %gather3A_284 = tpu.memref_slice %arg14[%gather3A_282, %gather3A_283] : memref<640x32xf32, #tpu.memory_space<vmem>> -> memref<128x32xf32, #tpu.memory_space<vmem>>
        %gather3A_285 = tpu.vector_load_idx %gather3A_284[%add3A_6, %and3A_272] : memref<128x32xf32, #tpu.memory_space<vmem>>[vector<16xi32>, vector<16xi32>], vector<16xf32>,
        %gather3A_286 = arith.constant 0 : i32
        %gather3A_287 = arith.constant 0 : i32
        %gather3A_288 = tpu.memref_slice %arg14[%gather3A_286, %gather3A_287] : memref<640x32xf32, #tpu.memory_space<vmem>> -> memref<128x32xf32, #tpu.memory_space<vmem>>
        %gather3A_289 = tpu.vector_load_idx %gather3A_288[%add3A_9, %and3A_272] : memref<128x32xf32, #tpu.memory_space<vmem>>[vector<16xi32>, vector<16xi32>], vector<16xf32>,
        %gather3A_290 = arith.constant 0 : i32
        %gather3A_291 = arith.constant 0 : i32
        %gather3A_292 = tpu.memref_slice %arg14[%gather3A_290, %gather3A_291] : memref<640x32xf32, #tpu.memory_space<vmem>> -> memref<128x32xf32, #tpu.memory_space<vmem>>
        %gather3A_293 = tpu.vector_load_idx %gather3A_292[%add3A_12, %and3A_272] : memref<128x32xf32, #tpu.memory_space<vmem>>[vector<16xi32>, vector<16xi32>], vector<16xf32>,
        %gather3A_294 = arith.constant 0 : i32
        %gather3A_295 = arith.constant 0 : i32
        %gather3A_296 = tpu.memref_slice %arg14[%gather3A_294, %gather3A_295] : memref<640x32xf32, #tpu.memory_space<vmem>> -> memref<128x32xf32, #tpu.memory_space<vmem>>
        %gather3A_297 = tpu.vector_load_idx %gather3A_296[%add3A_15, %and3A_272] : memref<128x32xf32, #tpu.memory_space<vmem>>[vector<16xi32>, vector<16xi32>], vector<16xf32>,
        %gather3A_298 = arith.constant 0 : i32
        %gather3A_299 = arith.constant 0 : i32
        %gather3A_300 = tpu.memref_slice %arg14[%gather3A_298, %gather3A_299] : memref<640x32xf32, #tpu.memory_space<vmem>> -> memref<128x32xf32, #tpu.memory_space<vmem>>
        %gather3A_301 = tpu.vector_load_idx %gather3A_300[%add3A_18, %and3A_272] : memref<128x32xf32, #tpu.memory_space<vmem>>[vector<16xi32>, vector<16xi32>], vector<16xf32>,
        %gather3A_302 = arith.constant 0 : i32
        %gather3A_303 = arith.constant 0 : i32
        %gather3A_304 = tpu.memref_slice %arg14[%gather3A_302, %gather3A_303] : memref<640x32xf32, #tpu.memory_space<vmem>> -> memref<128x32xf32, #tpu.memory_space<vmem>>
        %gather3A_305 = tpu.vector_load_idx %gather3A_304[%add3A_21, %and3A_272] : memref<128x32xf32, #tpu.memory_space<vmem>>[vector<16xi32>, vector<16xi32>], vector<16xf32>,
        %gather3A_306 = arith.constant 0 : i32
        %gather3A_307 = arith.constant 0 : i32
        %gather3A_308 = tpu.memref_slice %arg14[%gather3A_306, %gather3A_307] : memref<640x32xf32, #tpu.memory_space<vmem>> -> memref<128x32xf32, #tpu.memory_space<vmem>>
        %gather3A_309 = tpu.vector_load_idx %gather3A_308[%add3A_24, %and3A_272] : memref<128x32xf32, #tpu.memory_space<vmem>>[vector<16xi32>, vector<16xi32>], vector<16xf32>,
        %add3A_310 = arith.addf %gather3A_281, %gather3A : vector<16xf32>
        tpu.vector_store_idx %arg16[%broadcast_in_dim3A_217, %shift_right_arithmetic3A_274, %and3A_277, %add3A_3], %add3A_310 : memref<5x4x8x128xf32, #tpu.memory_space<vmem>>[vector<16xi32>, vector<16xi32>, vector<16xi32>, vector<16xi32>], vector<16xf32>,
        %add3A_311 = arith.addf %gather3A_285, %gather3A : vector<16xf32>
        tpu.vector_store_idx %arg16[%broadcast_in_dim3A_217, %shift_right_arithmetic3A_274, %and3A_277, %add3A_6], %add3A_311 : memref<5x4x8x128xf32, #tpu.memory_space<vmem>>[vector<16xi32>, vector<16xi32>, vector<16xi32>, vector<16xi32>], vector<16xf32>,
        %add3A_312 = arith.addf %gather3A_289, %gather3A : vector<16xf32>
        tpu.vector_store_idx %arg16[%broadcast_in_dim3A_217, %shift_right_arithmetic3A_274, %and3A_277, %add3A_9], %add3A_312 : memref<5x4x8x128xf32, #tpu.memory_space<vmem>>[vector<16xi32>, vector<16xi32>, vector<16xi32>, vector<16xi32>], vector<16xf32>,
        %add3A_313 = arith.addf %gather3A_293, %gather3A : vector<16xf32>
        tpu.vector_store_idx %arg16[%broadcast_in_dim3A_217, %shift_right_arithmetic3A_274, %and3A_277, %add3A_12], %add3A_313 : memref<5x4x8x128xf32, #tpu.memory_space<vmem>>[vector<16xi32>, vector<16xi32>, vector<16xi32>, vector<16xi32>], vector<16xf32>,
        %add3A_314 = arith.addf %gather3A_297, %gather3A : vector<16xf32>
        tpu.vector_store_idx %arg16[%broadcast_in_dim3A_217, %shift_right_arithmetic3A_274, %and3A_277, %add3A_15], %add3A_314 : memref<5x4x8x128xf32, #tpu.memory_space<vmem>>[vector<16xi32>, vector<16xi32>, vector<16xi32>, vector<16xi32>], vector<16xf32>,
        %add3A_315 = arith.addf %gather3A_301, %gather3A : vector<16xf32>
        tpu.vector_store_idx %arg16[%broadcast_in_dim3A_217, %shift_right_arithmetic3A_274, %and3A_277, %add3A_18], %add3A_315 : memref<5x4x8x128xf32, #tpu.memory_space<vmem>>[vector<16xi32>, vector<16xi32>, vector<16xi32>, vector<16xi32>], vector<16xf32>,
        %add3A_316 = arith.addf %gather3A_305, %gather3A : vector<16xf32>
        tpu.vector_store_idx %arg16[%broadcast_in_dim3A_217, %shift_right_arithmetic3A_274, %and3A_277, %add3A_21], %add3A_316 : memref<5x4x8x128xf32, #tpu.memory_space<vmem>>[vector<16xi32>, vector<16xi32>, vector<16xi32>, vector<16xi32>], vector<16xf32>,
        %add3A_317 = arith.addf %gather3A_309, %gather3A : vector<16xf32>
        tpu.vector_store_idx %arg16[%broadcast_in_dim3A_217, %shift_right_arithmetic3A_274, %and3A_277, %add3A_24], %add3A_317 : memref<5x4x8x128xf32, #tpu.memory_space<vmem>>[vector<16xi32>, vector<16xi32>, vector<16xi32>, vector<16xi32>], vector<16xf32>,
      }
      %scan3A_223 = arith.constant 32 : i32
      %broadcast_in_dim3A_224 = arith.constant 1 : i32
      %broadcast_in_dim3A_225 = vector.broadcast %broadcast_in_dim3A_224 : i32 to vector<16xi32>
      %scan3A_226 = arith.constant 0 : i32
      %scan3A_227 = arith.constant 0 : i32
      %scan3A_228 = arith.constant 32 : i32
      %scan3A_229 = arith.addi %scan3A_227, %scan3A_228 : i32
      %scan3A_230 = arith.constant 1 : i32
      scf.for %scan3A_268 = %scan3A_227 to %scan3A_229 step %scan3A_230  : i32 {
        %add3A_269 = vector.broadcast %scan3A_268 : i32 to vector<16xi32>
        %add3A_270 = arith.addi %iota3A, %add3A_269 : vector<16xi32>
        %and3A = arith.constant 31 : i32
        %and3A_271 = vector.broadcast %and3A : i32 to vector<16xi32>
        %and3A_272 = arith.andi %add3A_270, %and3A_271 : vector<16xi32>
        %shift_right_arithmetic3A = arith.constant 3 : i32
        %shift_right_arithmetic3A_273 = vector.broadcast %shift_right_arithmetic3A : i32 to vector<16xi32>
        %shift_right_arithmetic3A_274 = arith.shrsi %and3A_272, %shift_right_arithmetic3A_273 : vector<16xi32>
        %and3A_275 = arith.constant 7 : i32
        %and3A_276 = vector.broadcast %and3A_275 : i32 to vector<16xi32>
        %and3A_277 = arith.andi %and3A_272, %and3A_276 : vector<16xi32>
        %gather3A = tpu.vector_load_idx %arg12[%broadcast_in_dim3A_225, %and3A_272, %iota3A] : memref<5x32x16xf32, #tpu.memory_space<vmem>>[vector<16xi32>, vector<16xi32>, vector<16xi32>], vector<16xf32>,
        %gather3A_278 = arith.constant 128 : i32
        %gather3A_279 = arith.constant 0 : i32
        %gather3A_280 = tpu.memref_slice %arg14[%gather3A_278, %gather3A_279] : memref<640x32xf32, #tpu.memory_space<vmem>> -> memref<128x32xf32, #tpu.memory_space<vmem>>
        %gather3A_281 = tpu.vector_load_idx %gather3A_280[%add3A_3, %and3A_272] : memref<128x32xf32, #tpu.memory_space<vmem>>[vector<16xi32>, vector<16xi32>], vector<16xf32>,
        %gather3A_282 = arith.constant 128 : i32
        %gather3A_283 = arith.constant 0 : i32
        %gather3A_284 = tpu.memref_slice %arg14[%gather3A_282, %gather3A_283] : memref<640x32xf32, #tpu.memory_space<vmem>> -> memref<128x32xf32, #tpu.memory_space<vmem>>
        %gather3A_285 = tpu.vector_load_idx %gather3A_284[%add3A_6, %and3A_272] : memref<128x32xf32, #tpu.memory_space<vmem>>[vector<16xi32>, vector<16xi32>], vector<16xf32>,
        %gather3A_286 = arith.constant 128 : i32
        %gather3A_287 = arith.constant 0 : i32
        %gather3A_288 = tpu.memref_slice %arg14[%gather3A_286, %gather3A_287] : memref<640x32xf32, #tpu.memory_space<vmem>> -> memref<128x32xf32, #tpu.memory_space<vmem>>
        %gather3A_289 = tpu.vector_load_idx %gather3A_288[%add3A_9, %and3A_272] : memref<128x32xf32, #tpu.memory_space<vmem>>[vector<16xi32>, vector<16xi32>], vector<16xf32>,
        %gather3A_290 = arith.constant 128 : i32
        %gather3A_291 = arith.constant 0 : i32
        %gather3A_292 = tpu.memref_slice %arg14[%gather3A_290, %gather3A_291] : memref<640x32xf32, #tpu.memory_space<vmem>> -> memref<128x32xf32, #tpu.memory_space<vmem>>
        %gather3A_293 = tpu.vector_load_idx %gather3A_292[%add3A_12, %and3A_272] : memref<128x32xf32, #tpu.memory_space<vmem>>[vector<16xi32>, vector<16xi32>], vector<16xf32>,
        %gather3A_294 = arith.constant 128 : i32
        %gather3A_295 = arith.constant 0 : i32
        %gather3A_296 = tpu.memref_slice %arg14[%gather3A_294, %gather3A_295] : memref<640x32xf32, #tpu.memory_space<vmem>> -> memref<128x32xf32, #tpu.memory_space<vmem>>
        %gather3A_297 = tpu.vector_load_idx %gather3A_296[%add3A_15, %and3A_272] : memref<128x32xf32, #tpu.memory_space<vmem>>[vector<16xi32>, vector<16xi32>], vector<16xf32>,
        %gather3A_298 = arith.constant 128 : i32
        %gather3A_299 = arith.constant 0 : i32
        %gather3A_300 = tpu.memref_slice %arg14[%gather3A_298, %gather3A_299] : memref<640x32xf32, #tpu.memory_space<vmem>> -> memref<128x32xf32, #tpu.memory_space<vmem>>
        %gather3A_301 = tpu.vector_load_idx %gather3A_300[%add3A_18, %and3A_272] : memref<128x32xf32, #tpu.memory_space<vmem>>[vector<16xi32>, vector<16xi32>], vector<16xf32>,
        %gather3A_302 = arith.constant 128 : i32
        %gather3A_303 = arith.constant 0 : i32
        %gather3A_304 = tpu.memref_slice %arg14[%gather3A_302, %gather3A_303] : memref<640x32xf32, #tpu.memory_space<vmem>> -> memref<128x32xf32, #tpu.memory_space<vmem>>
        %gather3A_305 = tpu.vector_load_idx %gather3A_304[%add3A_21, %and3A_272] : memref<128x32xf32, #tpu.memory_space<vmem>>[vector<16xi32>, vector<16xi32>], vector<16xf32>,
        %gather3A_306 = arith.constant 128 : i32
        %gather3A_307 = arith.constant 0 : i32
        %gather3A_308 = tpu.memref_slice %arg14[%gather3A_306, %gather3A_307] : memref<640x32xf32, #tpu.memory_space<vmem>> -> memref<128x32xf32, #tpu.memory_space<vmem>>
        %gather3A_309 = tpu.vector_load_idx %gather3A_308[%add3A_24, %and3A_272] : memref<128x32xf32, #tpu.memory_space<vmem>>[vector<16xi32>, vector<16xi32>], vector<16xf32>,
        %add3A_310 = arith.addf %gather3A_281, %gather3A : vector<16xf32>
        tpu.vector_store_idx %arg16[%broadcast_in_dim3A_225, %shift_right_arithmetic3A_274, %and3A_277, %add3A_3], %add3A_310 : memref<5x4x8x128xf32, #tpu.memory_space<vmem>>[vector<16xi32>, vector<16xi32>, vector<16xi32>, vector<16xi32>], vector<16xf32>,
        %add3A_311 = arith.addf %gather3A_285, %gather3A : vector<16xf32>
        tpu.vector_store_idx %arg16[%broadcast_in_dim3A_225, %shift_right_arithmetic3A_274, %and3A_277, %add3A_6], %add3A_311 : memref<5x4x8x128xf32, #tpu.memory_space<vmem>>[vector<16xi32>, vector<16xi32>, vector<16xi32>, vector<16xi32>], vector<16xf32>,
        %add3A_312 = arith.addf %gather3A_289, %gather3A : vector<16xf32>
        tpu.vector_store_idx %arg16[%broadcast_in_dim3A_225, %shift_right_arithmetic3A_274, %and3A_277, %add3A_9], %add3A_312 : memref<5x4x8x128xf32, #tpu.memory_space<vmem>>[vector<16xi32>, vector<16xi32>, vector<16xi32>, vector<16xi32>], vector<16xf32>,
        %add3A_313 = arith.addf %gather3A_293, %gather3A : vector<16xf32>
        tpu.vector_store_idx %arg16[%broadcast_in_dim3A_225, %shift_right_arithmetic3A_274, %and3A_277, %add3A_12], %add3A_313 : memref<5x4x8x128xf32, #tpu.memory_space<vmem>>[vector<16xi32>, vector<16xi32>, vector<16xi32>, vector<16xi32>], vector<16xf32>,
        %add3A_314 = arith.addf %gather3A_297, %gather3A : vector<16xf32>
        tpu.vector_store_idx %arg16[%broadcast_in_dim3A_225, %shift_right_arithmetic3A_274, %and3A_277, %add3A_15], %add3A_314 : memref<5x4x8x128xf32, #tpu.memory_space<vmem>>[vector<16xi32>, vector<16xi32>, vector<16xi32>, vector<16xi32>], vector<16xf32>,
        %add3A_315 = arith.addf %gather3A_301, %gather3A : vector<16xf32>
        tpu.vector_store_idx %arg16[%broadcast_in_dim3A_225, %shift_right_arithmetic3A_274, %and3A_277, %add3A_18], %add3A_315 : memref<5x4x8x128xf32, #tpu.memory_space<vmem>>[vector<16xi32>, vector<16xi32>, vector<16xi32>, vector<16xi32>], vector<16xf32>,
        %add3A_316 = arith.addf %gather3A_305, %gather3A : vector<16xf32>
        tpu.vector_store_idx %arg16[%broadcast_in_dim3A_225, %shift_right_arithmetic3A_274, %and3A_277, %add3A_21], %add3A_316 : memref<5x4x8x128xf32, #tpu.memory_space<vmem>>[vector<16xi32>, vector<16xi32>, vector<16xi32>, vector<16xi32>], vector<16xf32>,
        %add3A_317 = arith.addf %gather3A_309, %gather3A : vector<16xf32>
        tpu.vector_store_idx %arg16[%broadcast_in_dim3A_225, %shift_right_arithmetic3A_274, %and3A_277, %add3A_24], %add3A_317 : memref<5x4x8x128xf32, #tpu.memory_space<vmem>>[vector<16xi32>, vector<16xi32>, vector<16xi32>, vector<16xi32>], vector<16xf32>,
      }
      %scan3A_231 = arith.constant 32 : i32
      %broadcast_in_dim3A_232 = arith.constant 2 : i32
      %broadcast_in_dim3A_233 = vector.broadcast %broadcast_in_dim3A_232 : i32 to vector<16xi32>
      %scan3A_234 = arith.constant 0 : i32
      %scan3A_235 = arith.constant 0 : i32
      %scan3A_236 = arith.constant 32 : i32
      %scan3A_237 = arith.addi %scan3A_235, %scan3A_236 : i32
      %scan3A_238 = arith.constant 1 : i32
      scf.for %scan3A_268 = %scan3A_235 to %scan3A_237 step %scan3A_238  : i32 {
        %add3A_269 = vector.broadcast %scan3A_268 : i32 to vector<16xi32>
        %add3A_270 = arith.addi %iota3A, %add3A_269 : vector<16xi32>
        %and3A = arith.constant 31 : i32
        %and3A_271 = vector.broadcast %and3A : i32 to vector<16xi32>
        %and3A_272 = arith.andi %add3A_270, %and3A_271 : vector<16xi32>
        %shift_right_arithmetic3A = arith.constant 3 : i32
        %shift_right_arithmetic3A_273 = vector.broadcast %shift_right_arithmetic3A : i32 to vector<16xi32>
        %shift_right_arithmetic3A_274 = arith.shrsi %and3A_272, %shift_right_arithmetic3A_273 : vector<16xi32>
        %and3A_275 = arith.constant 7 : i32
        %and3A_276 = vector.broadcast %and3A_275 : i32 to vector<16xi32>
        %and3A_277 = arith.andi %and3A_272, %and3A_276 : vector<16xi32>
        %gather3A = tpu.vector_load_idx %arg12[%broadcast_in_dim3A_233, %and3A_272, %iota3A] : memref<5x32x16xf32, #tpu.memory_space<vmem>>[vector<16xi32>, vector<16xi32>, vector<16xi32>], vector<16xf32>,
        %gather3A_278 = arith.constant 256 : i32
        %gather3A_279 = arith.constant 0 : i32
        %gather3A_280 = tpu.memref_slice %arg14[%gather3A_278, %gather3A_279] : memref<640x32xf32, #tpu.memory_space<vmem>> -> memref<128x32xf32, #tpu.memory_space<vmem>>
        %gather3A_281 = tpu.vector_load_idx %gather3A_280[%add3A_3, %and3A_272] : memref<128x32xf32, #tpu.memory_space<vmem>>[vector<16xi32>, vector<16xi32>], vector<16xf32>,
        %gather3A_282 = arith.constant 256 : i32
        %gather3A_283 = arith.constant 0 : i32
        %gather3A_284 = tpu.memref_slice %arg14[%gather3A_282, %gather3A_283] : memref<640x32xf32, #tpu.memory_space<vmem>> -> memref<128x32xf32, #tpu.memory_space<vmem>>
        %gather3A_285 = tpu.vector_load_idx %gather3A_284[%add3A_6, %and3A_272] : memref<128x32xf32, #tpu.memory_space<vmem>>[vector<16xi32>, vector<16xi32>], vector<16xf32>,
        %gather3A_286 = arith.constant 256 : i32
        %gather3A_287 = arith.constant 0 : i32
        %gather3A_288 = tpu.memref_slice %arg14[%gather3A_286, %gather3A_287] : memref<640x32xf32, #tpu.memory_space<vmem>> -> memref<128x32xf32, #tpu.memory_space<vmem>>
        %gather3A_289 = tpu.vector_load_idx %gather3A_288[%add3A_9, %and3A_272] : memref<128x32xf32, #tpu.memory_space<vmem>>[vector<16xi32>, vector<16xi32>], vector<16xf32>,
        %gather3A_290 = arith.constant 256 : i32
        %gather3A_291 = arith.constant 0 : i32
        %gather3A_292 = tpu.memref_slice %arg14[%gather3A_290, %gather3A_291] : memref<640x32xf32, #tpu.memory_space<vmem>> -> memref<128x32xf32, #tpu.memory_space<vmem>>
        %gather3A_293 = tpu.vector_load_idx %gather3A_292[%add3A_12, %and3A_272] : memref<128x32xf32, #tpu.memory_space<vmem>>[vector<16xi32>, vector<16xi32>], vector<16xf32>,
        %gather3A_294 = arith.constant 256 : i32
        %gather3A_295 = arith.constant 0 : i32
        %gather3A_296 = tpu.memref_slice %arg14[%gather3A_294, %gather3A_295] : memref<640x32xf32, #tpu.memory_space<vmem>> -> memref<128x32xf32, #tpu.memory_space<vmem>>
        %gather3A_297 = tpu.vector_load_idx %gather3A_296[%add3A_15, %and3A_272] : memref<128x32xf32, #tpu.memory_space<vmem>>[vector<16xi32>, vector<16xi32>], vector<16xf32>,
        %gather3A_298 = arith.constant 256 : i32
        %gather3A_299 = arith.constant 0 : i32
        %gather3A_300 = tpu.memref_slice %arg14[%gather3A_298, %gather3A_299] : memref<640x32xf32, #tpu.memory_space<vmem>> -> memref<128x32xf32, #tpu.memory_space<vmem>>
        %gather3A_301 = tpu.vector_load_idx %gather3A_300[%add3A_18, %and3A_272] : memref<128x32xf32, #tpu.memory_space<vmem>>[vector<16xi32>, vector<16xi32>], vector<16xf32>,
        %gather3A_302 = arith.constant 256 : i32
        %gather3A_303 = arith.constant 0 : i32
        %gather3A_304 = tpu.memref_slice %arg14[%gather3A_302, %gather3A_303] : memref<640x32xf32, #tpu.memory_space<vmem>> -> memref<128x32xf32, #tpu.memory_space<vmem>>
        %gather3A_305 = tpu.vector_load_idx %gather3A_304[%add3A_21, %and3A_272] : memref<128x32xf32, #tpu.memory_space<vmem>>[vector<16xi32>, vector<16xi32>], vector<16xf32>,
        %gather3A_306 = arith.constant 256 : i32
        %gather3A_307 = arith.constant 0 : i32
        %gather3A_308 = tpu.memref_slice %arg14[%gather3A_306, %gather3A_307] : memref<640x32xf32, #tpu.memory_space<vmem>> -> memref<128x32xf32, #tpu.memory_space<vmem>>
        %gather3A_309 = tpu.vector_load_idx %gather3A_308[%add3A_24, %and3A_272] : memref<128x32xf32, #tpu.memory_space<vmem>>[vector<16xi32>, vector<16xi32>], vector<16xf32>,
        %add3A_310 = arith.addf %gather3A_281, %gather3A : vector<16xf32>
        tpu.vector_store_idx %arg16[%broadcast_in_dim3A_233, %shift_right_arithmetic3A_274, %and3A_277, %add3A_3], %add3A_310 : memref<5x4x8x128xf32, #tpu.memory_space<vmem>>[vector<16xi32>, vector<16xi32>, vector<16xi32>, vector<16xi32>], vector<16xf32>,
        %add3A_311 = arith.addf %gather3A_285, %gather3A : vector<16xf32>
        tpu.vector_store_idx %arg16[%broadcast_in_dim3A_233, %shift_right_arithmetic3A_274, %and3A_277, %add3A_6], %add3A_311 : memref<5x4x8x128xf32, #tpu.memory_space<vmem>>[vector<16xi32>, vector<16xi32>, vector<16xi32>, vector<16xi32>], vector<16xf32>,
        %add3A_312 = arith.addf %gather3A_289, %gather3A : vector<16xf32>
        tpu.vector_store_idx %arg16[%broadcast_in_dim3A_233, %shift_right_arithmetic3A_274, %and3A_277, %add3A_9], %add3A_312 : memref<5x4x8x128xf32, #tpu.memory_space<vmem>>[vector<16xi32>, vector<16xi32>, vector<16xi32>, vector<16xi32>], vector<16xf32>,
        %add3A_313 = arith.addf %gather3A_293, %gather3A : vector<16xf32>
        tpu.vector_store_idx %arg16[%broadcast_in_dim3A_233, %shift_right_arithmetic3A_274, %and3A_277, %add3A_12], %add3A_313 : memref<5x4x8x128xf32, #tpu.memory_space<vmem>>[vector<16xi32>, vector<16xi32>, vector<16xi32>, vector<16xi32>], vector<16xf32>,
        %add3A_314 = arith.addf %gather3A_297, %gather3A : vector<16xf32>
        tpu.vector_store_idx %arg16[%broadcast_in_dim3A_233, %shift_right_arithmetic3A_274, %and3A_277, %add3A_15], %add3A_314 : memref<5x4x8x128xf32, #tpu.memory_space<vmem>>[vector<16xi32>, vector<16xi32>, vector<16xi32>, vector<16xi32>], vector<16xf32>,
        %add3A_315 = arith.addf %gather3A_301, %gather3A : vector<16xf32>
        tpu.vector_store_idx %arg16[%broadcast_in_dim3A_233, %shift_right_arithmetic3A_274, %and3A_277, %add3A_18], %add3A_315 : memref<5x4x8x128xf32, #tpu.memory_space<vmem>>[vector<16xi32>, vector<16xi32>, vector<16xi32>, vector<16xi32>], vector<16xf32>,
        %add3A_316 = arith.addf %gather3A_305, %gather3A : vector<16xf32>
        tpu.vector_store_idx %arg16[%broadcast_in_dim3A_233, %shift_right_arithmetic3A_274, %and3A_277, %add3A_21], %add3A_316 : memref<5x4x8x128xf32, #tpu.memory_space<vmem>>[vector<16xi32>, vector<16xi32>, vector<16xi32>, vector<16xi32>], vector<16xf32>,
        %add3A_317 = arith.addf %gather3A_309, %gather3A : vector<16xf32>
        tpu.vector_store_idx %arg16[%broadcast_in_dim3A_233, %shift_right_arithmetic3A_274, %and3A_277, %add3A_24], %add3A_317 : memref<5x4x8x128xf32, #tpu.memory_space<vmem>>[vector<16xi32>, vector<16xi32>, vector<16xi32>, vector<16xi32>], vector<16xf32>,
      }
      %scan3A_239 = arith.constant 32 : i32
      %broadcast_in_dim3A_240 = arith.constant 3 : i32
      %broadcast_in_dim3A_241 = vector.broadcast %broadcast_in_dim3A_240 : i32 to vector<16xi32>
      %scan3A_242 = arith.constant 0 : i32
      %scan3A_243 = arith.constant 0 : i32
      %scan3A_244 = arith.constant 32 : i32
      %scan3A_245 = arith.addi %scan3A_243, %scan3A_244 : i32
      %scan3A_246 = arith.constant 1 : i32
      scf.for %scan3A_268 = %scan3A_243 to %scan3A_245 step %scan3A_246  : i32 {
        %add3A_269 = vector.broadcast %scan3A_268 : i32 to vector<16xi32>
        %add3A_270 = arith.addi %iota3A, %add3A_269 : vector<16xi32>
        %and3A = arith.constant 31 : i32
        %and3A_271 = vector.broadcast %and3A : i32 to vector<16xi32>
        %and3A_272 = arith.andi %add3A_270, %and3A_271 : vector<16xi32>
        %shift_right_arithmetic3A = arith.constant 3 : i32
        %shift_right_arithmetic3A_273 = vector.broadcast %shift_right_arithmetic3A : i32 to vector<16xi32>
        %shift_right_arithmetic3A_274 = arith.shrsi %and3A_272, %shift_right_arithmetic3A_273 : vector<16xi32>
        %and3A_275 = arith.constant 7 : i32
        %and3A_276 = vector.broadcast %and3A_275 : i32 to vector<16xi32>
        %and3A_277 = arith.andi %and3A_272, %and3A_276 : vector<16xi32>
        %gather3A = tpu.vector_load_idx %arg12[%broadcast_in_dim3A_241, %and3A_272, %iota3A] : memref<5x32x16xf32, #tpu.memory_space<vmem>>[vector<16xi32>, vector<16xi32>, vector<16xi32>], vector<16xf32>,
        %gather3A_278 = arith.constant 384 : i32
        %gather3A_279 = arith.constant 0 : i32
        %gather3A_280 = tpu.memref_slice %arg14[%gather3A_278, %gather3A_279] : memref<640x32xf32, #tpu.memory_space<vmem>> -> memref<128x32xf32, #tpu.memory_space<vmem>>
        %gather3A_281 = tpu.vector_load_idx %gather3A_280[%add3A_3, %and3A_272] : memref<128x32xf32, #tpu.memory_space<vmem>>[vector<16xi32>, vector<16xi32>], vector<16xf32>,
        %gather3A_282 = arith.constant 384 : i32
        %gather3A_283 = arith.constant 0 : i32
        %gather3A_284 = tpu.memref_slice %arg14[%gather3A_282, %gather3A_283] : memref<640x32xf32, #tpu.memory_space<vmem>> -> memref<128x32xf32, #tpu.memory_space<vmem>>
        %gather3A_285 = tpu.vector_load_idx %gather3A_284[%add3A_6, %and3A_272] : memref<128x32xf32, #tpu.memory_space<vmem>>[vector<16xi32>, vector<16xi32>], vector<16xf32>,
        %gather3A_286 = arith.constant 384 : i32
        %gather3A_287 = arith.constant 0 : i32
        %gather3A_288 = tpu.memref_slice %arg14[%gather3A_286, %gather3A_287] : memref<640x32xf32, #tpu.memory_space<vmem>> -> memref<128x32xf32, #tpu.memory_space<vmem>>
        %gather3A_289 = tpu.vector_load_idx %gather3A_288[%add3A_9, %and3A_272] : memref<128x32xf32, #tpu.memory_space<vmem>>[vector<16xi32>, vector<16xi32>], vector<16xf32>,
        %gather3A_290 = arith.constant 384 : i32
        %gather3A_291 = arith.constant 0 : i32
        %gather3A_292 = tpu.memref_slice %arg14[%gather3A_290, %gather3A_291] : memref<640x32xf32, #tpu.memory_space<vmem>> -> memref<128x32xf32, #tpu.memory_space<vmem>>
        %gather3A_293 = tpu.vector_load_idx %gather3A_292[%add3A_12, %and3A_272] : memref<128x32xf32, #tpu.memory_space<vmem>>[vector<16xi32>, vector<16xi32>], vector<16xf32>,
        %gather3A_294 = arith.constant 384 : i32
        %gather3A_295 = arith.constant 0 : i32
        %gather3A_296 = tpu.memref_slice %arg14[%gather3A_294, %gather3A_295] : memref<640x32xf32, #tpu.memory_space<vmem>> -> memref<128x32xf32, #tpu.memory_space<vmem>>
        %gather3A_297 = tpu.vector_load_idx %gather3A_296[%add3A_15, %and3A_272] : memref<128x32xf32, #tpu.memory_space<vmem>>[vector<16xi32>, vector<16xi32>], vector<16xf32>,
        %gather3A_298 = arith.constant 384 : i32
        %gather3A_299 = arith.constant 0 : i32
        %gather3A_300 = tpu.memref_slice %arg14[%gather3A_298, %gather3A_299] : memref<640x32xf32, #tpu.memory_space<vmem>> -> memref<128x32xf32, #tpu.memory_space<vmem>>
        %gather3A_301 = tpu.vector_load_idx %gather3A_300[%add3A_18, %and3A_272] : memref<128x32xf32, #tpu.memory_space<vmem>>[vector<16xi32>, vector<16xi32>], vector<16xf32>,
        %gather3A_302 = arith.constant 384 : i32
        %gather3A_303 = arith.constant 0 : i32
        %gather3A_304 = tpu.memref_slice %arg14[%gather3A_302, %gather3A_303] : memref<640x32xf32, #tpu.memory_space<vmem>> -> memref<128x32xf32, #tpu.memory_space<vmem>>
        %gather3A_305 = tpu.vector_load_idx %gather3A_304[%add3A_21, %and3A_272] : memref<128x32xf32, #tpu.memory_space<vmem>>[vector<16xi32>, vector<16xi32>], vector<16xf32>,
        %gather3A_306 = arith.constant 384 : i32
        %gather3A_307 = arith.constant 0 : i32
        %gather3A_308 = tpu.memref_slice %arg14[%gather3A_306, %gather3A_307] : memref<640x32xf32, #tpu.memory_space<vmem>> -> memref<128x32xf32, #tpu.memory_space<vmem>>
        %gather3A_309 = tpu.vector_load_idx %gather3A_308[%add3A_24, %and3A_272] : memref<128x32xf32, #tpu.memory_space<vmem>>[vector<16xi32>, vector<16xi32>], vector<16xf32>,
        %add3A_310 = arith.addf %gather3A_281, %gather3A : vector<16xf32>
        tpu.vector_store_idx %arg16[%broadcast_in_dim3A_241, %shift_right_arithmetic3A_274, %and3A_277, %add3A_3], %add3A_310 : memref<5x4x8x128xf32, #tpu.memory_space<vmem>>[vector<16xi32>, vector<16xi32>, vector<16xi32>, vector<16xi32>], vector<16xf32>,
        %add3A_311 = arith.addf %gather3A_285, %gather3A : vector<16xf32>
        tpu.vector_store_idx %arg16[%broadcast_in_dim3A_241, %shift_right_arithmetic3A_274, %and3A_277, %add3A_6], %add3A_311 : memref<5x4x8x128xf32, #tpu.memory_space<vmem>>[vector<16xi32>, vector<16xi32>, vector<16xi32>, vector<16xi32>], vector<16xf32>,
        %add3A_312 = arith.addf %gather3A_289, %gather3A : vector<16xf32>
        tpu.vector_store_idx %arg16[%broadcast_in_dim3A_241, %shift_right_arithmetic3A_274, %and3A_277, %add3A_9], %add3A_312 : memref<5x4x8x128xf32, #tpu.memory_space<vmem>>[vector<16xi32>, vector<16xi32>, vector<16xi32>, vector<16xi32>], vector<16xf32>,
        %add3A_313 = arith.addf %gather3A_293, %gather3A : vector<16xf32>
        tpu.vector_store_idx %arg16[%broadcast_in_dim3A_241, %shift_right_arithmetic3A_274, %and3A_277, %add3A_12], %add3A_313 : memref<5x4x8x128xf32, #tpu.memory_space<vmem>>[vector<16xi32>, vector<16xi32>, vector<16xi32>, vector<16xi32>], vector<16xf32>,
        %add3A_314 = arith.addf %gather3A_297, %gather3A : vector<16xf32>
        tpu.vector_store_idx %arg16[%broadcast_in_dim3A_241, %shift_right_arithmetic3A_274, %and3A_277, %add3A_15], %add3A_314 : memref<5x4x8x128xf32, #tpu.memory_space<vmem>>[vector<16xi32>, vector<16xi32>, vector<16xi32>, vector<16xi32>], vector<16xf32>,
        %add3A_315 = arith.addf %gather3A_301, %gather3A : vector<16xf32>
        tpu.vector_store_idx %arg16[%broadcast_in_dim3A_241, %shift_right_arithmetic3A_274, %and3A_277, %add3A_18], %add3A_315 : memref<5x4x8x128xf32, #tpu.memory_space<vmem>>[vector<16xi32>, vector<16xi32>, vector<16xi32>, vector<16xi32>], vector<16xf32>,
        %add3A_316 = arith.addf %gather3A_305, %gather3A : vector<16xf32>
        tpu.vector_store_idx %arg16[%broadcast_in_dim3A_241, %shift_right_arithmetic3A_274, %and3A_277, %add3A_21], %add3A_316 : memref<5x4x8x128xf32, #tpu.memory_space<vmem>>[vector<16xi32>, vector<16xi32>, vector<16xi32>, vector<16xi32>], vector<16xf32>,
        %add3A_317 = arith.addf %gather3A_309, %gather3A : vector<16xf32>
        tpu.vector_store_idx %arg16[%broadcast_in_dim3A_241, %shift_right_arithmetic3A_274, %and3A_277, %add3A_24], %add3A_317 : memref<5x4x8x128xf32, #tpu.memory_space<vmem>>[vector<16xi32>, vector<16xi32>, vector<16xi32>, vector<16xi32>], vector<16xf32>,
      }
      %scan3A_247 = arith.constant 32 : i32
      %broadcast_in_dim3A_248 = arith.constant 4 : i32
      %broadcast_in_dim3A_249 = vector.broadcast %broadcast_in_dim3A_248 : i32 to vector<16xi32>
      %scan3A_250 = arith.constant 0 : i32
      %scan3A_251 = arith.constant 0 : i32
      %scan3A_252 = arith.constant 32 : i32
      %scan3A_253 = arith.addi %scan3A_251, %scan3A_252 : i32
      %scan3A_254 = arith.constant 1 : i32
      scf.for %scan3A_268 = %scan3A_251 to %scan3A_253 step %scan3A_254  : i32 {
        %add3A_269 = vector.broadcast %scan3A_268 : i32 to vector<16xi32>
        %add3A_270 = arith.addi %iota3A, %add3A_269 : vector<16xi32>
        %and3A = arith.constant 31 : i32
        %and3A_271 = vector.broadcast %and3A : i32 to vector<16xi32>
        %and3A_272 = arith.andi %add3A_270, %and3A_271 : vector<16xi32>
        %shift_right_arithmetic3A = arith.constant 3 : i32
        %shift_right_arithmetic3A_273 = vector.broadcast %shift_right_arithmetic3A : i32 to vector<16xi32>
        %shift_right_arithmetic3A_274 = arith.shrsi %and3A_272, %shift_right_arithmetic3A_273 : vector<16xi32>
        %and3A_275 = arith.constant 7 : i32
        %and3A_276 = vector.broadcast %and3A_275 : i32 to vector<16xi32>
        %and3A_277 = arith.andi %and3A_272, %and3A_276 : vector<16xi32>
        %gather3A = tpu.vector_load_idx %arg12[%broadcast_in_dim3A_249, %and3A_272, %iota3A] : memref<5x32x16xf32, #tpu.memory_space<vmem>>[vector<16xi32>, vector<16xi32>, vector<16xi32>], vector<16xf32>,
        %gather3A_278 = arith.constant 512 : i32
        %gather3A_279 = arith.constant 0 : i32
        %gather3A_280 = tpu.memref_slice %arg14[%gather3A_278, %gather3A_279] : memref<640x32xf32, #tpu.memory_space<vmem>> -> memref<128x32xf32, #tpu.memory_space<vmem>>
        %gather3A_281 = tpu.vector_load_idx %gather3A_280[%add3A_3, %and3A_272] : memref<128x32xf32, #tpu.memory_space<vmem>>[vector<16xi32>, vector<16xi32>], vector<16xf32>,
        %gather3A_282 = arith.constant 512 : i32
        %gather3A_283 = arith.constant 0 : i32
        %gather3A_284 = tpu.memref_slice %arg14[%gather3A_282, %gather3A_283] : memref<640x32xf32, #tpu.memory_space<vmem>> -> memref<128x32xf32, #tpu.memory_space<vmem>>
        %gather3A_285 = tpu.vector_load_idx %gather3A_284[%add3A_6, %and3A_272] : memref<128x32xf32, #tpu.memory_space<vmem>>[vector<16xi32>, vector<16xi32>], vector<16xf32>,
        %gather3A_286 = arith.constant 512 : i32
        %gather3A_287 = arith.constant 0 : i32
        %gather3A_288 = tpu.memref_slice %arg14[%gather3A_286, %gather3A_287] : memref<640x32xf32, #tpu.memory_space<vmem>> -> memref<128x32xf32, #tpu.memory_space<vmem>>
        %gather3A_289 = tpu.vector_load_idx %gather3A_288[%add3A_9, %and3A_272] : memref<128x32xf32, #tpu.memory_space<vmem>>[vector<16xi32>, vector<16xi32>], vector<16xf32>,
        %gather3A_290 = arith.constant 512 : i32
        %gather3A_291 = arith.constant 0 : i32
        %gather3A_292 = tpu.memref_slice %arg14[%gather3A_290, %gather3A_291] : memref<640x32xf32, #tpu.memory_space<vmem>> -> memref<128x32xf32, #tpu.memory_space<vmem>>
        %gather3A_293 = tpu.vector_load_idx %gather3A_292[%add3A_12, %and3A_272] : memref<128x32xf32, #tpu.memory_space<vmem>>[vector<16xi32>, vector<16xi32>], vector<16xf32>,
        %gather3A_294 = arith.constant 512 : i32
        %gather3A_295 = arith.constant 0 : i32
        %gather3A_296 = tpu.memref_slice %arg14[%gather3A_294, %gather3A_295] : memref<640x32xf32, #tpu.memory_space<vmem>> -> memref<128x32xf32, #tpu.memory_space<vmem>>
        %gather3A_297 = tpu.vector_load_idx %gather3A_296[%add3A_15, %and3A_272] : memref<128x32xf32, #tpu.memory_space<vmem>>[vector<16xi32>, vector<16xi32>], vector<16xf32>,
        %gather3A_298 = arith.constant 512 : i32
        %gather3A_299 = arith.constant 0 : i32
        %gather3A_300 = tpu.memref_slice %arg14[%gather3A_298, %gather3A_299] : memref<640x32xf32, #tpu.memory_space<vmem>> -> memref<128x32xf32, #tpu.memory_space<vmem>>
        %gather3A_301 = tpu.vector_load_idx %gather3A_300[%add3A_18, %and3A_272] : memref<128x32xf32, #tpu.memory_space<vmem>>[vector<16xi32>, vector<16xi32>], vector<16xf32>,
        %gather3A_302 = arith.constant 512 : i32
        %gather3A_303 = arith.constant 0 : i32
        %gather3A_304 = tpu.memref_slice %arg14[%gather3A_302, %gather3A_303] : memref<640x32xf32, #tpu.memory_space<vmem>> -> memref<128x32xf32, #tpu.memory_space<vmem>>
        %gather3A_305 = tpu.vector_load_idx %gather3A_304[%add3A_21, %and3A_272] : memref<128x32xf32, #tpu.memory_space<vmem>>[vector<16xi32>, vector<16xi32>], vector<16xf32>,
        %gather3A_306 = arith.constant 512 : i32
        %gather3A_307 = arith.constant 0 : i32
        %gather3A_308 = tpu.memref_slice %arg14[%gather3A_306, %gather3A_307] : memref<640x32xf32, #tpu.memory_space<vmem>> -> memref<128x32xf32, #tpu.memory_space<vmem>>
        %gather3A_309 = tpu.vector_load_idx %gather3A_308[%add3A_24, %and3A_272] : memref<128x32xf32, #tpu.memory_space<vmem>>[vector<16xi32>, vector<16xi32>], vector<16xf32>,
        %add3A_310 = arith.addf %gather3A_281, %gather3A : vector<16xf32>
        tpu.vector_store_idx %arg16[%broadcast_in_dim3A_249, %shift_right_arithmetic3A_274, %and3A_277, %add3A_3], %add3A_310 : memref<5x4x8x128xf32, #tpu.memory_space<vmem>>[vector<16xi32>, vector<16xi32>, vector<16xi32>, vector<16xi32>], vector<16xf32>,
        %add3A_311 = arith.addf %gather3A_285, %gather3A : vector<16xf32>
        tpu.vector_store_idx %arg16[%broadcast_in_dim3A_249, %shift_right_arithmetic3A_274, %and3A_277, %add3A_6], %add3A_311 : memref<5x4x8x128xf32, #tpu.memory_space<vmem>>[vector<16xi32>, vector<16xi32>, vector<16xi32>, vector<16xi32>], vector<16xf32>,
        %add3A_312 = arith.addf %gather3A_289, %gather3A : vector<16xf32>
        tpu.vector_store_idx %arg16[%broadcast_in_dim3A_249, %shift_right_arithmetic3A_274, %and3A_277, %add3A_9], %add3A_312 : memref<5x4x8x128xf32, #tpu.memory_space<vmem>>[vector<16xi32>, vector<16xi32>, vector<16xi32>, vector<16xi32>], vector<16xf32>,
        %add3A_313 = arith.addf %gather3A_293, %gather3A : vector<16xf32>
        tpu.vector_store_idx %arg16[%broadcast_in_dim3A_249, %shift_right_arithmetic3A_274, %and3A_277, %add3A_12], %add3A_313 : memref<5x4x8x128xf32, #tpu.memory_space<vmem>>[vector<16xi32>, vector<16xi32>, vector<16xi32>, vector<16xi32>], vector<16xf32>,
        %add3A_314 = arith.addf %gather3A_297, %gather3A : vector<16xf32>
        tpu.vector_store_idx %arg16[%broadcast_in_dim3A_249, %shift_right_arithmetic3A_274, %and3A_277, %add3A_15], %add3A_314 : memref<5x4x8x128xf32, #tpu.memory_space<vmem>>[vector<16xi32>, vector<16xi32>, vector<16xi32>, vector<16xi32>], vector<16xf32>,
        %add3A_315 = arith.addf %gather3A_301, %gather3A : vector<16xf32>
        tpu.vector_store_idx %arg16[%broadcast_in_dim3A_249, %shift_right_arithmetic3A_274, %and3A_277, %add3A_18], %add3A_315 : memref<5x4x8x128xf32, #tpu.memory_space<vmem>>[vector<16xi32>, vector<16xi32>, vector<16xi32>, vector<16xi32>], vector<16xf32>,
        %add3A_316 = arith.addf %gather3A_305, %gather3A : vector<16xf32>
        tpu.vector_store_idx %arg16[%broadcast_in_dim3A_249, %shift_right_arithmetic3A_274, %and3A_277, %add3A_21], %add3A_316 : memref<5x4x8x128xf32, #tpu.memory_space<vmem>>[vector<16xi32>, vector<16xi32>, vector<16xi32>, vector<16xi32>], vector<16xf32>,
        %add3A_317 = arith.addf %gather3A_309, %gather3A : vector<16xf32>
        tpu.vector_store_idx %arg16[%broadcast_in_dim3A_249, %shift_right_arithmetic3A_274, %and3A_277, %add3A_24], %add3A_317 : memref<5x4x8x128xf32, #tpu.memory_space<vmem>>[vector<16xi32>, vector<16xi32>, vector<16xi32>, vector<16xi32>], vector<16xf32>,
      }
      %scan3A_255 = arith.constant 32 : i32
      %mul3A_256 = arith.constant 5 : i32
      %mul3A_257 = arith.muli %add3A_189, %mul3A_256 : i32
      %dma_start3A_258 = arith.constant 0 : i32
      %dma_start3A_259 = arith.constant 0 : i32
      %dma_start3A_260 = arith.constant 0 : i32
      %dma_start3A_261 = tpu.memref_slice %arg8[%mul3A_257, %dma_start3A_258, %add3A, %dma_start3A_259, %dma_start3A_260] : memref<200x4x32x8x128xf32, #tpu.memory_space<hbm>> -> memref<5x4x1x8x128xf32, #tpu.memory_space<hbm>>
      %dma_start3A_262 = tpu.memref_squeeze %dma_start3A_261 : memref<5x4x1x8x128xf32, #tpu.memory_space<hbm>> -> memref<5x4x8x128xf32, #tpu.memory_space<hbm>>
      %dma_start3A_263 = arith.constant 0 : i32
      %dma_start3A_264 = arith.constant 0 : i32
      %dma_start3A_265 = arith.constant 0 : i32
      %dma_start3A_266 = tpu.memref_slice %arg8[%mul3A_257, %dma_start3A_263, %add3A, %dma_start3A_264, %dma_start3A_265] : memref<200x4x32x8x128xf32, #tpu.memory_space<hbm>> -> memref<5x4x1x8x128xf32, #tpu.memory_space<hbm>>
      %dma_start3A_267 = tpu.memref_squeeze %dma_start3A_266 : memref<5x4x1x8x128xf32, #tpu.memory_space<hbm>> -> memref<5x4x8x128xf32, #tpu.memory_space<hbm>>
      tpu.enqueue_dma source(%arg16 : memref<5x4x8x128xf32, #tpu.memory_space<vmem>>) target(%dma_start3A_267 : memref<5x4x8x128xf32, #tpu.memory_space<hbm>>) target_semaphore(%arg20 : memref<!tpu.dma_semaphore, #tpu.memory_space<semaphore_mem>>)
    }
    %scan3A_41 = arith.constant 20 : i32
    %dma_wait3A = arith.constant 0 : i32
    %dma_wait3A_42 = arith.constant 0 : i32
    %dma_wait3A_43 = arith.constant 0 : i32
    %dma_wait3A_44 = arith.constant 0 : i32
    %dma_wait3A_45 = tpu.memref_slice %arg8[%dma_wait3A, %dma_wait3A_42, %add3A, %dma_wait3A_43, %dma_wait3A_44] : memref<200x4x32x8x128xf32, #tpu.memory_space<hbm>> -> memref<5x4x1x8x128xf32, #tpu.memory_space<hbm>>
    %dma_wait3A_46 = tpu.memref_squeeze %dma_wait3A_45 : memref<5x4x1x8x128xf32, #tpu.memory_space<hbm>> -> memref<5x4x8x128xf32, #tpu.memory_space<hbm>>
    %dma_wait3A_47 = arith.constant 0 : i32
    %dma_wait3A_48 = arith.constant 0 : i32
    %dma_wait3A_49 = arith.constant 0 : i32
    %dma_wait3A_50 = arith.constant 0 : i32
    %dma_wait3A_51 = tpu.memref_slice %arg8[%dma_wait3A_47, %dma_wait3A_48, %add3A, %dma_wait3A_49, %dma_wait3A_50] : memref<200x4x32x8x128xf32, #tpu.memory_space<hbm>> -> memref<5x4x1x8x128xf32, #tpu.memory_space<hbm>>
    %dma_wait3A_52 = tpu.memref_squeeze %dma_wait3A_51 : memref<5x4x1x8x128xf32, #tpu.memory_space<hbm>> -> memref<5x4x8x128xf32, #tpu.memory_space<hbm>>
    tpu.wait_dma2 semaphore(%arg19 : memref<!tpu.dma_semaphore, #tpu.memory_space<semaphore_mem>>) src(%arg15 : memref<5x4x8x128xf32, #tpu.memory_space<vmem>>) dst(%dma_wait3A_52 : memref<5x4x8x128xf32, #tpu.memory_space<hbm>>)
    %dma_wait3A_53 = arith.constant 0 : i32
    %dma_wait3A_54 = arith.constant 0 : i32
    %dma_wait3A_55 = arith.constant 0 : i32
    %dma_wait3A_56 = arith.constant 0 : i32
    %dma_wait3A_57 = tpu.memref_slice %arg8[%dma_wait3A_53, %dma_wait3A_54, %add3A, %dma_wait3A_55, %dma_wait3A_56] : memref<200x4x32x8x128xf32, #tpu.memory_space<hbm>> -> memref<5x4x1x8x128xf32, #tpu.memory_space<hbm>>
    %dma_wait3A_58 = tpu.memref_squeeze %dma_wait3A_57 : memref<5x4x1x8x128xf32, #tpu.memory_space<hbm>> -> memref<5x4x8x128xf32, #tpu.memory_space<hbm>>
    %dma_wait3A_59 = arith.constant 0 : i32
    %dma_wait3A_60 = arith.constant 0 : i32
    %dma_wait3A_61 = arith.constant 0 : i32
    %dma_wait3A_62 = arith.constant 0 : i32
    %dma_wait3A_63 = tpu.memref_slice %arg8[%dma_wait3A_59, %dma_wait3A_60, %add3A, %dma_wait3A_61, %dma_wait3A_62] : memref<200x4x32x8x128xf32, #tpu.memory_space<hbm>> -> memref<5x4x1x8x128xf32, #tpu.memory_space<hbm>>
    %dma_wait3A_64 = tpu.memref_squeeze %dma_wait3A_63 : memref<5x4x1x8x128xf32, #tpu.memory_space<hbm>> -> memref<5x4x8x128xf32, #tpu.memory_space<hbm>>
    tpu.wait_dma2 semaphore(%arg20 : memref<!tpu.dma_semaphore, #tpu.memory_space<semaphore_mem>>) src(%arg16 : memref<5x4x8x128xf32, #tpu.memory_space<vmem>>) dst(%dma_wait3A_64 : memref<5x4x8x128xf32, #tpu.memory_space<hbm>>)
    "tpu.region"() ({
      %run_scoped3A = tpu.sem_alloc : memref<!tpu.dma_semaphore, #tpu.memory_space<semaphore_mem>>
      %dma_start3A_108 = arith.constant 0 : i32
      %dma_start3A_109 = tpu.memref_slice %arg3[%add3A, %dma_start3A_108] : memref<32x25600xi32, #tpu.memory_space<hbm>> -> memref<1x25600xi32, #tpu.memory_space<hbm>>
      %dma_start3A_110 = tpu.memref_squeeze %dma_start3A_109 : memref<1x25600xi32, #tpu.memory_space<hbm>> -> memref<25600xi32, #tpu.memory_space<hbm>>
      %dma_start3A_111 = arith.constant 0 : i32
      %dma_start3A_112 = tpu.memref_slice %arg3[%add3A, %dma_start3A_111] : memref<32x25600xi32, #tpu.memory_space<hbm>> -> memref<1x25600xi32, #tpu.memory_space<hbm>>
      %dma_start3A_113 = tpu.memref_squeeze %dma_start3A_112 : memref<1x25600xi32, #tpu.memory_space<hbm>> -> memref<25600xi32, #tpu.memory_space<hbm>>
      tpu.enqueue_dma source(%dma_start3A_113 : memref<25600xi32, #tpu.memory_space<hbm>>) target(%arg10 : memref<25600xi32, #tpu.memory_space<vmem>>) target_semaphore(%run_scoped3A : memref<!tpu.dma_semaphore, #tpu.memory_space<semaphore_mem>>)
      %dma_wait3A_114 = arith.constant 0 : i32
      %dma_wait3A_115 = tpu.memref_slice %arg3[%add3A, %dma_wait3A_114] : memref<32x25600xi32, #tpu.memory_space<hbm>> -> memref<1x25600xi32, #tpu.memory_space<hbm>>
      %dma_wait3A_116 = tpu.memref_squeeze %dma_wait3A_115 : memref<1x25600xi32, #tpu.memory_space<hbm>> -> memref<25600xi32, #tpu.memory_space<hbm>>
      %dma_wait3A_117 = arith.constant 0 : i32
      %dma_wait3A_118 = tpu.memref_slice %arg3[%add3A, %dma_wait3A_117] : memref<32x25600xi32, #tpu.memory_space<hbm>> -> memref<1x25600xi32, #tpu.memory_space<hbm>>
      %dma_wait3A_119 = tpu.memref_squeeze %dma_wait3A_118 : memref<1x25600xi32, #tpu.memory_space<hbm>> -> memref<25600xi32, #tpu.memory_space<hbm>>
      tpu.wait_dma2 semaphore(%run_scoped3A : memref<!tpu.dma_semaphore, #tpu.memory_space<semaphore_mem>>) src(%dma_wait3A_119 : memref<25600xi32, #tpu.memory_space<hbm>>) dst(%arg10 : memref<25600xi32, #tpu.memory_space<vmem>>)
      tpu.yield
    }) : () -> ()
    %dma_start3A_65 = arith.constant 0 : i32
    %dma_start3A_66 = tpu.memref_slice %arg10[%dma_start3A_65] : memref<25600xi32, #tpu.memory_space<vmem>> -> memref<640xi32, #tpu.memory_space<vmem>>
    %dma_start3A_67 = arith.constant 0 : i32
    %dma_start3A_68 = arith.constant 0 : i32
    %dma_start3A_69 = tpu.memref_slice %arg5[%dma_start3A_67, %dma_start3A_68] : memref<100000x32xf32, #tpu.memory_space<hbm>> -> memref<100000x32xf32, #tpu.memory_space<hbm>>
    tpu.enqueue_indirect_dma source(%dma_start3A_69 : memref<100000x32xf32, #tpu.memory_space<hbm>>) target(%arg13 : memref<640x32xf32, #tpu.memory_space<vmem>>) offsets(%dma_start3A_66 : memref<640xi32, #tpu.memory_space<vmem>>) semaphore(%arg17 : memref<!tpu.dma_semaphore, #tpu.memory_space<semaphore_mem>>)
    %dma_start3A_70 = arith.constant 0 : i32
    %dma_start3A_71 = arith.constant 0 : i32
    %dma_start3A_72 = arith.constant 0 : i32
    %dma_start3A_73 = tpu.memref_slice %arg7[%dma_start3A_70, %dma_start3A_71, %dma_start3A_72] : memref<200x32x16xf32, #tpu.memory_space<hbm>> -> memref<5x32x16xf32, #tpu.memory_space<hbm>>
    %dma_start3A_74 = arith.constant 0 : i32
    %dma_start3A_75 = arith.constant 0 : i32
    %dma_start3A_76 = arith.constant 0 : i32
    %dma_start3A_77 = tpu.memref_slice %arg7[%dma_start3A_74, %dma_start3A_75, %dma_start3A_76] : memref<200x32x16xf32, #tpu.memory_space<hbm>> -> memref<5x32x16xf32, #tpu.memory_space<hbm>>
    tpu.enqueue_dma source(%dma_start3A_77 : memref<5x32x16xf32, #tpu.memory_space<hbm>>) target(%arg11 : memref<5x32x16xf32, #tpu.memory_space<vmem>>) target_semaphore(%arg17 : memref<!tpu.dma_semaphore, #tpu.memory_space<semaphore_mem>>)
    %scan3A_78 = arith.constant 0 : i32
    %scan3A_79 = arith.constant 0 : i32
    %scan3A_80 = arith.constant 20 : i32
    %scan3A_81 = arith.addi %scan3A_79, %scan3A_80 : i32
    %scan3A_82 = arith.constant 1 : i32
    scf.for %scan3A_108 = %scan3A_79 to %scan3A_81 step %scan3A_82  : i32 {
      %mul3A_109 = arith.constant 2 : i32
      %mul3A_110 = arith.muli %mul3A_109, %scan3A_108 : i32
      %add3A_111 = arith.constant 0 : i32
      %add3A_112 = arith.addi %mul3A_110, %add3A_111 : i32
      %add3A_113 = arith.constant 1 : i32
      %add3A_114 = arith.addi %add3A_112, %add3A_113 : i32
      %lt3A = arith.constant 40 : i32
      %lt3A_115 = arith.cmpi slt, %add3A_114, %lt3A : i32
      %convert_element_type3A = arith.extui %lt3A_115 : i1 to i32
      %cond3A = arith.constant 0 : i32
      %cond3A_116 = arith.cmpi ne, %convert_element_type3A, %cond3A : i32
      scf.if %cond3A_116 {
        %mul3A_268 = arith.constant 640 : i32
        %mul3A_269 = arith.muli %add3A_114, %mul3A_268 : i32
        %dma_start3A_270 = tpu.memref_slice %arg10[%mul3A_269] : memref<25600xi32, #tpu.memory_space<vmem>> -> memref<640xi32, #tpu.memory_space<vmem>>
        %dma_start3A_271 = arith.constant 0 : i32
        %dma_start3A_272 = arith.constant 0 : i32
        %dma_start3A_273 = tpu.memref_slice %arg5[%dma_start3A_271, %dma_start3A_272] : memref<100000x32xf32, #tpu.memory_space<hbm>> -> memref<100000x32xf32, #tpu.memory_space<hbm>>
        tpu.enqueue_indirect_dma source(%dma_start3A_273 : memref<100000x32xf32, #tpu.memory_space<hbm>>) target(%arg14 : memref<640x32xf32, #tpu.memory_space<vmem>>) offsets(%dma_start3A_270 : memref<640xi32, #tpu.memory_space<vmem>>) semaphore(%arg18 : memref<!tpu.dma_semaphore, #tpu.memory_space<semaphore_mem>>)
        %mul3A_274 = arith.constant 5 : i32
        %mul3A_275 = arith.muli %add3A_114, %mul3A_274 : i32
        %dma_start3A_276 = arith.constant 0 : i32
        %dma_start3A_277 = arith.constant 0 : i32
        %dma_start3A_278 = tpu.memref_slice %arg7[%mul3A_275, %dma_start3A_276, %dma_start3A_277] : memref<200x32x16xf32, #tpu.memory_space<hbm>> -> memref<5x32x16xf32, #tpu.memory_space<hbm>>
        %dma_start3A_279 = arith.constant 0 : i32
        %dma_start3A_280 = arith.constant 0 : i32
        %dma_start3A_281 = tpu.memref_slice %arg7[%mul3A_275, %dma_start3A_279, %dma_start3A_280] : memref<200x32x16xf32, #tpu.memory_space<hbm>> -> memref<5x32x16xf32, #tpu.memory_space<hbm>>
        tpu.enqueue_dma source(%dma_start3A_281 : memref<5x32x16xf32, #tpu.memory_space<hbm>>) target(%arg12 : memref<5x32x16xf32, #tpu.memory_space<vmem>>) target_semaphore(%arg18 : memref<!tpu.dma_semaphore, #tpu.memory_space<semaphore_mem>>)
      } else {
      }
      %mul3A_117 = arith.constant 640 : i32
      %mul3A_118 = arith.muli %add3A_112, %mul3A_117 : i32
      %dma_wait3A_119 = tpu.memref_slice %arg10[%mul3A_118] : memref<25600xi32, #tpu.memory_space<vmem>> -> memref<640xi32, #tpu.memory_space<vmem>>
      %dma_wait3A_120 = arith.constant 0 : i32
      %dma_wait3A_121 = arith.constant 0 : i32
      %dma_wait3A_122 = tpu.memref_slice %arg5[%dma_wait3A_120, %dma_wait3A_121] : memref<100000x32xf32, #tpu.memory_space<hbm>> -> memref<100000x32xf32, #tpu.memory_space<hbm>>
      tpu.wait_indirect_dma semaphore(%arg17 : memref<!tpu.dma_semaphore, #tpu.memory_space<semaphore_mem>>) src(%dma_wait3A_122 : memref<100000x32xf32, #tpu.memory_space<hbm>>) dst(%arg13 : memref<640x32xf32, #tpu.memory_space<vmem>>)
      %mul3A_123 = arith.constant 5 : i32
      %mul3A_124 = arith.muli %add3A_112, %mul3A_123 : i32
      %dma_wait3A_125 = arith.constant 0 : i32
      %dma_wait3A_126 = arith.constant 0 : i32
      %dma_wait3A_127 = tpu.memref_slice %arg7[%mul3A_124, %dma_wait3A_125, %dma_wait3A_126] : memref<200x32x16xf32, #tpu.memory_space<hbm>> -> memref<5x32x16xf32, #tpu.memory_space<hbm>>
      %dma_wait3A_128 = arith.constant 0 : i32
      %dma_wait3A_129 = arith.constant 0 : i32
      %dma_wait3A_130 = tpu.memref_slice %arg7[%mul3A_124, %dma_wait3A_128, %dma_wait3A_129] : memref<200x32x16xf32, #tpu.memory_space<hbm>> -> memref<5x32x16xf32, #tpu.memory_space<hbm>>
      tpu.wait_dma2 semaphore(%arg17 : memref<!tpu.dma_semaphore, #tpu.memory_space<semaphore_mem>>) src(%dma_wait3A_130 : memref<5x32x16xf32, #tpu.memory_space<hbm>>) dst(%arg11 : memref<5x32x16xf32, #tpu.memory_space<vmem>>)
      %ge3A = arith.constant 2 : i32
      %ge3A_131 = arith.cmpi sge, %add3A_112, %ge3A : i32
      %convert_element_type3A_132 = arith.extui %ge3A_131 : i1 to i32
      %cond3A_133 = arith.constant 0 : i32
      %cond3A_134 = arith.cmpi ne, %convert_element_type3A_132, %cond3A_133 : i32
      scf.if %cond3A_134 {
        %dma_wait3A_268 = arith.constant 0 : i32
        %dma_wait3A_269 = arith.constant 0 : i32
        %dma_wait3A_270 = arith.constant 0 : i32
        %dma_wait3A_271 = arith.constant 0 : i32
        %dma_wait3A_272 = tpu.memref_slice %arg9[%dma_wait3A_268, %dma_wait3A_269, %add3A, %dma_wait3A_270, %dma_wait3A_271] : memref<200x4x32x8x128xf32, #tpu.memory_space<hbm>> -> memref<5x4x1x8x128xf32, #tpu.memory_space<hbm>>
        %dma_wait3A_273 = tpu.memref_squeeze %dma_wait3A_272 : memref<5x4x1x8x128xf32, #tpu.memory_space<hbm>> -> memref<5x4x8x128xf32, #tpu.memory_space<hbm>>
        %dma_wait3A_274 = arith.constant 0 : i32
        %dma_wait3A_275 = arith.constant 0 : i32
        %dma_wait3A_276 = arith.constant 0 : i32
        %dma_wait3A_277 = arith.constant 0 : i32
        %dma_wait3A_278 = tpu.memref_slice %arg9[%dma_wait3A_274, %dma_wait3A_275, %add3A, %dma_wait3A_276, %dma_wait3A_277] : memref<200x4x32x8x128xf32, #tpu.memory_space<hbm>> -> memref<5x4x1x8x128xf32, #tpu.memory_space<hbm>>
        %dma_wait3A_279 = tpu.memref_squeeze %dma_wait3A_278 : memref<5x4x1x8x128xf32, #tpu.memory_space<hbm>> -> memref<5x4x8x128xf32, #tpu.memory_space<hbm>>
        tpu.wait_dma2 semaphore(%arg19 : memref<!tpu.dma_semaphore, #tpu.memory_space<semaphore_mem>>) src(%arg15 : memref<5x4x8x128xf32, #tpu.memory_space<vmem>>) dst(%dma_wait3A_279 : memref<5x4x8x128xf32, #tpu.memory_space<hbm>>)
      } else {
      }
      %broadcast_in_dim3A = arith.constant 0 : i32
      %broadcast_in_dim3A_135 = vector.broadcast %broadcast_in_dim3A : i32 to vector<16xi32>
      %scan3A_136 = arith.constant 0 : i32
      %scan3A_137 = arith.constant 0 : i32
      %scan3A_138 = arith.constant 32 : i32
      %scan3A_139 = arith.addi %scan3A_137, %scan3A_138 : i32
      %scan3A_140 = arith.constant 1 : i32
      scf.for %scan3A_268 = %scan3A_137 to %scan3A_139 step %scan3A_140  : i32 {
        %add3A_269 = vector.broadcast %scan3A_268 : i32 to vector<16xi32>
        %add3A_270 = arith.addi %iota3A, %add3A_269 : vector<16xi32>
        %and3A = arith.constant 31 : i32
        %and3A_271 = vector.broadcast %and3A : i32 to vector<16xi32>
        %and3A_272 = arith.andi %add3A_270, %and3A_271 : vector<16xi32>
        %shift_right_arithmetic3A = arith.constant 3 : i32
        %shift_right_arithmetic3A_273 = vector.broadcast %shift_right_arithmetic3A : i32 to vector<16xi32>
        %shift_right_arithmetic3A_274 = arith.shrsi %and3A_272, %shift_right_arithmetic3A_273 : vector<16xi32>
        %and3A_275 = arith.constant 7 : i32
        %and3A_276 = vector.broadcast %and3A_275 : i32 to vector<16xi32>
        %and3A_277 = arith.andi %and3A_272, %and3A_276 : vector<16xi32>
        %gather3A = tpu.vector_load_idx %arg11[%broadcast_in_dim3A_135, %and3A_272, %iota3A] : memref<5x32x16xf32, #tpu.memory_space<vmem>>[vector<16xi32>, vector<16xi32>, vector<16xi32>], vector<16xf32>,
        %gather3A_278 = arith.constant 0 : i32
        %gather3A_279 = arith.constant 0 : i32
        %gather3A_280 = tpu.memref_slice %arg13[%gather3A_278, %gather3A_279] : memref<640x32xf32, #tpu.memory_space<vmem>> -> memref<128x32xf32, #tpu.memory_space<vmem>>
        %gather3A_281 = tpu.vector_load_idx %gather3A_280[%add3A_3, %and3A_272] : memref<128x32xf32, #tpu.memory_space<vmem>>[vector<16xi32>, vector<16xi32>], vector<16xf32>,
        %gather3A_282 = arith.constant 0 : i32
        %gather3A_283 = arith.constant 0 : i32
        %gather3A_284 = tpu.memref_slice %arg13[%gather3A_282, %gather3A_283] : memref<640x32xf32, #tpu.memory_space<vmem>> -> memref<128x32xf32, #tpu.memory_space<vmem>>
        %gather3A_285 = tpu.vector_load_idx %gather3A_284[%add3A_6, %and3A_272] : memref<128x32xf32, #tpu.memory_space<vmem>>[vector<16xi32>, vector<16xi32>], vector<16xf32>,
        %gather3A_286 = arith.constant 0 : i32
        %gather3A_287 = arith.constant 0 : i32
        %gather3A_288 = tpu.memref_slice %arg13[%gather3A_286, %gather3A_287] : memref<640x32xf32, #tpu.memory_space<vmem>> -> memref<128x32xf32, #tpu.memory_space<vmem>>
        %gather3A_289 = tpu.vector_load_idx %gather3A_288[%add3A_9, %and3A_272] : memref<128x32xf32, #tpu.memory_space<vmem>>[vector<16xi32>, vector<16xi32>], vector<16xf32>,
        %gather3A_290 = arith.constant 0 : i32
        %gather3A_291 = arith.constant 0 : i32
        %gather3A_292 = tpu.memref_slice %arg13[%gather3A_290, %gather3A_291] : memref<640x32xf32, #tpu.memory_space<vmem>> -> memref<128x32xf32, #tpu.memory_space<vmem>>
        %gather3A_293 = tpu.vector_load_idx %gather3A_292[%add3A_12, %and3A_272] : memref<128x32xf32, #tpu.memory_space<vmem>>[vector<16xi32>, vector<16xi32>], vector<16xf32>,
        %gather3A_294 = arith.constant 0 : i32
        %gather3A_295 = arith.constant 0 : i32
        %gather3A_296 = tpu.memref_slice %arg13[%gather3A_294, %gather3A_295] : memref<640x32xf32, #tpu.memory_space<vmem>> -> memref<128x32xf32, #tpu.memory_space<vmem>>
        %gather3A_297 = tpu.vector_load_idx %gather3A_296[%add3A_15, %and3A_272] : memref<128x32xf32, #tpu.memory_space<vmem>>[vector<16xi32>, vector<16xi32>], vector<16xf32>,
        %gather3A_298 = arith.constant 0 : i32
        %gather3A_299 = arith.constant 0 : i32
        %gather3A_300 = tpu.memref_slice %arg13[%gather3A_298, %gather3A_299] : memref<640x32xf32, #tpu.memory_space<vmem>> -> memref<128x32xf32, #tpu.memory_space<vmem>>
        %gather3A_301 = tpu.vector_load_idx %gather3A_300[%add3A_18, %and3A_272] : memref<128x32xf32, #tpu.memory_space<vmem>>[vector<16xi32>, vector<16xi32>], vector<16xf32>,
        %gather3A_302 = arith.constant 0 : i32
        %gather3A_303 = arith.constant 0 : i32
        %gather3A_304 = tpu.memref_slice %arg13[%gather3A_302, %gather3A_303] : memref<640x32xf32, #tpu.memory_space<vmem>> -> memref<128x32xf32, #tpu.memory_space<vmem>>
        %gather3A_305 = tpu.vector_load_idx %gather3A_304[%add3A_21, %and3A_272] : memref<128x32xf32, #tpu.memory_space<vmem>>[vector<16xi32>, vector<16xi32>], vector<16xf32>,
        %gather3A_306 = arith.constant 0 : i32
        %gather3A_307 = arith.constant 0 : i32
        %gather3A_308 = tpu.memref_slice %arg13[%gather3A_306, %gather3A_307] : memref<640x32xf32, #tpu.memory_space<vmem>> -> memref<128x32xf32, #tpu.memory_space<vmem>>
        %gather3A_309 = tpu.vector_load_idx %gather3A_308[%add3A_24, %and3A_272] : memref<128x32xf32, #tpu.memory_space<vmem>>[vector<16xi32>, vector<16xi32>], vector<16xf32>,
        %add3A_310 = arith.addf %gather3A_281, %gather3A : vector<16xf32>
        tpu.vector_store_idx %arg15[%broadcast_in_dim3A_135, %shift_right_arithmetic3A_274, %and3A_277, %add3A_3], %add3A_310 : memref<5x4x8x128xf32, #tpu.memory_space<vmem>>[vector<16xi32>, vector<16xi32>, vector<16xi32>, vector<16xi32>], vector<16xf32>,
        %add3A_311 = arith.addf %gather3A_285, %gather3A : vector<16xf32>
        tpu.vector_store_idx %arg15[%broadcast_in_dim3A_135, %shift_right_arithmetic3A_274, %and3A_277, %add3A_6], %add3A_311 : memref<5x4x8x128xf32, #tpu.memory_space<vmem>>[vector<16xi32>, vector<16xi32>, vector<16xi32>, vector<16xi32>], vector<16xf32>,
        %add3A_312 = arith.addf %gather3A_289, %gather3A : vector<16xf32>
        tpu.vector_store_idx %arg15[%broadcast_in_dim3A_135, %shift_right_arithmetic3A_274, %and3A_277, %add3A_9], %add3A_312 : memref<5x4x8x128xf32, #tpu.memory_space<vmem>>[vector<16xi32>, vector<16xi32>, vector<16xi32>, vector<16xi32>], vector<16xf32>,
        %add3A_313 = arith.addf %gather3A_293, %gather3A : vector<16xf32>
        tpu.vector_store_idx %arg15[%broadcast_in_dim3A_135, %shift_right_arithmetic3A_274, %and3A_277, %add3A_12], %add3A_313 : memref<5x4x8x128xf32, #tpu.memory_space<vmem>>[vector<16xi32>, vector<16xi32>, vector<16xi32>, vector<16xi32>], vector<16xf32>,
        %add3A_314 = arith.addf %gather3A_297, %gather3A : vector<16xf32>
        tpu.vector_store_idx %arg15[%broadcast_in_dim3A_135, %shift_right_arithmetic3A_274, %and3A_277, %add3A_15], %add3A_314 : memref<5x4x8x128xf32, #tpu.memory_space<vmem>>[vector<16xi32>, vector<16xi32>, vector<16xi32>, vector<16xi32>], vector<16xf32>,
        %add3A_315 = arith.addf %gather3A_301, %gather3A : vector<16xf32>
        tpu.vector_store_idx %arg15[%broadcast_in_dim3A_135, %shift_right_arithmetic3A_274, %and3A_277, %add3A_18], %add3A_315 : memref<5x4x8x128xf32, #tpu.memory_space<vmem>>[vector<16xi32>, vector<16xi32>, vector<16xi32>, vector<16xi32>], vector<16xf32>,
        %add3A_316 = arith.addf %gather3A_305, %gather3A : vector<16xf32>
        tpu.vector_store_idx %arg15[%broadcast_in_dim3A_135, %shift_right_arithmetic3A_274, %and3A_277, %add3A_21], %add3A_316 : memref<5x4x8x128xf32, #tpu.memory_space<vmem>>[vector<16xi32>, vector<16xi32>, vector<16xi32>, vector<16xi32>], vector<16xf32>,
        %add3A_317 = arith.addf %gather3A_309, %gather3A : vector<16xf32>
        tpu.vector_store_idx %arg15[%broadcast_in_dim3A_135, %shift_right_arithmetic3A_274, %and3A_277, %add3A_24], %add3A_317 : memref<5x4x8x128xf32, #tpu.memory_space<vmem>>[vector<16xi32>, vector<16xi32>, vector<16xi32>, vector<16xi32>], vector<16xf32>,
      }
      %scan3A_141 = arith.constant 32 : i32
      %broadcast_in_dim3A_142 = arith.constant 1 : i32
      %broadcast_in_dim3A_143 = vector.broadcast %broadcast_in_dim3A_142 : i32 to vector<16xi32>
      %scan3A_144 = arith.constant 0 : i32
      %scan3A_145 = arith.constant 0 : i32
      %scan3A_146 = arith.constant 32 : i32
      %scan3A_147 = arith.addi %scan3A_145, %scan3A_146 : i32
      %scan3A_148 = arith.constant 1 : i32
      scf.for %scan3A_268 = %scan3A_145 to %scan3A_147 step %scan3A_148  : i32 {
        %add3A_269 = vector.broadcast %scan3A_268 : i32 to vector<16xi32>
        %add3A_270 = arith.addi %iota3A, %add3A_269 : vector<16xi32>
        %and3A = arith.constant 31 : i32
        %and3A_271 = vector.broadcast %and3A : i32 to vector<16xi32>
        %and3A_272 = arith.andi %add3A_270, %and3A_271 : vector<16xi32>
        %shift_right_arithmetic3A = arith.constant 3 : i32
        %shift_right_arithmetic3A_273 = vector.broadcast %shift_right_arithmetic3A : i32 to vector<16xi32>
        %shift_right_arithmetic3A_274 = arith.shrsi %and3A_272, %shift_right_arithmetic3A_273 : vector<16xi32>
        %and3A_275 = arith.constant 7 : i32
        %and3A_276 = vector.broadcast %and3A_275 : i32 to vector<16xi32>
        %and3A_277 = arith.andi %and3A_272, %and3A_276 : vector<16xi32>
        %gather3A = tpu.vector_load_idx %arg11[%broadcast_in_dim3A_143, %and3A_272, %iota3A] : memref<5x32x16xf32, #tpu.memory_space<vmem>>[vector<16xi32>, vector<16xi32>, vector<16xi32>], vector<16xf32>,
        %gather3A_278 = arith.constant 128 : i32
        %gather3A_279 = arith.constant 0 : i32
        %gather3A_280 = tpu.memref_slice %arg13[%gather3A_278, %gather3A_279] : memref<640x32xf32, #tpu.memory_space<vmem>> -> memref<128x32xf32, #tpu.memory_space<vmem>>
        %gather3A_281 = tpu.vector_load_idx %gather3A_280[%add3A_3, %and3A_272] : memref<128x32xf32, #tpu.memory_space<vmem>>[vector<16xi32>, vector<16xi32>], vector<16xf32>,
        %gather3A_282 = arith.constant 128 : i32
        %gather3A_283 = arith.constant 0 : i32
        %gather3A_284 = tpu.memref_slice %arg13[%gather3A_282, %gather3A_283] : memref<640x32xf32, #tpu.memory_space<vmem>> -> memref<128x32xf32, #tpu.memory_space<vmem>>
        %gather3A_285 = tpu.vector_load_idx %gather3A_284[%add3A_6, %and3A_272] : memref<128x32xf32, #tpu.memory_space<vmem>>[vector<16xi32>, vector<16xi32>], vector<16xf32>,
        %gather3A_286 = arith.constant 128 : i32
        %gather3A_287 = arith.constant 0 : i32
        %gather3A_288 = tpu.memref_slice %arg13[%gather3A_286, %gather3A_287] : memref<640x32xf32, #tpu.memory_space<vmem>> -> memref<128x32xf32, #tpu.memory_space<vmem>>
        %gather3A_289 = tpu.vector_load_idx %gather3A_288[%add3A_9, %and3A_272] : memref<128x32xf32, #tpu.memory_space<vmem>>[vector<16xi32>, vector<16xi32>], vector<16xf32>,
        %gather3A_290 = arith.constant 128 : i32
        %gather3A_291 = arith.constant 0 : i32
        %gather3A_292 = tpu.memref_slice %arg13[%gather3A_290, %gather3A_291] : memref<640x32xf32, #tpu.memory_space<vmem>> -> memref<128x32xf32, #tpu.memory_space<vmem>>
        %gather3A_293 = tpu.vector_load_idx %gather3A_292[%add3A_12, %and3A_272] : memref<128x32xf32, #tpu.memory_space<vmem>>[vector<16xi32>, vector<16xi32>], vector<16xf32>,
        %gather3A_294 = arith.constant 128 : i32
        %gather3A_295 = arith.constant 0 : i32
        %gather3A_296 = tpu.memref_slice %arg13[%gather3A_294, %gather3A_295] : memref<640x32xf32, #tpu.memory_space<vmem>> -> memref<128x32xf32, #tpu.memory_space<vmem>>
        %gather3A_297 = tpu.vector_load_idx %gather3A_296[%add3A_15, %and3A_272] : memref<128x32xf32, #tpu.memory_space<vmem>>[vector<16xi32>, vector<16xi32>], vector<16xf32>,
        %gather3A_298 = arith.constant 128 : i32
        %gather3A_299 = arith.constant 0 : i32
        %gather3A_300 = tpu.memref_slice %arg13[%gather3A_298, %gather3A_299] : memref<640x32xf32, #tpu.memory_space<vmem>> -> memref<128x32xf32, #tpu.memory_space<vmem>>
        %gather3A_301 = tpu.vector_load_idx %gather3A_300[%add3A_18, %and3A_272] : memref<128x32xf32, #tpu.memory_space<vmem>>[vector<16xi32>, vector<16xi32>], vector<16xf32>,
        %gather3A_302 = arith.constant 128 : i32
        %gather3A_303 = arith.constant 0 : i32
        %gather3A_304 = tpu.memref_slice %arg13[%gather3A_302, %gather3A_303] : memref<640x32xf32, #tpu.memory_space<vmem>> -> memref<128x32xf32, #tpu.memory_space<vmem>>
        %gather3A_305 = tpu.vector_load_idx %gather3A_304[%add3A_21, %and3A_272] : memref<128x32xf32, #tpu.memory_space<vmem>>[vector<16xi32>, vector<16xi32>], vector<16xf32>,
        %gather3A_306 = arith.constant 128 : i32
        %gather3A_307 = arith.constant 0 : i32
        %gather3A_308 = tpu.memref_slice %arg13[%gather3A_306, %gather3A_307] : memref<640x32xf32, #tpu.memory_space<vmem>> -> memref<128x32xf32, #tpu.memory_space<vmem>>
        %gather3A_309 = tpu.vector_load_idx %gather3A_308[%add3A_24, %and3A_272] : memref<128x32xf32, #tpu.memory_space<vmem>>[vector<16xi32>, vector<16xi32>], vector<16xf32>,
        %add3A_310 = arith.addf %gather3A_281, %gather3A : vector<16xf32>
        tpu.vector_store_idx %arg15[%broadcast_in_dim3A_143, %shift_right_arithmetic3A_274, %and3A_277, %add3A_3], %add3A_310 : memref<5x4x8x128xf32, #tpu.memory_space<vmem>>[vector<16xi32>, vector<16xi32>, vector<16xi32>, vector<16xi32>], vector<16xf32>,
        %add3A_311 = arith.addf %gather3A_285, %gather3A : vector<16xf32>
        tpu.vector_store_idx %arg15[%broadcast_in_dim3A_143, %shift_right_arithmetic3A_274, %and3A_277, %add3A_6], %add3A_311 : memref<5x4x8x128xf32, #tpu.memory_space<vmem>>[vector<16xi32>, vector<16xi32>, vector<16xi32>, vector<16xi32>], vector<16xf32>,
        %add3A_312 = arith.addf %gather3A_289, %gather3A : vector<16xf32>
        tpu.vector_store_idx %arg15[%broadcast_in_dim3A_143, %shift_right_arithmetic3A_274, %and3A_277, %add3A_9], %add3A_312 : memref<5x4x8x128xf32, #tpu.memory_space<vmem>>[vector<16xi32>, vector<16xi32>, vector<16xi32>, vector<16xi32>], vector<16xf32>,
        %add3A_313 = arith.addf %gather3A_293, %gather3A : vector<16xf32>
        tpu.vector_store_idx %arg15[%broadcast_in_dim3A_143, %shift_right_arithmetic3A_274, %and3A_277, %add3A_12], %add3A_313 : memref<5x4x8x128xf32, #tpu.memory_space<vmem>>[vector<16xi32>, vector<16xi32>, vector<16xi32>, vector<16xi32>], vector<16xf32>,
        %add3A_314 = arith.addf %gather3A_297, %gather3A : vector<16xf32>
        tpu.vector_store_idx %arg15[%broadcast_in_dim3A_143, %shift_right_arithmetic3A_274, %and3A_277, %add3A_15], %add3A_314 : memref<5x4x8x128xf32, #tpu.memory_space<vmem>>[vector<16xi32>, vector<16xi32>, vector<16xi32>, vector<16xi32>], vector<16xf32>,
        %add3A_315 = arith.addf %gather3A_301, %gather3A : vector<16xf32>
        tpu.vector_store_idx %arg15[%broadcast_in_dim3A_143, %shift_right_arithmetic3A_274, %and3A_277, %add3A_18], %add3A_315 : memref<5x4x8x128xf32, #tpu.memory_space<vmem>>[vector<16xi32>, vector<16xi32>, vector<16xi32>, vector<16xi32>], vector<16xf32>,
        %add3A_316 = arith.addf %gather3A_305, %gather3A : vector<16xf32>
        tpu.vector_store_idx %arg15[%broadcast_in_dim3A_143, %shift_right_arithmetic3A_274, %and3A_277, %add3A_21], %add3A_316 : memref<5x4x8x128xf32, #tpu.memory_space<vmem>>[vector<16xi32>, vector<16xi32>, vector<16xi32>, vector<16xi32>], vector<16xf32>,
        %add3A_317 = arith.addf %gather3A_309, %gather3A : vector<16xf32>
        tpu.vector_store_idx %arg15[%broadcast_in_dim3A_143, %shift_right_arithmetic3A_274, %and3A_277, %add3A_24], %add3A_317 : memref<5x4x8x128xf32, #tpu.memory_space<vmem>>[vector<16xi32>, vector<16xi32>, vector<16xi32>, vector<16xi32>], vector<16xf32>,
      }
      %scan3A_149 = arith.constant 32 : i32
      %broadcast_in_dim3A_150 = arith.constant 2 : i32
      %broadcast_in_dim3A_151 = vector.broadcast %broadcast_in_dim3A_150 : i32 to vector<16xi32>
      %scan3A_152 = arith.constant 0 : i32
      %scan3A_153 = arith.constant 0 : i32
      %scan3A_154 = arith.constant 32 : i32
      %scan3A_155 = arith.addi %scan3A_153, %scan3A_154 : i32
      %scan3A_156 = arith.constant 1 : i32
      scf.for %scan3A_268 = %scan3A_153 to %scan3A_155 step %scan3A_156  : i32 {
        %add3A_269 = vector.broadcast %scan3A_268 : i32 to vector<16xi32>
        %add3A_270 = arith.addi %iota3A, %add3A_269 : vector<16xi32>
        %and3A = arith.constant 31 : i32
        %and3A_271 = vector.broadcast %and3A : i32 to vector<16xi32>
        %and3A_272 = arith.andi %add3A_270, %and3A_271 : vector<16xi32>
        %shift_right_arithmetic3A = arith.constant 3 : i32
        %shift_right_arithmetic3A_273 = vector.broadcast %shift_right_arithmetic3A : i32 to vector<16xi32>
        %shift_right_arithmetic3A_274 = arith.shrsi %and3A_272, %shift_right_arithmetic3A_273 : vector<16xi32>
        %and3A_275 = arith.constant 7 : i32
        %and3A_276 = vector.broadcast %and3A_275 : i32 to vector<16xi32>
        %and3A_277 = arith.andi %and3A_272, %and3A_276 : vector<16xi32>
        %gather3A = tpu.vector_load_idx %arg11[%broadcast_in_dim3A_151, %and3A_272, %iota3A] : memref<5x32x16xf32, #tpu.memory_space<vmem>>[vector<16xi32>, vector<16xi32>, vector<16xi32>], vector<16xf32>,
        %gather3A_278 = arith.constant 256 : i32
        %gather3A_279 = arith.constant 0 : i32
        %gather3A_280 = tpu.memref_slice %arg13[%gather3A_278, %gather3A_279] : memref<640x32xf32, #tpu.memory_space<vmem>> -> memref<128x32xf32, #tpu.memory_space<vmem>>
        %gather3A_281 = tpu.vector_load_idx %gather3A_280[%add3A_3, %and3A_272] : memref<128x32xf32, #tpu.memory_space<vmem>>[vector<16xi32>, vector<16xi32>], vector<16xf32>,
        %gather3A_282 = arith.constant 256 : i32
        %gather3A_283 = arith.constant 0 : i32
        %gather3A_284 = tpu.memref_slice %arg13[%gather3A_282, %gather3A_283] : memref<640x32xf32, #tpu.memory_space<vmem>> -> memref<128x32xf32, #tpu.memory_space<vmem>>
        %gather3A_285 = tpu.vector_load_idx %gather3A_284[%add3A_6, %and3A_272] : memref<128x32xf32, #tpu.memory_space<vmem>>[vector<16xi32>, vector<16xi32>], vector<16xf32>,
        %gather3A_286 = arith.constant 256 : i32
        %gather3A_287 = arith.constant 0 : i32
        %gather3A_288 = tpu.memref_slice %arg13[%gather3A_286, %gather3A_287] : memref<640x32xf32, #tpu.memory_space<vmem>> -> memref<128x32xf32, #tpu.memory_space<vmem>>
        %gather3A_289 = tpu.vector_load_idx %gather3A_288[%add3A_9, %and3A_272] : memref<128x32xf32, #tpu.memory_space<vmem>>[vector<16xi32>, vector<16xi32>], vector<16xf32>,
        %gather3A_290 = arith.constant 256 : i32
        %gather3A_291 = arith.constant 0 : i32
        %gather3A_292 = tpu.memref_slice %arg13[%gather3A_290, %gather3A_291] : memref<640x32xf32, #tpu.memory_space<vmem>> -> memref<128x32xf32, #tpu.memory_space<vmem>>
        %gather3A_293 = tpu.vector_load_idx %gather3A_292[%add3A_12, %and3A_272] : memref<128x32xf32, #tpu.memory_space<vmem>>[vector<16xi32>, vector<16xi32>], vector<16xf32>,
        %gather3A_294 = arith.constant 256 : i32
        %gather3A_295 = arith.constant 0 : i32
        %gather3A_296 = tpu.memref_slice %arg13[%gather3A_294, %gather3A_295] : memref<640x32xf32, #tpu.memory_space<vmem>> -> memref<128x32xf32, #tpu.memory_space<vmem>>
        %gather3A_297 = tpu.vector_load_idx %gather3A_296[%add3A_15, %and3A_272] : memref<128x32xf32, #tpu.memory_space<vmem>>[vector<16xi32>, vector<16xi32>], vector<16xf32>,
        %gather3A_298 = arith.constant 256 : i32
        %gather3A_299 = arith.constant 0 : i32
        %gather3A_300 = tpu.memref_slice %arg13[%gather3A_298, %gather3A_299] : memref<640x32xf32, #tpu.memory_space<vmem>> -> memref<128x32xf32, #tpu.memory_space<vmem>>
        %gather3A_301 = tpu.vector_load_idx %gather3A_300[%add3A_18, %and3A_272] : memref<128x32xf32, #tpu.memory_space<vmem>>[vector<16xi32>, vector<16xi32>], vector<16xf32>,
        %gather3A_302 = arith.constant 256 : i32
        %gather3A_303 = arith.constant 0 : i32
        %gather3A_304 = tpu.memref_slice %arg13[%gather3A_302, %gather3A_303] : memref<640x32xf32, #tpu.memory_space<vmem>> -> memref<128x32xf32, #tpu.memory_space<vmem>>
        %gather3A_305 = tpu.vector_load_idx %gather3A_304[%add3A_21, %and3A_272] : memref<128x32xf32, #tpu.memory_space<vmem>>[vector<16xi32>, vector<16xi32>], vector<16xf32>,
        %gather3A_306 = arith.constant 256 : i32
        %gather3A_307 = arith.constant 0 : i32
        %gather3A_308 = tpu.memref_slice %arg13[%gather3A_306, %gather3A_307] : memref<640x32xf32, #tpu.memory_space<vmem>> -> memref<128x32xf32, #tpu.memory_space<vmem>>
        %gather3A_309 = tpu.vector_load_idx %gather3A_308[%add3A_24, %and3A_272] : memref<128x32xf32, #tpu.memory_space<vmem>>[vector<16xi32>, vector<16xi32>], vector<16xf32>,
        %add3A_310 = arith.addf %gather3A_281, %gather3A : vector<16xf32>
        tpu.vector_store_idx %arg15[%broadcast_in_dim3A_151, %shift_right_arithmetic3A_274, %and3A_277, %add3A_3], %add3A_310 : memref<5x4x8x128xf32, #tpu.memory_space<vmem>>[vector<16xi32>, vector<16xi32>, vector<16xi32>, vector<16xi32>], vector<16xf32>,
        %add3A_311 = arith.addf %gather3A_285, %gather3A : vector<16xf32>
        tpu.vector_store_idx %arg15[%broadcast_in_dim3A_151, %shift_right_arithmetic3A_274, %and3A_277, %add3A_6], %add3A_311 : memref<5x4x8x128xf32, #tpu.memory_space<vmem>>[vector<16xi32>, vector<16xi32>, vector<16xi32>, vector<16xi32>], vector<16xf32>,
        %add3A_312 = arith.addf %gather3A_289, %gather3A : vector<16xf32>
        tpu.vector_store_idx %arg15[%broadcast_in_dim3A_151, %shift_right_arithmetic3A_274, %and3A_277, %add3A_9], %add3A_312 : memref<5x4x8x128xf32, #tpu.memory_space<vmem>>[vector<16xi32>, vector<16xi32>, vector<16xi32>, vector<16xi32>], vector<16xf32>,
        %add3A_313 = arith.addf %gather3A_293, %gather3A : vector<16xf32>
        tpu.vector_store_idx %arg15[%broadcast_in_dim3A_151, %shift_right_arithmetic3A_274, %and3A_277, %add3A_12], %add3A_313 : memref<5x4x8x128xf32, #tpu.memory_space<vmem>>[vector<16xi32>, vector<16xi32>, vector<16xi32>, vector<16xi32>], vector<16xf32>,
        %add3A_314 = arith.addf %gather3A_297, %gather3A : vector<16xf32>
        tpu.vector_store_idx %arg15[%broadcast_in_dim3A_151, %shift_right_arithmetic3A_274, %and3A_277, %add3A_15], %add3A_314 : memref<5x4x8x128xf32, #tpu.memory_space<vmem>>[vector<16xi32>, vector<16xi32>, vector<16xi32>, vector<16xi32>], vector<16xf32>,
        %add3A_315 = arith.addf %gather3A_301, %gather3A : vector<16xf32>
        tpu.vector_store_idx %arg15[%broadcast_in_dim3A_151, %shift_right_arithmetic3A_274, %and3A_277, %add3A_18], %add3A_315 : memref<5x4x8x128xf32, #tpu.memory_space<vmem>>[vector<16xi32>, vector<16xi32>, vector<16xi32>, vector<16xi32>], vector<16xf32>,
        %add3A_316 = arith.addf %gather3A_305, %gather3A : vector<16xf32>
        tpu.vector_store_idx %arg15[%broadcast_in_dim3A_151, %shift_right_arithmetic3A_274, %and3A_277, %add3A_21], %add3A_316 : memref<5x4x8x128xf32, #tpu.memory_space<vmem>>[vector<16xi32>, vector<16xi32>, vector<16xi32>, vector<16xi32>], vector<16xf32>,
        %add3A_317 = arith.addf %gather3A_309, %gather3A : vector<16xf32>
        tpu.vector_store_idx %arg15[%broadcast_in_dim3A_151, %shift_right_arithmetic3A_274, %and3A_277, %add3A_24], %add3A_317 : memref<5x4x8x128xf32, #tpu.memory_space<vmem>>[vector<16xi32>, vector<16xi32>, vector<16xi32>, vector<16xi32>], vector<16xf32>,
      }
      %scan3A_157 = arith.constant 32 : i32
      %broadcast_in_dim3A_158 = arith.constant 3 : i32
      %broadcast_in_dim3A_159 = vector.broadcast %broadcast_in_dim3A_158 : i32 to vector<16xi32>
      %scan3A_160 = arith.constant 0 : i32
      %scan3A_161 = arith.constant 0 : i32
      %scan3A_162 = arith.constant 32 : i32
      %scan3A_163 = arith.addi %scan3A_161, %scan3A_162 : i32
      %scan3A_164 = arith.constant 1 : i32
      scf.for %scan3A_268 = %scan3A_161 to %scan3A_163 step %scan3A_164  : i32 {
        %add3A_269 = vector.broadcast %scan3A_268 : i32 to vector<16xi32>
        %add3A_270 = arith.addi %iota3A, %add3A_269 : vector<16xi32>
        %and3A = arith.constant 31 : i32
        %and3A_271 = vector.broadcast %and3A : i32 to vector<16xi32>
        %and3A_272 = arith.andi %add3A_270, %and3A_271 : vector<16xi32>
        %shift_right_arithmetic3A = arith.constant 3 : i32
        %shift_right_arithmetic3A_273 = vector.broadcast %shift_right_arithmetic3A : i32 to vector<16xi32>
        %shift_right_arithmetic3A_274 = arith.shrsi %and3A_272, %shift_right_arithmetic3A_273 : vector<16xi32>
        %and3A_275 = arith.constant 7 : i32
        %and3A_276 = vector.broadcast %and3A_275 : i32 to vector<16xi32>
        %and3A_277 = arith.andi %and3A_272, %and3A_276 : vector<16xi32>
        %gather3A = tpu.vector_load_idx %arg11[%broadcast_in_dim3A_159, %and3A_272, %iota3A] : memref<5x32x16xf32, #tpu.memory_space<vmem>>[vector<16xi32>, vector<16xi32>, vector<16xi32>], vector<16xf32>,
        %gather3A_278 = arith.constant 384 : i32
        %gather3A_279 = arith.constant 0 : i32
        %gather3A_280 = tpu.memref_slice %arg13[%gather3A_278, %gather3A_279] : memref<640x32xf32, #tpu.memory_space<vmem>> -> memref<128x32xf32, #tpu.memory_space<vmem>>
        %gather3A_281 = tpu.vector_load_idx %gather3A_280[%add3A_3, %and3A_272] : memref<128x32xf32, #tpu.memory_space<vmem>>[vector<16xi32>, vector<16xi32>], vector<16xf32>,
        %gather3A_282 = arith.constant 384 : i32
        %gather3A_283 = arith.constant 0 : i32
        %gather3A_284 = tpu.memref_slice %arg13[%gather3A_282, %gather3A_283] : memref<640x32xf32, #tpu.memory_space<vmem>> -> memref<128x32xf32, #tpu.memory_space<vmem>>
        %gather3A_285 = tpu.vector_load_idx %gather3A_284[%add3A_6, %and3A_272] : memref<128x32xf32, #tpu.memory_space<vmem>>[vector<16xi32>, vector<16xi32>], vector<16xf32>,
        %gather3A_286 = arith.constant 384 : i32
        %gather3A_287 = arith.constant 0 : i32
        %gather3A_288 = tpu.memref_slice %arg13[%gather3A_286, %gather3A_287] : memref<640x32xf32, #tpu.memory_space<vmem>> -> memref<128x32xf32, #tpu.memory_space<vmem>>
        %gather3A_289 = tpu.vector_load_idx %gather3A_288[%add3A_9, %and3A_272] : memref<128x32xf32, #tpu.memory_space<vmem>>[vector<16xi32>, vector<16xi32>], vector<16xf32>,
        %gather3A_290 = arith.constant 384 : i32
        %gather3A_291 = arith.constant 0 : i32
        %gather3A_292 = tpu.memref_slice %arg13[%gather3A_290, %gather3A_291] : memref<640x32xf32, #tpu.memory_space<vmem>> -> memref<128x32xf32, #tpu.memory_space<vmem>>
        %gather3A_293 = tpu.vector_load_idx %gather3A_292[%add3A_12, %and3A_272] : memref<128x32xf32, #tpu.memory_space<vmem>>[vector<16xi32>, vector<16xi32>], vector<16xf32>,
        %gather3A_294 = arith.constant 384 : i32
        %gather3A_295 = arith.constant 0 : i32
        %gather3A_296 = tpu.memref_slice %arg13[%gather3A_294, %gather3A_295] : memref<640x32xf32, #tpu.memory_space<vmem>> -> memref<128x32xf32, #tpu.memory_space<vmem>>
        %gather3A_297 = tpu.vector_load_idx %gather3A_296[%add3A_15, %and3A_272] : memref<128x32xf32, #tpu.memory_space<vmem>>[vector<16xi32>, vector<16xi32>], vector<16xf32>,
        %gather3A_298 = arith.constant 384 : i32
        %gather3A_299 = arith.constant 0 : i32
        %gather3A_300 = tpu.memref_slice %arg13[%gather3A_298, %gather3A_299] : memref<640x32xf32, #tpu.memory_space<vmem>> -> memref<128x32xf32, #tpu.memory_space<vmem>>
        %gather3A_301 = tpu.vector_load_idx %gather3A_300[%add3A_18, %and3A_272] : memref<128x32xf32, #tpu.memory_space<vmem>>[vector<16xi32>, vector<16xi32>], vector<16xf32>,
        %gather3A_302 = arith.constant 384 : i32
        %gather3A_303 = arith.constant 0 : i32
        %gather3A_304 = tpu.memref_slice %arg13[%gather3A_302, %gather3A_303] : memref<640x32xf32, #tpu.memory_space<vmem>> -> memref<128x32xf32, #tpu.memory_space<vmem>>
        %gather3A_305 = tpu.vector_load_idx %gather3A_304[%add3A_21, %and3A_272] : memref<128x32xf32, #tpu.memory_space<vmem>>[vector<16xi32>, vector<16xi32>], vector<16xf32>,
        %gather3A_306 = arith.constant 384 : i32
        %gather3A_307 = arith.constant 0 : i32
        %gather3A_308 = tpu.memref_slice %arg13[%gather3A_306, %gather3A_307] : memref<640x32xf32, #tpu.memory_space<vmem>> -> memref<128x32xf32, #tpu.memory_space<vmem>>
        %gather3A_309 = tpu.vector_load_idx %gather3A_308[%add3A_24, %and3A_272] : memref<128x32xf32, #tpu.memory_space<vmem>>[vector<16xi32>, vector<16xi32>], vector<16xf32>,
        %add3A_310 = arith.addf %gather3A_281, %gather3A : vector<16xf32>
        tpu.vector_store_idx %arg15[%broadcast_in_dim3A_159, %shift_right_arithmetic3A_274, %and3A_277, %add3A_3], %add3A_310 : memref<5x4x8x128xf32, #tpu.memory_space<vmem>>[vector<16xi32>, vector<16xi32>, vector<16xi32>, vector<16xi32>], vector<16xf32>,
        %add3A_311 = arith.addf %gather3A_285, %gather3A : vector<16xf32>
        tpu.vector_store_idx %arg15[%broadcast_in_dim3A_159, %shift_right_arithmetic3A_274, %and3A_277, %add3A_6], %add3A_311 : memref<5x4x8x128xf32, #tpu.memory_space<vmem>>[vector<16xi32>, vector<16xi32>, vector<16xi32>, vector<16xi32>], vector<16xf32>,
        %add3A_312 = arith.addf %gather3A_289, %gather3A : vector<16xf32>
        tpu.vector_store_idx %arg15[%broadcast_in_dim3A_159, %shift_right_arithmetic3A_274, %and3A_277, %add3A_9], %add3A_312 : memref<5x4x8x128xf32, #tpu.memory_space<vmem>>[vector<16xi32>, vector<16xi32>, vector<16xi32>, vector<16xi32>], vector<16xf32>,
        %add3A_313 = arith.addf %gather3A_293, %gather3A : vector<16xf32>
        tpu.vector_store_idx %arg15[%broadcast_in_dim3A_159, %shift_right_arithmetic3A_274, %and3A_277, %add3A_12], %add3A_313 : memref<5x4x8x128xf32, #tpu.memory_space<vmem>>[vector<16xi32>, vector<16xi32>, vector<16xi32>, vector<16xi32>], vector<16xf32>,
        %add3A_314 = arith.addf %gather3A_297, %gather3A : vector<16xf32>
        tpu.vector_store_idx %arg15[%broadcast_in_dim3A_159, %shift_right_arithmetic3A_274, %and3A_277, %add3A_15], %add3A_314 : memref<5x4x8x128xf32, #tpu.memory_space<vmem>>[vector<16xi32>, vector<16xi32>, vector<16xi32>, vector<16xi32>], vector<16xf32>,
        %add3A_315 = arith.addf %gather3A_301, %gather3A : vector<16xf32>
        tpu.vector_store_idx %arg15[%broadcast_in_dim3A_159, %shift_right_arithmetic3A_274, %and3A_277, %add3A_18], %add3A_315 : memref<5x4x8x128xf32, #tpu.memory_space<vmem>>[vector<16xi32>, vector<16xi32>, vector<16xi32>, vector<16xi32>], vector<16xf32>,
        %add3A_316 = arith.addf %gather3A_305, %gather3A : vector<16xf32>
        tpu.vector_store_idx %arg15[%broadcast_in_dim3A_159, %shift_right_arithmetic3A_274, %and3A_277, %add3A_21], %add3A_316 : memref<5x4x8x128xf32, #tpu.memory_space<vmem>>[vector<16xi32>, vector<16xi32>, vector<16xi32>, vector<16xi32>], vector<16xf32>,
        %add3A_317 = arith.addf %gather3A_309, %gather3A : vector<16xf32>
        tpu.vector_store_idx %arg15[%broadcast_in_dim3A_159, %shift_right_arithmetic3A_274, %and3A_277, %add3A_24], %add3A_317 : memref<5x4x8x128xf32, #tpu.memory_space<vmem>>[vector<16xi32>, vector<16xi32>, vector<16xi32>, vector<16xi32>], vector<16xf32>,
      }
      %scan3A_165 = arith.constant 32 : i32
      %broadcast_in_dim3A_166 = arith.constant 4 : i32
      %broadcast_in_dim3A_167 = vector.broadcast %broadcast_in_dim3A_166 : i32 to vector<16xi32>
      %scan3A_168 = arith.constant 0 : i32
      %scan3A_169 = arith.constant 0 : i32
      %scan3A_170 = arith.constant 32 : i32
      %scan3A_171 = arith.addi %scan3A_169, %scan3A_170 : i32
      %scan3A_172 = arith.constant 1 : i32
      scf.for %scan3A_268 = %scan3A_169 to %scan3A_171 step %scan3A_172  : i32 {
        %add3A_269 = vector.broadcast %scan3A_268 : i32 to vector<16xi32>
        %add3A_270 = arith.addi %iota3A, %add3A_269 : vector<16xi32>
        %and3A = arith.constant 31 : i32
        %and3A_271 = vector.broadcast %and3A : i32 to vector<16xi32>
        %and3A_272 = arith.andi %add3A_270, %and3A_271 : vector<16xi32>
        %shift_right_arithmetic3A = arith.constant 3 : i32
        %shift_right_arithmetic3A_273 = vector.broadcast %shift_right_arithmetic3A : i32 to vector<16xi32>
        %shift_right_arithmetic3A_274 = arith.shrsi %and3A_272, %shift_right_arithmetic3A_273 : vector<16xi32>
        %and3A_275 = arith.constant 7 : i32
        %and3A_276 = vector.broadcast %and3A_275 : i32 to vector<16xi32>
        %and3A_277 = arith.andi %and3A_272, %and3A_276 : vector<16xi32>
        %gather3A = tpu.vector_load_idx %arg11[%broadcast_in_dim3A_167, %and3A_272, %iota3A] : memref<5x32x16xf32, #tpu.memory_space<vmem>>[vector<16xi32>, vector<16xi32>, vector<16xi32>], vector<16xf32>,
        %gather3A_278 = arith.constant 512 : i32
        %gather3A_279 = arith.constant 0 : i32
        %gather3A_280 = tpu.memref_slice %arg13[%gather3A_278, %gather3A_279] : memref<640x32xf32, #tpu.memory_space<vmem>> -> memref<128x32xf32, #tpu.memory_space<vmem>>
        %gather3A_281 = tpu.vector_load_idx %gather3A_280[%add3A_3, %and3A_272] : memref<128x32xf32, #tpu.memory_space<vmem>>[vector<16xi32>, vector<16xi32>], vector<16xf32>,
        %gather3A_282 = arith.constant 512 : i32
        %gather3A_283 = arith.constant 0 : i32
        %gather3A_284 = tpu.memref_slice %arg13[%gather3A_282, %gather3A_283] : memref<640x32xf32, #tpu.memory_space<vmem>> -> memref<128x32xf32, #tpu.memory_space<vmem>>
        %gather3A_285 = tpu.vector_load_idx %gather3A_284[%add3A_6, %and3A_272] : memref<128x32xf32, #tpu.memory_space<vmem>>[vector<16xi32>, vector<16xi32>], vector<16xf32>,
        %gather3A_286 = arith.constant 512 : i32
        %gather3A_287 = arith.constant 0 : i32
        %gather3A_288 = tpu.memref_slice %arg13[%gather3A_286, %gather3A_287] : memref<640x32xf32, #tpu.memory_space<vmem>> -> memref<128x32xf32, #tpu.memory_space<vmem>>
        %gather3A_289 = tpu.vector_load_idx %gather3A_288[%add3A_9, %and3A_272] : memref<128x32xf32, #tpu.memory_space<vmem>>[vector<16xi32>, vector<16xi32>], vector<16xf32>,
        %gather3A_290 = arith.constant 512 : i32
        %gather3A_291 = arith.constant 0 : i32
        %gather3A_292 = tpu.memref_slice %arg13[%gather3A_290, %gather3A_291] : memref<640x32xf32, #tpu.memory_space<vmem>> -> memref<128x32xf32, #tpu.memory_space<vmem>>
        %gather3A_293 = tpu.vector_load_idx %gather3A_292[%add3A_12, %and3A_272] : memref<128x32xf32, #tpu.memory_space<vmem>>[vector<16xi32>, vector<16xi32>], vector<16xf32>,
        %gather3A_294 = arith.constant 512 : i32
        %gather3A_295 = arith.constant 0 : i32
        %gather3A_296 = tpu.memref_slice %arg13[%gather3A_294, %gather3A_295] : memref<640x32xf32, #tpu.memory_space<vmem>> -> memref<128x32xf32, #tpu.memory_space<vmem>>
        %gather3A_297 = tpu.vector_load_idx %gather3A_296[%add3A_15, %and3A_272] : memref<128x32xf32, #tpu.memory_space<vmem>>[vector<16xi32>, vector<16xi32>], vector<16xf32>,
        %gather3A_298 = arith.constant 512 : i32
        %gather3A_299 = arith.constant 0 : i32
        %gather3A_300 = tpu.memref_slice %arg13[%gather3A_298, %gather3A_299] : memref<640x32xf32, #tpu.memory_space<vmem>> -> memref<128x32xf32, #tpu.memory_space<vmem>>
        %gather3A_301 = tpu.vector_load_idx %gather3A_300[%add3A_18, %and3A_272] : memref<128x32xf32, #tpu.memory_space<vmem>>[vector<16xi32>, vector<16xi32>], vector<16xf32>,
        %gather3A_302 = arith.constant 512 : i32
        %gather3A_303 = arith.constant 0 : i32
        %gather3A_304 = tpu.memref_slice %arg13[%gather3A_302, %gather3A_303] : memref<640x32xf32, #tpu.memory_space<vmem>> -> memref<128x32xf32, #tpu.memory_space<vmem>>
        %gather3A_305 = tpu.vector_load_idx %gather3A_304[%add3A_21, %and3A_272] : memref<128x32xf32, #tpu.memory_space<vmem>>[vector<16xi32>, vector<16xi32>], vector<16xf32>,
        %gather3A_306 = arith.constant 512 : i32
        %gather3A_307 = arith.constant 0 : i32
        %gather3A_308 = tpu.memref_slice %arg13[%gather3A_306, %gather3A_307] : memref<640x32xf32, #tpu.memory_space<vmem>> -> memref<128x32xf32, #tpu.memory_space<vmem>>
        %gather3A_309 = tpu.vector_load_idx %gather3A_308[%add3A_24, %and3A_272] : memref<128x32xf32, #tpu.memory_space<vmem>>[vector<16xi32>, vector<16xi32>], vector<16xf32>,
        %add3A_310 = arith.addf %gather3A_281, %gather3A : vector<16xf32>
        tpu.vector_store_idx %arg15[%broadcast_in_dim3A_167, %shift_right_arithmetic3A_274, %and3A_277, %add3A_3], %add3A_310 : memref<5x4x8x128xf32, #tpu.memory_space<vmem>>[vector<16xi32>, vector<16xi32>, vector<16xi32>, vector<16xi32>], vector<16xf32>,
        %add3A_311 = arith.addf %gather3A_285, %gather3A : vector<16xf32>
        tpu.vector_store_idx %arg15[%broadcast_in_dim3A_167, %shift_right_arithmetic3A_274, %and3A_277, %add3A_6], %add3A_311 : memref<5x4x8x128xf32, #tpu.memory_space<vmem>>[vector<16xi32>, vector<16xi32>, vector<16xi32>, vector<16xi32>], vector<16xf32>,
        %add3A_312 = arith.addf %gather3A_289, %gather3A : vector<16xf32>
        tpu.vector_store_idx %arg15[%broadcast_in_dim3A_167, %shift_right_arithmetic3A_274, %and3A_277, %add3A_9], %add3A_312 : memref<5x4x8x128xf32, #tpu.memory_space<vmem>>[vector<16xi32>, vector<16xi32>, vector<16xi32>, vector<16xi32>], vector<16xf32>,
        %add3A_313 = arith.addf %gather3A_293, %gather3A : vector<16xf32>
        tpu.vector_store_idx %arg15[%broadcast_in_dim3A_167, %shift_right_arithmetic3A_274, %and3A_277, %add3A_12], %add3A_313 : memref<5x4x8x128xf32, #tpu.memory_space<vmem>>[vector<16xi32>, vector<16xi32>, vector<16xi32>, vector<16xi32>], vector<16xf32>,
        %add3A_314 = arith.addf %gather3A_297, %gather3A : vector<16xf32>
        tpu.vector_store_idx %arg15[%broadcast_in_dim3A_167, %shift_right_arithmetic3A_274, %and3A_277, %add3A_15], %add3A_314 : memref<5x4x8x128xf32, #tpu.memory_space<vmem>>[vector<16xi32>, vector<16xi32>, vector<16xi32>, vector<16xi32>], vector<16xf32>,
        %add3A_315 = arith.addf %gather3A_301, %gather3A : vector<16xf32>
        tpu.vector_store_idx %arg15[%broadcast_in_dim3A_167, %shift_right_arithmetic3A_274, %and3A_277, %add3A_18], %add3A_315 : memref<5x4x8x128xf32, #tpu.memory_space<vmem>>[vector<16xi32>, vector<16xi32>, vector<16xi32>, vector<16xi32>], vector<16xf32>,
        %add3A_316 = arith.addf %gather3A_305, %gather3A : vector<16xf32>
        tpu.vector_store_idx %arg15[%broadcast_in_dim3A_167, %shift_right_arithmetic3A_274, %and3A_277, %add3A_21], %add3A_316 : memref<5x4x8x128xf32, #tpu.memory_space<vmem>>[vector<16xi32>, vector<16xi32>, vector<16xi32>, vector<16xi32>], vector<16xf32>,
        %add3A_317 = arith.addf %gather3A_309, %gather3A : vector<16xf32>
        tpu.vector_store_idx %arg15[%broadcast_in_dim3A_167, %shift_right_arithmetic3A_274, %and3A_277, %add3A_24], %add3A_317 : memref<5x4x8x128xf32, #tpu.memory_space<vmem>>[vector<16xi32>, vector<16xi32>, vector<16xi32>, vector<16xi32>], vector<16xf32>,
      }
      %scan3A_173 = arith.constant 32 : i32
      %mul3A_174 = arith.constant 5 : i32
      %mul3A_175 = arith.muli %add3A_112, %mul3A_174 : i32
      %dma_start3A_176 = arith.constant 0 : i32
      %dma_start3A_177 = arith.constant 0 : i32
      %dma_start3A_178 = arith.constant 0 : i32
      %dma_start3A_179 = tpu.memref_slice %arg9[%mul3A_175, %dma_start3A_176, %add3A, %dma_start3A_177, %dma_start3A_178] : memref<200x4x32x8x128xf32, #tpu.memory_space<hbm>> -> memref<5x4x1x8x128xf32, #tpu.memory_space<hbm>>
      %dma_start3A_180 = tpu.memref_squeeze %dma_start3A_179 : memref<5x4x1x8x128xf32, #tpu.memory_space<hbm>> -> memref<5x4x8x128xf32, #tpu.memory_space<hbm>>
      %dma_start3A_181 = arith.constant 0 : i32
      %dma_start3A_182 = arith.constant 0 : i32
      %dma_start3A_183 = arith.constant 0 : i32
      %dma_start3A_184 = tpu.memref_slice %arg9[%mul3A_175, %dma_start3A_181, %add3A, %dma_start3A_182, %dma_start3A_183] : memref<200x4x32x8x128xf32, #tpu.memory_space<hbm>> -> memref<5x4x1x8x128xf32, #tpu.memory_space<hbm>>
      %dma_start3A_185 = tpu.memref_squeeze %dma_start3A_184 : memref<5x4x1x8x128xf32, #tpu.memory_space<hbm>> -> memref<5x4x8x128xf32, #tpu.memory_space<hbm>>
      tpu.enqueue_dma source(%arg15 : memref<5x4x8x128xf32, #tpu.memory_space<vmem>>) target(%dma_start3A_185 : memref<5x4x8x128xf32, #tpu.memory_space<hbm>>) target_semaphore(%arg19 : memref<!tpu.dma_semaphore, #tpu.memory_space<semaphore_mem>>)
      %mul3A_186 = arith.constant 2 : i32
      %mul3A_187 = arith.muli %mul3A_186, %scan3A_108 : i32
      %add3A_188 = arith.constant 1 : i32
      %add3A_189 = arith.addi %mul3A_187, %add3A_188 : i32
      %add3A_190 = arith.constant 1 : i32
      %add3A_191 = arith.addi %add3A_189, %add3A_190 : i32
      %lt3A_192 = arith.constant 40 : i32
      %lt3A_193 = arith.cmpi slt, %add3A_191, %lt3A_192 : i32
      %convert_element_type3A_194 = arith.extui %lt3A_193 : i1 to i32
      %cond3A_195 = arith.constant 0 : i32
      %cond3A_196 = arith.cmpi ne, %convert_element_type3A_194, %cond3A_195 : i32
      scf.if %cond3A_196 {
        %mul3A_268 = arith.constant 640 : i32
        %mul3A_269 = arith.muli %add3A_191, %mul3A_268 : i32
        %dma_start3A_270 = tpu.memref_slice %arg10[%mul3A_269] : memref<25600xi32, #tpu.memory_space<vmem>> -> memref<640xi32, #tpu.memory_space<vmem>>
        %dma_start3A_271 = arith.constant 0 : i32
        %dma_start3A_272 = arith.constant 0 : i32
        %dma_start3A_273 = tpu.memref_slice %arg5[%dma_start3A_271, %dma_start3A_272] : memref<100000x32xf32, #tpu.memory_space<hbm>> -> memref<100000x32xf32, #tpu.memory_space<hbm>>
        tpu.enqueue_indirect_dma source(%dma_start3A_273 : memref<100000x32xf32, #tpu.memory_space<hbm>>) target(%arg13 : memref<640x32xf32, #tpu.memory_space<vmem>>) offsets(%dma_start3A_270 : memref<640xi32, #tpu.memory_space<vmem>>) semaphore(%arg17 : memref<!tpu.dma_semaphore, #tpu.memory_space<semaphore_mem>>)
        %mul3A_274 = arith.constant 5 : i32
        %mul3A_275 = arith.muli %add3A_191, %mul3A_274 : i32
        %dma_start3A_276 = arith.constant 0 : i32
        %dma_start3A_277 = arith.constant 0 : i32
        %dma_start3A_278 = tpu.memref_slice %arg7[%mul3A_275, %dma_start3A_276, %dma_start3A_277] : memref<200x32x16xf32, #tpu.memory_space<hbm>> -> memref<5x32x16xf32, #tpu.memory_space<hbm>>
        %dma_start3A_279 = arith.constant 0 : i32
        %dma_start3A_280 = arith.constant 0 : i32
        %dma_start3A_281 = tpu.memref_slice %arg7[%mul3A_275, %dma_start3A_279, %dma_start3A_280] : memref<200x32x16xf32, #tpu.memory_space<hbm>> -> memref<5x32x16xf32, #tpu.memory_space<hbm>>
        tpu.enqueue_dma source(%dma_start3A_281 : memref<5x32x16xf32, #tpu.memory_space<hbm>>) target(%arg11 : memref<5x32x16xf32, #tpu.memory_space<vmem>>) target_semaphore(%arg17 : memref<!tpu.dma_semaphore, #tpu.memory_space<semaphore_mem>>)
      } else {
      }
      %mul3A_197 = arith.constant 640 : i32
      %mul3A_198 = arith.muli %add3A_189, %mul3A_197 : i32
      %dma_wait3A_199 = tpu.memref_slice %arg10[%mul3A_198] : memref<25600xi32, #tpu.memory_space<vmem>> -> memref<640xi32, #tpu.memory_space<vmem>>
      %dma_wait3A_200 = arith.constant 0 : i32
      %dma_wait3A_201 = arith.constant 0 : i32
      %dma_wait3A_202 = tpu.memref_slice %arg5[%dma_wait3A_200, %dma_wait3A_201] : memref<100000x32xf32, #tpu.memory_space<hbm>> -> memref<100000x32xf32, #tpu.memory_space<hbm>>
      tpu.wait_indirect_dma semaphore(%arg18 : memref<!tpu.dma_semaphore, #tpu.memory_space<semaphore_mem>>) src(%dma_wait3A_202 : memref<100000x32xf32, #tpu.memory_space<hbm>>) dst(%arg14 : memref<640x32xf32, #tpu.memory_space<vmem>>)
      %mul3A_203 = arith.constant 5 : i32
      %mul3A_204 = arith.muli %add3A_189, %mul3A_203 : i32
      %dma_wait3A_205 = arith.constant 0 : i32
      %dma_wait3A_206 = arith.constant 0 : i32
      %dma_wait3A_207 = tpu.memref_slice %arg7[%mul3A_204, %dma_wait3A_205, %dma_wait3A_206] : memref<200x32x16xf32, #tpu.memory_space<hbm>> -> memref<5x32x16xf32, #tpu.memory_space<hbm>>
      %dma_wait3A_208 = arith.constant 0 : i32
      %dma_wait3A_209 = arith.constant 0 : i32
      %dma_wait3A_210 = tpu.memref_slice %arg7[%mul3A_204, %dma_wait3A_208, %dma_wait3A_209] : memref<200x32x16xf32, #tpu.memory_space<hbm>> -> memref<5x32x16xf32, #tpu.memory_space<hbm>>
      tpu.wait_dma2 semaphore(%arg18 : memref<!tpu.dma_semaphore, #tpu.memory_space<semaphore_mem>>) src(%dma_wait3A_210 : memref<5x32x16xf32, #tpu.memory_space<hbm>>) dst(%arg12 : memref<5x32x16xf32, #tpu.memory_space<vmem>>)
      %ge3A_211 = arith.constant 2 : i32
      %ge3A_212 = arith.cmpi sge, %add3A_189, %ge3A_211 : i32
      %convert_element_type3A_213 = arith.extui %ge3A_212 : i1 to i32
      %cond3A_214 = arith.constant 0 : i32
      %cond3A_215 = arith.cmpi ne, %convert_element_type3A_213, %cond3A_214 : i32
      scf.if %cond3A_215 {
        %dma_wait3A_268 = arith.constant 0 : i32
        %dma_wait3A_269 = arith.constant 0 : i32
        %dma_wait3A_270 = arith.constant 0 : i32
        %dma_wait3A_271 = arith.constant 0 : i32
        %dma_wait3A_272 = tpu.memref_slice %arg9[%dma_wait3A_268, %dma_wait3A_269, %add3A, %dma_wait3A_270, %dma_wait3A_271] : memref<200x4x32x8x128xf32, #tpu.memory_space<hbm>> -> memref<5x4x1x8x128xf32, #tpu.memory_space<hbm>>
        %dma_wait3A_273 = tpu.memref_squeeze %dma_wait3A_272 : memref<5x4x1x8x128xf32, #tpu.memory_space<hbm>> -> memref<5x4x8x128xf32, #tpu.memory_space<hbm>>
        %dma_wait3A_274 = arith.constant 0 : i32
        %dma_wait3A_275 = arith.constant 0 : i32
        %dma_wait3A_276 = arith.constant 0 : i32
        %dma_wait3A_277 = arith.constant 0 : i32
        %dma_wait3A_278 = tpu.memref_slice %arg9[%dma_wait3A_274, %dma_wait3A_275, %add3A, %dma_wait3A_276, %dma_wait3A_277] : memref<200x4x32x8x128xf32, #tpu.memory_space<hbm>> -> memref<5x4x1x8x128xf32, #tpu.memory_space<hbm>>
        %dma_wait3A_279 = tpu.memref_squeeze %dma_wait3A_278 : memref<5x4x1x8x128xf32, #tpu.memory_space<hbm>> -> memref<5x4x8x128xf32, #tpu.memory_space<hbm>>
        tpu.wait_dma2 semaphore(%arg20 : memref<!tpu.dma_semaphore, #tpu.memory_space<semaphore_mem>>) src(%arg16 : memref<5x4x8x128xf32, #tpu.memory_space<vmem>>) dst(%dma_wait3A_279 : memref<5x4x8x128xf32, #tpu.memory_space<hbm>>)
      } else {
      }
      %broadcast_in_dim3A_216 = arith.constant 0 : i32
      %broadcast_in_dim3A_217 = vector.broadcast %broadcast_in_dim3A_216 : i32 to vector<16xi32>
      %scan3A_218 = arith.constant 0 : i32
      %scan3A_219 = arith.constant 0 : i32
      %scan3A_220 = arith.constant 32 : i32
      %scan3A_221 = arith.addi %scan3A_219, %scan3A_220 : i32
      %scan3A_222 = arith.constant 1 : i32
      scf.for %scan3A_268 = %scan3A_219 to %scan3A_221 step %scan3A_222  : i32 {
        %add3A_269 = vector.broadcast %scan3A_268 : i32 to vector<16xi32>
        %add3A_270 = arith.addi %iota3A, %add3A_269 : vector<16xi32>
        %and3A = arith.constant 31 : i32
        %and3A_271 = vector.broadcast %and3A : i32 to vector<16xi32>
        %and3A_272 = arith.andi %add3A_270, %and3A_271 : vector<16xi32>
        %shift_right_arithmetic3A = arith.constant 3 : i32
        %shift_right_arithmetic3A_273 = vector.broadcast %shift_right_arithmetic3A : i32 to vector<16xi32>
        %shift_right_arithmetic3A_274 = arith.shrsi %and3A_272, %shift_right_arithmetic3A_273 : vector<16xi32>
        %and3A_275 = arith.constant 7 : i32
        %and3A_276 = vector.broadcast %and3A_275 : i32 to vector<16xi32>
        %and3A_277 = arith.andi %and3A_272, %and3A_276 : vector<16xi32>
        %gather3A = tpu.vector_load_idx %arg12[%broadcast_in_dim3A_217, %and3A_272, %iota3A] : memref<5x32x16xf32, #tpu.memory_space<vmem>>[vector<16xi32>, vector<16xi32>, vector<16xi32>], vector<16xf32>,
        %gather3A_278 = arith.constant 0 : i32
        %gather3A_279 = arith.constant 0 : i32
        %gather3A_280 = tpu.memref_slice %arg14[%gather3A_278, %gather3A_279] : memref<640x32xf32, #tpu.memory_space<vmem>> -> memref<128x32xf32, #tpu.memory_space<vmem>>
        %gather3A_281 = tpu.vector_load_idx %gather3A_280[%add3A_3, %and3A_272] : memref<128x32xf32, #tpu.memory_space<vmem>>[vector<16xi32>, vector<16xi32>], vector<16xf32>,
        %gather3A_282 = arith.constant 0 : i32
        %gather3A_283 = arith.constant 0 : i32
        %gather3A_284 = tpu.memref_slice %arg14[%gather3A_282, %gather3A_283] : memref<640x32xf32, #tpu.memory_space<vmem>> -> memref<128x32xf32, #tpu.memory_space<vmem>>
        %gather3A_285 = tpu.vector_load_idx %gather3A_284[%add3A_6, %and3A_272] : memref<128x32xf32, #tpu.memory_space<vmem>>[vector<16xi32>, vector<16xi32>], vector<16xf32>,
        %gather3A_286 = arith.constant 0 : i32
        %gather3A_287 = arith.constant 0 : i32
        %gather3A_288 = tpu.memref_slice %arg14[%gather3A_286, %gather3A_287] : memref<640x32xf32, #tpu.memory_space<vmem>> -> memref<128x32xf32, #tpu.memory_space<vmem>>
        %gather3A_289 = tpu.vector_load_idx %gather3A_288[%add3A_9, %and3A_272] : memref<128x32xf32, #tpu.memory_space<vmem>>[vector<16xi32>, vector<16xi32>], vector<16xf32>,
        %gather3A_290 = arith.constant 0 : i32
        %gather3A_291 = arith.constant 0 : i32
        %gather3A_292 = tpu.memref_slice %arg14[%gather3A_290, %gather3A_291] : memref<640x32xf32, #tpu.memory_space<vmem>> -> memref<128x32xf32, #tpu.memory_space<vmem>>
        %gather3A_293 = tpu.vector_load_idx %gather3A_292[%add3A_12, %and3A_272] : memref<128x32xf32, #tpu.memory_space<vmem>>[vector<16xi32>, vector<16xi32>], vector<16xf32>,
        %gather3A_294 = arith.constant 0 : i32
        %gather3A_295 = arith.constant 0 : i32
        %gather3A_296 = tpu.memref_slice %arg14[%gather3A_294, %gather3A_295] : memref<640x32xf32, #tpu.memory_space<vmem>> -> memref<128x32xf32, #tpu.memory_space<vmem>>
        %gather3A_297 = tpu.vector_load_idx %gather3A_296[%add3A_15, %and3A_272] : memref<128x32xf32, #tpu.memory_space<vmem>>[vector<16xi32>, vector<16xi32>], vector<16xf32>,
        %gather3A_298 = arith.constant 0 : i32
        %gather3A_299 = arith.constant 0 : i32
        %gather3A_300 = tpu.memref_slice %arg14[%gather3A_298, %gather3A_299] : memref<640x32xf32, #tpu.memory_space<vmem>> -> memref<128x32xf32, #tpu.memory_space<vmem>>
        %gather3A_301 = tpu.vector_load_idx %gather3A_300[%add3A_18, %and3A_272] : memref<128x32xf32, #tpu.memory_space<vmem>>[vector<16xi32>, vector<16xi32>], vector<16xf32>,
        %gather3A_302 = arith.constant 0 : i32
        %gather3A_303 = arith.constant 0 : i32
        %gather3A_304 = tpu.memref_slice %arg14[%gather3A_302, %gather3A_303] : memref<640x32xf32, #tpu.memory_space<vmem>> -> memref<128x32xf32, #tpu.memory_space<vmem>>
        %gather3A_305 = tpu.vector_load_idx %gather3A_304[%add3A_21, %and3A_272] : memref<128x32xf32, #tpu.memory_space<vmem>>[vector<16xi32>, vector<16xi32>], vector<16xf32>,
        %gather3A_306 = arith.constant 0 : i32
        %gather3A_307 = arith.constant 0 : i32
        %gather3A_308 = tpu.memref_slice %arg14[%gather3A_306, %gather3A_307] : memref<640x32xf32, #tpu.memory_space<vmem>> -> memref<128x32xf32, #tpu.memory_space<vmem>>
        %gather3A_309 = tpu.vector_load_idx %gather3A_308[%add3A_24, %and3A_272] : memref<128x32xf32, #tpu.memory_space<vmem>>[vector<16xi32>, vector<16xi32>], vector<16xf32>,
        %add3A_310 = arith.addf %gather3A_281, %gather3A : vector<16xf32>
        tpu.vector_store_idx %arg16[%broadcast_in_dim3A_217, %shift_right_arithmetic3A_274, %and3A_277, %add3A_3], %add3A_310 : memref<5x4x8x128xf32, #tpu.memory_space<vmem>>[vector<16xi32>, vector<16xi32>, vector<16xi32>, vector<16xi32>], vector<16xf32>,
        %add3A_311 = arith.addf %gather3A_285, %gather3A : vector<16xf32>
        tpu.vector_store_idx %arg16[%broadcast_in_dim3A_217, %shift_right_arithmetic3A_274, %and3A_277, %add3A_6], %add3A_311 : memref<5x4x8x128xf32, #tpu.memory_space<vmem>>[vector<16xi32>, vector<16xi32>, vector<16xi32>, vector<16xi32>], vector<16xf32>,
        %add3A_312 = arith.addf %gather3A_289, %gather3A : vector<16xf32>
        tpu.vector_store_idx %arg16[%broadcast_in_dim3A_217, %shift_right_arithmetic3A_274, %and3A_277, %add3A_9], %add3A_312 : memref<5x4x8x128xf32, #tpu.memory_space<vmem>>[vector<16xi32>, vector<16xi32>, vector<16xi32>, vector<16xi32>], vector<16xf32>,
        %add3A_313 = arith.addf %gather3A_293, %gather3A : vector<16xf32>
        tpu.vector_store_idx %arg16[%broadcast_in_dim3A_217, %shift_right_arithmetic3A_274, %and3A_277, %add3A_12], %add3A_313 : memref<5x4x8x128xf32, #tpu.memory_space<vmem>>[vector<16xi32>, vector<16xi32>, vector<16xi32>, vector<16xi32>], vector<16xf32>,
        %add3A_314 = arith.addf %gather3A_297, %gather3A : vector<16xf32>
        tpu.vector_store_idx %arg16[%broadcast_in_dim3A_217, %shift_right_arithmetic3A_274, %and3A_277, %add3A_15], %add3A_314 : memref<5x4x8x128xf32, #tpu.memory_space<vmem>>[vector<16xi32>, vector<16xi32>, vector<16xi32>, vector<16xi32>], vector<16xf32>,
        %add3A_315 = arith.addf %gather3A_301, %gather3A : vector<16xf32>
        tpu.vector_store_idx %arg16[%broadcast_in_dim3A_217, %shift_right_arithmetic3A_274, %and3A_277, %add3A_18], %add3A_315 : memref<5x4x8x128xf32, #tpu.memory_space<vmem>>[vector<16xi32>, vector<16xi32>, vector<16xi32>, vector<16xi32>], vector<16xf32>,
        %add3A_316 = arith.addf %gather3A_305, %gather3A : vector<16xf32>
        tpu.vector_store_idx %arg16[%broadcast_in_dim3A_217, %shift_right_arithmetic3A_274, %and3A_277, %add3A_21], %add3A_316 : memref<5x4x8x128xf32, #tpu.memory_space<vmem>>[vector<16xi32>, vector<16xi32>, vector<16xi32>, vector<16xi32>], vector<16xf32>,
        %add3A_317 = arith.addf %gather3A_309, %gather3A : vector<16xf32>
        tpu.vector_store_idx %arg16[%broadcast_in_dim3A_217, %shift_right_arithmetic3A_274, %and3A_277, %add3A_24], %add3A_317 : memref<5x4x8x128xf32, #tpu.memory_space<vmem>>[vector<16xi32>, vector<16xi32>, vector<16xi32>, vector<16xi32>], vector<16xf32>,
      }
      %scan3A_223 = arith.constant 32 : i32
      %broadcast_in_dim3A_224 = arith.constant 1 : i32
      %broadcast_in_dim3A_225 = vector.broadcast %broadcast_in_dim3A_224 : i32 to vector<16xi32>
      %scan3A_226 = arith.constant 0 : i32
      %scan3A_227 = arith.constant 0 : i32
      %scan3A_228 = arith.constant 32 : i32
      %scan3A_229 = arith.addi %scan3A_227, %scan3A_228 : i32
      %scan3A_230 = arith.constant 1 : i32
      scf.for %scan3A_268 = %scan3A_227 to %scan3A_229 step %scan3A_230  : i32 {
        %add3A_269 = vector.broadcast %scan3A_268 : i32 to vector<16xi32>
        %add3A_270 = arith.addi %iota3A, %add3A_269 : vector<16xi32>
        %and3A = arith.constant 31 : i32
        %and3A_271 = vector.broadcast %and3A : i32 to vector<16xi32>
        %and3A_272 = arith.andi %add3A_270, %and3A_271 : vector<16xi32>
        %shift_right_arithmetic3A = arith.constant 3 : i32
        %shift_right_arithmetic3A_273 = vector.broadcast %shift_right_arithmetic3A : i32 to vector<16xi32>
        %shift_right_arithmetic3A_274 = arith.shrsi %and3A_272, %shift_right_arithmetic3A_273 : vector<16xi32>
        %and3A_275 = arith.constant 7 : i32
        %and3A_276 = vector.broadcast %and3A_275 : i32 to vector<16xi32>
        %and3A_277 = arith.andi %and3A_272, %and3A_276 : vector<16xi32>
        %gather3A = tpu.vector_load_idx %arg12[%broadcast_in_dim3A_225, %and3A_272, %iota3A] : memref<5x32x16xf32, #tpu.memory_space<vmem>>[vector<16xi32>, vector<16xi32>, vector<16xi32>], vector<16xf32>,
        %gather3A_278 = arith.constant 128 : i32
        %gather3A_279 = arith.constant 0 : i32
        %gather3A_280 = tpu.memref_slice %arg14[%gather3A_278, %gather3A_279] : memref<640x32xf32, #tpu.memory_space<vmem>> -> memref<128x32xf32, #tpu.memory_space<vmem>>
        %gather3A_281 = tpu.vector_load_idx %gather3A_280[%add3A_3, %and3A_272] : memref<128x32xf32, #tpu.memory_space<vmem>>[vector<16xi32>, vector<16xi32>], vector<16xf32>,
        %gather3A_282 = arith.constant 128 : i32
        %gather3A_283 = arith.constant 0 : i32
        %gather3A_284 = tpu.memref_slice %arg14[%gather3A_282, %gather3A_283] : memref<640x32xf32, #tpu.memory_space<vmem>> -> memref<128x32xf32, #tpu.memory_space<vmem>>
        %gather3A_285 = tpu.vector_load_idx %gather3A_284[%add3A_6, %and3A_272] : memref<128x32xf32, #tpu.memory_space<vmem>>[vector<16xi32>, vector<16xi32>], vector<16xf32>,
        %gather3A_286 = arith.constant 128 : i32
        %gather3A_287 = arith.constant 0 : i32
        %gather3A_288 = tpu.memref_slice %arg14[%gather3A_286, %gather3A_287] : memref<640x32xf32, #tpu.memory_space<vmem>> -> memref<128x32xf32, #tpu.memory_space<vmem>>
        %gather3A_289 = tpu.vector_load_idx %gather3A_288[%add3A_9, %and3A_272] : memref<128x32xf32, #tpu.memory_space<vmem>>[vector<16xi32>, vector<16xi32>], vector<16xf32>,
        %gather3A_290 = arith.constant 128 : i32
        %gather3A_291 = arith.constant 0 : i32
        %gather3A_292 = tpu.memref_slice %arg14[%gather3A_290, %gather3A_291] : memref<640x32xf32, #tpu.memory_space<vmem>> -> memref<128x32xf32, #tpu.memory_space<vmem>>
        %gather3A_293 = tpu.vector_load_idx %gather3A_292[%add3A_12, %and3A_272] : memref<128x32xf32, #tpu.memory_space<vmem>>[vector<16xi32>, vector<16xi32>], vector<16xf32>,
        %gather3A_294 = arith.constant 128 : i32
        %gather3A_295 = arith.constant 0 : i32
        %gather3A_296 = tpu.memref_slice %arg14[%gather3A_294, %gather3A_295] : memref<640x32xf32, #tpu.memory_space<vmem>> -> memref<128x32xf32, #tpu.memory_space<vmem>>
        %gather3A_297 = tpu.vector_load_idx %gather3A_296[%add3A_15, %and3A_272] : memref<128x32xf32, #tpu.memory_space<vmem>>[vector<16xi32>, vector<16xi32>], vector<16xf32>,
        %gather3A_298 = arith.constant 128 : i32
        %gather3A_299 = arith.constant 0 : i32
        %gather3A_300 = tpu.memref_slice %arg14[%gather3A_298, %gather3A_299] : memref<640x32xf32, #tpu.memory_space<vmem>> -> memref<128x32xf32, #tpu.memory_space<vmem>>
        %gather3A_301 = tpu.vector_load_idx %gather3A_300[%add3A_18, %and3A_272] : memref<128x32xf32, #tpu.memory_space<vmem>>[vector<16xi32>, vector<16xi32>], vector<16xf32>,
        %gather3A_302 = arith.constant 128 : i32
        %gather3A_303 = arith.constant 0 : i32
        %gather3A_304 = tpu.memref_slice %arg14[%gather3A_302, %gather3A_303] : memref<640x32xf32, #tpu.memory_space<vmem>> -> memref<128x32xf32, #tpu.memory_space<vmem>>
        %gather3A_305 = tpu.vector_load_idx %gather3A_304[%add3A_21, %and3A_272] : memref<128x32xf32, #tpu.memory_space<vmem>>[vector<16xi32>, vector<16xi32>], vector<16xf32>,
        %gather3A_306 = arith.constant 128 : i32
        %gather3A_307 = arith.constant 0 : i32
        %gather3A_308 = tpu.memref_slice %arg14[%gather3A_306, %gather3A_307] : memref<640x32xf32, #tpu.memory_space<vmem>> -> memref<128x32xf32, #tpu.memory_space<vmem>>
        %gather3A_309 = tpu.vector_load_idx %gather3A_308[%add3A_24, %and3A_272] : memref<128x32xf32, #tpu.memory_space<vmem>>[vector<16xi32>, vector<16xi32>], vector<16xf32>,
        %add3A_310 = arith.addf %gather3A_281, %gather3A : vector<16xf32>
        tpu.vector_store_idx %arg16[%broadcast_in_dim3A_225, %shift_right_arithmetic3A_274, %and3A_277, %add3A_3], %add3A_310 : memref<5x4x8x128xf32, #tpu.memory_space<vmem>>[vector<16xi32>, vector<16xi32>, vector<16xi32>, vector<16xi32>], vector<16xf32>,
        %add3A_311 = arith.addf %gather3A_285, %gather3A : vector<16xf32>
        tpu.vector_store_idx %arg16[%broadcast_in_dim3A_225, %shift_right_arithmetic3A_274, %and3A_277, %add3A_6], %add3A_311 : memref<5x4x8x128xf32, #tpu.memory_space<vmem>>[vector<16xi32>, vector<16xi32>, vector<16xi32>, vector<16xi32>], vector<16xf32>,
        %add3A_312 = arith.addf %gather3A_289, %gather3A : vector<16xf32>
        tpu.vector_store_idx %arg16[%broadcast_in_dim3A_225, %shift_right_arithmetic3A_274, %and3A_277, %add3A_9], %add3A_312 : memref<5x4x8x128xf32, #tpu.memory_space<vmem>>[vector<16xi32>, vector<16xi32>, vector<16xi32>, vector<16xi32>], vector<16xf32>,
        %add3A_313 = arith.addf %gather3A_293, %gather3A : vector<16xf32>
        tpu.vector_store_idx %arg16[%broadcast_in_dim3A_225, %shift_right_arithmetic3A_274, %and3A_277, %add3A_12], %add3A_313 : memref<5x4x8x128xf32, #tpu.memory_space<vmem>>[vector<16xi32>, vector<16xi32>, vector<16xi32>, vector<16xi32>], vector<16xf32>,
        %add3A_314 = arith.addf %gather3A_297, %gather3A : vector<16xf32>
        tpu.vector_store_idx %arg16[%broadcast_in_dim3A_225, %shift_right_arithmetic3A_274, %and3A_277, %add3A_15], %add3A_314 : memref<5x4x8x128xf32, #tpu.memory_space<vmem>>[vector<16xi32>, vector<16xi32>, vector<16xi32>, vector<16xi32>], vector<16xf32>,
        %add3A_315 = arith.addf %gather3A_301, %gather3A : vector<16xf32>
        tpu.vector_store_idx %arg16[%broadcast_in_dim3A_225, %shift_right_arithmetic3A_274, %and3A_277, %add3A_18], %add3A_315 : memref<5x4x8x128xf32, #tpu.memory_space<vmem>>[vector<16xi32>, vector<16xi32>, vector<16xi32>, vector<16xi32>], vector<16xf32>,
        %add3A_316 = arith.addf %gather3A_305, %gather3A : vector<16xf32>
        tpu.vector_store_idx %arg16[%broadcast_in_dim3A_225, %shift_right_arithmetic3A_274, %and3A_277, %add3A_21], %add3A_316 : memref<5x4x8x128xf32, #tpu.memory_space<vmem>>[vector<16xi32>, vector<16xi32>, vector<16xi32>, vector<16xi32>], vector<16xf32>,
        %add3A_317 = arith.addf %gather3A_309, %gather3A : vector<16xf32>
        tpu.vector_store_idx %arg16[%broadcast_in_dim3A_225, %shift_right_arithmetic3A_274, %and3A_277, %add3A_24], %add3A_317 : memref<5x4x8x128xf32, #tpu.memory_space<vmem>>[vector<16xi32>, vector<16xi32>, vector<16xi32>, vector<16xi32>], vector<16xf32>,
      }
      %scan3A_231 = arith.constant 32 : i32
      %broadcast_in_dim3A_232 = arith.constant 2 : i32
      %broadcast_in_dim3A_233 = vector.broadcast %broadcast_in_dim3A_232 : i32 to vector<16xi32>
      %scan3A_234 = arith.constant 0 : i32
      %scan3A_235 = arith.constant 0 : i32
      %scan3A_236 = arith.constant 32 : i32
      %scan3A_237 = arith.addi %scan3A_235, %scan3A_236 : i32
      %scan3A_238 = arith.constant 1 : i32
      scf.for %scan3A_268 = %scan3A_235 to %scan3A_237 step %scan3A_238  : i32 {
        %add3A_269 = vector.broadcast %scan3A_268 : i32 to vector<16xi32>
        %add3A_270 = arith.addi %iota3A, %add3A_269 : vector<16xi32>
        %and3A = arith.constant 31 : i32
        %and3A_271 = vector.broadcast %and3A : i32 to vector<16xi32>
        %and3A_272 = arith.andi %add3A_270, %and3A_271 : vector<16xi32>
        %shift_right_arithmetic3A = arith.constant 3 : i32
        %shift_right_arithmetic3A_273 = vector.broadcast %shift_right_arithmetic3A : i32 to vector<16xi32>
        %shift_right_arithmetic3A_274 = arith.shrsi %and3A_272, %shift_right_arithmetic3A_273 : vector<16xi32>
        %and3A_275 = arith.constant 7 : i32
        %and3A_276 = vector.broadcast %and3A_275 : i32 to vector<16xi32>
        %and3A_277 = arith.andi %and3A_272, %and3A_276 : vector<16xi32>
        %gather3A = tpu.vector_load_idx %arg12[%broadcast_in_dim3A_233, %and3A_272, %iota3A] : memref<5x32x16xf32, #tpu.memory_space<vmem>>[vector<16xi32>, vector<16xi32>, vector<16xi32>], vector<16xf32>,
        %gather3A_278 = arith.constant 256 : i32
        %gather3A_279 = arith.constant 0 : i32
        %gather3A_280 = tpu.memref_slice %arg14[%gather3A_278, %gather3A_279] : memref<640x32xf32, #tpu.memory_space<vmem>> -> memref<128x32xf32, #tpu.memory_space<vmem>>
        %gather3A_281 = tpu.vector_load_idx %gather3A_280[%add3A_3, %and3A_272] : memref<128x32xf32, #tpu.memory_space<vmem>>[vector<16xi32>, vector<16xi32>], vector<16xf32>,
        %gather3A_282 = arith.constant 256 : i32
        %gather3A_283 = arith.constant 0 : i32
        %gather3A_284 = tpu.memref_slice %arg14[%gather3A_282, %gather3A_283] : memref<640x32xf32, #tpu.memory_space<vmem>> -> memref<128x32xf32, #tpu.memory_space<vmem>>
        %gather3A_285 = tpu.vector_load_idx %gather3A_284[%add3A_6, %and3A_272] : memref<128x32xf32, #tpu.memory_space<vmem>>[vector<16xi32>, vector<16xi32>], vector<16xf32>,
        %gather3A_286 = arith.constant 256 : i32
        %gather3A_287 = arith.constant 0 : i32
        %gather3A_288 = tpu.memref_slice %arg14[%gather3A_286, %gather3A_287] : memref<640x32xf32, #tpu.memory_space<vmem>> -> memref<128x32xf32, #tpu.memory_space<vmem>>
        %gather3A_289 = tpu.vector_load_idx %gather3A_288[%add3A_9, %and3A_272] : memref<128x32xf32, #tpu.memory_space<vmem>>[vector<16xi32>, vector<16xi32>], vector<16xf32>,
        %gather3A_290 = arith.constant 256 : i32
        %gather3A_291 = arith.constant 0 : i32
        %gather3A_292 = tpu.memref_slice %arg14[%gather3A_290, %gather3A_291] : memref<640x32xf32, #tpu.memory_space<vmem>> -> memref<128x32xf32, #tpu.memory_space<vmem>>
        %gather3A_293 = tpu.vector_load_idx %gather3A_292[%add3A_12, %and3A_272] : memref<128x32xf32, #tpu.memory_space<vmem>>[vector<16xi32>, vector<16xi32>], vector<16xf32>,
        %gather3A_294 = arith.constant 256 : i32
        %gather3A_295 = arith.constant 0 : i32
        %gather3A_296 = tpu.memref_slice %arg14[%gather3A_294, %gather3A_295] : memref<640x32xf32, #tpu.memory_space<vmem>> -> memref<128x32xf32, #tpu.memory_space<vmem>>
        %gather3A_297 = tpu.vector_load_idx %gather3A_296[%add3A_15, %and3A_272] : memref<128x32xf32, #tpu.memory_space<vmem>>[vector<16xi32>, vector<16xi32>], vector<16xf32>,
        %gather3A_298 = arith.constant 256 : i32
        %gather3A_299 = arith.constant 0 : i32
        %gather3A_300 = tpu.memref_slice %arg14[%gather3A_298, %gather3A_299] : memref<640x32xf32, #tpu.memory_space<vmem>> -> memref<128x32xf32, #tpu.memory_space<vmem>>
        %gather3A_301 = tpu.vector_load_idx %gather3A_300[%add3A_18, %and3A_272] : memref<128x32xf32, #tpu.memory_space<vmem>>[vector<16xi32>, vector<16xi32>], vector<16xf32>,
        %gather3A_302 = arith.constant 256 : i32
        %gather3A_303 = arith.constant 0 : i32
        %gather3A_304 = tpu.memref_slice %arg14[%gather3A_302, %gather3A_303] : memref<640x32xf32, #tpu.memory_space<vmem>> -> memref<128x32xf32, #tpu.memory_space<vmem>>
        %gather3A_305 = tpu.vector_load_idx %gather3A_304[%add3A_21, %and3A_272] : memref<128x32xf32, #tpu.memory_space<vmem>>[vector<16xi32>, vector<16xi32>], vector<16xf32>,
        %gather3A_306 = arith.constant 256 : i32
        %gather3A_307 = arith.constant 0 : i32
        %gather3A_308 = tpu.memref_slice %arg14[%gather3A_306, %gather3A_307] : memref<640x32xf32, #tpu.memory_space<vmem>> -> memref<128x32xf32, #tpu.memory_space<vmem>>
        %gather3A_309 = tpu.vector_load_idx %gather3A_308[%add3A_24, %and3A_272] : memref<128x32xf32, #tpu.memory_space<vmem>>[vector<16xi32>, vector<16xi32>], vector<16xf32>,
        %add3A_310 = arith.addf %gather3A_281, %gather3A : vector<16xf32>
        tpu.vector_store_idx %arg16[%broadcast_in_dim3A_233, %shift_right_arithmetic3A_274, %and3A_277, %add3A_3], %add3A_310 : memref<5x4x8x128xf32, #tpu.memory_space<vmem>>[vector<16xi32>, vector<16xi32>, vector<16xi32>, vector<16xi32>], vector<16xf32>,
        %add3A_311 = arith.addf %gather3A_285, %gather3A : vector<16xf32>
        tpu.vector_store_idx %arg16[%broadcast_in_dim3A_233, %shift_right_arithmetic3A_274, %and3A_277, %add3A_6], %add3A_311 : memref<5x4x8x128xf32, #tpu.memory_space<vmem>>[vector<16xi32>, vector<16xi32>, vector<16xi32>, vector<16xi32>], vector<16xf32>,
        %add3A_312 = arith.addf %gather3A_289, %gather3A : vector<16xf32>
        tpu.vector_store_idx %arg16[%broadcast_in_dim3A_233, %shift_right_arithmetic3A_274, %and3A_277, %add3A_9], %add3A_312 : memref<5x4x8x128xf32, #tpu.memory_space<vmem>>[vector<16xi32>, vector<16xi32>, vector<16xi32>, vector<16xi32>], vector<16xf32>,
        %add3A_313 = arith.addf %gather3A_293, %gather3A : vector<16xf32>
        tpu.vector_store_idx %arg16[%broadcast_in_dim3A_233, %shift_right_arithmetic3A_274, %and3A_277, %add3A_12], %add3A_313 : memref<5x4x8x128xf32, #tpu.memory_space<vmem>>[vector<16xi32>, vector<16xi32>, vector<16xi32>, vector<16xi32>], vector<16xf32>,
        %add3A_314 = arith.addf %gather3A_297, %gather3A : vector<16xf32>
        tpu.vector_store_idx %arg16[%broadcast_in_dim3A_233, %shift_right_arithmetic3A_274, %and3A_277, %add3A_15], %add3A_314 : memref<5x4x8x128xf32, #tpu.memory_space<vmem>>[vector<16xi32>, vector<16xi32>, vector<16xi32>, vector<16xi32>], vector<16xf32>,
        %add3A_315 = arith.addf %gather3A_301, %gather3A : vector<16xf32>
        tpu.vector_store_idx %arg16[%broadcast_in_dim3A_233, %shift_right_arithmetic3A_274, %and3A_277, %add3A_18], %add3A_315 : memref<5x4x8x128xf32, #tpu.memory_space<vmem>>[vector<16xi32>, vector<16xi32>, vector<16xi32>, vector<16xi32>], vector<16xf32>,
        %add3A_316 = arith.addf %gather3A_305, %gather3A : vector<16xf32>
        tpu.vector_store_idx %arg16[%broadcast_in_dim3A_233, %shift_right_arithmetic3A_274, %and3A_277, %add3A_21], %add3A_316 : memref<5x4x8x128xf32, #tpu.memory_space<vmem>>[vector<16xi32>, vector<16xi32>, vector<16xi32>, vector<16xi32>], vector<16xf32>,
        %add3A_317 = arith.addf %gather3A_309, %gather3A : vector<16xf32>
        tpu.vector_store_idx %arg16[%broadcast_in_dim3A_233, %shift_right_arithmetic3A_274, %and3A_277, %add3A_24], %add3A_317 : memref<5x4x8x128xf32, #tpu.memory_space<vmem>>[vector<16xi32>, vector<16xi32>, vector<16xi32>, vector<16xi32>], vector<16xf32>,
      }
      %scan3A_239 = arith.constant 32 : i32
      %broadcast_in_dim3A_240 = arith.constant 3 : i32
      %broadcast_in_dim3A_241 = vector.broadcast %broadcast_in_dim3A_240 : i32 to vector<16xi32>
      %scan3A_242 = arith.constant 0 : i32
      %scan3A_243 = arith.constant 0 : i32
      %scan3A_244 = arith.constant 32 : i32
      %scan3A_245 = arith.addi %scan3A_243, %scan3A_244 : i32
      %scan3A_246 = arith.constant 1 : i32
      scf.for %scan3A_268 = %scan3A_243 to %scan3A_245 step %scan3A_246  : i32 {
        %add3A_269 = vector.broadcast %scan3A_268 : i32 to vector<16xi32>
        %add3A_270 = arith.addi %iota3A, %add3A_269 : vector<16xi32>
        %and3A = arith.constant 31 : i32
        %and3A_271 = vector.broadcast %and3A : i32 to vector<16xi32>
        %and3A_272 = arith.andi %add3A_270, %and3A_271 : vector<16xi32>
        %shift_right_arithmetic3A = arith.constant 3 : i32
        %shift_right_arithmetic3A_273 = vector.broadcast %shift_right_arithmetic3A : i32 to vector<16xi32>
        %shift_right_arithmetic3A_274 = arith.shrsi %and3A_272, %shift_right_arithmetic3A_273 : vector<16xi32>
        %and3A_275 = arith.constant 7 : i32
        %and3A_276 = vector.broadcast %and3A_275 : i32 to vector<16xi32>
        %and3A_277 = arith.andi %and3A_272, %and3A_276 : vector<16xi32>
        %gather3A = tpu.vector_load_idx %arg12[%broadcast_in_dim3A_241, %and3A_272, %iota3A] : memref<5x32x16xf32, #tpu.memory_space<vmem>>[vector<16xi32>, vector<16xi32>, vector<16xi32>], vector<16xf32>,
        %gather3A_278 = arith.constant 384 : i32
        %gather3A_279 = arith.constant 0 : i32
        %gather3A_280 = tpu.memref_slice %arg14[%gather3A_278, %gather3A_279] : memref<640x32xf32, #tpu.memory_space<vmem>> -> memref<128x32xf32, #tpu.memory_space<vmem>>
        %gather3A_281 = tpu.vector_load_idx %gather3A_280[%add3A_3, %and3A_272] : memref<128x32xf32, #tpu.memory_space<vmem>>[vector<16xi32>, vector<16xi32>], vector<16xf32>,
        %gather3A_282 = arith.constant 384 : i32
        %gather3A_283 = arith.constant 0 : i32
        %gather3A_284 = tpu.memref_slice %arg14[%gather3A_282, %gather3A_283] : memref<640x32xf32, #tpu.memory_space<vmem>> -> memref<128x32xf32, #tpu.memory_space<vmem>>
        %gather3A_285 = tpu.vector_load_idx %gather3A_284[%add3A_6, %and3A_272] : memref<128x32xf32, #tpu.memory_space<vmem>>[vector<16xi32>, vector<16xi32>], vector<16xf32>,
        %gather3A_286 = arith.constant 384 : i32
        %gather3A_287 = arith.constant 0 : i32
        %gather3A_288 = tpu.memref_slice %arg14[%gather3A_286, %gather3A_287] : memref<640x32xf32, #tpu.memory_space<vmem>> -> memref<128x32xf32, #tpu.memory_space<vmem>>
        %gather3A_289 = tpu.vector_load_idx %gather3A_288[%add3A_9, %and3A_272] : memref<128x32xf32, #tpu.memory_space<vmem>>[vector<16xi32>, vector<16xi32>], vector<16xf32>,
        %gather3A_290 = arith.constant 384 : i32
        %gather3A_291 = arith.constant 0 : i32
        %gather3A_292 = tpu.memref_slice %arg14[%gather3A_290, %gather3A_291] : memref<640x32xf32, #tpu.memory_space<vmem>> -> memref<128x32xf32, #tpu.memory_space<vmem>>
        %gather3A_293 = tpu.vector_load_idx %gather3A_292[%add3A_12, %and3A_272] : memref<128x32xf32, #tpu.memory_space<vmem>>[vector<16xi32>, vector<16xi32>], vector<16xf32>,
        %gather3A_294 = arith.constant 384 : i32
        %gather3A_295 = arith.constant 0 : i32
        %gather3A_296 = tpu.memref_slice %arg14[%gather3A_294, %gather3A_295] : memref<640x32xf32, #tpu.memory_space<vmem>> -> memref<128x32xf32, #tpu.memory_space<vmem>>
        %gather3A_297 = tpu.vector_load_idx %gather3A_296[%add3A_15, %and3A_272] : memref<128x32xf32, #tpu.memory_space<vmem>>[vector<16xi32>, vector<16xi32>], vector<16xf32>,
        %gather3A_298 = arith.constant 384 : i32
        %gather3A_299 = arith.constant 0 : i32
        %gather3A_300 = tpu.memref_slice %arg14[%gather3A_298, %gather3A_299] : memref<640x32xf32, #tpu.memory_space<vmem>> -> memref<128x32xf32, #tpu.memory_space<vmem>>
        %gather3A_301 = tpu.vector_load_idx %gather3A_300[%add3A_18, %and3A_272] : memref<128x32xf32, #tpu.memory_space<vmem>>[vector<16xi32>, vector<16xi32>], vector<16xf32>,
        %gather3A_302 = arith.constant 384 : i32
        %gather3A_303 = arith.constant 0 : i32
        %gather3A_304 = tpu.memref_slice %arg14[%gather3A_302, %gather3A_303] : memref<640x32xf32, #tpu.memory_space<vmem>> -> memref<128x32xf32, #tpu.memory_space<vmem>>
        %gather3A_305 = tpu.vector_load_idx %gather3A_304[%add3A_21, %and3A_272] : memref<128x32xf32, #tpu.memory_space<vmem>>[vector<16xi32>, vector<16xi32>], vector<16xf32>,
        %gather3A_306 = arith.constant 384 : i32
        %gather3A_307 = arith.constant 0 : i32
        %gather3A_308 = tpu.memref_slice %arg14[%gather3A_306, %gather3A_307] : memref<640x32xf32, #tpu.memory_space<vmem>> -> memref<128x32xf32, #tpu.memory_space<vmem>>
        %gather3A_309 = tpu.vector_load_idx %gather3A_308[%add3A_24, %and3A_272] : memref<128x32xf32, #tpu.memory_space<vmem>>[vector<16xi32>, vector<16xi32>], vector<16xf32>,
        %add3A_310 = arith.addf %gather3A_281, %gather3A : vector<16xf32>
        tpu.vector_store_idx %arg16[%broadcast_in_dim3A_241, %shift_right_arithmetic3A_274, %and3A_277, %add3A_3], %add3A_310 : memref<5x4x8x128xf32, #tpu.memory_space<vmem>>[vector<16xi32>, vector<16xi32>, vector<16xi32>, vector<16xi32>], vector<16xf32>,
        %add3A_311 = arith.addf %gather3A_285, %gather3A : vector<16xf32>
        tpu.vector_store_idx %arg16[%broadcast_in_dim3A_241, %shift_right_arithmetic3A_274, %and3A_277, %add3A_6], %add3A_311 : memref<5x4x8x128xf32, #tpu.memory_space<vmem>>[vector<16xi32>, vector<16xi32>, vector<16xi32>, vector<16xi32>], vector<16xf32>,
        %add3A_312 = arith.addf %gather3A_289, %gather3A : vector<16xf32>
        tpu.vector_store_idx %arg16[%broadcast_in_dim3A_241, %shift_right_arithmetic3A_274, %and3A_277, %add3A_9], %add3A_312 : memref<5x4x8x128xf32, #tpu.memory_space<vmem>>[vector<16xi32>, vector<16xi32>, vector<16xi32>, vector<16xi32>], vector<16xf32>,
        %add3A_313 = arith.addf %gather3A_293, %gather3A : vector<16xf32>
        tpu.vector_store_idx %arg16[%broadcast_in_dim3A_241, %shift_right_arithmetic3A_274, %and3A_277, %add3A_12], %add3A_313 : memref<5x4x8x128xf32, #tpu.memory_space<vmem>>[vector<16xi32>, vector<16xi32>, vector<16xi32>, vector<16xi32>], vector<16xf32>,
        %add3A_314 = arith.addf %gather3A_297, %gather3A : vector<16xf32>
        tpu.vector_store_idx %arg16[%broadcast_in_dim3A_241, %shift_right_arithmetic3A_274, %and3A_277, %add3A_15], %add3A_314 : memref<5x4x8x128xf32, #tpu.memory_space<vmem>>[vector<16xi32>, vector<16xi32>, vector<16xi32>, vector<16xi32>], vector<16xf32>,
        %add3A_315 = arith.addf %gather3A_301, %gather3A : vector<16xf32>
        tpu.vector_store_idx %arg16[%broadcast_in_dim3A_241, %shift_right_arithmetic3A_274, %and3A_277, %add3A_18], %add3A_315 : memref<5x4x8x128xf32, #tpu.memory_space<vmem>>[vector<16xi32>, vector<16xi32>, vector<16xi32>, vector<16xi32>], vector<16xf32>,
        %add3A_316 = arith.addf %gather3A_305, %gather3A : vector<16xf32>
        tpu.vector_store_idx %arg16[%broadcast_in_dim3A_241, %shift_right_arithmetic3A_274, %and3A_277, %add3A_21], %add3A_316 : memref<5x4x8x128xf32, #tpu.memory_space<vmem>>[vector<16xi32>, vector<16xi32>, vector<16xi32>, vector<16xi32>], vector<16xf32>,
        %add3A_317 = arith.addf %gather3A_309, %gather3A : vector<16xf32>
        tpu.vector_store_idx %arg16[%broadcast_in_dim3A_241, %shift_right_arithmetic3A_274, %and3A_277, %add3A_24], %add3A_317 : memref<5x4x8x128xf32, #tpu.memory_space<vmem>>[vector<16xi32>, vector<16xi32>, vector<16xi32>, vector<16xi32>], vector<16xf32>,
      }
      %scan3A_247 = arith.constant 32 : i32
      %broadcast_in_dim3A_248 = arith.constant 4 : i32
      %broadcast_in_dim3A_249 = vector.broadcast %broadcast_in_dim3A_248 : i32 to vector<16xi32>
      %scan3A_250 = arith.constant 0 : i32
      %scan3A_251 = arith.constant 0 : i32
      %scan3A_252 = arith.constant 32 : i32
      %scan3A_253 = arith.addi %scan3A_251, %scan3A_252 : i32
      %scan3A_254 = arith.constant 1 : i32
      scf.for %scan3A_268 = %scan3A_251 to %scan3A_253 step %scan3A_254  : i32 {
        %add3A_269 = vector.broadcast %scan3A_268 : i32 to vector<16xi32>
        %add3A_270 = arith.addi %iota3A, %add3A_269 : vector<16xi32>
        %and3A = arith.constant 31 : i32
        %and3A_271 = vector.broadcast %and3A : i32 to vector<16xi32>
        %and3A_272 = arith.andi %add3A_270, %and3A_271 : vector<16xi32>
        %shift_right_arithmetic3A = arith.constant 3 : i32
        %shift_right_arithmetic3A_273 = vector.broadcast %shift_right_arithmetic3A : i32 to vector<16xi32>
        %shift_right_arithmetic3A_274 = arith.shrsi %and3A_272, %shift_right_arithmetic3A_273 : vector<16xi32>
        %and3A_275 = arith.constant 7 : i32
        %and3A_276 = vector.broadcast %and3A_275 : i32 to vector<16xi32>
        %and3A_277 = arith.andi %and3A_272, %and3A_276 : vector<16xi32>
        %gather3A = tpu.vector_load_idx %arg12[%broadcast_in_dim3A_249, %and3A_272, %iota3A] : memref<5x32x16xf32, #tpu.memory_space<vmem>>[vector<16xi32>, vector<16xi32>, vector<16xi32>], vector<16xf32>,
        %gather3A_278 = arith.constant 512 : i32
        %gather3A_279 = arith.constant 0 : i32
        %gather3A_280 = tpu.memref_slice %arg14[%gather3A_278, %gather3A_279] : memref<640x32xf32, #tpu.memory_space<vmem>> -> memref<128x32xf32, #tpu.memory_space<vmem>>
        %gather3A_281 = tpu.vector_load_idx %gather3A_280[%add3A_3, %and3A_272] : memref<128x32xf32, #tpu.memory_space<vmem>>[vector<16xi32>, vector<16xi32>], vector<16xf32>,
        %gather3A_282 = arith.constant 512 : i32
        %gather3A_283 = arith.constant 0 : i32
        %gather3A_284 = tpu.memref_slice %arg14[%gather3A_282, %gather3A_283] : memref<640x32xf32, #tpu.memory_space<vmem>> -> memref<128x32xf32, #tpu.memory_space<vmem>>
        %gather3A_285 = tpu.vector_load_idx %gather3A_284[%add3A_6, %and3A_272] : memref<128x32xf32, #tpu.memory_space<vmem>>[vector<16xi32>, vector<16xi32>], vector<16xf32>,
        %gather3A_286 = arith.constant 512 : i32
        %gather3A_287 = arith.constant 0 : i32
        %gather3A_288 = tpu.memref_slice %arg14[%gather3A_286, %gather3A_287] : memref<640x32xf32, #tpu.memory_space<vmem>> -> memref<128x32xf32, #tpu.memory_space<vmem>>
        %gather3A_289 = tpu.vector_load_idx %gather3A_288[%add3A_9, %and3A_272] : memref<128x32xf32, #tpu.memory_space<vmem>>[vector<16xi32>, vector<16xi32>], vector<16xf32>,
        %gather3A_290 = arith.constant 512 : i32
        %gather3A_291 = arith.constant 0 : i32
        %gather3A_292 = tpu.memref_slice %arg14[%gather3A_290, %gather3A_291] : memref<640x32xf32, #tpu.memory_space<vmem>> -> memref<128x32xf32, #tpu.memory_space<vmem>>
        %gather3A_293 = tpu.vector_load_idx %gather3A_292[%add3A_12, %and3A_272] : memref<128x32xf32, #tpu.memory_space<vmem>>[vector<16xi32>, vector<16xi32>], vector<16xf32>,
        %gather3A_294 = arith.constant 512 : i32
        %gather3A_295 = arith.constant 0 : i32
        %gather3A_296 = tpu.memref_slice %arg14[%gather3A_294, %gather3A_295] : memref<640x32xf32, #tpu.memory_space<vmem>> -> memref<128x32xf32, #tpu.memory_space<vmem>>
        %gather3A_297 = tpu.vector_load_idx %gather3A_296[%add3A_15, %and3A_272] : memref<128x32xf32, #tpu.memory_space<vmem>>[vector<16xi32>, vector<16xi32>], vector<16xf32>,
        %gather3A_298 = arith.constant 512 : i32
        %gather3A_299 = arith.constant 0 : i32
        %gather3A_300 = tpu.memref_slice %arg14[%gather3A_298, %gather3A_299] : memref<640x32xf32, #tpu.memory_space<vmem>> -> memref<128x32xf32, #tpu.memory_space<vmem>>
        %gather3A_301 = tpu.vector_load_idx %gather3A_300[%add3A_18, %and3A_272] : memref<128x32xf32, #tpu.memory_space<vmem>>[vector<16xi32>, vector<16xi32>], vector<16xf32>,
        %gather3A_302 = arith.constant 512 : i32
        %gather3A_303 = arith.constant 0 : i32
        %gather3A_304 = tpu.memref_slice %arg14[%gather3A_302, %gather3A_303] : memref<640x32xf32, #tpu.memory_space<vmem>> -> memref<128x32xf32, #tpu.memory_space<vmem>>
        %gather3A_305 = tpu.vector_load_idx %gather3A_304[%add3A_21, %and3A_272] : memref<128x32xf32, #tpu.memory_space<vmem>>[vector<16xi32>, vector<16xi32>], vector<16xf32>,
        %gather3A_306 = arith.constant 512 : i32
        %gather3A_307 = arith.constant 0 : i32
        %gather3A_308 = tpu.memref_slice %arg14[%gather3A_306, %gather3A_307] : memref<640x32xf32, #tpu.memory_space<vmem>> -> memref<128x32xf32, #tpu.memory_space<vmem>>
        %gather3A_309 = tpu.vector_load_idx %gather3A_308[%add3A_24, %and3A_272] : memref<128x32xf32, #tpu.memory_space<vmem>>[vector<16xi32>, vector<16xi32>], vector<16xf32>,
        %add3A_310 = arith.addf %gather3A_281, %gather3A : vector<16xf32>
        tpu.vector_store_idx %arg16[%broadcast_in_dim3A_249, %shift_right_arithmetic3A_274, %and3A_277, %add3A_3], %add3A_310 : memref<5x4x8x128xf32, #tpu.memory_space<vmem>>[vector<16xi32>, vector<16xi32>, vector<16xi32>, vector<16xi32>], vector<16xf32>,
        %add3A_311 = arith.addf %gather3A_285, %gather3A : vector<16xf32>
        tpu.vector_store_idx %arg16[%broadcast_in_dim3A_249, %shift_right_arithmetic3A_274, %and3A_277, %add3A_6], %add3A_311 : memref<5x4x8x128xf32, #tpu.memory_space<vmem>>[vector<16xi32>, vector<16xi32>, vector<16xi32>, vector<16xi32>], vector<16xf32>,
        %add3A_312 = arith.addf %gather3A_289, %gather3A : vector<16xf32>
        tpu.vector_store_idx %arg16[%broadcast_in_dim3A_249, %shift_right_arithmetic3A_274, %and3A_277, %add3A_9], %add3A_312 : memref<5x4x8x128xf32, #tpu.memory_space<vmem>>[vector<16xi32>, vector<16xi32>, vector<16xi32>, vector<16xi32>], vector<16xf32>,
        %add3A_313 = arith.addf %gather3A_293, %gather3A : vector<16xf32>
        tpu.vector_store_idx %arg16[%broadcast_in_dim3A_249, %shift_right_arithmetic3A_274, %and3A_277, %add3A_12], %add3A_313 : memref<5x4x8x128xf32, #tpu.memory_space<vmem>>[vector<16xi32>, vector<16xi32>, vector<16xi32>, vector<16xi32>], vector<16xf32>,
        %add3A_314 = arith.addf %gather3A_297, %gather3A : vector<16xf32>
        tpu.vector_store_idx %arg16[%broadcast_in_dim3A_249, %shift_right_arithmetic3A_274, %and3A_277, %add3A_15], %add3A_314 : memref<5x4x8x128xf32, #tpu.memory_space<vmem>>[vector<16xi32>, vector<16xi32>, vector<16xi32>, vector<16xi32>], vector<16xf32>,
        %add3A_315 = arith.addf %gather3A_301, %gather3A : vector<16xf32>
        tpu.vector_store_idx %arg16[%broadcast_in_dim3A_249, %shift_right_arithmetic3A_274, %and3A_277, %add3A_18], %add3A_315 : memref<5x4x8x128xf32, #tpu.memory_space<vmem>>[vector<16xi32>, vector<16xi32>, vector<16xi32>, vector<16xi32>], vector<16xf32>,
        %add3A_316 = arith.addf %gather3A_305, %gather3A : vector<16xf32>
        tpu.vector_store_idx %arg16[%broadcast_in_dim3A_249, %shift_right_arithmetic3A_274, %and3A_277, %add3A_21], %add3A_316 : memref<5x4x8x128xf32, #tpu.memory_space<vmem>>[vector<16xi32>, vector<16xi32>, vector<16xi32>, vector<16xi32>], vector<16xf32>,
        %add3A_317 = arith.addf %gather3A_309, %gather3A : vector<16xf32>
        tpu.vector_store_idx %arg16[%broadcast_in_dim3A_249, %shift_right_arithmetic3A_274, %and3A_277, %add3A_24], %add3A_317 : memref<5x4x8x128xf32, #tpu.memory_space<vmem>>[vector<16xi32>, vector<16xi32>, vector<16xi32>, vector<16xi32>], vector<16xf32>,
      }
      %scan3A_255 = arith.constant 32 : i32
      %mul3A_256 = arith.constant 5 : i32
      %mul3A_257 = arith.muli %add3A_189, %mul3A_256 : i32
      %dma_start3A_258 = arith.constant 0 : i32
      %dma_start3A_259 = arith.constant 0 : i32
      %dma_start3A_260 = arith.constant 0 : i32
      %dma_start3A_261 = tpu.memref_slice %arg9[%mul3A_257, %dma_start3A_258, %add3A, %dma_start3A_259, %dma_start3A_260] : memref<200x4x32x8x128xf32, #tpu.memory_space<hbm>> -> memref<5x4x1x8x128xf32, #tpu.memory_space<hbm>>
      %dma_start3A_262 = tpu.memref_squeeze %dma_start3A_261 : memref<5x4x1x8x128xf32, #tpu.memory_space<hbm>> -> memref<5x4x8x128xf32, #tpu.memory_space<hbm>>
      %dma_start3A_263 = arith.constant 0 : i32
      %dma_start3A_264 = arith.constant 0 : i32
      %dma_start3A_265 = arith.constant 0 : i32
      %dma_start3A_266 = tpu.memref_slice %arg9[%mul3A_257, %dma_start3A_263, %add3A, %dma_start3A_264, %dma_start3A_265] : memref<200x4x32x8x128xf32, #tpu.memory_space<hbm>> -> memref<5x4x1x8x128xf32, #tpu.memory_space<hbm>>
      %dma_start3A_267 = tpu.memref_squeeze %dma_start3A_266 : memref<5x4x1x8x128xf32, #tpu.memory_space<hbm>> -> memref<5x4x8x128xf32, #tpu.memory_space<hbm>>
      tpu.enqueue_dma source(%arg16 : memref<5x4x8x128xf32, #tpu.memory_space<vmem>>) target(%dma_start3A_267 : memref<5x4x8x128xf32, #tpu.memory_space<hbm>>) target_semaphore(%arg20 : memref<!tpu.dma_semaphore, #tpu.memory_space<semaphore_mem>>)
    }
    %scan3A_83 = arith.constant 20 : i32
    %dma_wait3A_84 = arith.constant 0 : i32
    %dma_wait3A_85 = arith.constant 0 : i32
    %dma_wait3A_86 = arith.constant 0 : i32
    %dma_wait3A_87 = arith.constant 0 : i32
    %dma_wait3A_88 = tpu.memref_slice %arg9[%dma_wait3A_84, %dma_wait3A_85, %add3A, %dma_wait3A_86, %dma_wait3A_87] : memref<200x4x32x8x128xf32, #tpu.memory_space<hbm>> -> memref<5x4x1x8x128xf32, #tpu.memory_space<hbm>>
    %dma_wait3A_89 = tpu.memref_squeeze %dma_wait3A_88 : memref<5x4x1x8x128xf32, #tpu.memory_space<hbm>> -> memref<5x4x8x128xf32, #tpu.memory_space<hbm>>
    %dma_wait3A_90 = arith.constant 0 : i32
    %dma_wait3A_91 = arith.constant 0 : i32
    %dma_wait3A_92 = arith.constant 0 : i32
    %dma_wait3A_93 = arith.constant 0 : i32
    %dma_wait3A_94 = tpu.memref_slice %arg9[%dma_wait3A_90, %dma_wait3A_91, %add3A, %dma_wait3A_92, %dma_wait3A_93] : memref<200x4x32x8x128xf32, #tpu.memory_space<hbm>> -> memref<5x4x1x8x128xf32, #tpu.memory_space<hbm>>
    %dma_wait3A_95 = tpu.memref_squeeze %dma_wait3A_94 : memref<5x4x1x8x128xf32, #tpu.memory_space<hbm>> -> memref<5x4x8x128xf32, #tpu.memory_space<hbm>>
    tpu.wait_dma2 semaphore(%arg19 : memref<!tpu.dma_semaphore, #tpu.memory_space<semaphore_mem>>) src(%arg15 : memref<5x4x8x128xf32, #tpu.memory_space<vmem>>) dst(%dma_wait3A_95 : memref<5x4x8x128xf32, #tpu.memory_space<hbm>>)
    %dma_wait3A_96 = arith.constant 0 : i32
    %dma_wait3A_97 = arith.constant 0 : i32
    %dma_wait3A_98 = arith.constant 0 : i32
    %dma_wait3A_99 = arith.constant 0 : i32
    %dma_wait3A_100 = tpu.memref_slice %arg9[%dma_wait3A_96, %dma_wait3A_97, %add3A, %dma_wait3A_98, %dma_wait3A_99] : memref<200x4x32x8x128xf32, #tpu.memory_space<hbm>> -> memref<5x4x1x8x128xf32, #tpu.memory_space<hbm>>
    %dma_wait3A_101 = tpu.memref_squeeze %dma_wait3A_100 : memref<5x4x1x8x128xf32, #tpu.memory_space<hbm>> -> memref<5x4x8x128xf32, #tpu.memory_space<hbm>>
    %dma_wait3A_102 = arith.constant 0 : i32
    %dma_wait3A_103 = arith.constant 0 : i32
    %dma_wait3A_104 = arith.constant 0 : i32
    %dma_wait3A_105 = arith.constant 0 : i32
    %dma_wait3A_106 = tpu.memref_slice %arg9[%dma_wait3A_102, %dma_wait3A_103, %add3A, %dma_wait3A_104, %dma_wait3A_105] : memref<200x4x32x8x128xf32, #tpu.memory_space<hbm>> -> memref<5x4x1x8x128xf32, #tpu.memory_space<hbm>>
    %dma_wait3A_107 = tpu.memref_squeeze %dma_wait3A_106 : memref<5x4x1x8x128xf32, #tpu.memory_space<hbm>> -> memref<5x4x8x128xf32, #tpu.memory_space<hbm>>
    tpu.wait_dma2 semaphore(%arg20 : memref<!tpu.dma_semaphore, #tpu.memory_space<semaphore_mem>>) src(%arg16 : memref<5x4x8x128xf32, #tpu.memory_space<vmem>>) dst(%dma_wait3A_107 : memref<5x4x8x128xf32, #tpu.memory_space<hbm>>)
    return
  }
}

</mosaic_0001>

<sc_bundles>
// kernel: kernel.3.cloned.1.call-start
scs
__scs_entry_jumppad:
0x0: {  	(pc) =	sbr.rel $0x88, $3  }
0x1: {  	(tag) =	ssettag $0x0;
	lr =	simm.s32 $0x1  }
0x2: {  	[smem:$0x3F9B] =	sst lr;
	_ =	strace $0xD0000000  }
0x3: {  	_ = 	snop  }
0x4: {  	_ = 	snop  }
0x5: {  	_ = 	snop  }
0x6: {  	_ = 	snop  }
0x7: {  	_ = 	snop  }
__scs_overlays_trampoline_lowered:
0x8: {  	[smem:$0x3FAA] =	sst s0  }
0x9: {  	[smem:$0x3FAB] =	sst s1  }
0xa: {  	[smem:$0x3FAC] =	sst s2  }
0xb: {  	[smem:$0x3FAD] =	sst s3  }
0xc: {  	[smem:$0x3FAE] =	sst s4  }
0xd: {  	[smem:$0x3FAF] =	sst s5  }
0xe: {  	[smem:$0x3FB0] =	sst s6  }
0xf: {  	[smem:$0x3FB1] =	sst s7  }
0x10: {  	[smem:$0x3FB2] =	sst s8  }
0x11: {  	[smem:$0x3FB3] =	sst s9;
	s0 =	simm.s32 @!p0 $0x0  }
0x12: {  	s1 =	sld [smem:$0x3F99];
	s0 =	simm.s32 @p0 $0x1  }
0x13: {  	[smem:$0x3FB4] =	sst s0;
	s0 =	simm.s32 @!p1 $0x0  }
0x14: {  	s2 =	sld [smem:$0x3F98];
	s0 =	simm.s32 @p1 $0x1  }
0x15: {  	[smem:$0x3FB5] =	sst s0;
	s0 =	simm.s32 @!p2 $0x0  }
0x16: {  	s3 =	sld [smem:$0x3FDB];
	s0 =	simm.s32 @p2 $0x1  }
0x17: {  	s4 =	simm.s32 $0x1BF5;
	[smem:$0x3FB7] =	sst s0  }
0x18: {  	s0 =	sld [smem:$0x3F9A];
	_ =	swait.ge [sflag:s4], $0x0  }
0x19: {  	s7 =	sld [smem:$0x3F9B]  }
0x1a: {  	s8 =	sadd.s32 $0xFFFFE003, lr  }
0x1b: {  	s9 =	sadd.s32 $0xFFFFFEF7, lr;
	s5 =	simm.s32 $0xFFFFFFFF;
	p2 =	slt.u32 s8, $0xFFFFF086  }
0x1c: {  	p1 =	slt.u32 s9, $0xF7A;
	s5 =	simm.s32 @!p2 $0x0  }
0x1d: {  	s5 =	simm.s32 @p1 $0x1;
	p0 =	seq.s32 s7, s2  }
0x1e: {  	s7 =	smul.u32 @!p0 $0xF7A, s2;
	p2 =	seq.s32 @!p0 s5, $0x0  }
0x1f: {  	s9 =	smul.u32 $0xF7A, s1;
	s8 =	simm.s32 @!p0 $0x1BF5;
	p2 =	por !p2, p0  }
0x20: {  	[sflag:s8] =	ssyncset.s32 @!p0 $0xFFFFF086;
	s6 =	sadd.s32 @!p0 s3, s7;
	s7 =	simm.s32 @!p0 $0x108  }
0x21: {  	s3 =	sadd.s32 s3, s9;
	s6 =	sadd.s32 @!p0 $0x88, s6;
	s7 =	simm.s32 @p2 $0x1082  }
0x22: {  	[simem:s7], [sflag:s8] =	dma.local @!p0 [hbm:s6], $0xF7A  }
0x23: {  	s9 =	sor.u32 $0xD0000000, s2;
	s6 =	simm.s32 $0x108;
	_ =	swait.ge @!p0 [sflag:s8], $0x0  }
0x24: {  	s3 =	sadd.s32 $0x88, s3;
	s6 =	simm.s32 @!p1 $0x1082;
	[sflag:s4] =	ssyncset.s32 $0xFFFFF086  }
0x25: {  	[simem:s6], [sflag:s4] =	dma.local [hbm:s3], $0xF7A  }
0x26: {  	[smem:$0x3F9B] =	sst s1;
	(tag) =	ssettag s2;
	_ =	strace s9  }
0x27: {  	s1 =	sld [smem:$0x3FAB]  }
0x28: {  	s2 =	sld [smem:$0x3FAC]  }
0x29: {  	s4 =	sld [smem:$0x3FAE]  }
0x2a: {  	p0 =	seq.s32 s5, $0x0;
	s5 =	sld [smem:$0x3FAF]  }
0x2b: {  	s6 =	sld [smem:$0x3FB0]  }
0x2c: {  	s7 =	sld [smem:$0x3FB1]  }
0x2d: {  	s3 =	simm.s32 $0x108;
	s8 =	sld [smem:$0x3FB2]  }
0x2e: {  	s3 =	simm.s32 @!p0 $0x1082;
	s9 =	sld [smem:$0x3FB3]  }
0x2f: {  	lr =	sadd.s32 s0, s3;
	s0 =	sld [smem:$0x3FAA]  }
0x30: {  	s3 =	sld [smem:$0x3FAD]  }
0x31: {  	[smem:$0x3FB6] =	sst s10  }
0x32: {  	s10 =	sld [smem:$0x3FB4];
	_ =	sdelay $0x3  }
0x33: {  	p0 =	seq.s32 s10, $0x1;
	s10 =	sld [smem:$0x3FB6];
	_ =	sdelay $0x3  }
0x34: {  	[smem:$0x3FB6] =	sst s10  }
0x35: {  	s10 =	sld [smem:$0x3FB5];
	_ =	sdelay $0x3  }
0x36: {  	p1 =	seq.s32 s10, $0x1;
	s10 =	sld [smem:$0x3FB6];
	_ =	sdelay $0x3  }
0x37: {  	[smem:$0x3FB6] =	sst s10  }
0x38: {  	s10 =	sld [smem:$0x3FB7]  }
0x39: {  	_ = 	snop;
	(pc) =	sbr.ind lr, $3  }
0x3a: {  	_ = 	snop  }
0x3b: {  	_ = 	snop  }
0x3c: {  	p2 =	seq.s32 s10, $0x1;
	s10 =	sld [smem:$0x3FB6]  }
0x3d: {  	_ =	shalt  }
0x3e: {  	_ =	shalt  }
0x3f: {  	_ =	shalt  }
0x40: {  	_ =	shalt  }
0x41: {  	_ =	shalt  }
0x42: {  	_ =	shalt  }
0x43: {  	_ =	shalt  }
0x44: {  	_ =	shalt  }
0x45: {  	_ =	shalt  }
0x46: {  	_ =	shalt  }
0x47: {  	_ =	shalt  }
0x48: {  	_ =	shalt  }
0x49: {  	_ =	shalt  }
0x4a: {  	_ =	shalt  }
0x4b: {  	_ =	shalt  }
0x4c: {  	_ =	shalt  }
0x4d: {  	_ =	shalt  }
0x4e: {  	_ =	shalt  }
0x4f: {  	_ =	shalt  }
0x50: {  	_ =	shalt  }
0x51: {  	_ =	shalt  }
0x52: {  	_ =	shalt  }
0x53: {  	_ =	shalt  }
0x54: {  	_ =	shalt  }
0x55: {  	_ =	shalt  }
0x56: {  	_ =	shalt  }
0x57: {  	_ =	shalt  }
0x58: {  	_ =	shalt  }
0x59: {  	_ =	shalt  }
0x5a: {  	_ =	shalt  }
0x5b: {  	_ =	shalt  }
0x5c: {  	_ =	shalt  }
0x5d: {  	_ =	shalt  }
0x5e: {  	_ =	shalt  }
0x5f: {  	_ =	shalt  }
0x60: {  	_ =	shalt  }
0x61: {  	_ =	shalt  }
0x62: {  	_ =	shalt  }
0x63: {  	_ =	shalt  }
0x64: {  	_ =	shalt  }
0x65: {  	_ =	shalt  }
0x66: {  	_ =	shalt  }
0x67: {  	_ =	shalt  }
0x68: {  	_ =	shalt  }
0x69: {  	_ =	shalt  }
0x6a: {  	_ =	shalt  }
0x6b: {  	_ =	shalt  }
0x6c: {  	_ =	shalt  }
0x6d: {  	_ =	shalt  }
0x6e: {  	_ =	shalt  }
0x6f: {  	_ =	shalt  }
0x70: {  	_ =	shalt  }
0x71: {  	_ =	shalt  }
0x72: {  	_ =	shalt  }
0x73: {  	_ =	shalt  }
0x74: {  	_ =	shalt  }
0x75: {  	_ =	shalt  }
0x76: {  	_ =	shalt  }
0x77: {  	_ =	shalt  }
0x78: {  	_ =	shalt  }
0x79: {  	_ =	shalt  }
0x7a: {  	_ =	shalt  }
0x7b: {  	_ =	shalt  }
0x7c: {  	_ =	shalt  }
0x7d: {  	_ =	shalt  }
0x7e: {  	_ =	shalt  }
0x7f: {  	_ =	shalt  }
0x80: {  	_ =	shalt  }
0x81: {  	_ =	shalt  }
0x82: {  	_ =	shalt  }
0x83: {  	_ =	shalt  }
0x84: {  	_ =	shalt  }
0x85: {  	_ =	shalt  }
0x86: {  	_ =	shalt  }
0x87: {  	_ =	shalt  }
.Lfunc_end0:
.L_simem_size_0:
called_computation_lowered:
.L_overlay_start_0:
0x88: {  	s2 =	sld [smem:$0x3FD9]  }
0x89: {  	s3 =	sld [smem:$0x3FFE];
	_ =	sdelay $0x1  }
0x8a: {  	s1 =	srdreg.scid  }
0x8b: {  	s0 =	sand.u32 $0x1, s1  }
0x8c: {  	s14 =	sshll.u32 s0, $0xA;
	s2 =	sadd.s32 s3, s2  }
0x8d: {  	s2 =	sadd.s32 s2, s14  }
0x8e: {  	[smem:$0x3FC2] =	sst s2  }
0x8f: {  	_ = 	snop  }
0x90: {  	s2 =	sld [smem:$0x3FD0];
	_ =	sdelay $0x2  }
0x91: {  	s15 =	simm.s32 $0xA;
	s4 =	simm.s32 $0x10  }
0x92: {  	[smem:s4], [sflag:s15] =	dma.local [hbm:s2], $0x1  }
0x93: {  	_ =	swait.eq [sflag:s15], $0x1  }
0x94: {  	[sflag:s15] =	ssyncset.done $0x0  }
0x95: {  	s16 =	sld [smem:$0x10];
	[sflag:s15] =	ssyncadd.s32 $0xFFFFFFFF  }
0x96: {  	s17 =	sld [smem:$0x11];
	(tm) =	ssettm $0x1  }
0x97: {  	s18 =	sld [smem:$0x3FFB];
	_ =	sdelay $0x3  }
0x98: {  	_ =	strace s18  }
0x99: {  	s4 =	sld [smem:$0x3FFC];
	_ =	sdelay $0x3  }
0x9a: {  	_ =	strace s4  }
0x9b: {  	s4 =	sld [smem:$0x3FFD];
	_ =	sdelay $0x3  }
0x9c: {  	_ =	strace s4  }
0x9d: {  	_ =	strace $0x8FFFFFFF  }
0x9e: {  	s19 =	sld [smem:$0x3FDB];
	_ =	sdelay $0x1  }
0x9f: {  	s5 =	simm.s32 $_scs_section_size  }
0xa0: {  	s6 =	simm.s32 $_size__tile_overlayer_lowered;
	s7 =	simm.s32 $_tile_overlayer_lowered  }
0xa1: {  	s22 =	simm.s32 $0x1BFF;
	s21 =	sshll.u32 s7, $0x1;
	s4 =	sadd.s32 s5, s19  }
0xa2: {  	s8 =	simm.s32 $0x0;
	s20 =	sshll.u32 s6, $0x1;
	s6 =	sadd.s32 s21, s4  }
0xa3: {  	[timem:s8], [sflag:s22] =	dma.local [hbm:s6], s20  }
0xa4: {  	_ =	swait.ge [sflag:s22], s20  }
0xa5: {  	s5 =	ssub.s32 $0x0, s20;
	[sflag:s22] =	ssyncset.done $0x0  }
0xa6: {  	[sflag:s22] =	ssyncadd.s32 s5;
	_ =	sdelay $0x1  }
0xa7: {  	s23 =	simm.s32 $0x1B8B  }
0xa8: {  	_ =	swait.ge [sflag:s23], $0x1  }
0xa9: {  	[sflag:s23] =	ssyncset.done $0x0  }
0xaa: {  	s25 =	simm.s32 $0x1B8E;
	s24 =	sld [smem:$0x3FFE];
	[sflag:s23] =	ssyncadd.s32 $0xFFFFFFFF  }
0xab: {  	s26 =	simm.s32 $execute0_lowered;
	[smem:$0x3FD2] =	sst s25  }
0xac: {  	s6 =	sshll.u32 s26, $0x1;
	_ =	strace $0x80000046;
	[dreg:$0x1] =	wrdreg $0xFFFFFFFF  }
0xad: {  	s28 =	simm.s32 $_size_execute0_lowered;
	s4 =	sadd.s32 s4, s6;
	[dreg:$0x0] =	wrdreg $0x0  }
0xae: {  	s6 =	sshll.u32 s28, $0x1;
	[dreg:$0x2] =	wrdreg s4  }
0xaf: {  	[dreg:$0x3] =	wrdreg s6  }
0xb0: {  	[dreg:$0x4] =	wrdreg $0xC0  }
0xb1: {  	_ =	task [dreg:s8], $0x5FFFF  }
0xb2: {  	[dreg:$0x1] =	wrdreg $0xFFFFFFFF  }
0xb3: {  	[dreg:$0x0] =	wrdreg $0x60  }
0xb4: {  	[dreg:$0x2] =	wrdreg s24  }
0xb5: {  	[dreg:$0x3] =	wrdreg s16  }
0xb6: {  	[dreg:$0x4] =	wrdreg s17  }
0xb7: {  	[dreg:$0x5] =	wrdreg $0x9  }
0xb8: {  	_ =	task.clear_ibuf [dreg:s8], $0x6FFFF;
	_ =	strace $0x90000046  }
0xb9: {  	s29 =	simm.s32 $0x9;
	_ =	strace $0x80000048  }
0xba: {  	_ =	swait.ge [sflag:s29], $0x1  }
0xbb: {  	[sflag:s29] =	ssyncadd.s32 $0xFFFFFFFF  }
0xbc: {  	_ =	strace $0x90000048  }
0xbd: {  	_ =	sfence  }
0xbe: {  	s30 =	sld [smem:$0x0];
	_ =	sdelay $0x2  }
0xbf: {  	s31 =	sshll.u32 s1, $0xD;
	s1 =	sshrl.u32 s1, $0x2  }
0xc0: {  	s3 =	sand.u32 $0x4000, s31;
	s1 =	sadd.s32 s1, s30  }
0xc1: {  	s0 =	sor.u32 s3, s0;
	s1 =	sshll.u32 s1, $0x11  }
0xc2: {  	s0 =	sor.u32 s1, s0  }
0xc3: {  	s0 =	sadd.s32 $0x8F2B, s0  }
0xc4: {  	[sflag:s0] =	ssyncadd.remote.s32 $0x1  }
0xc5: {  	_ =	sfence.sel $0xFFFF  }
0xc6: {  	[dreg:$0x0] =	wrdreg $0xFFFFFFFF;
	(pc) =	sbr.abs _section_cstart, $3  }
0xc7: {  	[dreg:$0x1] =	wrdreg $0xFFFFFFFF  }
0xc8: {  	_ =	task.clear_ibuf [dreg:s8], $0x2FFFF;
	_ =	strace $0x9FFFFFFF  }
0xc9: {  	(tm) =	ssettm $0x7FFFFFFF  }
tec
execute0_lowered:
.L_overlay_start_1:
0x0: {  	(tag) =	ssettag $0x1  }
0x1: {  	v0 =	vlaneseq.u32  }
0x2: {  	v9 =	vor.u32 $0x20, v0  }
0x3: {  	s0 =	rddreg [dreg:$0x0];
	s4 =	simm.s32 $0x0;
	[tilespmem:$0x1FE60] =	vst v9;
	v9 =	vor.u32 $0x70, v0  }
0x4: {  	[smem:$0x7FF] =	sst s4;
	[tilespmem:$0x1FE70] =	vst v9;
	v9 =	vor.u32 $0x1000, v0  }
0x5: {  	s14 =	rddreg [dreg:$0x1];
	v63 =	vor.u32 $0x10, v0;
	_ =	strace $0x80000047;
	[tilespmem:$0x1FE80] =	vst v9  }
0x6: {  	v24 =	vor.u32 $0x30, v0;
	[tilespmem:$0x1FF40] =	vst v63  }
0x7: {  	v31 =	vor.u32 $0x50, v0;
	[tilespmem:$0x1FF50] =	vst v24  }
0x8: {  	v30 =	vor.u32 $0x200, v0;
	[tilespmem:$0x1FF60] =	vst v31  }
0x9: {  	v27 =	vor.u32 $0x40, v0;
	[tilespmem:$0x1FF70] =	vst v30  }
0xa: {  	v29 =	vor.u32 $0x60, v0;
	[tilespmem:$0x1FF80] =	vst v27  }
0xb: {  	v32 =	vor.u32 $0x1050, v0;
	[tilespmem:$0x1FF90] =	vst v29  }
0xc: {  	v25 =	vor.u32 $0x400, v0;
	[tilespmem:$0x1FFA0] =	vst v32  }
0xd: {  	v26 =	vor.u32 $0x2000, v0;
	[tilespmem:$0x1FFB0] =	vst v25  }
0xe: {  	v28 =	vor.u32 $0x2010, v0;
	[tilespmem:$0x1FFC0] =	vst v26  }
0xf: {  	s1 =	srdreg.scid;
	v34 =	vor.u32 $0x2070, v0;
	[tilespmem:$0x1FFD0] =	vst v28  }
0x10: {  	s15 =	simm.s32 $0x7800;
	s16 =	simm.s32 $0x6400;
	s17 =	simm.s32 $0xC800;
	v33 =	vor.u32 $0x600, v0;
	[tilespmem:$0x1FFE0] =	vst v34  }
0x11: {  	s2 =	stileid.u32;
	s18 =	simm.s32 $0x6E00;
	s20 =	simm.s32 $0x11800;
	v1 =	vmul.u32 $0x20, v0;
	v35 =	vor.u32 $0x3000, v0;
	v9 =	vor.u32 $0x1010, v0;
	[tilespmem:$0x1FFF0] =	vst v33  }
0x12: {  	s19 =	simm.s32 $0x1;
	s21 =	simm.s32 $0x8800;
	s22 =	simm.s32 $0x9800;
	v36 =	vor.u32 $0x3010, v0;
	v37 =	vor.u32 $0x3020, v0;
	[tilespmem:$0x1FE90] =	vst v9;
	v9 =	vor.u32 $0x1020, v0  }
0x13: {  	s23 =	simm.s32 $0xA800;
	s28 =	simm.s32 $0x2;
	s29 =	simm.s32 $0x16800;
	v38 =	vor.u32 $0x3030, v0;
	v39 =	vor.u32 $0x3040, v0;
	[tilespmem:$0x1FEA0] =	vst v9;
	v9 =	vor.u32 $0x1030, v0  }
0x14: {  	s30 =	simm.s32 $0xD800;
	s1 =	sand.u32 $0x1, s1;
	s2 =	sshll.u32 s2, $0x1;
	v40 =	vor.u32 $0x3050, v0;
	v41 =	vor.u32 $0x3060, v0;
	[tilespmem:$0x1FEB0] =	vst v9;
	v9 =	vor.u32 $0x1040, v0  }
0x15: {  	s31 =	simm.s32 $0xE800;
	v42 =	vor.u32 $0x3070, v0;
	v43 =	vor.u32 $0x800, v0;
	s2 =	sor.u32 s1, s2;
	s1 =	ssub.s32 $0x2, s1;
	[tilespmem:$0x1FEC0] =	vst v9;
	v9 =	vor.u32 $0x1060, v0  }
0x16: {  	s6 =	sadd.s32 $0x9CE00, s0;
	v44 =	vor.u32 $0x4000, v0;
	v45 =	vor.u32 $0x4010, v0;
	s5 =	smul.u32 $0xC80, s2;
	s10 =	sshrl.u32 s1, $0x1;
	[tilespmem:$0x1FED0] =	vst v9;
	v9 =	vor.u32 $0x1070, v0  }
0x17: {  	s7 =	sadd.s32 $0x2E00, s0;
	s8 =	sadd.s32 $0x6000, s0;
	v46 =	vor.u32 $0x4020, v0;
	v47 =	vor.u32 $0x4030, v0;
	s24 =	ssub.s32 s1, s10;
	[tilespmem:$0x1FEE0] =	vst v9;
	v9 =	vor.u32 $0x2020, v0  }
0x18: {  	v48 =	vor.u32 $0x4040, v0;
	v49 =	vor.u32 $0x4050, v0;
	s10 =	sshll.u32 s2, $0xA;
	s2 =	simm.s32 $0xF800;
	s9 =	sadd.s32 s5, s0;
	[tilespmem:$0x1FEF0] =	vst v9;
	v9 =	vor.u32 $0x2030, v0  }
0x19: {  	v50 =	vor.u32 $0x4060, v0;
	v51 =	vor.u32 $0x4070, v0;
	s5 =	sadd.s32 $0x3B200, s0;
	s0 =	smax.u32 s24, $0x1;
	s24 =	simm.s32 $0xB800;
	[tilespmem:$0x1FF00] =	vst v9;
	v9 =	vor.u32 $0x2040, v0  }
0x1a: {  	v2 =	vor.u32 $0x200, v1;
	v3 =	vor.u32 $0x400, v1;
	s25 =	sadd.s32 $0x9200, s9;
	s26 =	sadd.s32 $0x22200, s9;
	[dreg:$0x6] =	wrdreg s0;
	[tilespmem:$0x1FF10] =	vst v9;
	v9 =	vor.u32 $0x2050, v0  }
0x1b: {  	v4 =	vor.u32 $0x600, v1;
	v5 =	vor.u32 $0x800, v1;
	s0 =	simm.s32 $0x10800;
	s9 =	simm.s32 $0x0;
	[dreg:$0x4] =	wrdreg s25;
	[tilespmem:$0x1FF20] =	vst v9;
	v9 =	vor.u32 $0x2060, v0  }
0x1c: {  	v6 =	vor.u32 $0xA00, v1;
	v7 =	vor.u32 $0xC00, v1;
	v8 =	vor.u32 $0xE00, v1;
	[dreg:$0x5] =	wrdreg s26;
	s25 =	simm.s32 $0x400;
	s26 =	simm.s32 $0x8000;
	[tilespmem:$0x1FF30] =	vst v9  }
.LBB2_1:
0x1d: {  	[dreg:$0x7] =	wrdreg s9  }
0x1e: {  	s1 =	rddreg [dreg:$0x4];
	s12 =	simm.s32 $0x5  }
0x1f: {  	[tilespmem:s4], [sflag:$0x5] =	stream.linear.gather [hbm4b:s1+s4], $0x6400, $0x38;
	[tilespmem:$0x1B800] =	vst v63  }
0x20: {  	_ =	swait.ge [sflag:s12], $0x6400  }
0x21: {  	[sflag:s12] =	ssyncset.done $0x0  }
0x22: {  	s13 =	simm.s32 $0x280;
	[sflag:s12] =	ssyncadd.s32 $0xFFFF9C00  }
0x23: {  	[tilespmem:s15], [sflag:$0x1] =	stream.indirect.gather [hbm4b:s5+s13], $0x20, s4, s13, $0xb8;
	[tilespmem:$0x1B800] =	vst v63  }
0x24: {  	s9 =	simm.s32 $0x0  }
0x25: {  	v25 =	vld [tilespmem:$0x1FE70];
	[tilespmem:s16], [sflag:$0x1] =	stream.linear.gather [hbm4b:s7+s4], $0xA00, $0x38  }
.LBB2_2:
0x26: {  	s11 =	sshllo.u32 s9, $0x1  }
0x27: {  	s1 =	smul.u32 $0xA00, s11;
	_ =	sdelay $0x1  }
0x28: {  	s3 =	simm.s32 $0x280;
	s12 =	smul.u32 $0x140, s11;
	s1 =	sshra.s32 s1, $0x2  }
0x29: {  	[tilespmem:s17], [sflag:$0x2] =	stream.indirect.gather [hbm4b:s5+s3], $0x20, s1, s3, $0xb8;
	[tilespmem:$0x1B800] =	vst v63  }
0x2a: {  	s3 =	sadd.s32 s7, s12  }
0x2b: {  	[tilespmem:s18], [sflag:$0x2] =	stream.linear.gather [hbm4b:s3+s4], $0xA00, $0x38;
	[tilespmem:$0x1B800] =	vst v63  }
0x2c: {  	_ =	swait.ge [sflag:s19], $0x5000  }
0x2d: {  	s12 =	simm.s32 $0x0;
	[sflag:s19] =	ssyncset.done $0x0  }
0x2e: {  	v9 =	vadd.s32 s12, v0;
	[sflag:s19] =	ssyncadd.s32 $0xFFFFB000  }
0x2f: {  	v33 =	vshll.u32 v9, $0x4;
	v10 =	vand.u32 $0x1F, v9;
	_ =	swait.ge [sflag:s19], $0xA00  }
0x30: {  	p0 =	seq.s32 s9, $0x0;
	v11 =	vand.u32 $0x1F0, v33;
	v32 =	vor.u32 v1, v10;
	[sflag:s19] =	ssyncset.done $0x0  }
0x31: {  	s1 =	simm.s32 @!p0 $0x3;
	v11 =	vor.u32 v0, v11;
	[sflag:s19] =	ssyncadd.s32 $0xFFFFF600  }
0x32: {  	v52 =	vshll.u32 v9, $0x7;
	v34 =	vor.u32 v2, v10;
	_ =	swait.ge @!p0 [sflag:s1], $0x5000  }
0x33: {  	v30 =	vmov v25;
	v13 =	vor.u32 v5, v10;
	v14 =	vand.u32 $0xF80, v52;
	[sflag:s1] =	ssyncset.done @!p0 $0x0;
	v26 =	vld [tilespmem:$0x1FE60]  }
0x34: {  	v16 =	vor.u32 v3, v10;
	v57 =	vor.u32 v25, v14;
	v9 =	vor.u32 v24, v14;
	v25 =	vmovc v24;
	v24 =	vld [tilespmem:$0x1FF40];
	[sflag:s1] =	ssyncadd.s32 @!p0 $0xFFFFB000  }
0x35: {  	v15 =	vor.u32 v4, v10;
	v12 =	vld.idx.msk [tilespmem:v32+s15+$0x0], $0xffff  }
0x36: {  	v17 =	vor.u32 v6, v10;
	v56 =	vld.idx.msk [tilespmem:v11+s16+$0x0], $0xffff  }
0x37: {  	v18 =	vor.u32 v7, v10;
	[tilespmem:$0x1FDF0] =	vst v13;
	v20 =	vld.idx.msk [tilespmem:v34+s15+$0x0], $0xffff  }
0x38: {  	v10 =	vor.u32 v8, v10;
	[tilespmem:$0x1FE00] =	vst v16;
	v62 =	vld.idx.msk [tilespmem:v13+s15+$0x0], $0xffff  }
0x39: {  	s13 =	simm.s32 $0x1;
	v28 =	vmov v31;
	v58 =	vor.u32 v31, v14;
	v31 =	vmov v10;
	[tilespmem:$0x1FE10] =	vst v15;
	v13 =	vld.idx.msk [tilespmem:v16+s15+$0x0], $0xffff  }
0x3a: {  	v55 =	vor.u32 v29, v14;
	v21 =	vor.u32 v0, v14;
	[tilespmem:$0x1FE30] =	vst v17;
	v11 =	vadd.s32 s13, v0;
	v15 =	vld.idx.msk [tilespmem:v15+s15+$0x0], $0xffff  }
0x3b: {  	v63 =	vor.u32 v27, v14;
	[tilespmem:$0x1FE50] =	vst v18;
	v17 =	vld.idx.msk [tilespmem:v17+s15+$0x0], $0xffff;
	v10 =	vshll.u32 v11, $0x4;
	v59 =	vand.u32 $0x1F, v11  }
0x3c: {  	v18 =	vld.idx.msk [tilespmem:v18+s15+$0x0], $0xffff;
	[tilespmem:$0x1FE20] =	vst v11;
	v53 =	vshll.u32 v11, $0x7;
	v11 =	vand.u32 $0x1F0, v10;
	v16 =	vor.u32 v24, v14  }
0x3d: {  	[tilespmem:$0x1FE40] =	vst v10;
	v10 =	vor.u32 v1, v59;
	v14 =	vor.u32 v26, v14;
	v22 =	vadd.f32 v12, v56  }
0x3e: {  	v19 =	vld.idx.msk [tilespmem:v31+s15+$0x0], $0xffff;
	v61 =	vor.u32 v3, v59;
	v54 =	vor.u32 v4, v59;
	v11 =	vor.u32 v0, v11  }
0x3f: {  	s12 =	sshll.u32 s9, $0x1;
	s13 =	simm.s32 $0x2;
	v60 =	vand.u32 $0xF80, v53;
	v20 =	vadd.f32 v20, v56;
	v12 =	vor.u32 v5, v59;
	[tilespmem:v21+s20+$0x0] =	vst.idx.msk $0xffff, v22  }
.LBB2_3:
0x40: {  	p1 =	sne.s32 s13, $0x1F;
	v21 =	vor.u32 v6, v59;
	v22 =	vor.u32 v7, v59;
	v13 =	vadd.f32 v13, v56;
	s1 =	smov.u32 s13;
	s13 =	sadd.s32 $0x1, s13  }
0x41: {  	v15 =	vadd.f32 v15, v56;
	[tilespmem:v16+s20+$0x0] =	vst.idx.msk $0xffff, v20;
	v16 =	vadd.f32 v62, v56  }
0x42: {  	v20 =	vor.u32 v29, v60;
	[tilespmem:v14+s20+$0x0] =	vst.idx.msk $0xffff, v13;
	v13 =	vadd.f32 v17, v56  }
0x43: {  	[tilespmem:v9+s20+$0x0] =	vst.idx.msk $0xffff, v15;
	v9 =	vadd.f32 v18, v56  }
0x44: {  	v14 =	vadd.f32 v19, v56;
	[tilespmem:v63+s20+$0x0] =	vst.idx.msk $0xffff, v16  }
0x45: {  	v15 =	vor.u32 v2, v59;
	[tilespmem:v58+s20+$0x0] =	vst.idx.msk $0xffff, v13  }
0x46: {  	[tilespmem:v55+s20+$0x0] =	vst.idx.msk $0xffff, v9;
	v55 =	vmov v20  }
0x47: {  	[tilespmem:v57+s20+$0x0] =	vst.idx.msk $0xffff, v14  }
0x48: {  	v19 =	vld.idx.msk [tilespmem:v10+s15+$0x0], $0xffff  }
0x49: {  	v56 =	vld.idx.msk [tilespmem:v11+s16+$0x0], $0xffff  }
0x4a: {  	v20 =	vld.idx.msk [tilespmem:v15+s15+$0x0], $0xffff  }
0x4b: {  	v58 =	vor.u32 v28, v60;
	v57 =	vor.u32 v30, v60;
	v62 =	vld.idx.msk [tilespmem:v12+s15+$0x0], $0xffff;
	v12 =	vor.u32 v8, v59  }
0x4c: {  	v23 =	vor.u32 v0, v60;
	v63 =	vor.u32 v27, v60;
	v9 =	vor.u32 v25, v60;
	v13 =	vld.idx.msk [tilespmem:v61+s15+$0x0], $0xffff  }
.Ltmp0:
0x4d: {  	v16 =	vor.u32 v24, v60;
	v14 =	vor.u32 v26, v60;
	v10 =	vadd.s32 s1, v0;
	v15 =	vld.idx.msk [tilespmem:v54+s15+$0x0], $0xffff;
	(pc) =	sbr.rel @p1 .LBB2_3-.Ltmp0, $4  }
0x4e: {  	v11 =	vshll.u32 v10, $0x4;
	v60 =	vshll.u32 v10, $0x7;
	v59 =	vand.u32 $0x1F, v10;
	v17 =	vld.idx.msk [tilespmem:v21+s15+$0x0], $0xffff  }
0x4f: {  	v11 =	vand.u32 $0x1F0, v11;
	v10 =	vor.u32 v1, v59;
	v21 =	vadd.f32 v19, v56;
	v18 =	vld.idx.msk [tilespmem:v22+s15+$0x0], $0xffff  }
0x50: {  	v11 =	vor.u32 v0, v11;
	v61 =	vor.u32 v3, v59;
	v20 =	vadd.f32 v20, v56;
	v19 =	vld.idx.msk [tilespmem:v12+s15+$0x0], $0xffff  }
0x51: {  	v60 =	vand.u32 $0xF80, v60;
	v54 =	vor.u32 v4, v59;
	v12 =	vor.u32 v5, v59;
	[tilespmem:v23+s20+$0x0] =	vst.idx.msk $0xffff, v21  }
0x52: {  	_ =	sdelay $0x2  }
0x53: {  	v13 =	vadd.f32 v13, v56  }
0x54: {  	[tilespmem:v16+s20+$0x0] =	vst.idx.msk $0xffff, v20;
	v15 =	vadd.f32 v15, v56  }
0x55: {  	v16 =	vadd.f32 v62, v56;
	[tilespmem:v14+s20+$0x0] =	vst.idx.msk $0xffff, v13  }
0x56: {  	v13 =	vadd.f32 v17, v56;
	[tilespmem:v9+s20+$0x0] =	vst.idx.msk $0xffff, v15  }
0x57: {  	v9 =	vadd.f32 v18, v56;
	[tilespmem:v63+s20+$0x0] =	vst.idx.msk $0xffff, v16  }
0x58: {  	v14 =	vadd.f32 v19, v56;
	v15 =	vor.u32 v2, v59;
	[tilespmem:v58+s20+$0x0] =	vst.idx.msk $0xffff, v13  }
0x59: {  	[tilespmem:v55+s20+$0x0] =	vst.idx.msk $0xffff, v9  }
0x5a: {  	v21 =	vor.u32 v25, v60;
	v25 =	vld [tilespmem:$0x1FF70];
	[tilespmem:v57+s20+$0x0] =	vst.idx.msk $0xffff, v14  }
0x5b: {  	v9 =	vld.idx.msk [tilespmem:v10+s15+$0x0], $0xffff  }
0x5c: {  	v13 =	vor.u32 v7, v59;
	v11 =	vld.idx.msk [tilespmem:v11+s16+$0x0], $0xffff  }
0x5d: {  	v10 =	vor.u32 v6, v59;
	v14 =	vld.idx.msk [tilespmem:v15+s15+$0x0], $0xffff  }
0x5e: {  	v17 =	vor.u32 v0, v60;
	v15 =	vor.u32 v8, v59;
	v16 =	vld.idx.msk [tilespmem:v61+s15+$0x0], $0xffff  }
0x5f: {  	v19 =	vor.u32 v24, v60;
	v18 =	vld.idx.msk [tilespmem:v54+s15+$0x0], $0xffff  }
0x60: {  	v20 =	vor.u32 v26, v60;
	v12 =	vld.idx.msk [tilespmem:v12+s15+$0x0], $0xffff  }
0x61: {  	v13 =	vld.idx.msk [tilespmem:v13+s15+$0x0], $0xffff;
	v9 =	vadd.f32 v9, v11  }
0x62: {  	v22 =	vor.u32 v27, v60;
	v10 =	vld.idx.msk [tilespmem:v10+s15+$0x0], $0xffff;
	v14 =	vadd.f32 v14, v11  }
0x63: {  	v15 =	vld.idx.msk [tilespmem:v15+s15+$0x0], $0xffff;
	[tilespmem:v17+s20+$0x0] =	vst.idx.msk $0xffff, v9;
	v9 =	vadd.f32 v16, v11  }
0x64: {  	v23 =	vor.u32 v28, v60;
	[tilespmem:v19+s20+$0x0] =	vst.idx.msk $0xffff, v14;
	v14 =	vadd.f32 v18, v11  }
0x65: {  	v12 =	vadd.f32 v12, v11;
	v16 =	vor.u32 v29, v60;
	[tilespmem:v20+s20+$0x0] =	vst.idx.msk $0xffff, v9  }
0x66: {  	v17 =	vor.u32 v30, v60;
	[tilespmem:v21+s20+$0x0] =	vst.idx.msk $0xffff, v14  }
0x67: {  	v9 =	vadd.f32 v10, v11;
	[tilespmem:v22+s20+$0x0] =	vst.idx.msk $0xffff, v12;
	v12 =	vor.u32 v25, v33  }
0x68: {  	v10 =	vadd.f32 v13, v11  }
0x69: {  	v11 =	vadd.f32 v15, v11;
	[tilespmem:v23+s20+$0x0] =	vst.idx.msk $0xffff, v9  }
0x6a: {  	[tilespmem:v16+s20+$0x0] =	vst.idx.msk $0xffff, v10  }
0x6b: {  	[tilespmem:v17+s20+$0x0] =	vst.idx.msk $0xffff, v11  }
0x6c: {  	v56 =	vld.idx.msk [tilespmem:v12+s16+$0x0], $0xffff  }
0x6d: {  	v12 =	vld [tilespmem:$0x1FE10];
	_ =	sdelay $0x7  }
0x6e: {  	v14 =	vld.idx.msk [tilespmem:v12+s21+$0x0], $0xffff  }
0x6f: {  	v12 =	vld [tilespmem:$0x1FE20];
	_ =	sdelay $0x4  }
0x70: {  	v59 =	vand.u32 $0x1F, v12;
	v12 =	vld [tilespmem:$0x1FDF0]  }
0x71: {  	v27 =	vld [tilespmem:$0x1FEA0]  }
0x72: {  	v24 =	vld [tilespmem:$0x1FE90]  }
0x73: {  	v29 =	vld [tilespmem:$0x1FE80]  }
0x74: {  	v19 =	vld [tilespmem:$0x1FE50]  }
0x75: {  	v33 =	vld [tilespmem:$0x1FED0]  }
0x76: {  	v9 =	vld [tilespmem:$0x1FE00]  }
0x77: {  	v20 =	vld.idx.msk [tilespmem:v32+s21+$0x0], $0xffff  }
0x78: {  	v17 =	vld.idx.msk [tilespmem:v12+s21+$0x0], $0xffff  }
0x79: {  	v12 =	vld [tilespmem:$0x1FE40]  }
0x7a: {  	v13 =	vld.idx.msk [tilespmem:v34+s21+$0x0], $0xffff  }
0x7b: {  	v32 =	vld [tilespmem:$0x1FEC0]  }
0x7c: {  	v58 =	vld.idx.msk [tilespmem:v31+s21+$0x0], $0xffff  }
0x7d: {  	v31 =	vld [tilespmem:$0x1FEB0]  }
0x7e: {  	v61 =	vor.u32 v25, v12;
	v12 =	vld [tilespmem:$0x1FE30]  }
0x7f: {  	v34 =	vld [tilespmem:$0x1FFA0]  }
0x80: {  	v9 =	vld.idx.msk [tilespmem:v9+s21+$0x0], $0xffff;
	_ =	sdelay $0x2  }
0x81: {  	v18 =	vor.u32 v29, v52;
	v16 =	vor.u32 v24, v52;
	v11 =	vor.u32 v27, v52  }
0x82: {  	v26 =	vld [tilespmem:$0x1FEE0];
	v57 =	vor.u32 v33, v52;
	v55 =	vor.u32 v32, v52;
	v10 =	vor.u32 v31, v52  }
0x83: {  	v19 =	vld.idx.msk [tilespmem:v19+s21+$0x0], $0xffff;
	v60 =	vor.u32 v34, v52;
	v20 =	vadd.f32 v20, v56;
	v62 =	vadd.f32 v9, v56  }
0x84: {  	s1 =	simm.s32 $0x2;
	v54 =	vor.u32 v1, v59;
	v9 =	vor.u32 v2, v59;
	v15 =	vld.idx.msk [tilespmem:v12+s21+$0x0], $0xffff;
	v12 =	vor.u32 v3, v59  }
.LBB2_5:
0x85: {  	p1 =	sne.s32 s1, $0x1F;
	v21 =	vor.u32 v4, v59;
	v22 =	vor.u32 v5, v59;
	v13 =	vadd.f32 v13, v56;
	s13 =	smov.u32 s1;
	s1 =	sadd.s32 $0x1, s1  }
0x86: {  	v23 =	vor.u32 v6, v59;
	v63 =	vor.u32 v7, v59;
	[tilespmem:v18+s20+$0x0] =	vst.idx.msk $0xffff, v20  }
0x87: {  	v18 =	vor.u32 v32, v53;
	[tilespmem:v16+s20+$0x0] =	vst.idx.msk $0xffff, v13;
	v13 =	vadd.f32 v14, v56  }
0x88: {  	v14 =	vor.u32 v26, v52;
	v52 =	vmov v53;
	[tilespmem:v11+s20+$0x0] =	vst.idx.msk $0xffff, v62;
	v11 =	vadd.f32 v17, v56  }
0x89: {  	[tilespmem:v10+s20+$0x0] =	vst.idx.msk $0xffff, v13;
	v10 =	vadd.f32 v15, v56  }
0x8a: {  	[tilespmem:v55+s20+$0x0] =	vst.idx.msk $0xffff, v11;
	v11 =	vadd.f32 v19, v56;
	v55 =	vmov v18  }
0x8b: {  	[tilespmem:v60+s20+$0x0] =	vst.idx.msk $0xffff, v10;
	v10 =	vadd.f32 v58, v56  }
0x8c: {  	[tilespmem:v57+s20+$0x0] =	vst.idx.msk $0xffff, v11  }
0x8d: {  	v11 =	vor.u32 v8, v59;
	[tilespmem:v14+s20+$0x0] =	vst.idx.msk $0xffff, v10  }
0x8e: {  	v12 =	vld.idx.msk [tilespmem:v12+s21+$0x0], $0xffff  }
0x8f: {  	v56 =	vld.idx.msk [tilespmem:v61+s16+$0x0], $0xffff  }
0x90: {  	v20 =	vld.idx.msk [tilespmem:v54+s21+$0x0], $0xffff  }
0x91: {  	v57 =	vor.u32 v33, v52;
	v13 =	vld.idx.msk [tilespmem:v9+s21+$0x0], $0xffff  }
.Ltmp1:
0x92: {  	v60 =	vor.u32 v34, v52;
	v10 =	vor.u32 v31, v52;
	v58 =	vld.idx.msk [tilespmem:v11+s21+$0x0], $0xffff;
	v11 =	vor.u32 v27, v52;
	(pc) =	sbr.rel @p1 .LBB2_5-.Ltmp1, $4  }
0x93: {  	v16 =	vor.u32 v24, v52;
	v18 =	vor.u32 v29, v52;
	v9 =	vadd.s32 s13, v0;
	v14 =	vld.idx.msk [tilespmem:v21+s21+$0x0], $0xffff  }
0x94: {  	v15 =	vshll.u32 v9, $0x4;
	v59 =	vand.u32 $0x1F, v9;
	v53 =	vshll.u32 v9, $0x7;
	v17 =	vld.idx.msk [tilespmem:v22+s21+$0x0], $0xffff  }
0x95: {  	v61 =	vor.u32 v25, v15;
	v54 =	vor.u32 v1, v59;
	v62 =	vadd.f32 v12, v56;
	v15 =	vld.idx.msk [tilespmem:v23+s21+$0x0], $0xffff  }
0x96: {  	v9 =	vor.u32 v2, v59;
	v12 =	vor.u32 v3, v59;
	v20 =	vadd.f32 v20, v56;
	v19 =	vld.idx.msk [tilespmem:v63+s21+$0x0], $0xffff  }
0x97: {  	_ =	sdelay $0x2  }
0x98: {  	v13 =	vadd.f32 v13, v56  }
0x99: {  	[tilespmem:v18+s20+$0x0] =	vst.idx.msk $0xffff, v20  }
0x9a: {  	[tilespmem:v16+s20+$0x0] =	vst.idx.msk $0xffff, v13;
	v13 =	vadd.f32 v14, v56  }
0x9b: {  	v14 =	vor.u32 v26, v52;
	[tilespmem:v11+s20+$0x0] =	vst.idx.msk $0xffff, v62;
	v11 =	vadd.f32 v17, v56  }
0x9c: {  	[tilespmem:v10+s20+$0x0] =	vst.idx.msk $0xffff, v13;
	v10 =	vadd.f32 v15, v56  }
0x9d: {  	[tilespmem:v55+s20+$0x0] =	vst.idx.msk $0xffff, v11;
	v11 =	vadd.f32 v19, v56  }
0x9e: {  	[tilespmem:v60+s20+$0x0] =	vst.idx.msk $0xffff, v10;
	v10 =	vadd.f32 v58, v56  }
0x9f: {  	[tilespmem:v57+s20+$0x0] =	vst.idx.msk $0xffff, v11  }
0xa0: {  	v11 =	vor.u32 v4, v59;
	[tilespmem:v14+s20+$0x0] =	vst.idx.msk $0xffff, v10  }
0xa1: {  	v13 =	vor.u32 v8, v59;
	v14 =	vld.idx.msk [tilespmem:v61+s16+$0x0], $0xffff  }
0xa2: {  	v10 =	vor.u32 v5, v59;
	v16 =	vld.idx.msk [tilespmem:v54+s21+$0x0], $0xffff  }
0xa3: {  	v15 =	vor.u32 v6, v59;
	v9 =	vld.idx.msk [tilespmem:v9+s21+$0x0], $0xffff  }
0xa4: {  	v18 =	vor.u32 v29, v53;
	v17 =	vor.u32 v7, v59;
	v12 =	vld.idx.msk [tilespmem:v12+s21+$0x0], $0xffff  }
0xa5: {  	v19 =	vor.u32 v24, v53;
	v11 =	vld.idx.msk [tilespmem:v11+s21+$0x0], $0xffff  }
0xa6: {  	v20 =	vor.u32 v27, v53;
	v13 =	vld.idx.msk [tilespmem:v13+s21+$0x0], $0xffff  }
0xa7: {  	v21 =	vor.u32 v31, v53;
	v10 =	vld.idx.msk [tilespmem:v10+s21+$0x0], $0xffff;
	v16 =	vadd.f32 v16, v14  }
0xa8: {  	v15 =	vld.idx.msk [tilespmem:v15+s21+$0x0], $0xffff;
	v9 =	vadd.f32 v9, v14  }
0xa9: {  	v22 =	vor.u32 v32, v53;
	v17 =	vld.idx.msk [tilespmem:v17+s21+$0x0], $0xffff;
	v12 =	vadd.f32 v12, v14;
	[tilespmem:v18+s20+$0x0] =	vst.idx.msk $0xffff, v16  }
0xaa: {  	s1 =	simm.s32 $0x0;
	v25 =	vld [tilespmem:$0x1FFB0];
	[tilespmem:v19+s20+$0x0] =	vst.idx.msk $0xffff, v9;
	v9 =	vadd.f32 v11, v14  }
0xab: {  	v63 =	vor.u32 v34, v53;
	v31 =	vld [tilespmem:$0x1FF30];
	v11 =	vadd.s32 s1, v0;
	[tilespmem:v20+s20+$0x0] =	vst.idx.msk $0xffff, v12  }
0xac: {  	v23 =	vor.u32 v33, v53;
	v28 =	vld [tilespmem:$0x1FF20];
	v10 =	vadd.f32 v10, v14;
	v18 =	vshll.u32 v11, $0x4;
	[tilespmem:v21+s20+$0x0] =	vst.idx.msk $0xffff, v9  }
0xad: {  	v34 =	vld [tilespmem:$0x1FFE0];
	v12 =	vor.u32 v26, v53;
	v16 =	vand.u32 $0x1F, v11;
	[tilespmem:$0x1FD50] =	vst v18  }
0xae: {  	v33 =	vld [tilespmem:$0x1FF00];
	v9 =	vadd.f32 v15, v14;
	v15 =	vand.u32 $0x1F0, v18;
	v18 =	vor.u32 v1, v16;
	[tilespmem:v22+s20+$0x0] =	vst.idx.msk $0xffff, v10  }
0xaf: {  	v27 =	vld [tilespmem:$0x1FFD0];
	v19 =	vor.u32 v2, v16;
	v10 =	vadd.f32 v17, v14;
	[tilespmem:$0x1FD60] =	vst v18  }
0xb0: {  	v29 =	vld [tilespmem:$0x1FEF0];
	v15 =	vor.u32 v25, v15;
	[tilespmem:v63+s20+$0x0] =	vst.idx.msk $0xffff, v9;
	v9 =	vadd.f32 v13, v14  }
0xb1: {  	v26 =	vld [tilespmem:$0x1FFC0];
	v13 =	vor.u32 v5, v16;
	[tilespmem:v23+s20+$0x0] =	vst.idx.msk $0xffff, v10  }
0xb2: {  	v24 =	vld [tilespmem:$0x1FF10];
	v14 =	vor.u32 v4, v16;
	[tilespmem:v12+s20+$0x0] =	vst.idx.msk $0xffff, v9  }
0xb3: {  	v52 =	vshll.u32 v11, $0x7;
	v17 =	vor.u32 v6, v16;
	[tilespmem:$0x1FD70] =	vst v19;
	v9 =	vor.u32 v3, v16;
	v11 =	vld.idx.msk [tilespmem:v18+s22+$0x0], $0xffff  }
0xb4: {  	v20 =	vor.u32 v8, v16;
	[tilespmem:$0x1FDC0] =	vst v17;
	v10 =	vand.u32 $0xF80, v52;
	v12 =	vld.idx.msk [tilespmem:v19+s22+$0x0], $0xffff  }
0xb5: {  	[tilespmem:$0x1FD80] =	vst v13;
	v55 =	vor.u32 v31, v10;
	v58 =	vor.u32 v28, v10;
	v56 =	vld.idx.msk [tilespmem:v15+s16+$0x0], $0xffff  }
0xb6: {  	s13 =	simm.s32 $0x1;
	v57 =	vor.u32 v34, v10;
	v21 =	vor.u32 v26, v10;
	v18 =	vor.u32 v7, v16;
	v54 =	vld.idx.msk [tilespmem:v13+s22+$0x0], $0xffff  }
0xb7: {  	[tilespmem:$0x1FDA0] =	vst v14;
	v63 =	vor.u32 v24, v10;
	v19 =	vadd.s32 s13, v0;
	v16 =	vor.u32 v27, v10;
	v15 =	vld.idx.msk [tilespmem:v14+s22+$0x0], $0xffff  }
0xb8: {  	[tilespmem:$0x1FD90] =	vst v9;
	v60 =	vand.u32 $0x1F, v19;
	v53 =	vshll.u32 v19, $0x7;
	v14 =	vor.u32 v29, v10;
	v13 =	vld.idx.msk [tilespmem:v9+s22+$0x0], $0xffff  }
0xb9: {  	v30 =	vmovc v20;
	[tilespmem:$0x1FDB0] =	vst v19;
	v61 =	vor.u32 v3, v60;
	v9 =	vor.u32 v33, v10;
	v10 =	vshll.u32 v19, $0x4  }
0xba: {  	v17 =	vld.idx.msk [tilespmem:v17+s22+$0x0], $0xffff;
	[tilespmem:$0x1FDE0] =	vst v18;
	v62 =	vor.u32 v4, v60;
	v19 =	vand.u32 $0x1F0, v10;
	v22 =	vadd.f32 v11, v56  }
0xbb: {  	v59 =	vand.u32 $0xF80, v53;
	[tilespmem:$0x1FDD0] =	vst v10;
	v10 =	vor.u32 v1, v60;
	v18 =	vld.idx.msk [tilespmem:v18+s22+$0x0], $0xffff;
	v11 =	vor.u32 v25, v19  }
0xbc: {  	s13 =	simm.s32 $0x2;
	v19 =	vld.idx.msk [tilespmem:v20+s22+$0x0], $0xffff;
	v20 =	vadd.f32 v12, v56;
	v12 =	vor.u32 v5, v60;
	[tilespmem:v21+s20+$0x0] =	vst.idx.msk $0xffff, v22  }
.LBB2_7:
0xbd: {  	p1 =	sne.s32 s13, $0x1F;
	v21 =	vor.u32 v6, v60;
	v22 =	vor.u32 v7, v60;
	v13 =	vadd.f32 v13, v56;
	s1 =	smov.u32 s13;
	s13 =	sadd.s32 $0x1, s13  }
0xbe: {  	v15 =	vadd.f32 v15, v56;
	[tilespmem:v16+s20+$0x0] =	vst.idx.msk $0xffff, v20;
	v16 =	vadd.f32 v54, v56  }
0xbf: {  	v20 =	vor.u32 v31, v59;
	[tilespmem:v14+s20+$0x0] =	vst.idx.msk $0xffff, v13;
	v13 =	vadd.f32 v17, v56  }
0xc0: {  	[tilespmem:v9+s20+$0x0] =	vst.idx.msk $0xffff, v15;
	v9 =	vadd.f32 v18, v56  }
0xc1: {  	v14 =	vadd.f32 v19, v56;
	[tilespmem:v63+s20+$0x0] =	vst.idx.msk $0xffff, v16  }
0xc2: {  	v15 =	vor.u32 v2, v60;
	[tilespmem:v58+s20+$0x0] =	vst.idx.msk $0xffff, v13  }
0xc3: {  	[tilespmem:v55+s20+$0x0] =	vst.idx.msk $0xffff, v9;
	v55 =	vmov v20  }
0xc4: {  	[tilespmem:v57+s20+$0x0] =	vst.idx.msk $0xffff, v14  }
0xc5: {  	v19 =	vld.idx.msk [tilespmem:v10+s22+$0x0], $0xffff  }
0xc6: {  	v56 =	vld.idx.msk [tilespmem:v11+s16+$0x0], $0xffff  }
0xc7: {  	v20 =	vld.idx.msk [tilespmem:v15+s22+$0x0], $0xffff  }
0xc8: {  	v58 =	vor.u32 v28, v59;
	v57 =	vor.u32 v34, v59;
	v54 =	vld.idx.msk [tilespmem:v12+s22+$0x0], $0xffff;
	v12 =	vor.u32 v8, v60  }
0xc9: {  	v23 =	vor.u32 v26, v59;
	v63 =	vor.u32 v24, v59;
	v9 =	vor.u32 v33, v59;
	v13 =	vld.idx.msk [tilespmem:v61+s22+$0x0], $0xffff  }
.Ltmp2:
0xca: {  	v16 =	vor.u32 v27, v59;
	v14 =	vor.u32 v29, v59;
	v10 =	vadd.s32 s1, v0;
	v15 =	vld.idx.msk [tilespmem:v62+s22+$0x0], $0xffff;
	(pc) =	sbr.rel @p1 .LBB2_7-.Ltmp2, $4  }
0xcb: {  	v11 =	vshll.u32 v10, $0x4;
	v59 =	vshll.u32 v10, $0x7;
	v60 =	vand.u32 $0x1F, v10;
	v17 =	vld.idx.msk [tilespmem:v21+s22+$0x0], $0xffff  }
0xcc: {  	v11 =	vand.u32 $0x1F0, v11;
	v10 =	vor.u32 v1, v60;
	v21 =	vadd.f32 v19, v56;
	v18 =	vld.idx.msk [tilespmem:v22+s22+$0x0], $0xffff  }
0xcd: {  	v11 =	vor.u32 v25, v11;
	v61 =	vor.u32 v3, v60;
	v20 =	vadd.f32 v20, v56;
	v19 =	vld.idx.msk [tilespmem:v12+s22+$0x0], $0xffff  }
0xce: {  	v59 =	vand.u32 $0xF80, v59;
	v62 =	vor.u32 v4, v60;
	v12 =	vor.u32 v5, v60;
	[tilespmem:v23+s20+$0x0] =	vst.idx.msk $0xffff, v21  }
0xcf: {  	_ =	sdelay $0x2  }
0xd0: {  	v13 =	vadd.f32 v13, v56  }
0xd1: {  	[tilespmem:v16+s20+$0x0] =	vst.idx.msk $0xffff, v20;
	v15 =	vadd.f32 v15, v56  }
0xd2: {  	v16 =	vadd.f32 v54, v56;
	[tilespmem:v14+s20+$0x0] =	vst.idx.msk $0xffff, v13  }
0xd3: {  	v13 =	vadd.f32 v17, v56;
	[tilespmem:v9+s20+$0x0] =	vst.idx.msk $0xffff, v15  }
0xd4: {  	v9 =	vadd.f32 v18, v56;
	[tilespmem:v63+s20+$0x0] =	vst.idx.msk $0xffff, v16  }
0xd5: {  	v14 =	vadd.f32 v19, v56;
	v15 =	vor.u32 v2, v60;
	[tilespmem:v58+s20+$0x0] =	vst.idx.msk $0xffff, v13  }
0xd6: {  	[tilespmem:v55+s20+$0x0] =	vst.idx.msk $0xffff, v9  }
0xd7: {  	[tilespmem:v57+s20+$0x0] =	vst.idx.msk $0xffff, v14  }
0xd8: {  	v9 =	vld.idx.msk [tilespmem:v10+s22+$0x0], $0xffff  }
0xd9: {  	v13 =	vor.u32 v7, v60;
	v11 =	vld.idx.msk [tilespmem:v11+s16+$0x0], $0xffff  }
0xda: {  	v10 =	vor.u32 v6, v60;
	v14 =	vld.idx.msk [tilespmem:v15+s22+$0x0], $0xffff  }
0xdb: {  	v17 =	vor.u32 v26, v59;
	v15 =	vor.u32 v8, v60;
	v16 =	vld.idx.msk [tilespmem:v61+s22+$0x0], $0xffff  }
0xdc: {  	v19 =	vor.u32 v27, v59;
	v18 =	vld.idx.msk [tilespmem:v62+s22+$0x0], $0xffff  }
0xdd: {  	v20 =	vor.u32 v29, v59;
	v12 =	vld.idx.msk [tilespmem:v12+s22+$0x0], $0xffff  }
0xde: {  	v21 =	vor.u32 v33, v59;
	v13 =	vld.idx.msk [tilespmem:v13+s22+$0x0], $0xffff;
	v9 =	vadd.f32 v9, v11  }
0xdf: {  	v22 =	vor.u32 v24, v59;
	v10 =	vld.idx.msk [tilespmem:v10+s22+$0x0], $0xffff;
	v14 =	vadd.f32 v14, v11  }
0xe0: {  	v15 =	vld.idx.msk [tilespmem:v15+s22+$0x0], $0xffff;
	[tilespmem:v17+s20+$0x0] =	vst.idx.msk $0xffff, v9;
	v9 =	vadd.f32 v16, v11  }
0xe1: {  	[tilespmem:v19+s20+$0x0] =	vst.idx.msk $0xffff, v14;
	v14 =	vadd.f32 v18, v11  }
0xe2: {  	v12 =	vadd.f32 v12, v11;
	[tilespmem:v20+s20+$0x0] =	vst.idx.msk $0xffff, v9  }
0xe3: {  	v24 =	vld [tilespmem:$0x1FFF0];
	[tilespmem:v21+s20+$0x0] =	vst.idx.msk $0xffff, v14  }
0xe4: {  	[tilespmem:v22+s20+$0x0] =	vst.idx.msk $0xffff, v12;
	v12 =	vld [tilespmem:$0x1FD50];
	_ =	sdelay $0x1  }
0xe5: {  	v23 =	vor.u32 v28, v59  }
0xe6: {  	v16 =	vor.u32 v31, v59  }
0xe7: {  	v17 =	vor.u32 v34, v59  }
0xe8: {  	v9 =	vadd.f32 v10, v11;
	v12 =	vor.u32 v24, v12  }
0xe9: {  	v10 =	vadd.f32 v13, v11  }
0xea: {  	v11 =	vadd.f32 v15, v11;
	[tilespmem:v23+s20+$0x0] =	vst.idx.msk $0xffff, v9  }
0xeb: {  	[tilespmem:v16+s20+$0x0] =	vst.idx.msk $0xffff, v10  }
0xec: {  	[tilespmem:v17+s20+$0x0] =	vst.idx.msk $0xffff, v11  }
0xed: {  	v56 =	vld.idx.msk [tilespmem:v12+s16+$0x0], $0xffff  }
0xee: {  	v12 =	vld [tilespmem:$0x1FDA0];
	_ =	sdelay $0x7  }
0xef: {  	v14 =	vld.idx.msk [tilespmem:v12+s23+$0x0], $0xffff  }
0xf0: {  	v12 =	vld [tilespmem:$0x1FDB0];
	_ =	sdelay $0x3  }
0xf1: {  	v10 =	vld [tilespmem:$0x1FD60]  }
0xf2: {  	v59 =	vand.u32 $0x1F, v12;
	v12 =	vld [tilespmem:$0x1FD80];
	_ =	sdelay $0x5  }
0xf3: {  	v9 =	vld [tilespmem:$0x1FD90]  }
0xf4: {  	v20 =	vld.idx.msk [tilespmem:v10+s23+$0x0], $0xffff  }
0xf5: {  	v17 =	vld.idx.msk [tilespmem:v12+s23+$0x0], $0xffff  }
0xf6: {  	v12 =	vld [tilespmem:$0x1FDD0]  }
0xf7: {  	v10 =	vld [tilespmem:$0x1FD70];
	_ =	sdelay $0x2  }
0xf8: {  	v19 =	vld [tilespmem:$0x1FDE0]  }
0xf9: {  	v61 =	vor.u32 v24, v12;
	v12 =	vld [tilespmem:$0x1FDC0]  }
0xfa: {  	v25 =	vld [tilespmem:$0x1FF50]  }
0xfb: {  	v9 =	vld.idx.msk [tilespmem:v9+s23+$0x0], $0xffff  }
0xfc: {  	v26 =	vld [tilespmem:$0x1FF80]  }
0xfd: {  	v13 =	vld.idx.msk [tilespmem:v10+s23+$0x0], $0xffff  }
0xfe: {  	v27 =	vld [tilespmem:$0x1FF90];
	v55 =	vor.u32 v39, v52;
	v57 =	vor.u32 v41, v52;
	v18 =	vor.u32 v35, v52  }
0xff: {  	v60 =	vor.u32 v40, v52;
	v16 =	vor.u32 v36, v52;
	v11 =	vor.u32 v37, v52;
	v58 =	vld.idx.msk [tilespmem:v30+s23+$0x0], $0xffff  }
0x100: {  	v19 =	vld.idx.msk [tilespmem:v19+s23+$0x0], $0xffff;
	v62 =	vadd.f32 v9, v56;
	v20 =	vadd.f32 v20, v56;
	v10 =	vor.u32 v38, v52  }
0x101: {  	s1 =	simm.s32 $0x2;
	v54 =	vor.u32 v1, v59;
	v9 =	vor.u32 v2, v59;
	v15 =	vld.idx.msk [tilespmem:v12+s23+$0x0], $0xffff;
	v12 =	vor.u32 v3, v59  }
.LBB2_9:
0x102: {  	p1 =	sne.s32 s1, $0x1F;
	v21 =	vor.u32 v4, v59;
	v22 =	vor.u32 v5, v59;
	v13 =	vadd.f32 v13, v56;
	s13 =	smov.u32 s1;
	s1 =	sadd.s32 $0x1, s1  }
0x103: {  	v23 =	vor.u32 v6, v59;
	v63 =	vor.u32 v7, v59;
	[tilespmem:v18+s20+$0x0] =	vst.idx.msk $0xffff, v20  }
0x104: {  	v18 =	vor.u32 v39, v53;
	[tilespmem:v16+s20+$0x0] =	vst.idx.msk $0xffff, v13;
	v13 =	vadd.f32 v14, v56  }
0x105: {  	v14 =	vor.u32 v42, v52;
	v52 =	vmov v53;
	[tilespmem:v11+s20+$0x0] =	vst.idx.msk $0xffff, v62;
	v11 =	vadd.f32 v17, v56  }
0x106: {  	[tilespmem:v10+s20+$0x0] =	vst.idx.msk $0xffff, v13;
	v10 =	vadd.f32 v15, v56  }
0x107: {  	[tilespmem:v55+s20+$0x0] =	vst.idx.msk $0xffff, v11;
	v11 =	vadd.f32 v19, v56;
	v55 =	vmov v18  }
0x108: {  	[tilespmem:v60+s20+$0x0] =	vst.idx.msk $0xffff, v10;
	v10 =	vadd.f32 v58, v56  }
0x109: {  	[tilespmem:v57+s20+$0x0] =	vst.idx.msk $0xffff, v11  }
0x10a: {  	v11 =	vor.u32 v8, v59;
	[tilespmem:v14+s20+$0x0] =	vst.idx.msk $0xffff, v10  }
0x10b: {  	v12 =	vld.idx.msk [tilespmem:v12+s23+$0x0], $0xffff  }
0x10c: {  	v56 =	vld.idx.msk [tilespmem:v61+s16+$0x0], $0xffff  }
0x10d: {  	v20 =	vld.idx.msk [tilespmem:v54+s23+$0x0], $0xffff  }
0x10e: {  	v57 =	vor.u32 v41, v52;
	v13 =	vld.idx.msk [tilespmem:v9+s23+$0x0], $0xffff  }
.Ltmp3:
0x10f: {  	v60 =	vor.u32 v40, v52;
	v10 =	vor.u32 v38, v52;
	v58 =	vld.idx.msk [tilespmem:v11+s23+$0x0], $0xffff;
	v11 =	vor.u32 v37, v52;
	(pc) =	sbr.rel @p1 .LBB2_9-.Ltmp3, $4  }
0x110: {  	v16 =	vor.u32 v36, v52;
	v18 =	vor.u32 v35, v52;
	v9 =	vadd.s32 s13, v0;
	v14 =	vld.idx.msk [tilespmem:v21+s23+$0x0], $0xffff  }
0x111: {  	v15 =	vshll.u32 v9, $0x4;
	v59 =	vand.u32 $0x1F, v9;
	v53 =	vshll.u32 v9, $0x7;
	v17 =	vld.idx.msk [tilespmem:v22+s23+$0x0], $0xffff  }
0x112: {  	v61 =	vor.u32 v24, v15;
	v54 =	vor.u32 v1, v59;
	v62 =	vadd.f32 v12, v56;
	v15 =	vld.idx.msk [tilespmem:v23+s23+$0x0], $0xffff  }
0x113: {  	v9 =	vor.u32 v2, v59;
	v12 =	vor.u32 v3, v59;
	v20 =	vadd.f32 v20, v56;
	v19 =	vld.idx.msk [tilespmem:v63+s23+$0x0], $0xffff  }
0x114: {  	_ =	sdelay $0x2  }
0x115: {  	v13 =	vadd.f32 v13, v56  }
0x116: {  	[tilespmem:v18+s20+$0x0] =	vst.idx.msk $0xffff, v20  }
0x117: {  	[tilespmem:v16+s20+$0x0] =	vst.idx.msk $0xffff, v13;
	v13 =	vadd.f32 v14, v56  }
0x118: {  	v14 =	vor.u32 v42, v52;
	[tilespmem:v11+s20+$0x0] =	vst.idx.msk $0xffff, v62;
	v11 =	vadd.f32 v17, v56  }
0x119: {  	[tilespmem:v10+s20+$0x0] =	vst.idx.msk $0xffff, v13;
	v10 =	vadd.f32 v15, v56  }
0x11a: {  	[tilespmem:v55+s20+$0x0] =	vst.idx.msk $0xffff, v11;
	v11 =	vadd.f32 v19, v56  }
0x11b: {  	[tilespmem:v60+s20+$0x0] =	vst.idx.msk $0xffff, v10;
	v10 =	vadd.f32 v58, v56  }
0x11c: {  	[tilespmem:v57+s20+$0x0] =	vst.idx.msk $0xffff, v11  }
0x11d: {  	v11 =	vor.u32 v4, v59;
	[tilespmem:v14+s20+$0x0] =	vst.idx.msk $0xffff, v10  }
0x11e: {  	v10 =	vor.u32 v5, v59;
	v12 =	vld.idx.msk [tilespmem:v12+s23+$0x0], $0xffff  }
0x11f: {  	v14 =	vld.idx.msk [tilespmem:v61+s16+$0x0], $0xffff  }
0x120: {  	v15 =	vor.u32 v6, v59;
	v16 =	vld.idx.msk [tilespmem:v54+s23+$0x0], $0xffff  }
0x121: {  	v17 =	vor.u32 v7, v59;
	v9 =	vld.idx.msk [tilespmem:v9+s23+$0x0], $0xffff  }
0x122: {  	v18 =	vor.u32 v35, v53;
	v13 =	vor.u32 v8, v59;
	v11 =	vld.idx.msk [tilespmem:v11+s23+$0x0], $0xffff  }
0x123: {  	v19 =	vor.u32 v36, v53;
	v10 =	vld.idx.msk [tilespmem:v10+s23+$0x0], $0xffff  }
0x124: {  	v20 =	vor.u32 v37, v53  }
0x125: {  	v21 =	vor.u32 v38, v53;
	v15 =	vld.idx.msk [tilespmem:v15+s23+$0x0], $0xffff;
	v16 =	vadd.f32 v16, v14  }
0x126: {  	v22 =	vor.u32 v39, v53;
	v23 =	vor.u32 v41, v53;
	v17 =	vld.idx.msk [tilespmem:v17+s23+$0x0], $0xffff;
	v9 =	vadd.f32 v9, v14  }
0x127: {  	v32 =	vor.u32 v40, v53;
	s1 =	simm.s32 $0x0;
	v13 =	vld.idx.msk [tilespmem:v13+s23+$0x0], $0xffff;
	v12 =	vadd.f32 v12, v14;
	[tilespmem:v18+s20+$0x0] =	vst.idx.msk $0xffff, v16  }
0x128: {  	[tilespmem:v19+s20+$0x0] =	vst.idx.msk $0xffff, v9;
	v9 =	vadd.f32 v11, v14;
	v11 =	vadd.s32 s1, v0;
	v10 =	vadd.f32 v10, v14  }
0x129: {  	[tilespmem:v20+s20+$0x0] =	vst.idx.msk $0xffff, v12;
	v12 =	vor.u32 v42, v53;
	v16 =	vshll.u32 v11, $0x4;
	v18 =	vand.u32 $0x1F, v11  }
0x12a: {  	[tilespmem:v21+s20+$0x0] =	vst.idx.msk $0xffff, v9;
	v9 =	vadd.f32 v15, v14;
	v15 =	vand.u32 $0x1F0, v16;
	v16 =	vor.u32 v1, v18  }
0x12b: {  	v20 =	vor.u32 v7, v18;
	[tilespmem:v22+s20+$0x0] =	vst.idx.msk $0xffff, v10;
	v10 =	vadd.f32 v17, v14  }
0x12c: {  	v15 =	vor.u32 v43, v15;
	[tilespmem:v32+s20+$0x0] =	vst.idx.msk $0xffff, v9;
	v9 =	vadd.f32 v13, v14  }
0x12d: {  	v17 =	vor.u32 v6, v18;
	[tilespmem:v23+s20+$0x0] =	vst.idx.msk $0xffff, v10  }
0x12e: {  	v13 =	vor.u32 v2, v18;
	v32 =	vld [tilespmem:$0x1FFA0];
	[tilespmem:v12+s20+$0x0] =	vst.idx.msk $0xffff, v9  }
0x12f: {  	v11 =	vshll.u32 v11, $0x7;
	v10 =	vor.u32 v5, v18;
	v19 =	vld.idx.msk [tilespmem:v16+s24+$0x0], $0xffff  }
0x130: {  	v22 =	vor.u32 v8, v18;
	v9 =	vor.u32 v3, v18;
	v12 =	vor.u32 v4, v18;
	v18 =	vld.idx.msk [tilespmem:v20+s24+$0x0], $0xffff  }
0x131: {  	v11 =	vand.u32 $0xF80, v11;
	v53 =	vld.idx.msk [tilespmem:v15+s16+$0x0], $0xffff  }
0x132: {  	v52 =	vor.u32 v50, v11;
	v17 =	vld.idx.msk [tilespmem:v17+s24+$0x0], $0xffff  }
0x133: {  	s13 =	simm.s32 $0x1;
	v55 =	vor.u32 v49, v11;
	v54 =	vor.u32 v51, v11;
	v61 =	vor.u32 v48, v11;
	v21 =	vld.idx.msk [tilespmem:v13+s24+$0x0], $0xffff  }
0x134: {  	v14 =	vor.u32 v46, v11;
	v23 =	vor.u32 v44, v11;
	v60 =	vld.idx.msk [tilespmem:v10+s24+$0x0], $0xffff;
	v10 =	vadd.s32 s13, v0  }
0x135: {  	v16 =	vor.u32 v45, v11;
	v13 =	vld.idx.msk [tilespmem:v9+s24+$0x0], $0xffff;
	v9 =	vor.u32 v47, v11;
	v11 =	vshll.u32 v10, $0x4  }
0x136: {  	v15 =	vld.idx.msk [tilespmem:v12+s24+$0x0], $0xffff;
	v57 =	vand.u32 $0x1F, v10;
	v33 =	vshll.u32 v10, $0x7;
	v11 =	vand.u32 $0x1F0, v11  }
0x137: {  	v10 =	vor.u32 v1, v57;
	v56 =	vand.u32 $0xF80, v33;
	v33 =	vld [tilespmem:$0x1FEC0];
	v34 =	vadd.f32 v19, v53  }
0x138: {  	v58 =	vor.u32 v3, v57;
	v59 =	vor.u32 v4, v57;
	v12 =	vor.u32 v5, v57;
	v19 =	vld.idx.msk [tilespmem:v22+s24+$0x0], $0xffff  }
0x139: {  	s13 =	simm.s32 $0x2;
	v11 =	vor.u32 v43, v11;
	v20 =	vadd.f32 v21, v53;
	[tilespmem:v23+s20+$0x0] =	vst.idx.msk $0xffff, v34;
	v34 =	vld [tilespmem:$0x1FED0]  }
.LBB2_11:
0x13a: {  	p1 =	sne.s32 s13, $0x1F;
	v21 =	vor.u32 v6, v57;
	v22 =	vor.u32 v7, v57;
	v13 =	vadd.f32 v13, v53;
	s1 =	smov.u32 s13;
	s13 =	sadd.s32 $0x1, s13  }
0x13b: {  	v15 =	vadd.f32 v15, v53;
	[tilespmem:v16+s20+$0x0] =	vst.idx.msk $0xffff, v20;
	v16 =	vadd.f32 v60, v53  }
0x13c: {  	v20 =	vor.u32 v50, v56;
	[tilespmem:v14+s20+$0x0] =	vst.idx.msk $0xffff, v13;
	v13 =	vadd.f32 v17, v53  }
0x13d: {  	[tilespmem:v9+s20+$0x0] =	vst.idx.msk $0xffff, v15;
	v9 =	vadd.f32 v18, v53  }
0x13e: {  	v14 =	vadd.f32 v19, v53;
	[tilespmem:v61+s20+$0x0] =	vst.idx.msk $0xffff, v16  }
0x13f: {  	v15 =	vor.u32 v2, v57;
	[tilespmem:v55+s20+$0x0] =	vst.idx.msk $0xffff, v13  }
0x140: {  	[tilespmem:v52+s20+$0x0] =	vst.idx.msk $0xffff, v9;
	v52 =	vmov v20  }
0x141: {  	[tilespmem:v54+s20+$0x0] =	vst.idx.msk $0xffff, v14  }
0x142: {  	v19 =	vld.idx.msk [tilespmem:v10+s24+$0x0], $0xffff  }
0x143: {  	v53 =	vld.idx.msk [tilespmem:v11+s16+$0x0], $0xffff  }
0x144: {  	v20 =	vld.idx.msk [tilespmem:v15+s24+$0x0], $0xffff  }
0x145: {  	v55 =	vor.u32 v49, v56;
	v54 =	vor.u32 v51, v56;
	v60 =	vld.idx.msk [tilespmem:v12+s24+$0x0], $0xffff;
	v12 =	vor.u32 v8, v57  }
0x146: {  	v23 =	vor.u32 v44, v56;
	v61 =	vor.u32 v48, v56;
	v9 =	vor.u32 v47, v56;
	v13 =	vld.idx.msk [tilespmem:v58+s24+$0x0], $0xffff  }
.Ltmp4:
0x147: {  	v16 =	vor.u32 v45, v56;
	v14 =	vor.u32 v46, v56;
	v10 =	vadd.s32 s1, v0;
	v15 =	vld.idx.msk [tilespmem:v59+s24+$0x0], $0xffff;
	(pc) =	sbr.rel @p1 .LBB2_11-.Ltmp4, $4  }
0x148: {  	v11 =	vshll.u32 v10, $0x4;
	v56 =	vshll.u32 v10, $0x7;
	v57 =	vand.u32 $0x1F, v10;
	v17 =	vld.idx.msk [tilespmem:v21+s24+$0x0], $0xffff  }
0x149: {  	v11 =	vand.u32 $0x1F0, v11;
	v10 =	vor.u32 v1, v57;
	v21 =	vadd.f32 v19, v53;
	v18 =	vld.idx.msk [tilespmem:v22+s24+$0x0], $0xffff  }
0x14a: {  	v11 =	vor.u32 v43, v11;
	v58 =	vor.u32 v3, v57;
	v20 =	vadd.f32 v20, v53;
	v19 =	vld.idx.msk [tilespmem:v12+s24+$0x0], $0xffff  }
0x14b: {  	v56 =	vand.u32 $0xF80, v56;
	v59 =	vor.u32 v4, v57;
	v12 =	vor.u32 v5, v57;
	[tilespmem:v23+s20+$0x0] =	vst.idx.msk $0xffff, v21  }
0x14c: {  	_ =	sdelay $0x2  }
0x14d: {  	v13 =	vadd.f32 v13, v53  }
0x14e: {  	[tilespmem:v16+s20+$0x0] =	vst.idx.msk $0xffff, v20;
	v15 =	vadd.f32 v15, v53  }
0x14f: {  	v16 =	vadd.f32 v60, v53;
	[tilespmem:v14+s20+$0x0] =	vst.idx.msk $0xffff, v13  }
0x150: {  	v13 =	vadd.f32 v17, v53;
	[tilespmem:v9+s20+$0x0] =	vst.idx.msk $0xffff, v15  }
0x151: {  	v9 =	vadd.f32 v18, v53;
	[tilespmem:v61+s20+$0x0] =	vst.idx.msk $0xffff, v16  }
0x152: {  	v14 =	vadd.f32 v19, v53;
	v15 =	vor.u32 v2, v57;
	[tilespmem:v55+s20+$0x0] =	vst.idx.msk $0xffff, v13  }
0x153: {  	[tilespmem:v52+s20+$0x0] =	vst.idx.msk $0xffff, v9  }
0x154: {  	[tilespmem:v54+s20+$0x0] =	vst.idx.msk $0xffff, v14  }
0x155: {  	v9 =	vld.idx.msk [tilespmem:v10+s24+$0x0], $0xffff  }
0x156: {  	v10 =	vor.u32 v6, v57;
	v11 =	vld.idx.msk [tilespmem:v11+s16+$0x0], $0xffff  }
0x157: {  	v13 =	vor.u32 v7, v57;
	v14 =	vld.idx.msk [tilespmem:v15+s24+$0x0], $0xffff  }
0x158: {  	v17 =	vor.u32 v44, v56;
	v15 =	vor.u32 v8, v57;
	v16 =	vld.idx.msk [tilespmem:v58+s24+$0x0], $0xffff  }
0x159: {  	v19 =	vor.u32 v45, v56;
	v18 =	vld.idx.msk [tilespmem:v59+s24+$0x0], $0xffff  }
0x15a: {  	v20 =	vor.u32 v46, v56;
	v12 =	vld.idx.msk [tilespmem:v12+s24+$0x0], $0xffff  }
0x15b: {  	v21 =	vor.u32 v47, v56;
	v10 =	vld.idx.msk [tilespmem:v10+s24+$0x0], $0xffff;
	v9 =	vadd.f32 v9, v11  }
0x15c: {  	v22 =	vor.u32 v48, v56;
	v13 =	vld.idx.msk [tilespmem:v13+s24+$0x0], $0xffff;
	v14 =	vadd.f32 v14, v11  }
0x15d: {  	v23 =	vor.u32 v49, v56;
	v15 =	vld.idx.msk [tilespmem:v15+s24+$0x0], $0xffff;
	[tilespmem:v17+s20+$0x0] =	vst.idx.msk $0xffff, v9;
	v9 =	vadd.f32 v16, v11  }
0x15e: {  	v16 =	vor.u32 v50, v56;
	[tilespmem:v19+s20+$0x0] =	vst.idx.msk $0xffff, v14;
	v14 =	vadd.f32 v18, v11  }
0x15f: {  	v12 =	vadd.f32 v12, v11;
	v17 =	vor.u32 v51, v56;
	[tilespmem:v20+s20+$0x0] =	vst.idx.msk $0xffff, v9  }
0x160: {  	s1 =	smul.u32 $0x140000, s9;
	v9 =	vadd.f32 v10, v11;
	[tilespmem:v21+s20+$0x0] =	vst.idx.msk $0xffff, v14  }
0x161: {  	v10 =	vadd.f32 v13, v11;
	[tilespmem:v22+s20+$0x0] =	vst.idx.msk $0xffff, v12  }
0x162: {  	p1 =	seq.s32 s9, $0x13;
	s1 =	sor.u32 s10, s1;
	v11 =	vadd.f32 v15, v11;
	[tilespmem:v23+s20+$0x0] =	vst.idx.msk $0xffff, v9  }
0x163: {  	s12 =	sadd.s32 @!p1 $0x2, s12;
	s1 =	sshrl.u32 s1, $0x3;
	[tilespmem:v16+s20+$0x0] =	vst.idx.msk $0xffff, v10  }
0x164: {  	s3 =	simm.s32 @!p1 $0x7800;
	s13 =	smul.u32 @!p1 $0xA00, s12;
	s1 =	sadd.s32 s14, s1;
	[tilespmem:v17+s20+$0x0] =	vst.idx.msk $0xffff, v11  }
0x165: {  	[hbm4b:s1+s25] =	stream.strided.scatter [tilespmem:s20], [sflag:$0x3], $0x5000, s26, s25, $0x38;
	[tilespmem:$0x1B800] =	vst v63  }
0x166: {  	s12 =	smul.u32 @!p1 $0x140, s12;
	s1 =	sshra.s32 @!p1 s13, $0x2;
	s13 =	simm.s32 @!p1 $0x280  }
0x167: {  	[tilespmem:s3], [sflag:$0x1] =	stream.indirect.gather @!p1 [hbm4b:s5+s13], $0x20, s1, s13, $0xb8;
	[tilespmem:$0x1B800] =	vst v63  }
0x168: {  	s1 =	sadd.s32 @!p1 s7, s12;
	s3 =	simm.s32 @!p1 $0x0;
	s12 =	simm.s32 @!p1 $0x6400  }
0x169: {  	[tilespmem:s12], [sflag:$0x1] =	stream.linear.gather @!p1 [hbm4b:s1+s3], $0xA00, $0x38;
	[tilespmem:$0x1B800] =	vst v63  }
0x16a: {  	_ =	swait.ge [sflag:s28], $0x5000  }
0x16b: {  	[sflag:s28] =	ssyncset.done $0x0  }
0x16c: {  	s12 =	simm.s32 $0x0;
	[sflag:s28] =	ssyncadd.s32 $0xFFFFB000  }
0x16d: {  	v9 =	vadd.s32 s12, v0;
	_ =	swait.ge [sflag:s28], $0xA00  }
0x16e: {  	v11 =	vshll.u32 v9, $0x4;
	[sflag:s28] =	ssyncset.done $0x0  }
0x16f: {  	s1 =	simm.s32 @!p0 $0x4;
	v10 =	vand.u32 $0x1F, v9;
	[tilespmem:$0x1FCA0] =	vst v11;
	[sflag:s28] =	ssyncadd.s32 $0xFFFFF600  }
0x170: {  	v12 =	vor.u32 v1, v10;
	v11 =	vand.u32 $0x1F0, v11;
	_ =	swait.ge @!p0 [sflag:s1], $0x5000  }
0x171: {  	v52 =	vshll.u32 v9, $0x7;
	v11 =	vor.u32 v0, v11;
	v28 =	vld [tilespmem:$0x1FF60]  }
0x172: {  	v29 =	vmov v27;
	v16 =	vor.u32 v2, v10;
	v14 =	vand.u32 $0xF80, v52;
	[tilespmem:$0x1FCB0] =	vst v12;
	v30 =	vld [tilespmem:$0x1FE70]  }
0x173: {  	v13 =	vor.u32 v5, v10;
	v19 =	vor.u32 v3, v10;
	v55 =	vor.u32 v27, v14;
	[sflag:s1] =	ssyncset.done @!p0 $0x0;
	[tilespmem:$0x1FCC0] =	vst v16;
	v24 =	vld [tilespmem:$0x1FF40]  }
0x174: {  	v9 =	vor.u32 v25, v14;
	v63 =	vor.u32 v26, v14;
	v27 =	vmovc v26;
	v26 =	vmov v25;
	[tilespmem:$0x1FCD0] =	vst v13;
	v25 =	vld [tilespmem:$0x1FE60];
	[sflag:s1] =	ssyncadd.s32 @!p0 $0xFFFFB000  }
0x175: {  	s13 =	simm.s32 $0x1;
	v15 =	vor.u32 v4, v10;
	v17 =	vor.u32 v6, v10;
	[tilespmem:$0x1FCE0] =	vst v19;
	v12 =	vld.idx.msk [tilespmem:v12+s17+$0x0], $0xffff  }
0x176: {  	v18 =	vor.u32 v7, v10;
	v23 =	vor.u32 v8, v10;
	v10 =	vadd.s32 s13, v0;
	[tilespmem:$0x1FCF0] =	vst v15;
	v56 =	vld.idx.msk [tilespmem:v11+s18+$0x0], $0xffff  }
0x177: {  	[tilespmem:$0x1FD00] =	vst v10;
	v20 =	vld.idx.msk [tilespmem:v16+s17+$0x0], $0xffff  }
0x178: {  	v21 =	vor.u32 v0, v14;
	v60 =	vand.u32 $0x1F, v10;
	v53 =	vshll.u32 v10, $0x7;
	[tilespmem:$0x1FD10] =	vst v17;
	v54 =	vld.idx.msk [tilespmem:v13+s17+$0x0], $0xffff  }
0x179: {  	v61 =	vor.u32 v3, v60;
	v62 =	vor.u32 v4, v60;
	[tilespmem:$0x1FD30] =	vst v18;
	v13 =	vld.idx.msk [tilespmem:v19+s17+$0x0], $0xffff;
	v11 =	vshll.u32 v10, $0x4  }
0x17a: {  	v15 =	vld.idx.msk [tilespmem:v15+s17+$0x0], $0xffff;
	[tilespmem:$0x1FD20] =	vst v11;
	v11 =	vand.u32 $0x1F0, v11;
	v58 =	vor.u32 v28, v14;
	v16 =	vor.u32 v24, v14  }
0x17b: {  	v17 =	vld.idx.msk [tilespmem:v17+s17+$0x0], $0xffff;
	v57 =	vor.u32 v30, v14;
	v14 =	vor.u32 v25, v14;
	v22 =	vadd.f32 v12, v56  }
0x17c: {  	v59 =	vand.u32 $0xF80, v53;
	[tilespmem:$0x1FD40] =	vst v23;
	v18 =	vld.idx.msk [tilespmem:v18+s17+$0x0], $0xffff;
	v10 =	vor.u32 v1, v60;
	v11 =	vor.u32 v0, v11  }
0x17d: {  	s12 =	simm.s32 $0x2;
	v19 =	vld.idx.msk [tilespmem:v23+s17+$0x0], $0xffff;
	v20 =	vadd.f32 v20, v56;
	v12 =	vor.u32 v5, v60;
	[tilespmem:v21+s29+$0x0] =	vst.idx.msk $0xffff, v22  }
.LBB2_13:
0x17e: {  	p0 =	sne.s32 s12, $0x1F;
	v21 =	vor.u32 v6, v60;
	v22 =	vor.u32 v7, v60;
	v13 =	vadd.f32 v13, v56;
	s1 =	smov.u32 s12;
	s12 =	sadd.s32 $0x1, s12  }
0x17f: {  	v15 =	vadd.f32 v15, v56;
	[tilespmem:v16+s29+$0x0] =	vst.idx.msk $0xffff, v20;
	v16 =	vadd.f32 v54, v56  }
0x180: {  	v20 =	vor.u32 v29, v59;
	[tilespmem:v14+s29+$0x0] =	vst.idx.msk $0xffff, v13;
	v13 =	vadd.f32 v17, v56  }
0x181: {  	[tilespmem:v9+s29+$0x0] =	vst.idx.msk $0xffff, v15;
	v9 =	vadd.f32 v18, v56  }
0x182: {  	v14 =	vadd.f32 v19, v56;
	[tilespmem:v63+s29+$0x0] =	vst.idx.msk $0xffff, v16  }
0x183: {  	v15 =	vor.u32 v2, v60;
	[tilespmem:v58+s29+$0x0] =	vst.idx.msk $0xffff, v13  }
0x184: {  	[tilespmem:v55+s29+$0x0] =	vst.idx.msk $0xffff, v9;
	v55 =	vmov v20  }
0x185: {  	[tilespmem:v57+s29+$0x0] =	vst.idx.msk $0xffff, v14  }
0x186: {  	v19 =	vld.idx.msk [tilespmem:v10+s17+$0x0], $0xffff  }
0x187: {  	v56 =	vld.idx.msk [tilespmem:v11+s18+$0x0], $0xffff  }
0x188: {  	v20 =	vld.idx.msk [tilespmem:v15+s17+$0x0], $0xffff  }
0x189: {  	v58 =	vor.u32 v28, v59;
	v57 =	vor.u32 v30, v59;
	v54 =	vld.idx.msk [tilespmem:v12+s17+$0x0], $0xffff;
	v12 =	vor.u32 v8, v60  }
0x18a: {  	v23 =	vor.u32 v0, v59;
	v63 =	vor.u32 v27, v59;
	v9 =	vor.u32 v26, v59;
	v13 =	vld.idx.msk [tilespmem:v61+s17+$0x0], $0xffff  }
.Ltmp5:
0x18b: {  	v16 =	vor.u32 v24, v59;
	v14 =	vor.u32 v25, v59;
	v10 =	vadd.s32 s1, v0;
	v15 =	vld.idx.msk [tilespmem:v62+s17+$0x0], $0xffff;
	(pc) =	sbr.rel @p0 .LBB2_13-.Ltmp5, $4  }
0x18c: {  	v11 =	vshll.u32 v10, $0x4;
	v59 =	vshll.u32 v10, $0x7;
	v60 =	vand.u32 $0x1F, v10;
	v17 =	vld.idx.msk [tilespmem:v21+s17+$0x0], $0xffff  }
0x18d: {  	v11 =	vand.u32 $0x1F0, v11;
	v10 =	vor.u32 v1, v60;
	v21 =	vadd.f32 v19, v56;
	v18 =	vld.idx.msk [tilespmem:v22+s17+$0x0], $0xffff  }
0x18e: {  	v11 =	vor.u32 v0, v11;
	v61 =	vor.u32 v3, v60;
	v20 =	vadd.f32 v20, v56;
	v19 =	vld.idx.msk [tilespmem:v12+s17+$0x0], $0xffff  }
0x18f: {  	v59 =	vand.u32 $0xF80, v59;
	v62 =	vor.u32 v4, v60;
	v12 =	vor.u32 v5, v60;
	[tilespmem:v23+s29+$0x0] =	vst.idx.msk $0xffff, v21  }
0x190: {  	_ =	sdelay $0x2  }
0x191: {  	v13 =	vadd.f32 v13, v56  }
0x192: {  	[tilespmem:v16+s29+$0x0] =	vst.idx.msk $0xffff, v20;
	v15 =	vadd.f32 v15, v56  }
0x193: {  	v16 =	vadd.f32 v54, v56;
	[tilespmem:v14+s29+$0x0] =	vst.idx.msk $0xffff, v13  }
0x194: {  	v13 =	vadd.f32 v17, v56;
	[tilespmem:v9+s29+$0x0] =	vst.idx.msk $0xffff, v15  }
0x195: {  	v9 =	vadd.f32 v18, v56;
	[tilespmem:v63+s29+$0x0] =	vst.idx.msk $0xffff, v16  }
0x196: {  	v14 =	vadd.f32 v19, v56;
	v15 =	vor.u32 v2, v60;
	[tilespmem:v58+s29+$0x0] =	vst.idx.msk $0xffff, v13  }
0x197: {  	[tilespmem:v55+s29+$0x0] =	vst.idx.msk $0xffff, v9  }
0x198: {  	[tilespmem:v57+s29+$0x0] =	vst.idx.msk $0xffff, v14  }
0x199: {  	v9 =	vld.idx.msk [tilespmem:v10+s17+$0x0], $0xffff  }
0x19a: {  	v13 =	vor.u32 v7, v60;
	v11 =	vld.idx.msk [tilespmem:v11+s18+$0x0], $0xffff  }
0x19b: {  	v10 =	vor.u32 v6, v60;
	v14 =	vld.idx.msk [tilespmem:v15+s17+$0x0], $0xffff  }
0x19c: {  	v17 =	vor.u32 v0, v59;
	v15 =	vor.u32 v8, v60;
	v16 =	vld.idx.msk [tilespmem:v61+s17+$0x0], $0xffff  }
0x19d: {  	v19 =	vor.u32 v24, v59;
	v18 =	vld.idx.msk [tilespmem:v62+s17+$0x0], $0xffff  }
0x19e: {  	v20 =	vor.u32 v25, v59;
	v12 =	vld.idx.msk [tilespmem:v12+s17+$0x0], $0xffff  }
0x19f: {  	v21 =	vor.u32 v26, v59;
	v13 =	vld.idx.msk [tilespmem:v13+s17+$0x0], $0xffff;
	v9 =	vadd.f32 v9, v11  }
0x1a0: {  	v22 =	vor.u32 v27, v59;
	v10 =	vld.idx.msk [tilespmem:v10+s17+$0x0], $0xffff;
	v14 =	vadd.f32 v14, v11  }
0x1a1: {  	v15 =	vld.idx.msk [tilespmem:v15+s17+$0x0], $0xffff;
	[tilespmem:v17+s29+$0x0] =	vst.idx.msk $0xffff, v9;
	v9 =	vadd.f32 v16, v11  }
0x1a2: {  	[tilespmem:v19+s29+$0x0] =	vst.idx.msk $0xffff, v14;
	v14 =	vadd.f32 v18, v11  }
0x1a3: {  	v12 =	vadd.f32 v12, v11;
	[tilespmem:v20+s29+$0x0] =	vst.idx.msk $0xffff, v9  }
0x1a4: {  	v17 =	vor.u32 v30, v59;
	v30 =	vld [tilespmem:$0x1FF70];
	[tilespmem:v21+s29+$0x0] =	vst.idx.msk $0xffff, v14  }
0x1a5: {  	[tilespmem:v22+s29+$0x0] =	vst.idx.msk $0xffff, v12;
	v12 =	vld [tilespmem:$0x1FCA0];
	_ =	sdelay $0x1  }
0x1a6: {  	v23 =	vor.u32 v28, v59  }
0x1a7: {  	v16 =	vor.u32 v29, v59;
	_ =	sdelay $0x1  }
0x1a8: {  	v9 =	vadd.f32 v10, v11;
	v12 =	vor.u32 v30, v12  }
0x1a9: {  	v10 =	vadd.f32 v13, v11  }
0x1aa: {  	v11 =	vadd.f32 v15, v11;
	[tilespmem:v23+s29+$0x0] =	vst.idx.msk $0xffff, v9  }
0x1ab: {  	[tilespmem:v16+s29+$0x0] =	vst.idx.msk $0xffff, v10  }
0x1ac: {  	[tilespmem:v17+s29+$0x0] =	vst.idx.msk $0xffff, v11  }
0x1ad: {  	v56 =	vld.idx.msk [tilespmem:v12+s18+$0x0], $0xffff  }
0x1ae: {  	v12 =	vld [tilespmem:$0x1FCF0];
	_ =	sdelay $0x6  }
0x1af: {  	v10 =	vld [tilespmem:$0x1FCB0]  }
0x1b0: {  	v14 =	vld.idx.msk [tilespmem:v12+s30+$0x0], $0xffff  }
0x1b1: {  	v12 =	vld [tilespmem:$0x1FD00];
	_ =	sdelay $0x4  }
0x1b2: {  	v59 =	vand.u32 $0x1F, v12;
	v12 =	vld [tilespmem:$0x1FCD0];
	_ =	sdelay $0x2  }
0x1b3: {  	v20 =	vld.idx.msk [tilespmem:v10+s30+$0x0], $0xffff  }
0x1b4: {  	v10 =	vld [tilespmem:$0x1FCC0];
	_ =	sdelay $0x1  }
0x1b5: {  	v27 =	vld [tilespmem:$0x1FEA0]  }
0x1b6: {  	v9 =	vld [tilespmem:$0x1FCE0]  }
0x1b7: {  	v17 =	vld.idx.msk [tilespmem:v12+s30+$0x0], $0xffff  }
0x1b8: {  	v12 =	vld [tilespmem:$0x1FD20]  }
0x1b9: {  	v25 =	vld [tilespmem:$0x1FE80]  }
0x1ba: {  	v19 =	vld [tilespmem:$0x1FD30]  }
0x1bb: {  	v13 =	vld.idx.msk [tilespmem:v10+s30+$0x0], $0xffff  }
0x1bc: {  	v10 =	vld [tilespmem:$0x1FD40]  }
0x1bd: {  	v61 =	vor.u32 v30, v12;
	v12 =	vld [tilespmem:$0x1FD10]  }
0x1be: {  	v26 =	vld [tilespmem:$0x1FE90]  }
0x1bf: {  	v9 =	vld.idx.msk [tilespmem:v9+s30+$0x0], $0xffff  }
0x1c0: {  	v28 =	vld [tilespmem:$0x1FEB0];
	_ =	sdelay $0x1  }
0x1c1: {  	v24 =	vld [tilespmem:$0x1FEE0];
	v55 =	vor.u32 v33, v52;
	v57 =	vor.u32 v34, v52;
	v18 =	vor.u32 v25, v52  }
0x1c2: {  	v60 =	vor.u32 v32, v52;
	v16 =	vor.u32 v26, v52;
	v11 =	vor.u32 v27, v52;
	v19 =	vld.idx.msk [tilespmem:v19+s30+$0x0], $0xffff  }
0x1c3: {  	v62 =	vadd.f32 v9, v56;
	v20 =	vadd.f32 v20, v56;
	v54 =	vor.u32 v1, v59;
	v58 =	vld.idx.msk [tilespmem:v10+s30+$0x0], $0xffff  }
0x1c4: {  	s1 =	simm.s32 $0x2;
	v9 =	vor.u32 v2, v59;
	v10 =	vor.u32 v28, v52;
	v15 =	vld.idx.msk [tilespmem:v12+s30+$0x0], $0xffff;
	v12 =	vor.u32 v3, v59  }
.LBB2_15:
0x1c5: {  	p0 =	sne.s32 s1, $0x1F;
	v21 =	vor.u32 v4, v59;
	v22 =	vor.u32 v5, v59;
	v13 =	vadd.f32 v13, v56;
	s3 =	smov.u32 s1;
	s1 =	sadd.s32 $0x1, s1  }
0x1c6: {  	v23 =	vor.u32 v6, v59;
	v63 =	vor.u32 v7, v59;
	[tilespmem:v18+s29+$0x0] =	vst.idx.msk $0xffff, v20  }
0x1c7: {  	v18 =	vor.u32 v33, v53;
	[tilespmem:v16+s29+$0x0] =	vst.idx.msk $0xffff, v13;
	v13 =	vadd.f32 v14, v56  }
0x1c8: {  	v14 =	vor.u32 v24, v52;
	v52 =	vmov v53;
	[tilespmem:v11+s29+$0x0] =	vst.idx.msk $0xffff, v62;
	v11 =	vadd.f32 v17, v56  }
0x1c9: {  	[tilespmem:v10+s29+$0x0] =	vst.idx.msk $0xffff, v13;
	v10 =	vadd.f32 v15, v56  }
0x1ca: {  	[tilespmem:v55+s29+$0x0] =	vst.idx.msk $0xffff, v11;
	v11 =	vadd.f32 v19, v56;
	v55 =	vmov v18  }
0x1cb: {  	[tilespmem:v60+s29+$0x0] =	vst.idx.msk $0xffff, v10;
	v10 =	vadd.f32 v58, v56  }
0x1cc: {  	[tilespmem:v57+s29+$0x0] =	vst.idx.msk $0xffff, v11  }
0x1cd: {  	v11 =	vor.u32 v8, v59;
	[tilespmem:v14+s29+$0x0] =	vst.idx.msk $0xffff, v10  }
0x1ce: {  	v12 =	vld.idx.msk [tilespmem:v12+s30+$0x0], $0xffff  }
0x1cf: {  	v56 =	vld.idx.msk [tilespmem:v61+s18+$0x0], $0xffff  }
0x1d0: {  	v20 =	vld.idx.msk [tilespmem:v54+s30+$0x0], $0xffff  }
0x1d1: {  	v57 =	vor.u32 v34, v52;
	v13 =	vld.idx.msk [tilespmem:v9+s30+$0x0], $0xffff  }
.Ltmp6:
0x1d2: {  	v60 =	vor.u32 v32, v52;
	v10 =	vor.u32 v28, v52;
	v58 =	vld.idx.msk [tilespmem:v11+s30+$0x0], $0xffff;
	v11 =	vor.u32 v27, v52;
	(pc) =	sbr.rel @p0 .LBB2_15-.Ltmp6, $4  }
0x1d3: {  	v16 =	vor.u32 v26, v52;
	v18 =	vor.u32 v25, v52;
	v9 =	vadd.s32 s3, v0;
	v14 =	vld.idx.msk [tilespmem:v21+s30+$0x0], $0xffff  }
0x1d4: {  	v15 =	vshll.u32 v9, $0x4;
	v59 =	vand.u32 $0x1F, v9;
	v53 =	vshll.u32 v9, $0x7;
	v17 =	vld.idx.msk [tilespmem:v22+s30+$0x0], $0xffff  }
0x1d5: {  	v61 =	vor.u32 v30, v15;
	v54 =	vor.u32 v1, v59;
	v62 =	vadd.f32 v12, v56;
	v15 =	vld.idx.msk [tilespmem:v23+s30+$0x0], $0xffff  }
0x1d6: {  	v9 =	vor.u32 v2, v59;
	v12 =	vor.u32 v3, v59;
	v20 =	vadd.f32 v20, v56;
	v19 =	vld.idx.msk [tilespmem:v63+s30+$0x0], $0xffff  }
0x1d7: {  	_ =	sdelay $0x2  }
0x1d8: {  	v13 =	vadd.f32 v13, v56  }
0x1d9: {  	[tilespmem:v18+s29+$0x0] =	vst.idx.msk $0xffff, v20  }
0x1da: {  	[tilespmem:v16+s29+$0x0] =	vst.idx.msk $0xffff, v13;
	v13 =	vadd.f32 v14, v56  }
0x1db: {  	v14 =	vor.u32 v24, v52;
	[tilespmem:v11+s29+$0x0] =	vst.idx.msk $0xffff, v62;
	v11 =	vadd.f32 v17, v56  }
0x1dc: {  	[tilespmem:v10+s29+$0x0] =	vst.idx.msk $0xffff, v13;
	v10 =	vadd.f32 v15, v56  }
0x1dd: {  	[tilespmem:v55+s29+$0x0] =	vst.idx.msk $0xffff, v11;
	v11 =	vadd.f32 v19, v56  }
0x1de: {  	[tilespmem:v60+s29+$0x0] =	vst.idx.msk $0xffff, v10;
	v10 =	vadd.f32 v58, v56  }
0x1df: {  	[tilespmem:v57+s29+$0x0] =	vst.idx.msk $0xffff, v11  }
0x1e0: {  	v11 =	vor.u32 v4, v59;
	[tilespmem:v14+s29+$0x0] =	vst.idx.msk $0xffff, v10  }
0x1e1: {  	v13 =	vor.u32 v8, v59;
	v14 =	vld.idx.msk [tilespmem:v61+s18+$0x0], $0xffff  }
0x1e2: {  	v10 =	vor.u32 v5, v59;
	v16 =	vld.idx.msk [tilespmem:v54+s30+$0x0], $0xffff  }
0x1e3: {  	v15 =	vor.u32 v6, v59;
	v9 =	vld.idx.msk [tilespmem:v9+s30+$0x0], $0xffff  }
0x1e4: {  	v18 =	vor.u32 v25, v53;
	v17 =	vor.u32 v7, v59;
	v12 =	vld.idx.msk [tilespmem:v12+s30+$0x0], $0xffff  }
0x1e5: {  	v19 =	vor.u32 v26, v53;
	v11 =	vld.idx.msk [tilespmem:v11+s30+$0x0], $0xffff  }
0x1e6: {  	v20 =	vor.u32 v27, v53;
	v13 =	vld.idx.msk [tilespmem:v13+s30+$0x0], $0xffff  }
0x1e7: {  	v21 =	vor.u32 v28, v53;
	v10 =	vld.idx.msk [tilespmem:v10+s30+$0x0], $0xffff;
	v16 =	vadd.f32 v16, v14  }
0x1e8: {  	v15 =	vld.idx.msk [tilespmem:v15+s30+$0x0], $0xffff;
	v9 =	vadd.f32 v9, v14  }
0x1e9: {  	v22 =	vor.u32 v33, v53;
	v17 =	vld.idx.msk [tilespmem:v17+s30+$0x0], $0xffff;
	v12 =	vadd.f32 v12, v14;
	[tilespmem:v18+s29+$0x0] =	vst.idx.msk $0xffff, v16  }
0x1ea: {  	s1 =	simm.s32 $0x0;
	[tilespmem:v19+s29+$0x0] =	vst.idx.msk $0xffff, v9;
	v9 =	vadd.f32 v11, v14  }
0x1eb: {  	v63 =	vor.u32 v32, v53;
	v25 =	vld [tilespmem:$0x1FFB0];
	v11 =	vadd.s32 s1, v0;
	[tilespmem:v20+s29+$0x0] =	vst.idx.msk $0xffff, v12  }
0x1ec: {  	v23 =	vor.u32 v34, v53;
	v33 =	vld [tilespmem:$0x1FFE0];
	v10 =	vadd.f32 v10, v14;
	v18 =	vshll.u32 v11, $0x4;
	[tilespmem:v21+s29+$0x0] =	vst.idx.msk $0xffff, v9  }
0x1ed: {  	v29 =	vld [tilespmem:$0x1FF00];
	v12 =	vor.u32 v24, v53;
	v16 =	vand.u32 $0x1F, v11;
	[tilespmem:$0x1FBF0] =	vst v18  }
0x1ee: {  	v28 =	vld [tilespmem:$0x1FFD0];
	v9 =	vadd.f32 v15, v14;
	v15 =	vand.u32 $0x1F0, v18;
	v18 =	vor.u32 v1, v16;
	[tilespmem:v22+s29+$0x0] =	vst.idx.msk $0xffff, v10  }
0x1ef: {  	v27 =	vld [tilespmem:$0x1FEF0];
	v19 =	vor.u32 v2, v16;
	v10 =	vadd.f32 v17, v14;
	[tilespmem:$0x1FC00] =	vst v18  }
0x1f0: {  	v26 =	vld [tilespmem:$0x1FFC0];
	v52 =	vshll.u32 v11, $0x7;
	v15 =	vor.u32 v25, v15;
	[tilespmem:v63+s29+$0x0] =	vst.idx.msk $0xffff, v9;
	v9 =	vadd.f32 v13, v14  }
0x1f1: {  	v24 =	vld [tilespmem:$0x1FF10];
	v13 =	vor.u32 v5, v16;
	[tilespmem:v23+s29+$0x0] =	vst.idx.msk $0xffff, v10;
	v10 =	vand.u32 $0xF80, v52  }
0x1f2: {  	v34 =	vmov v31;
	v14 =	vor.u32 v4, v16;
	[tilespmem:v12+s29+$0x0] =	vst.idx.msk $0xffff, v9;
	v55 =	vor.u32 v31, v10;
	v31 =	vld [tilespmem:$0x1FF20]  }
0x1f3: {  	v20 =	vor.u32 v8, v16;
	[tilespmem:$0x1FC10] =	vst v19;
	v9 =	vor.u32 v3, v16;
	v11 =	vld.idx.msk [tilespmem:v18+s31+$0x0], $0xffff  }
0x1f4: {  	v17 =	vor.u32 v6, v16;
	[tilespmem:$0x1FC90] =	vst v20;
	v12 =	vld.idx.msk [tilespmem:v19+s31+$0x0], $0xffff  }
0x1f5: {  	s13 =	simm.s32 $0x1;
	[tilespmem:$0x1FC60] =	vst v17;
	v57 =	vor.u32 v33, v10;
	v56 =	vld.idx.msk [tilespmem:v15+s18+$0x0], $0xffff  }
0x1f6: {  	[tilespmem:$0x1FC20] =	vst v13;
	v21 =	vor.u32 v26, v10;
	v18 =	vor.u32 v7, v16;
	v19 =	vadd.s32 s13, v0;
	v54 =	vld.idx.msk [tilespmem:v13+s31+$0x0], $0xffff  }
0x1f7: {  	[tilespmem:$0x1FC40] =	vst v14;
	v63 =	vor.u32 v24, v10;
	v16 =	vor.u32 v28, v10;
	v60 =	vand.u32 $0x1F, v19;
	v15 =	vld.idx.msk [tilespmem:v14+s31+$0x0], $0xffff  }
0x1f8: {  	[tilespmem:$0x1FC30] =	vst v9;
	v53 =	vshll.u32 v19, $0x7;
	v14 =	vor.u32 v27, v10;
	v61 =	vor.u32 v3, v60;
	v13 =	vld.idx.msk [tilespmem:v9+s31+$0x0], $0xffff  }
0x1f9: {  	[tilespmem:$0x1FC50] =	vst v19;
	v58 =	vor.u32 v31, v10;
	v9 =	vor.u32 v29, v10;
	v10 =	vshll.u32 v19, $0x4  }
0x1fa: {  	v17 =	vld.idx.msk [tilespmem:v17+s31+$0x0], $0xffff;
	[tilespmem:$0x1FC80] =	vst v18;
	v62 =	vor.u32 v4, v60;
	v19 =	vand.u32 $0x1F0, v10;
	v22 =	vadd.f32 v11, v56  }
0x1fb: {  	v59 =	vand.u32 $0xF80, v53;
	[tilespmem:$0x1FC70] =	vst v10;
	v10 =	vor.u32 v1, v60;
	v18 =	vld.idx.msk [tilespmem:v18+s31+$0x0], $0xffff;
	v11 =	vor.u32 v25, v19  }
0x1fc: {  	s12 =	simm.s32 $0x2;
	v19 =	vld.idx.msk [tilespmem:v20+s31+$0x0], $0xffff;
	v20 =	vadd.f32 v12, v56;
	v12 =	vor.u32 v5, v60;
	[tilespmem:v21+s29+$0x0] =	vst.idx.msk $0xffff, v22  }
.LBB2_17:
0x1fd: {  	p0 =	sne.s32 s12, $0x1F;
	v21 =	vor.u32 v6, v60;
	v22 =	vor.u32 v7, v60;
	v13 =	vadd.f32 v13, v56;
	s1 =	smov.u32 s12;
	s12 =	sadd.s32 $0x1, s12  }
0x1fe: {  	v15 =	vadd.f32 v15, v56;
	[tilespmem:v16+s29+$0x0] =	vst.idx.msk $0xffff, v20;
	v16 =	vadd.f32 v54, v56  }
0x1ff: {  	v20 =	vor.u32 v34, v59;
	[tilespmem:v14+s29+$0x0] =	vst.idx.msk $0xffff, v13;
	v13 =	vadd.f32 v17, v56  }
0x200: {  	[tilespmem:v9+s29+$0x0] =	vst.idx.msk $0xffff, v15;
	v9 =	vadd.f32 v18, v56  }
0x201: {  	v14 =	vadd.f32 v19, v56;
	[tilespmem:v63+s29+$0x0] =	vst.idx.msk $0xffff, v16  }
0x202: {  	v15 =	vor.u32 v2, v60;
	[tilespmem:v58+s29+$0x0] =	vst.idx.msk $0xffff, v13  }
0x203: {  	[tilespmem:v55+s29+$0x0] =	vst.idx.msk $0xffff, v9;
	v55 =	vmov v20  }
0x204: {  	[tilespmem:v57+s29+$0x0] =	vst.idx.msk $0xffff, v14  }
0x205: {  	v19 =	vld.idx.msk [tilespmem:v10+s31+$0x0], $0xffff  }
0x206: {  	v56 =	vld.idx.msk [tilespmem:v11+s18+$0x0], $0xffff  }
0x207: {  	v20 =	vld.idx.msk [tilespmem:v15+s31+$0x0], $0xffff  }
0x208: {  	v58 =	vor.u32 v31, v59;
	v57 =	vor.u32 v33, v59;
	v54 =	vld.idx.msk [tilespmem:v12+s31+$0x0], $0xffff;
	v12 =	vor.u32 v8, v60  }
0x209: {  	v23 =	vor.u32 v26, v59;
	v63 =	vor.u32 v24, v59;
	v9 =	vor.u32 v29, v59;
	v13 =	vld.idx.msk [tilespmem:v61+s31+$0x0], $0xffff  }
.Ltmp7:
0x20a: {  	v16 =	vor.u32 v28, v59;
	v14 =	vor.u32 v27, v59;
	v10 =	vadd.s32 s1, v0;
	v15 =	vld.idx.msk [tilespmem:v62+s31+$0x0], $0xffff;
	(pc) =	sbr.rel @p0 .LBB2_17-.Ltmp7, $4  }
0x20b: {  	v11 =	vshll.u32 v10, $0x4;
	v59 =	vshll.u32 v10, $0x7;
	v60 =	vand.u32 $0x1F, v10;
	v17 =	vld.idx.msk [tilespmem:v21+s31+$0x0], $0xffff  }
0x20c: {  	v11 =	vand.u32 $0x1F0, v11;
	v10 =	vor.u32 v1, v60;
	v21 =	vadd.f32 v19, v56;
	v18 =	vld.idx.msk [tilespmem:v22+s31+$0x0], $0xffff  }
0x20d: {  	v11 =	vor.u32 v25, v11;
	v61 =	vor.u32 v3, v60;
	v20 =	vadd.f32 v20, v56;
	v19 =	vld.idx.msk [tilespmem:v12+s31+$0x0], $0xffff  }
0x20e: {  	v59 =	vand.u32 $0xF80, v59;
	v62 =	vor.u32 v4, v60;
	v12 =	vor.u32 v5, v60;
	[tilespmem:v23+s29+$0x0] =	vst.idx.msk $0xffff, v21  }
0x20f: {  	_ =	sdelay $0x2  }
0x210: {  	v13 =	vadd.f32 v13, v56  }
0x211: {  	[tilespmem:v16+s29+$0x0] =	vst.idx.msk $0xffff, v20;
	v15 =	vadd.f32 v15, v56  }
0x212: {  	v16 =	vadd.f32 v54, v56;
	[tilespmem:v14+s29+$0x0] =	vst.idx.msk $0xffff, v13  }
0x213: {  	v13 =	vadd.f32 v17, v56;
	[tilespmem:v9+s29+$0x0] =	vst.idx.msk $0xffff, v15  }
0x214: {  	v9 =	vadd.f32 v18, v56;
	[tilespmem:v63+s29+$0x0] =	vst.idx.msk $0xffff, v16  }
0x215: {  	v14 =	vadd.f32 v19, v56;
	v15 =	vor.u32 v2, v60;
	[tilespmem:v58+s29+$0x0] =	vst.idx.msk $0xffff, v13  }
0x216: {  	[tilespmem:v55+s29+$0x0] =	vst.idx.msk $0xffff, v9  }
0x217: {  	[tilespmem:v57+s29+$0x0] =	vst.idx.msk $0xffff, v14  }
0x218: {  	v9 =	vld.idx.msk [tilespmem:v10+s31+$0x0], $0xffff  }
0x219: {  	v13 =	vor.u32 v7, v60;
	v11 =	vld.idx.msk [tilespmem:v11+s18+$0x0], $0xffff  }
0x21a: {  	v10 =	vor.u32 v6, v60;
	v14 =	vld.idx.msk [tilespmem:v15+s31+$0x0], $0xffff  }
0x21b: {  	v17 =	vor.u32 v26, v59;
	v15 =	vor.u32 v8, v60;
	v16 =	vld.idx.msk [tilespmem:v61+s31+$0x0], $0xffff  }
0x21c: {  	v19 =	vor.u32 v28, v59;
	v18 =	vld.idx.msk [tilespmem:v62+s31+$0x0], $0xffff  }
0x21d: {  	v20 =	vor.u32 v27, v59;
	v12 =	vld.idx.msk [tilespmem:v12+s31+$0x0], $0xffff  }
0x21e: {  	v21 =	vor.u32 v29, v59;
	v13 =	vld.idx.msk [tilespmem:v13+s31+$0x0], $0xffff;
	v9 =	vadd.f32 v9, v11  }
0x21f: {  	v22 =	vor.u32 v24, v59;
	v10 =	vld.idx.msk [tilespmem:v10+s31+$0x0], $0xffff;
	v14 =	vadd.f32 v14, v11  }
0x220: {  	v15 =	vld.idx.msk [tilespmem:v15+s31+$0x0], $0xffff;
	[tilespmem:v17+s29+$0x0] =	vst.idx.msk $0xffff, v9;
	v9 =	vadd.f32 v16, v11  }
0x221: {  	[tilespmem:v19+s29+$0x0] =	vst.idx.msk $0xffff, v14;
	v14 =	vadd.f32 v18, v11  }
0x222: {  	v12 =	vadd.f32 v12, v11;
	[tilespmem:v20+s29+$0x0] =	vst.idx.msk $0xffff, v9  }
0x223: {  	v17 =	vor.u32 v33, v59;
	v33 =	vld [tilespmem:$0x1FFF0];
	[tilespmem:v21+s29+$0x0] =	vst.idx.msk $0xffff, v14  }
0x224: {  	[tilespmem:v22+s29+$0x0] =	vst.idx.msk $0xffff, v12;
	v12 =	vld [tilespmem:$0x1FBF0];
	_ =	sdelay $0x1  }
0x225: {  	v23 =	vor.u32 v31, v59  }
0x226: {  	v16 =	vor.u32 v34, v59;
	_ =	sdelay $0x1  }
0x227: {  	v9 =	vadd.f32 v10, v11;
	v12 =	vor.u32 v33, v12  }
0x228: {  	v10 =	vadd.f32 v13, v11  }
0x229: {  	v11 =	vadd.f32 v15, v11;
	[tilespmem:v23+s29+$0x0] =	vst.idx.msk $0xffff, v9  }
0x22a: {  	[tilespmem:v16+s29+$0x0] =	vst.idx.msk $0xffff, v10  }
0x22b: {  	[tilespmem:v17+s29+$0x0] =	vst.idx.msk $0xffff, v11  }
0x22c: {  	v56 =	vld.idx.msk [tilespmem:v12+s18+$0x0], $0xffff  }
0x22d: {  	v12 =	vld [tilespmem:$0x1FC40];
	_ =	sdelay $0x6  }
0x22e: {  	v10 =	vld [tilespmem:$0x1FC00]  }
0x22f: {  	v14 =	vld.idx.msk [tilespmem:v12+s2+$0x0], $0xffff  }
0x230: {  	v12 =	vld [tilespmem:$0x1FC50];
	_ =	sdelay $0x4  }
0x231: {  	v59 =	vand.u32 $0x1F, v12;
	v12 =	vld [tilespmem:$0x1FC20];
	_ =	sdelay $0x2  }
0x232: {  	v20 =	vld.idx.msk [tilespmem:v10+s2+$0x0], $0xffff  }
0x233: {  	v10 =	vld [tilespmem:$0x1FC10];
	_ =	sdelay $0x2  }
0x234: {  	v9 =	vld [tilespmem:$0x1FC30]  }
0x235: {  	v17 =	vld.idx.msk [tilespmem:v12+s2+$0x0], $0xffff  }
0x236: {  	v12 =	vld [tilespmem:$0x1FC70];
	_ =	sdelay $0x1  }
0x237: {  	v19 =	vld [tilespmem:$0x1FC80]  }
0x238: {  	v13 =	vld.idx.msk [tilespmem:v10+s2+$0x0], $0xffff  }
0x239: {  	v10 =	vld [tilespmem:$0x1FC90]  }
0x23a: {  	v61 =	vor.u32 v33, v12;
	v12 =	vld [tilespmem:$0x1FC60];
	_ =	sdelay $0x1  }
0x23b: {  	v9 =	vld.idx.msk [tilespmem:v9+s2+$0x0], $0xffff  }
0x23c: {  	v24 =	vld [tilespmem:$0x1FF50]  }
0x23d: {  	v31 =	vld [tilespmem:$0x1FF60]  }
0x23e: {  	v25 =	vld [tilespmem:$0x1FE70];
	v55 =	vor.u32 v39, v52;
	v57 =	vor.u32 v41, v52;
	v18 =	vor.u32 v35, v52  }
0x23f: {  	v60 =	vor.u32 v40, v52;
	v16 =	vor.u32 v36, v52;
	v11 =	vor.u32 v37, v52;
	v19 =	vld.idx.msk [tilespmem:v19+s2+$0x0], $0xffff  }
0x240: {  	v62 =	vadd.f32 v9, v56;
	v20 =	vadd.f32 v20, v56;
	v54 =	vor.u32 v1, v59;
	v58 =	vld.idx.msk [tilespmem:v10+s2+$0x0], $0xffff  }
0x241: {  	s1 =	simm.s32 $0x2;
	v9 =	vor.u32 v2, v59;
	v10 =	vor.u32 v38, v52;
	v15 =	vld.idx.msk [tilespmem:v12+s2+$0x0], $0xffff;
	v12 =	vor.u32 v3, v59  }
.LBB2_19:
0x242: {  	p0 =	sne.s32 s1, $0x1F;
	v21 =	vor.u32 v4, v59;
	v22 =	vor.u32 v5, v59;
	v13 =	vadd.f32 v13, v56;
	s3 =	smov.u32 s1;
	s1 =	sadd.s32 $0x1, s1  }
0x243: {  	v23 =	vor.u32 v6, v59;
	v63 =	vor.u32 v7, v59;
	[tilespmem:v18+s29+$0x0] =	vst.idx.msk $0xffff, v20  }
0x244: {  	v18 =	vor.u32 v39, v53;
	[tilespmem:v16+s29+$0x0] =	vst.idx.msk $0xffff, v13;
	v13 =	vadd.f32 v14, v56  }
0x245: {  	v14 =	vor.u32 v42, v52;
	v52 =	vmov v53;
	[tilespmem:v11+s29+$0x0] =	vst.idx.msk $0xffff, v62;
	v11 =	vadd.f32 v17, v56  }
0x246: {  	[tilespmem:v10+s29+$0x0] =	vst.idx.msk $0xffff, v13;
	v10 =	vadd.f32 v15, v56  }
0x247: {  	[tilespmem:v55+s29+$0x0] =	vst.idx.msk $0xffff, v11;
	v11 =	vadd.f32 v19, v56;
	v55 =	vmov v18  }
0x248: {  	[tilespmem:v60+s29+$0x0] =	vst.idx.msk $0xffff, v10;
	v10 =	vadd.f32 v58, v56  }
0x249: {  	[tilespmem:v57+s29+$0x0] =	vst.idx.msk $0xffff, v11  }
0x24a: {  	v11 =	vor.u32 v8, v59;
	[tilespmem:v14+s29+$0x0] =	vst.idx.msk $0xffff, v10  }
0x24b: {  	v12 =	vld.idx.msk [tilespmem:v12+s2+$0x0], $0xffff  }
0x24c: {  	v56 =	vld.idx.msk [tilespmem:v61+s18+$0x0], $0xffff  }
0x24d: {  	v20 =	vld.idx.msk [tilespmem:v54+s2+$0x0], $0xffff  }
0x24e: {  	v57 =	vor.u32 v41, v52;
	v13 =	vld.idx.msk [tilespmem:v9+s2+$0x0], $0xffff  }
.Ltmp8:
0x24f: {  	v60 =	vor.u32 v40, v52;
	v10 =	vor.u32 v38, v52;
	v58 =	vld.idx.msk [tilespmem:v11+s2+$0x0], $0xffff;
	v11 =	vor.u32 v37, v52;
	(pc) =	sbr.rel @p0 .LBB2_19-.Ltmp8, $4  }
0x250: {  	v16 =	vor.u32 v36, v52;
	v18 =	vor.u32 v35, v52;
	v9 =	vadd.s32 s3, v0;
	v14 =	vld.idx.msk [tilespmem:v21+s2+$0x0], $0xffff  }
0x251: {  	v15 =	vshll.u32 v9, $0x4;
	v59 =	vand.u32 $0x1F, v9;
	v53 =	vshll.u32 v9, $0x7;
	v17 =	vld.idx.msk [tilespmem:v22+s2+$0x0], $0xffff  }
0x252: {  	v61 =	vor.u32 v33, v15;
	v54 =	vor.u32 v1, v59;
	v62 =	vadd.f32 v12, v56;
	v15 =	vld.idx.msk [tilespmem:v23+s2+$0x0], $0xffff  }
0x253: {  	v9 =	vor.u32 v2, v59;
	v12 =	vor.u32 v3, v59;
	v20 =	vadd.f32 v20, v56;
	v19 =	vld.idx.msk [tilespmem:v63+s2+$0x0], $0xffff  }
0x254: {  	_ =	sdelay $0x2  }
0x255: {  	v13 =	vadd.f32 v13, v56  }
0x256: {  	[tilespmem:v18+s29+$0x0] =	vst.idx.msk $0xffff, v20  }
0x257: {  	[tilespmem:v16+s29+$0x0] =	vst.idx.msk $0xffff, v13;
	v13 =	vadd.f32 v14, v56  }
0x258: {  	v14 =	vor.u32 v42, v52;
	[tilespmem:v11+s29+$0x0] =	vst.idx.msk $0xffff, v62;
	v11 =	vadd.f32 v17, v56  }
0x259: {  	[tilespmem:v10+s29+$0x0] =	vst.idx.msk $0xffff, v13;
	v10 =	vadd.f32 v15, v56  }
0x25a: {  	[tilespmem:v55+s29+$0x0] =	vst.idx.msk $0xffff, v11;
	v11 =	vadd.f32 v19, v56  }
0x25b: {  	[tilespmem:v60+s29+$0x0] =	vst.idx.msk $0xffff, v10;
	v10 =	vadd.f32 v58, v56  }
0x25c: {  	[tilespmem:v57+s29+$0x0] =	vst.idx.msk $0xffff, v11  }
0x25d: {  	v11 =	vor.u32 v4, v59;
	[tilespmem:v14+s29+$0x0] =	vst.idx.msk $0xffff, v10  }
0x25e: {  	v10 =	vor.u32 v5, v59;
	v12 =	vld.idx.msk [tilespmem:v12+s2+$0x0], $0xffff  }
0x25f: {  	v14 =	vld.idx.msk [tilespmem:v61+s18+$0x0], $0xffff  }
0x260: {  	v15 =	vor.u32 v6, v59;
	v16 =	vld.idx.msk [tilespmem:v54+s2+$0x0], $0xffff  }
0x261: {  	v17 =	vor.u32 v7, v59;
	v9 =	vld.idx.msk [tilespmem:v9+s2+$0x0], $0xffff  }
0x262: {  	v18 =	vor.u32 v35, v53;
	v13 =	vor.u32 v8, v59;
	v11 =	vld.idx.msk [tilespmem:v11+s2+$0x0], $0xffff  }
0x263: {  	v19 =	vor.u32 v36, v53;
	v10 =	vld.idx.msk [tilespmem:v10+s2+$0x0], $0xffff  }
0x264: {  	v20 =	vor.u32 v37, v53  }
0x265: {  	v21 =	vor.u32 v38, v53;
	v15 =	vld.idx.msk [tilespmem:v15+s2+$0x0], $0xffff;
	v16 =	vadd.f32 v16, v14  }
0x266: {  	v22 =	vor.u32 v39, v53;
	v23 =	vor.u32 v41, v53;
	v17 =	vld.idx.msk [tilespmem:v17+s2+$0x0], $0xffff;
	v9 =	vadd.f32 v9, v14  }
0x267: {  	v63 =	vor.u32 v40, v53;
	s1 =	simm.s32 $0x0;
	v13 =	vld.idx.msk [tilespmem:v13+s2+$0x0], $0xffff;
	v12 =	vadd.f32 v12, v14;
	[tilespmem:v18+s29+$0x0] =	vst.idx.msk $0xffff, v16  }
0x268: {  	[tilespmem:v19+s29+$0x0] =	vst.idx.msk $0xffff, v9;
	v9 =	vadd.f32 v11, v14;
	v11 =	vadd.s32 s1, v0;
	v10 =	vadd.f32 v10, v14  }
0x269: {  	[tilespmem:v20+s29+$0x0] =	vst.idx.msk $0xffff, v12;
	v12 =	vor.u32 v42, v53;
	v16 =	vshll.u32 v11, $0x4;
	v18 =	vand.u32 $0x1F, v11  }
0x26a: {  	[tilespmem:v21+s29+$0x0] =	vst.idx.msk $0xffff, v9;
	v9 =	vadd.f32 v15, v14;
	v15 =	vand.u32 $0x1F0, v16;
	v16 =	vor.u32 v1, v18  }
0x26b: {  	[tilespmem:v22+s29+$0x0] =	vst.idx.msk $0xffff, v10;
	v10 =	vadd.f32 v17, v14;
	v15 =	vor.u32 v43, v15  }
0x26c: {  	[tilespmem:v63+s29+$0x0] =	vst.idx.msk $0xffff, v9;
	v9 =	vadd.f32 v13, v14;
	v13 =	vor.u32 v2, v18  }
0x26d: {  	v27 =	vld [tilespmem:$0x1FF80];
	[tilespmem:v23+s29+$0x0] =	vst.idx.msk $0xffff, v10;
	v10 =	vor.u32 v5, v18  }
0x26e: {  	v29 =	vld [tilespmem:$0x1FF90];
	v11 =	vshll.u32 v11, $0x7;
	[tilespmem:v12+s29+$0x0] =	vst.idx.msk $0xffff, v9;
	v9 =	vor.u32 v3, v18  }
0x26f: {  	v11 =	vand.u32 $0xF80, v11;
	v20 =	vor.u32 v7, v18;
	v12 =	vor.u32 v4, v18;
	v19 =	vld.idx.msk [tilespmem:v16+s0+$0x0], $0xffff  }
0x270: {  	v17 =	vor.u32 v6, v18;
	v52 =	vor.u32 v50, v11;
	v22 =	vor.u32 v8, v18;
	v53 =	vld.idx.msk [tilespmem:v15+s18+$0x0], $0xffff  }
0x271: {  	s13 =	simm.s32 $0x1;
	v55 =	vor.u32 v49, v11;
	v54 =	vor.u32 v51, v11;
	v61 =	vor.u32 v48, v11;
	v21 =	vld.idx.msk [tilespmem:v13+s0+$0x0], $0xffff  }
0x272: {  	v14 =	vor.u32 v46, v11;
	v23 =	vor.u32 v44, v11;
	v60 =	vld.idx.msk [tilespmem:v10+s0+$0x0], $0xffff;
	v10 =	vadd.s32 s13, v0  }
0x273: {  	v16 =	vor.u32 v45, v11;
	v13 =	vld.idx.msk [tilespmem:v9+s0+$0x0], $0xffff;
	v9 =	vor.u32 v47, v11;
	v11 =	vshll.u32 v10, $0x4  }
0x274: {  	v15 =	vld.idx.msk [tilespmem:v12+s0+$0x0], $0xffff;
	v57 =	vand.u32 $0x1F, v10;
	v56 =	vshll.u32 v10, $0x7;
	v11 =	vand.u32 $0x1F0, v11  }
0x275: {  	v17 =	vld.idx.msk [tilespmem:v17+s0+$0x0], $0xffff;
	v10 =	vor.u32 v1, v57;
	v58 =	vor.u32 v3, v57;
	v34 =	vadd.f32 v19, v53  }
0x276: {  	v18 =	vld.idx.msk [tilespmem:v20+s0+$0x0], $0xffff;
	v59 =	vor.u32 v4, v57;
	v12 =	vor.u32 v5, v57;
	v56 =	vand.u32 $0xF80, v56  }
0x277: {  	s12 =	simm.s32 $0x2;
	v11 =	vor.u32 v43, v11;
	v19 =	vld.idx.msk [tilespmem:v22+s0+$0x0], $0xffff;
	v20 =	vadd.f32 v21, v53;
	[tilespmem:v23+s29+$0x0] =	vst.idx.msk $0xffff, v34  }
.LBB2_21:
0x278: {  	p0 =	sne.s32 s12, $0x1F;
	v21 =	vor.u32 v6, v57;
	v22 =	vor.u32 v7, v57;
	v13 =	vadd.f32 v13, v53;
	s1 =	smov.u32 s12;
	s12 =	sadd.s32 $0x1, s12  }
0x279: {  	v15 =	vadd.f32 v15, v53;
	[tilespmem:v16+s29+$0x0] =	vst.idx.msk $0xffff, v20;
	v16 =	vadd.f32 v60, v53  }
0x27a: {  	v20 =	vor.u32 v50, v56;
	[tilespmem:v14+s29+$0x0] =	vst.idx.msk $0xffff, v13;
	v13 =	vadd.f32 v17, v53  }
0x27b: {  	[tilespmem:v9+s29+$0x0] =	vst.idx.msk $0xffff, v15;
	v9 =	vadd.f32 v18, v53  }
0x27c: {  	v14 =	vadd.f32 v19, v53;
	[tilespmem:v61+s29+$0x0] =	vst.idx.msk $0xffff, v16  }
0x27d: {  	v15 =	vor.u32 v2, v57;
	[tilespmem:v55+s29+$0x0] =	vst.idx.msk $0xffff, v13  }
0x27e: {  	[tilespmem:v52+s29+$0x0] =	vst.idx.msk $0xffff, v9;
	v52 =	vmov v20  }
0x27f: {  	[tilespmem:v54+s29+$0x0] =	vst.idx.msk $0xffff, v14  }
0x280: {  	v19 =	vld.idx.msk [tilespmem:v10+s0+$0x0], $0xffff  }
0x281: {  	v53 =	vld.idx.msk [tilespmem:v11+s18+$0x0], $0xffff  }
0x282: {  	v20 =	vld.idx.msk [tilespmem:v15+s0+$0x0], $0xffff  }
0x283: {  	v55 =	vor.u32 v49, v56;
	v54 =	vor.u32 v51, v56;
	v60 =	vld.idx.msk [tilespmem:v12+s0+$0x0], $0xffff;
	v12 =	vor.u32 v8, v57  }
0x284: {  	v23 =	vor.u32 v44, v56;
	v61 =	vor.u32 v48, v56;
	v9 =	vor.u32 v47, v56;
	v13 =	vld.idx.msk [tilespmem:v58+s0+$0x0], $0xffff  }
.Ltmp9:
0x285: {  	v16 =	vor.u32 v45, v56;
	v14 =	vor.u32 v46, v56;
	v10 =	vadd.s32 s1, v0;
	v15 =	vld.idx.msk [tilespmem:v59+s0+$0x0], $0xffff;
	(pc) =	sbr.rel @p0 .LBB2_21-.Ltmp9, $4  }
0x286: {  	v11 =	vshll.u32 v10, $0x4;
	v56 =	vshll.u32 v10, $0x7;
	v57 =	vand.u32 $0x1F, v10;
	v17 =	vld.idx.msk [tilespmem:v21+s0+$0x0], $0xffff  }
0x287: {  	v11 =	vand.u32 $0x1F0, v11;
	v10 =	vor.u32 v1, v57;
	v21 =	vadd.f32 v19, v53;
	v18 =	vld.idx.msk [tilespmem:v22+s0+$0x0], $0xffff  }
0x288: {  	v11 =	vor.u32 v43, v11;
	v58 =	vor.u32 v3, v57;
	v20 =	vadd.f32 v20, v53;
	v19 =	vld.idx.msk [tilespmem:v12+s0+$0x0], $0xffff  }
0x289: {  	v56 =	vand.u32 $0xF80, v56;
	v59 =	vor.u32 v4, v57;
	v12 =	vor.u32 v5, v57;
	[tilespmem:v23+s29+$0x0] =	vst.idx.msk $0xffff, v21  }
0x28a: {  	_ =	sdelay $0x2  }
0x28b: {  	v13 =	vadd.f32 v13, v53  }
0x28c: {  	[tilespmem:v16+s29+$0x0] =	vst.idx.msk $0xffff, v20;
	v15 =	vadd.f32 v15, v53  }
0x28d: {  	v22 =	vadd.f32 v60, v53;
	[tilespmem:v14+s29+$0x0] =	vst.idx.msk $0xffff, v13  }
0x28e: {  	v23 =	vadd.f32 v17, v53;
	[tilespmem:v9+s29+$0x0] =	vst.idx.msk $0xffff, v15  }
0x28f: {  	v9 =	vadd.f32 v18, v53;
	[tilespmem:v61+s29+$0x0] =	vst.idx.msk $0xffff, v22  }
0x290: {  	v34 =	vadd.f32 v19, v53;
	v53 =	vor.u32 v2, v57;
	[tilespmem:v55+s29+$0x0] =	vst.idx.msk $0xffff, v23  }
0x291: {  	[tilespmem:v52+s29+$0x0] =	vst.idx.msk $0xffff, v9  }
0x292: {  	[tilespmem:v54+s29+$0x0] =	vst.idx.msk $0xffff, v34  }
0x293: {  	v9 =	vld.idx.msk [tilespmem:v10+s0+$0x0], $0xffff  }
0x294: {  	v10 =	vor.u32 v6, v57;
	v11 =	vld.idx.msk [tilespmem:v11+s18+$0x0], $0xffff  }
0x295: {  	v54 =	vor.u32 v7, v57;
	v14 =	vld.idx.msk [tilespmem:v53+s0+$0x0], $0xffff  }
0x296: {  	v55 =	vor.u32 v8, v57;
	v16 =	vld.idx.msk [tilespmem:v58+s0+$0x0], $0xffff;
	v57 =	vor.u32 v44, v56  }
0x297: {  	v58 =	vld.idx.msk [tilespmem:v59+s0+$0x0], $0xffff;
	v59 =	vor.u32 v45, v56  }
0x298: {  	v60 =	vor.u32 v46, v56;
	v12 =	vld.idx.msk [tilespmem:v12+s0+$0x0], $0xffff  }
0x299: {  	v21 =	vor.u32 v47, v56;
	v10 =	vld.idx.msk [tilespmem:v10+s0+$0x0], $0xffff;
	v9 =	vadd.f32 v9, v11  }
0x29a: {  	v22 =	vor.u32 v48, v56;
	v13 =	vld.idx.msk [tilespmem:v54+s0+$0x0], $0xffff;
	v14 =	vadd.f32 v14, v11  }
0x29b: {  	v23 =	vor.u32 v49, v56;
	v15 =	vld.idx.msk [tilespmem:v55+s0+$0x0], $0xffff;
	[tilespmem:v57+s29+$0x0] =	vst.idx.msk $0xffff, v9;
	v9 =	vadd.f32 v16, v11  }
0x29c: {  	v61 =	vor.u32 v50, v56;
	v62 =	vadd.f32 v58, v11;
	[tilespmem:v59+s29+$0x0] =	vst.idx.msk $0xffff, v14  }
0x29d: {  	v63 =	vor.u32 v51, v56;
	s9 =	sadd.s32 $0x1, s9;
	v12 =	vadd.f32 v12, v11;
	[tilespmem:v60+s29+$0x0] =	vst.idx.msk $0xffff, v9  }
0x29e: {  	s1 =	smul.u32 $0xA0000, s11;
	p0 =	sne.s32 s9, $0x14;
	v9 =	vadd.f32 v10, v11;
	[tilespmem:v21+s29+$0x0] =	vst.idx.msk $0xffff, v62  }
.Ltmp10:
0x29f: {  	v10 =	vadd.f32 v13, v11;
	[tilespmem:v22+s29+$0x0] =	vst.idx.msk $0xffff, v12;
	(pc) =	sbr.rel @p0 .LBB2_2-.Ltmp10, $4  }
0x2a0: {  	s1 =	sor.u32 s10, s1;
	v11 =	vadd.f32 v15, v11;
	[tilespmem:v23+s29+$0x0] =	vst.idx.msk $0xffff, v9  }
0x2a1: {  	s1 =	sshrl.u32 s1, $0x3;
	[tilespmem:v61+s29+$0x0] =	vst.idx.msk $0xffff, v10  }
0x2a2: {  	s1 =	sadd.s32 s14, s1;
	[tilespmem:v63+s29+$0x0] =	vst.idx.msk $0xffff, v11  }
0x2a3: {  	v34 =	vld [tilespmem:$0x1FFE0];
	[hbm4b:s1+s25] =	stream.strided.scatter [tilespmem:s29], [sflag:$0x4], $0x5000, s26, s25, $0x38  }
0x2a4: {  	s1 =	simm.s32 $0x3  }
0x2a5: {  	_ =	swait.ge [sflag:s1], $0x5000  }
0x2a6: {  	[sflag:s1] =	ssyncset.done $0x0  }
0x2a7: {  	s3 =	simm.s32 $0x4;
	[sflag:s1] =	ssyncadd.s32 $0xFFFFB000  }
0x2a8: {  	_ =	swait.ge [sflag:s3], $0x5000  }
0x2a9: {  	s13 =	simm.s32 $0x0;
	[sflag:s3] =	ssyncset.done $0x0  }
0x2aa: {  	s11 =	simm.s32 $0x5;
	s9 =	rddreg [dreg:$0x5];
	[sflag:s3] =	ssyncadd.s32 $0xFFFFB000  }
0x2ab: {  	[tilespmem:s13], [sflag:$0x5] =	stream.linear.gather [hbm4b:s9+s13], $0x6400, $0x38;
	[tilespmem:$0x1B800] =	vst v63  }
0x2ac: {  	_ =	swait.ge [sflag:s11], $0x6400  }
0x2ad: {  	[sflag:s11] =	ssyncset.done $0x0  }
0x2ae: {  	s12 =	simm.s32 $0x280;
	[sflag:s11] =	ssyncadd.s32 $0xFFFF9C00  }
0x2af: {  	[tilespmem:s15], [sflag:$0x1] =	stream.indirect.gather [hbm4b:s6+s12], $0x20, s13, s12, $0xb8;
	[tilespmem:$0x1B800] =	vst v63  }
0x2b0: {  	s9 =	simm.s32 $0x0  }
0x2b1: {  	v63 =	vld [tilespmem:$0x1FF40];
	[tilespmem:s16], [sflag:$0x1] =	stream.linear.gather [hbm4b:s8+s13], $0xA00, $0x38  }
.LBB2_24:
0x2b2: {  	s11 =	sshllo.u32 s9, $0x1  }
0x2b3: {  	s1 =	smul.u32 $0xA00, s11;
	_ =	sdelay $0x1  }
0x2b4: {  	s12 =	simm.s32 $0x280;
	s3 =	smul.u32 $0x140, s11;
	s1 =	sshra.s32 s1, $0x2  }
0x2b5: {  	[tilespmem:s17], [sflag:$0x2] =	stream.indirect.gather [hbm4b:s6+s12], $0x20, s1, s12, $0xb8;
	[tilespmem:$0x1B800] =	vst v63  }
0x2b6: {  	s3 =	sadd.s32 s8, s3  }
0x2b7: {  	[tilespmem:s18], [sflag:$0x2] =	stream.linear.gather [hbm4b:s3+s4], $0xA00, $0x38;
	[tilespmem:$0x1B800] =	vst v63  }
0x2b8: {  	_ =	swait.ge [sflag:s19], $0x5000  }
0x2b9: {  	[sflag:s19] =	ssyncset.done $0x0  }
0x2ba: {  	v9 =	vadd.s32 s13, v0;
	[sflag:s19] =	ssyncadd.s32 $0xFFFFB000  }
0x2bb: {  	v10 =	vshll.u32 v9, $0x4;
	v11 =	vand.u32 $0x1F, v9;
	_ =	swait.ge [sflag:s19], $0xA00  }
0x2bc: {  	p0 =	seq.s32 s9, $0x0;
	v10 =	vand.u32 $0x1F0, v10;
	v12 =	vor.u32 v1, v11;
	[sflag:s19] =	ssyncset.done $0x0  }
0x2bd: {  	v10 =	vor.u32 v0, v10;
	s1 =	simm.s32 @!p0 $0x3;
	[sflag:s19] =	ssyncadd.s32 $0xFFFFF600  }
0x2be: {  	v13 =	vor.u32 v2, v11;
	_ =	swait.ge @!p0 [sflag:s1], $0x5000  }
0x2bf: {  	v15 =	vor.u32 v3, v11;
	[sflag:s1] =	ssyncset.done @!p0 $0x0;
	v25 =	vld [tilespmem:$0x1FE70]  }
0x2c0: {  	v16 =	vor.u32 v4, v11;
	v26 =	vld [tilespmem:$0x1FE60];
	[sflag:s1] =	ssyncadd.s32 @!p0 $0xFFFFB000  }
0x2c1: {  	v9 =	vshll.u32 v9, $0x7;
	v12 =	vld.idx.msk [tilespmem:v12+s15+$0x0], $0xffff  }
0x2c2: {  	v14 =	vor.u32 v5, v11;
	v17 =	vand.u32 $0xF80, v9;
	v18 =	vor.u32 v6, v11;
	v53 =	vld.idx.msk [tilespmem:v10+s16+$0x0], $0xffff  }
0x2c3: {  	v19 =	vor.u32 v7, v11;
	v21 =	vor.u32 v8, v11;
	v52 =	vor.u32 v29, v17;
	v20 =	vld.idx.msk [tilespmem:v13+s15+$0x0], $0xffff  }
0x2c4: {  	v55 =	vor.u32 v31, v17;
	v22 =	vor.u32 v0, v17;
	v9 =	vor.u32 v24, v17;
	s12 =	simm.s32 $0x1;
	v13 =	vld.idx.msk [tilespmem:v15+s15+$0x0], $0xffff  }
0x2c5: {  	v61 =	vor.u32 v27, v17;
	v10 =	vadd.s32 s12, v0;
	v15 =	vld.idx.msk [tilespmem:v16+s15+$0x0], $0xffff;
	v16 =	vor.u32 v63, v17  }
0x2c6: {  	v11 =	vshll.u32 v10, $0x4;
	v57 =	vand.u32 $0x1F, v10;
	v23 =	vshll.u32 v10, $0x7  }
0x2c7: {  	v59 =	vld.idx.msk [tilespmem:v14+s15+$0x0], $0xffff;
	v11 =	vand.u32 $0x1F0, v11;
	v10 =	vor.u32 v1, v57;
	v58 =	vor.u32 v3, v57  }
0x2c8: {  	v54 =	vor.u32 v25, v17;
	v14 =	vor.u32 v26, v17;
	v17 =	vld.idx.msk [tilespmem:v18+s15+$0x0], $0xffff;
	v62 =	vadd.f32 v12, v53  }
0x2c9: {  	v60 =	vor.u32 v4, v57;
	v56 =	vand.u32 $0xF80, v23;
	v18 =	vld.idx.msk [tilespmem:v19+s15+$0x0], $0xffff;
	v11 =	vor.u32 v0, v11  }
0x2ca: {  	s1 =	simm.s32 $0x2;
	s12 =	sshll.u32 s9, $0x1;
	v19 =	vld.idx.msk [tilespmem:v21+s15+$0x0], $0xffff;
	v20 =	vadd.f32 v20, v53;
	v12 =	vor.u32 v5, v57;
	[tilespmem:v22+s20+$0x0] =	vst.idx.msk $0xffff, v62  }
.LBB2_25:
0x2cb: {  	p1 =	sne.s32 s1, $0x1F;
	v21 =	vor.u32 v6, v57;
	v22 =	vor.u32 v7, v57;
	v13 =	vadd.f32 v13, v53;
	s3 =	smov.u32 s1;
	s1 =	sadd.s32 $0x1, s1  }
0x2cc: {  	v15 =	vadd.f32 v15, v53;
	[tilespmem:v16+s20+$0x0] =	vst.idx.msk $0xffff, v20;
	v16 =	vadd.f32 v59, v53  }
0x2cd: {  	v20 =	vor.u32 v29, v56;
	[tilespmem:v14+s20+$0x0] =	vst.idx.msk $0xffff, v13;
	v13 =	vadd.f32 v17, v53  }
0x2ce: {  	[tilespmem:v9+s20+$0x0] =	vst.idx.msk $0xffff, v15;
	v9 =	vadd.f32 v18, v53  }
0x2cf: {  	v14 =	vadd.f32 v19, v53;
	[tilespmem:v61+s20+$0x0] =	vst.idx.msk $0xffff, v16  }
0x2d0: {  	v15 =	vor.u32 v2, v57;
	[tilespmem:v55+s20+$0x0] =	vst.idx.msk $0xffff, v13  }
0x2d1: {  	[tilespmem:v52+s20+$0x0] =	vst.idx.msk $0xffff, v9;
	v52 =	vmov v20  }
0x2d2: {  	[tilespmem:v54+s20+$0x0] =	vst.idx.msk $0xffff, v14  }
0x2d3: {  	v19 =	vld.idx.msk [tilespmem:v10+s15+$0x0], $0xffff  }
0x2d4: {  	v53 =	vld.idx.msk [tilespmem:v11+s16+$0x0], $0xffff  }
0x2d5: {  	v20 =	vld.idx.msk [tilespmem:v15+s15+$0x0], $0xffff  }
0x2d6: {  	v55 =	vor.u32 v31, v56;
	v54 =	vor.u32 v25, v56;
	v59 =	vld.idx.msk [tilespmem:v12+s15+$0x0], $0xffff;
	v12 =	vor.u32 v8, v57  }
0x2d7: {  	v23 =	vor.u32 v0, v56;
	v61 =	vor.u32 v27, v56;
	v9 =	vor.u32 v24, v56;
	v13 =	vld.idx.msk [tilespmem:v58+s15+$0x0], $0xffff  }
.Ltmp11:
0x2d8: {  	v16 =	vor.u32 v63, v56;
	v14 =	vor.u32 v26, v56;
	v10 =	vadd.s32 s3, v0;
	v15 =	vld.idx.msk [tilespmem:v60+s15+$0x0], $0xffff;
	(pc) =	sbr.rel @p1 .LBB2_25-.Ltmp11, $4  }
0x2d9: {  	v11 =	vshll.u32 v10, $0x4;
	v56 =	vshll.u32 v10, $0x7;
	v57 =	vand.u32 $0x1F, v10;
	v17 =	vld.idx.msk [tilespmem:v21+s15+$0x0], $0xffff  }
0x2da: {  	v11 =	vand.u32 $0x1F0, v11;
	v10 =	vor.u32 v1, v57;
	v21 =	vadd.f32 v19, v53;
	v18 =	vld.idx.msk [tilespmem:v22+s15+$0x0], $0xffff  }
0x2db: {  	v11 =	vor.u32 v0, v11;
	v58 =	vor.u32 v3, v57;
	v20 =	vadd.f32 v20, v53;
	v19 =	vld.idx.msk [tilespmem:v12+s15+$0x0], $0xffff  }
0x2dc: {  	v56 =	vand.u32 $0xF80, v56;
	v60 =	vor.u32 v4, v57;
	v12 =	vor.u32 v5, v57;
	[tilespmem:v23+s20+$0x0] =	vst.idx.msk $0xffff, v21  }
0x2dd: {  	_ =	sdelay $0x2  }
0x2de: {  	v13 =	vadd.f32 v13, v53  }
0x2df: {  	[tilespmem:v16+s20+$0x0] =	vst.idx.msk $0xffff, v20;
	v15 =	vadd.f32 v15, v53  }
0x2e0: {  	v16 =	vadd.f32 v59, v53;
	[tilespmem:v14+s20+$0x0] =	vst.idx.msk $0xffff, v13  }
0x2e1: {  	v13 =	vadd.f32 v17, v53;
	[tilespmem:v9+s20+$0x0] =	vst.idx.msk $0xffff, v15  }
0x2e2: {  	v9 =	vadd.f32 v18, v53;
	[tilespmem:v61+s20+$0x0] =	vst.idx.msk $0xffff, v16  }
0x2e3: {  	v14 =	vadd.f32 v19, v53;
	v15 =	vor.u32 v2, v57;
	[tilespmem:v55+s20+$0x0] =	vst.idx.msk $0xffff, v13  }
0x2e4: {  	[tilespmem:v52+s20+$0x0] =	vst.idx.msk $0xffff, v9  }
0x2e5: {  	[tilespmem:v54+s20+$0x0] =	vst.idx.msk $0xffff, v14  }
0x2e6: {  	v9 =	vld.idx.msk [tilespmem:v10+s15+$0x0], $0xffff  }
0x2e7: {  	v13 =	vor.u32 v7, v57;
	v11 =	vld.idx.msk [tilespmem:v11+s16+$0x0], $0xffff  }
0x2e8: {  	v10 =	vor.u32 v6, v57;
	v14 =	vld.idx.msk [tilespmem:v15+s15+$0x0], $0xffff  }
0x2e9: {  	v17 =	vor.u32 v0, v56;
	v15 =	vor.u32 v8, v57;
	v16 =	vld.idx.msk [tilespmem:v58+s15+$0x0], $0xffff  }
0x2ea: {  	v19 =	vor.u32 v63, v56;
	v12 =	vld.idx.msk [tilespmem:v12+s15+$0x0], $0xffff  }
0x2eb: {  	v20 =	vor.u32 v26, v56;
	v18 =	vld.idx.msk [tilespmem:v60+s15+$0x0], $0xffff  }
0x2ec: {  	v13 =	vld.idx.msk [tilespmem:v13+s15+$0x0], $0xffff;
	v9 =	vadd.f32 v9, v11  }
0x2ed: {  	v10 =	vld.idx.msk [tilespmem:v10+s15+$0x0], $0xffff;
	v14 =	vadd.f32 v14, v11  }
0x2ee: {  	v21 =	vor.u32 v24, v56;
	s1 =	simm.s32 $0x0;
	v15 =	vld.idx.msk [tilespmem:v15+s15+$0x0], $0xffff;
	[tilespmem:v17+s20+$0x0] =	vst.idx.msk $0xffff, v9;
	v9 =	vadd.f32 v16, v11  }
0x2ef: {  	v17 =	vadd.s32 s1, v0;
	[tilespmem:v19+s20+$0x0] =	vst.idx.msk $0xffff, v14  }
0x2f0: {  	v22 =	vor.u32 v27, v56;
	v19 =	vshll.u32 v17, $0x4;
	[tilespmem:v20+s20+$0x0] =	vst.idx.msk $0xffff, v9  }
0x2f1: {  	v14 =	vadd.f32 v18, v11;
	v62 =	vshll.u32 v17, $0x7;
	[tilespmem:$0x1FB30] =	vst v19  }
0x2f2: {  	v23 =	vor.u32 v31, v56;
	s4 =	simm.s32 $0x1;
	v12 =	vadd.f32 v12, v11;
	[tilespmem:$0x1FBE0] =	vst v62  }
0x2f3: {  	v31 =	vld [tilespmem:$0x1FEC0];
	v16 =	vor.u32 v29, v56;
	v9 =	vand.u32 $0x1F, v17;
	v17 =	vadd.s32 s4, v0;
	[tilespmem:v21+s20+$0x0] =	vst.idx.msk $0xffff, v14  }
0x2f4: {  	v28 =	vld [tilespmem:$0x1FEA0];
	v18 =	vor.u32 v25, v56;
	[tilespmem:$0x1FB90] =	vst v17  }
0x2f5: {  	v24 =	vld [tilespmem:$0x1FE80];
	v10 =	vadd.f32 v10, v11;
	v14 =	vor.u32 v3, v9;
	[tilespmem:v22+s20+$0x0] =	vst.idx.msk $0xffff, v12  }
0x2f6: {  	v26 =	vld [tilespmem:$0x1FE90];
	v13 =	vadd.f32 v13, v11;
	v11 =	vadd.f32 v15, v11;
	v15 =	vor.u32 v6, v9;
	[tilespmem:$0x1FB40] =	vst v14  }
0x2f7: {  	v27 =	vld [tilespmem:$0x1FEE0];
	v12 =	vor.u32 v30, v19;
	[tilespmem:v23+s20+$0x0] =	vst.idx.msk $0xffff, v10  }
0x2f8: {  	v29 =	vld [tilespmem:$0x1FED0];
	v19 =	vor.u32 v1, v9;
	[tilespmem:v16+s20+$0x0] =	vst.idx.msk $0xffff, v13  }
0x2f9: {  	v25 =	vld [tilespmem:$0x1FEB0];
	v21 =	vor.u32 v5, v9;
	v16 =	vor.u32 v2, v9;
	[tilespmem:v18+s20+$0x0] =	vst.idx.msk $0xffff, v11  }
0x2fa: {  	[tilespmem:$0x1FBA0] =	vst v21;
	v11 =	vld.idx.msk [tilespmem:v14+s21+$0x0], $0xffff  }
0x2fb: {  	[tilespmem:$0x1FBC0] =	vst v15;
	v13 =	vor.u32 v4, v9;
	v15 =	vld.idx.msk [tilespmem:v15+s21+$0x0], $0xffff  }
0x2fc: {  	v53 =	vor.u32 v31, v62;
	v10 =	vor.u32 v8, v9;
	[tilespmem:$0x1FB50] =	vst v19;
	v52 =	vld.idx.msk [tilespmem:v12+s16+$0x0], $0xffff  }
0x2fd: {  	v58 =	vor.u32 v32, v62;
	v57 =	vand.u32 $0x1F, v17;
	[tilespmem:$0x1FB70] =	vst v10;
	v18 =	vor.u32 v7, v9;
	v20 =	vld.idx.msk [tilespmem:v19+s21+$0x0], $0xffff  }
0x2fe: {  	v55 =	vshll.u32 v17, $0x7;
	v59 =	vor.u32 v1, v57;
	v61 =	vor.u32 v2, v57;
	[tilespmem:$0x1FB60] =	vst v16;
	v12 =	vld.idx.msk [tilespmem:v16+s21+$0x0], $0xffff  }
0x2ff: {  	v54 =	vor.u32 v29, v62;
	[tilespmem:$0x1FB80] =	vst v13;
	v19 =	vshll.u32 v17, $0x4;
	v17 =	vld.idx.msk [tilespmem:v21+s21+$0x0], $0xffff;
	v16 =	vor.u32 v24, v62  }
0x300: {  	v9 =	vor.u32 v25, v62;
	v14 =	vor.u32 v26, v62;
	[tilespmem:$0x1FBD0] =	vst v18;
	v13 =	vld.idx.msk [tilespmem:v13+s21+$0x0], $0xffff  }
0x301: {  	v56 =	vld.idx.msk [tilespmem:v10+s21+$0x0], $0xffff;
	v10 =	vor.u32 v28, v62;
	[tilespmem:$0x1FBB0] =	vst v19;
	v60 =	vor.u32 v30, v19  }
0x302: {  	s1 =	simm.s32 $0x2;
	v18 =	vld.idx.msk [tilespmem:v18+s21+$0x0], $0xffff;
	v19 =	vadd.f32 v11, v52;
	v11 =	vor.u32 v3, v57;
	v20 =	vadd.f32 v20, v52  }
.LBB2_27:
0x303: {  	p1 =	sne.s32 s1, $0x1F;
	v21 =	vor.u32 v4, v57;
	v22 =	vor.u32 v5, v57;
	v12 =	vadd.f32 v12, v52;
	s3 =	smov.u32 s1;
	s1 =	sadd.s32 $0x1, s1  }
0x304: {  	v23 =	vor.u32 v6, v57;
	v63 =	vor.u32 v7, v57;
	[tilespmem:v16+s20+$0x0] =	vst.idx.msk $0xffff, v20  }
0x305: {  	v16 =	vor.u32 v31, v55;
	[tilespmem:v14+s20+$0x0] =	vst.idx.msk $0xffff, v12;
	v12 =	vadd.f32 v13, v52  }
0x306: {  	v13 =	vor.u32 v27, v62;
	v62 =	vmov v55;
	[tilespmem:v10+s20+$0x0] =	vst.idx.msk $0xffff, v19;
	v10 =	vadd.f32 v17, v52  }
0x307: {  	[tilespmem:v9+s20+$0x0] =	vst.idx.msk $0xffff, v12;
	v9 =	vadd.f32 v15, v52  }
0x308: {  	[tilespmem:v53+s20+$0x0] =	vst.idx.msk $0xffff, v10;
	v10 =	vadd.f32 v18, v52;
	v53 =	vmov v16  }
0x309: {  	[tilespmem:v58+s20+$0x0] =	vst.idx.msk $0xffff, v9;
	v9 =	vadd.f32 v56, v52  }
0x30a: {  	[tilespmem:v54+s20+$0x0] =	vst.idx.msk $0xffff, v10  }
0x30b: {  	v10 =	vor.u32 v8, v57;
	[tilespmem:v13+s20+$0x0] =	vst.idx.msk $0xffff, v9  }
0x30c: {  	v11 =	vld.idx.msk [tilespmem:v11+s21+$0x0], $0xffff  }
0x30d: {  	v52 =	vld.idx.msk [tilespmem:v60+s16+$0x0], $0xffff  }
0x30e: {  	v20 =	vld.idx.msk [tilespmem:v59+s21+$0x0], $0xffff  }
0x30f: {  	v54 =	vor.u32 v29, v62;
	v12 =	vld.idx.msk [tilespmem:v61+s21+$0x0], $0xffff  }
.Ltmp12:
0x310: {  	v58 =	vor.u32 v32, v62;
	v9 =	vor.u32 v25, v62;
	v56 =	vld.idx.msk [tilespmem:v10+s21+$0x0], $0xffff;
	v10 =	vor.u32 v28, v62;
	(pc) =	sbr.rel @p1 .LBB2_27-.Ltmp12, $4  }
0x311: {  	v14 =	vor.u32 v26, v62;
	v15 =	vadd.s32 s3, v0;
	v16 =	vor.u32 v24, v62;
	v13 =	vld.idx.msk [tilespmem:v21+s21+$0x0], $0xffff  }
0x312: {  	v18 =	vshll.u32 v15, $0x4;
	v55 =	vshll.u32 v15, $0x7;
	v57 =	vand.u32 $0x1F, v15;
	v17 =	vld.idx.msk [tilespmem:v22+s21+$0x0], $0xffff  }
0x313: {  	v60 =	vor.u32 v30, v18;
	v59 =	vor.u32 v1, v57;
	v19 =	vadd.f32 v11, v52;
	v15 =	vld.idx.msk [tilespmem:v23+s21+$0x0], $0xffff  }
0x314: {  	v61 =	vor.u32 v2, v57;
	v11 =	vor.u32 v3, v57;
	v20 =	vadd.f32 v20, v52;
	v18 =	vld.idx.msk [tilespmem:v63+s21+$0x0], $0xffff  }
0x315: {  	_ =	sdelay $0x2  }
0x316: {  	v12 =	vadd.f32 v12, v52  }
0x317: {  	[tilespmem:v16+s20+$0x0] =	vst.idx.msk $0xffff, v20  }
0x318: {  	[tilespmem:v14+s20+$0x0] =	vst.idx.msk $0xffff, v12;
	v12 =	vadd.f32 v13, v52  }
0x319: {  	v13 =	vor.u32 v27, v62;
	[tilespmem:v10+s20+$0x0] =	vst.idx.msk $0xffff, v19;
	v10 =	vadd.f32 v17, v52  }
0x31a: {  	[tilespmem:v9+s20+$0x0] =	vst.idx.msk $0xffff, v12;
	v9 =	vadd.f32 v15, v52  }
0x31b: {  	[tilespmem:v53+s20+$0x0] =	vst.idx.msk $0xffff, v10;
	v10 =	vadd.f32 v18, v52  }
0x31c: {  	[tilespmem:v58+s20+$0x0] =	vst.idx.msk $0xffff, v9;
	v9 =	vadd.f32 v56, v52  }
0x31d: {  	[tilespmem:v54+s20+$0x0] =	vst.idx.msk $0xffff, v10  }
0x31e: {  	[tilespmem:v13+s20+$0x0] =	vst.idx.msk $0xffff, v9;
	v9 =	vor.u32 v4, v57  }
0x31f: {  	v12 =	vor.u32 v5, v57;
	v13 =	vld.idx.msk [tilespmem:v60+s16+$0x0], $0xffff  }
0x320: {  	v14 =	vor.u32 v6, v57;
	v15 =	vld.idx.msk [tilespmem:v59+s21+$0x0], $0xffff  }
0x321: {  	v16 =	vor.u32 v7, v57;
	v17 =	vld.idx.msk [tilespmem:v61+s21+$0x0], $0xffff  }
0x322: {  	v18 =	vor.u32 v24, v55;
	v10 =	vor.u32 v8, v57;
	v11 =	vld.idx.msk [tilespmem:v11+s21+$0x0], $0xffff  }
0x323: {  	v19 =	vor.u32 v26, v55;
	v9 =	vld.idx.msk [tilespmem:v9+s21+$0x0], $0xffff  }
0x324: {  	v20 =	vor.u32 v28, v55;
	v12 =	vld.idx.msk [tilespmem:v12+s21+$0x0], $0xffff  }
0x325: {  	v21 =	vor.u32 v25, v55;
	v14 =	vld.idx.msk [tilespmem:v14+s21+$0x0], $0xffff;
	v15 =	vadd.f32 v15, v13  }
0x326: {  	v16 =	vld.idx.msk [tilespmem:v16+s21+$0x0], $0xffff;
	v17 =	vadd.f32 v17, v13  }
0x327: {  	v22 =	vor.u32 v31, v55;
	v10 =	vld.idx.msk [tilespmem:v10+s21+$0x0], $0xffff;
	v11 =	vadd.f32 v11, v13;
	[tilespmem:v18+s20+$0x0] =	vst.idx.msk $0xffff, v15  }
0x328: {  	v23 =	vor.u32 v32, v55;
	[tilespmem:v19+s20+$0x0] =	vst.idx.msk $0xffff, v17;
	v9 =	vadd.f32 v9, v13  }
0x329: {  	v15 =	vor.u32 v29, v55;
	[tilespmem:v20+s20+$0x0] =	vst.idx.msk $0xffff, v11;
	v11 =	vadd.f32 v12, v13  }
0x32a: {  	v12 =	vor.u32 v27, v55;
	[tilespmem:v21+s20+$0x0] =	vst.idx.msk $0xffff, v9;
	v9 =	vadd.f32 v14, v13;
	v14 =	vld [tilespmem:$0x1FB30]  }
0x32b: {  	v24 =	vld [tilespmem:$0x1FFB0]  }
0x32c: {  	[tilespmem:v22+s20+$0x0] =	vst.idx.msk $0xffff, v11;
	v11 =	vadd.f32 v16, v13  }
0x32d: {  	[tilespmem:v23+s20+$0x0] =	vst.idx.msk $0xffff, v9;
	v9 =	vadd.f32 v10, v13  }
0x32e: {  	[tilespmem:v15+s20+$0x0] =	vst.idx.msk $0xffff, v11  }
0x32f: {  	[tilespmem:v12+s20+$0x0] =	vst.idx.msk $0xffff, v9;
	v9 =	vld [tilespmem:$0x1FB50];
	v14 =	vand.u32 $0x1F0, v14  }
0x330: {  	v63 =	vld [tilespmem:$0x1FF30];
	v14 =	vor.u32 v24, v14  }
0x331: {  	v31 =	vld [tilespmem:$0x1FF20]  }
0x332: {  	v25 =	vld [tilespmem:$0x1FFC0]  }
0x333: {  	v30 =	vld [tilespmem:$0x1FF00]  }
0x334: {  	v10 =	vld [tilespmem:$0x1FB40]  }
0x335: {  	v52 =	vld.idx.msk [tilespmem:v14+s16+$0x0], $0xffff  }
0x336: {  	v14 =	vld [tilespmem:$0x1FB80]  }
0x337: {  	v11 =	vld.idx.msk [tilespmem:v9+s22+$0x0], $0xffff  }
0x338: {  	v9 =	vld [tilespmem:$0x1FBE0]  }
0x339: {  	v28 =	vld [tilespmem:$0x1FEF0]  }
0x33a: {  	v62 =	vld [tilespmem:$0x1FF10]  }
0x33b: {  	v26 =	vld [tilespmem:$0x1FFD0];
	_ =	sdelay $0x1  }
0x33c: {  	v12 =	vand.u32 $0xF80, v9  }
0x33d: {  	v13 =	vld.idx.msk [tilespmem:v10+s22+$0x0], $0xffff;
	v57 =	vor.u32 v63, v12;
	v58 =	vor.u32 v31, v12  }
0x33e: {  	v53 =	vor.u32 v34, v12;
	v21 =	vor.u32 v25, v12;
	v10 =	vor.u32 v30, v12;
	v15 =	vld.idx.msk [tilespmem:v14+s22+$0x0], $0xffff  }
0x33f: {  	v60 =	vor.u32 v62, v12;
	v16 =	vor.u32 v26, v12;
	v14 =	vor.u32 v28, v12;
	v12 =	vld [tilespmem:$0x1FB90];
	_ =	sdelay $0x4  }
0x340: {  	v55 =	vand.u32 $0x1F, v12;
	v22 =	vshll.u32 v12, $0x7;
	v12 =	vld [tilespmem:$0x1FBC0];
	_ =	sdelay $0x2  }
0x341: {  	v9 =	vld [tilespmem:$0x1FB60];
	_ =	sdelay $0x4  }
0x342: {  	v17 =	vld.idx.msk [tilespmem:v12+s22+$0x0], $0xffff  }
0x343: {  	v12 =	vld [tilespmem:$0x1FBB0];
	_ =	sdelay $0x1  }
0x344: {  	v20 =	vld.idx.msk [tilespmem:v9+s22+$0x0], $0xffff  }
0x345: {  	v9 =	vld [tilespmem:$0x1FBA0];
	_ =	sdelay $0x1  }
0x346: {  	v18 =	vld [tilespmem:$0x1FBD0];
	v12 =	vand.u32 $0x1F0, v12  }
0x347: {  	v23 =	vadd.f32 v11, v52;
	v11 =	vor.u32 v24, v12;
	v12 =	vld [tilespmem:$0x1FB70];
	_ =	sdelay $0x4  }
0x348: {  	v9 =	vld.idx.msk [tilespmem:v9+s22+$0x0], $0xffff  }
0x349: {  	v61 =	vor.u32 v1, v55  }
0x34a: {  	v18 =	vld.idx.msk [tilespmem:v18+s22+$0x0], $0xffff;
	v56 =	vor.u32 v3, v55;
	v59 =	vor.u32 v4, v55;
	v54 =	vand.u32 $0xF80, v22  }
0x34b: {  	s1 =	simm.s32 $0x2;
	v20 =	vadd.f32 v20, v52;
	v19 =	vld.idx.msk [tilespmem:v12+s22+$0x0], $0xffff;
	v12 =	vor.u32 v5, v55;
	[tilespmem:v21+s20+$0x0] =	vst.idx.msk $0xffff, v23  }
.LBB2_29:
0x34c: {  	p1 =	sne.s32 s1, $0x1F;
	v21 =	vor.u32 v6, v55;
	v22 =	vor.u32 v7, v55;
	v13 =	vadd.f32 v13, v52;
	s3 =	smov.u32 s1;
	s1 =	sadd.s32 $0x1, s1  }
0x34d: {  	v15 =	vadd.f32 v15, v52;
	v9 =	vadd.f32 v9, v52;
	[tilespmem:v16+s20+$0x0] =	vst.idx.msk $0xffff, v20  }
0x34e: {  	v16 =	vor.u32 v63, v54;
	[tilespmem:v14+s20+$0x0] =	vst.idx.msk $0xffff, v13;
	v13 =	vadd.f32 v17, v52  }
0x34f: {  	[tilespmem:v10+s20+$0x0] =	vst.idx.msk $0xffff, v15;
	v10 =	vadd.f32 v18, v52  }
0x350: {  	[tilespmem:v60+s20+$0x0] =	vst.idx.msk $0xffff, v9;
	v9 =	vadd.f32 v19, v52  }
0x351: {  	v14 =	vor.u32 v2, v55;
	[tilespmem:v58+s20+$0x0] =	vst.idx.msk $0xffff, v13  }
0x352: {  	[tilespmem:v57+s20+$0x0] =	vst.idx.msk $0xffff, v10;
	v57 =	vmov v16  }
0x353: {  	[tilespmem:v53+s20+$0x0] =	vst.idx.msk $0xffff, v9  }
0x354: {  	v19 =	vld.idx.msk [tilespmem:v61+s22+$0x0], $0xffff  }
0x355: {  	v52 =	vld.idx.msk [tilespmem:v11+s16+$0x0], $0xffff  }
0x356: {  	v20 =	vld.idx.msk [tilespmem:v14+s22+$0x0], $0xffff  }
0x357: {  	v58 =	vor.u32 v31, v54;
	v53 =	vor.u32 v34, v54;
	v9 =	vld.idx.msk [tilespmem:v12+s22+$0x0], $0xffff;
	v12 =	vor.u32 v8, v55  }
0x358: {  	v23 =	vor.u32 v25, v54;
	v60 =	vor.u32 v62, v54;
	v10 =	vor.u32 v30, v54;
	v13 =	vld.idx.msk [tilespmem:v56+s22+$0x0], $0xffff  }
.Ltmp13:
0x359: {  	v16 =	vor.u32 v26, v54;
	v11 =	vadd.s32 s3, v0;
	v14 =	vor.u32 v28, v54;
	v15 =	vld.idx.msk [tilespmem:v59+s22+$0x0], $0xffff;
	(pc) =	sbr.rel @p1 .LBB2_29-.Ltmp13, $4  }
0x35a: {  	v18 =	vshll.u32 v11, $0x4;
	v54 =	vshll.u32 v11, $0x7;
	v55 =	vand.u32 $0x1F, v11;
	v17 =	vld.idx.msk [tilespmem:v21+s22+$0x0], $0xffff  }
0x35b: {  	v11 =	vand.u32 $0x1F0, v18;
	v61 =	vor.u32 v1, v55;
	v21 =	vadd.f32 v19, v52;
	v18 =	vld.idx.msk [tilespmem:v22+s22+$0x0], $0xffff  }
0x35c: {  	v11 =	vor.u32 v24, v11;
	v56 =	vor.u32 v3, v55;
	v20 =	vadd.f32 v20, v52;
	v19 =	vld.idx.msk [tilespmem:v12+s22+$0x0], $0xffff  }
0x35d: {  	v54 =	vand.u32 $0xF80, v54;
	v59 =	vor.u32 v4, v55;
	v12 =	vor.u32 v5, v55;
	[tilespmem:v23+s20+$0x0] =	vst.idx.msk $0xffff, v21  }
0x35e: {  	_ =	sdelay $0x2  }
0x35f: {  	v13 =	vadd.f32 v13, v52  }
0x360: {  	[tilespmem:v16+s20+$0x0] =	vst.idx.msk $0xffff, v20;
	v15 =	vadd.f32 v15, v52  }
0x361: {  	v9 =	vadd.f32 v9, v52;
	[tilespmem:v14+s20+$0x0] =	vst.idx.msk $0xffff, v13  }
0x362: {  	v13 =	vadd.f32 v17, v52;
	[tilespmem:v10+s20+$0x0] =	vst.idx.msk $0xffff, v15  }
0x363: {  	v10 =	vadd.f32 v18, v52;
	[tilespmem:v60+s20+$0x0] =	vst.idx.msk $0xffff, v9  }
0x364: {  	v14 =	vor.u32 v2, v55;
	v9 =	vadd.f32 v19, v52;
	[tilespmem:v58+s20+$0x0] =	vst.idx.msk $0xffff, v13  }
0x365: {  	[tilespmem:v57+s20+$0x0] =	vst.idx.msk $0xffff, v10  }
0x366: {  	[tilespmem:v53+s20+$0x0] =	vst.idx.msk $0xffff, v9  }
0x367: {  	v9 =	vld.idx.msk [tilespmem:v61+s22+$0x0], $0xffff  }
0x368: {  	v10 =	vor.u32 v6, v55;
	v11 =	vld.idx.msk [tilespmem:v11+s16+$0x0], $0xffff  }
0x369: {  	v13 =	vor.u32 v7, v55;
	v14 =	vld.idx.msk [tilespmem:v14+s22+$0x0], $0xffff  }
0x36a: {  	v17 =	vor.u32 v25, v54;
	v15 =	vor.u32 v8, v55;
	v16 =	vld.idx.msk [tilespmem:v56+s22+$0x0], $0xffff  }
0x36b: {  	v19 =	vor.u32 v26, v54;
	v18 =	vld.idx.msk [tilespmem:v59+s22+$0x0], $0xffff  }
0x36c: {  	v20 =	vor.u32 v28, v54;
	v12 =	vld.idx.msk [tilespmem:v12+s22+$0x0], $0xffff  }
0x36d: {  	v21 =	vor.u32 v30, v54;
	v10 =	vld.idx.msk [tilespmem:v10+s22+$0x0], $0xffff;
	v9 =	vadd.f32 v9, v11  }
0x36e: {  	v22 =	vor.u32 v62, v54;
	v13 =	vld.idx.msk [tilespmem:v13+s22+$0x0], $0xffff;
	v14 =	vadd.f32 v14, v11  }
0x36f: {  	v23 =	vor.u32 v31, v54;
	s1 =	simm.s32 $0x0;
	v15 =	vld.idx.msk [tilespmem:v15+s22+$0x0], $0xffff;
	[tilespmem:v17+s20+$0x0] =	vst.idx.msk $0xffff, v9;
	v9 =	vadd.f32 v16, v11  }
0x370: {  	v16 =	vor.u32 v63, v54;
	v17 =	vadd.s32 s1, v0;
	[tilespmem:v19+s20+$0x0] =	vst.idx.msk $0xffff, v14;
	v14 =	vadd.f32 v18, v11  }
0x371: {  	v12 =	vadd.f32 v12, v11;
	v18 =	vor.u32 v34, v54;
	[tilespmem:v20+s20+$0x0] =	vst.idx.msk $0xffff, v9;
	v9 =	vand.u32 $0x1F, v17  }
0x372: {  	v10 =	vadd.f32 v10, v11;
	[tilespmem:v21+s20+$0x0] =	vst.idx.msk $0xffff, v14;
	v25 =	vor.u32 v3, v9  }
0x373: {  	v13 =	vadd.f32 v13, v11;
	v34 =	vor.u32 v1, v9;
	[tilespmem:v22+s20+$0x0] =	vst.idx.msk $0xffff, v12  }
0x374: {  	v11 =	vadd.f32 v15, v11;
	v14 =	vshll.u32 v17, $0x4;
	v24 =	vor.u32 v8, v9;
	[tilespmem:v23+s20+$0x0] =	vst.idx.msk $0xffff, v10  }
0x375: {  	v12 =	vor.u32 v33, v14;
	[tilespmem:v16+s20+$0x0] =	vst.idx.msk $0xffff, v13  }
0x376: {  	v31 =	vor.u32 v2, v9;
	[tilespmem:v18+s20+$0x0] =	vst.idx.msk $0xffff, v11  }
0x377: {  	v28 =	vor.u32 v4, v9;
	v11 =	vld.idx.msk [tilespmem:v25+s23+$0x0], $0xffff  }
0x378: {  	v62 =	vshll.u32 v17, $0x7;
	v15 =	vor.u32 v5, v9;
	v20 =	vld.idx.msk [tilespmem:v34+s23+$0x0], $0xffff  }
0x379: {  	v53 =	vor.u32 v39, v62;
	v30 =	vor.u32 v6, v9;
	v56 =	vld.idx.msk [tilespmem:v24+s23+$0x0], $0xffff  }
0x37a: {  	s4 =	simm.s32 $0x1;
	v54 =	vor.u32 v41, v62;
	v58 =	vor.u32 v40, v62;
	v26 =	vor.u32 v7, v9;
	v52 =	vld.idx.msk [tilespmem:v12+s16+$0x0], $0xffff  }
0x37b: {  	v9 =	vor.u32 v38, v62;
	v17 =	vadd.s32 s4, v0;
	[tilespmem:$0x1FB00] =	vst v14;
	v14 =	vor.u32 v36, v62;
	v12 =	vld.idx.msk [tilespmem:v31+s23+$0x0], $0xffff  }
0x37c: {  	v29 =	vmovc v62;
	v57 =	vand.u32 $0x1F, v17;
	v55 =	vshll.u32 v17, $0x7;
	v16 =	vor.u32 v35, v62;
	v13 =	vld.idx.msk [tilespmem:v28+s23+$0x0], $0xffff  }
0x37d: {  	[tilespmem:$0x1FB10] =	vst v17;
	v10 =	vor.u32 v37, v62;
	v59 =	vor.u32 v1, v57;
	v18 =	vshll.u32 v17, $0x4;
	v17 =	vld.idx.msk [tilespmem:v15+s23+$0x0], $0xffff  }
0x37e: {  	v27 =	vmov v15;
	v61 =	vor.u32 v2, v57;
	[tilespmem:$0x1FB20] =	vst v18;
	v60 =	vor.u32 v33, v18;
	v15 =	vld.idx.msk [tilespmem:v30+s23+$0x0], $0xffff  }
0x37f: {  	s1 =	simm.s32 $0x2;
	v18 =	vld.idx.msk [tilespmem:v26+s23+$0x0], $0xffff;
	v19 =	vadd.f32 v11, v52;
	v11 =	vor.u32 v3, v57;
	v20 =	vadd.f32 v20, v52  }
.LBB2_31:
0x380: {  	p1 =	sne.s32 s1, $0x1F;
	v21 =	vor.u32 v4, v57;
	v22 =	vor.u32 v5, v57;
	v12 =	vadd.f32 v12, v52;
	s3 =	smov.u32 s1;
	s1 =	sadd.s32 $0x1, s1  }
0x381: {  	v23 =	vor.u32 v6, v57;
	v63 =	vor.u32 v7, v57;
	[tilespmem:v16+s20+$0x0] =	vst.idx.msk $0xffff, v20  }
0x382: {  	v16 =	vor.u32 v39, v55;
	[tilespmem:v14+s20+$0x0] =	vst.idx.msk $0xffff, v12;
	v12 =	vadd.f32 v13, v52  }
0x383: {  	v13 =	vor.u32 v42, v62;
	v62 =	vmov v55;
	[tilespmem:v10+s20+$0x0] =	vst.idx.msk $0xffff, v19;
	v10 =	vadd.f32 v17, v52  }
0x384: {  	[tilespmem:v9+s20+$0x0] =	vst.idx.msk $0xffff, v12;
	v9 =	vadd.f32 v15, v52  }
0x385: {  	[tilespmem:v53+s20+$0x0] =	vst.idx.msk $0xffff, v10;
	v10 =	vadd.f32 v18, v52;
	v53 =	vmov v16  }
0x386: {  	[tilespmem:v58+s20+$0x0] =	vst.idx.msk $0xffff, v9;
	v9 =	vadd.f32 v56, v52  }
0x387: {  	[tilespmem:v54+s20+$0x0] =	vst.idx.msk $0xffff, v10  }
0x388: {  	v10 =	vor.u32 v8, v57;
	[tilespmem:v13+s20+$0x0] =	vst.idx.msk $0xffff, v9  }
0x389: {  	v11 =	vld.idx.msk [tilespmem:v11+s23+$0x0], $0xffff  }
0x38a: {  	v52 =	vld.idx.msk [tilespmem:v60+s16+$0x0], $0xffff  }
0x38b: {  	v20 =	vld.idx.msk [tilespmem:v59+s23+$0x0], $0xffff  }
0x38c: {  	v54 =	vor.u32 v41, v62;
	v12 =	vld.idx.msk [tilespmem:v61+s23+$0x0], $0xffff  }
.Ltmp14:
0x38d: {  	v58 =	vor.u32 v40, v62;
	v9 =	vor.u32 v38, v62;
	v56 =	vld.idx.msk [tilespmem:v10+s23+$0x0], $0xffff;
	v10 =	vor.u32 v37, v62;
	(pc) =	sbr.rel @p1 .LBB2_31-.Ltmp14, $4  }
0x38e: {  	v14 =	vor.u32 v36, v62;
	v15 =	vadd.s32 s3, v0;
	v16 =	vor.u32 v35, v62;
	v13 =	vld.idx.msk [tilespmem:v21+s23+$0x0], $0xffff  }
0x38f: {  	v18 =	vshll.u32 v15, $0x4;
	v55 =	vshll.u32 v15, $0x7;
	v57 =	vand.u32 $0x1F, v15;
	v17 =	vld.idx.msk [tilespmem:v22+s23+$0x0], $0xffff  }
0x390: {  	v60 =	vor.u32 v33, v18;
	v59 =	vor.u32 v1, v57;
	v19 =	vadd.f32 v11, v52;
	v15 =	vld.idx.msk [tilespmem:v23+s23+$0x0], $0xffff  }
0x391: {  	v61 =	vor.u32 v2, v57;
	v11 =	vor.u32 v3, v57;
	v20 =	vadd.f32 v20, v52;
	v18 =	vld.idx.msk [tilespmem:v63+s23+$0x0], $0xffff  }
0x392: {  	_ =	sdelay $0x2  }
0x393: {  	v12 =	vadd.f32 v12, v52  }
0x394: {  	[tilespmem:v16+s20+$0x0] =	vst.idx.msk $0xffff, v20  }
0x395: {  	[tilespmem:v14+s20+$0x0] =	vst.idx.msk $0xffff, v12;
	v12 =	vadd.f32 v13, v52  }
0x396: {  	v13 =	vor.u32 v42, v62;
	[tilespmem:v10+s20+$0x0] =	vst.idx.msk $0xffff, v19;
	v10 =	vadd.f32 v17, v52  }
0x397: {  	[tilespmem:v9+s20+$0x0] =	vst.idx.msk $0xffff, v12;
	v9 =	vadd.f32 v15, v52  }
0x398: {  	[tilespmem:v53+s20+$0x0] =	vst.idx.msk $0xffff, v10;
	v10 =	vadd.f32 v18, v52  }
0x399: {  	[tilespmem:v58+s20+$0x0] =	vst.idx.msk $0xffff, v9;
	v9 =	vadd.f32 v56, v52  }
0x39a: {  	[tilespmem:v54+s20+$0x0] =	vst.idx.msk $0xffff, v10  }
0x39b: {  	[tilespmem:v13+s20+$0x0] =	vst.idx.msk $0xffff, v9;
	v9 =	vor.u32 v4, v57  }
0x39c: {  	v12 =	vor.u32 v5, v57;
	v13 =	vld.idx.msk [tilespmem:v60+s16+$0x0], $0xffff  }
0x39d: {  	v14 =	vor.u32 v6, v57;
	v15 =	vld.idx.msk [tilespmem:v59+s23+$0x0], $0xffff  }
0x39e: {  	v16 =	vor.u32 v7, v57;
	v17 =	vld.idx.msk [tilespmem:v61+s23+$0x0], $0xffff  }
0x39f: {  	v18 =	vor.u32 v35, v55;
	v10 =	vor.u32 v8, v57;
	v11 =	vld.idx.msk [tilespmem:v11+s23+$0x0], $0xffff  }
0x3a0: {  	v19 =	vor.u32 v36, v55;
	v9 =	vld.idx.msk [tilespmem:v9+s23+$0x0], $0xffff  }
0x3a1: {  	v20 =	vor.u32 v37, v55;
	v12 =	vld.idx.msk [tilespmem:v12+s23+$0x0], $0xffff  }
0x3a2: {  	v21 =	vor.u32 v38, v55;
	v14 =	vld.idx.msk [tilespmem:v14+s23+$0x0], $0xffff;
	v15 =	vadd.f32 v15, v13  }
0x3a3: {  	v16 =	vld.idx.msk [tilespmem:v16+s23+$0x0], $0xffff;
	v17 =	vadd.f32 v17, v13  }
0x3a4: {  	v10 =	vld.idx.msk [tilespmem:v10+s23+$0x0], $0xffff;
	v11 =	vadd.f32 v11, v13;
	[tilespmem:v18+s20+$0x0] =	vst.idx.msk $0xffff, v15  }
0x3a5: {  	v22 =	vor.u32 v39, v55;
	[tilespmem:v19+s20+$0x0] =	vst.idx.msk $0xffff, v17;
	v9 =	vadd.f32 v9, v13  }
0x3a6: {  	v23 =	vor.u32 v40, v55;
	[tilespmem:v20+s20+$0x0] =	vst.idx.msk $0xffff, v11  }
0x3a7: {  	v15 =	vor.u32 v41, v55;
	[tilespmem:v21+s20+$0x0] =	vst.idx.msk $0xffff, v9;
	v9 =	vadd.f32 v14, v13;
	v14 =	vld [tilespmem:$0x1FB00]  }
0x3a8: {  	v11 =	vadd.f32 v12, v13;
	v12 =	vor.u32 v42, v55;
	_ =	sdelay $0x1  }
0x3a9: {  	[tilespmem:v22+s20+$0x0] =	vst.idx.msk $0xffff, v11;
	v11 =	vadd.f32 v16, v13  }
0x3aa: {  	[tilespmem:v23+s20+$0x0] =	vst.idx.msk $0xffff, v9;
	v9 =	vadd.f32 v10, v13  }
0x3ab: {  	[tilespmem:v15+s20+$0x0] =	vst.idx.msk $0xffff, v11;
	v14 =	vand.u32 $0x1F0, v14  }
0x3ac: {  	[tilespmem:v12+s20+$0x0] =	vst.idx.msk $0xffff, v9;
	v12 =	vand.u32 $0xF80, v29;
	v29 =	vld [tilespmem:$0x1FB10];
	v14 =	vor.u32 v43, v14  }
0x3ad: {  	v11 =	vld.idx.msk [tilespmem:v34+s24+$0x0], $0xffff  }
0x3ae: {  	v20 =	vld.idx.msk [tilespmem:v31+s24+$0x0], $0xffff  }
0x3af: {  	v9 =	vld.idx.msk [tilespmem:v27+s24+$0x0], $0xffff  }
0x3b0: {  	v57 =	vor.u32 v50, v12;
	v58 =	vor.u32 v49, v12;
	v13 =	vld.idx.msk [tilespmem:v25+s24+$0x0], $0xffff  }
0x3b1: {  	v53 =	vor.u32 v51, v12;
	v21 =	vor.u32 v44, v12;
	v10 =	vor.u32 v47, v12;
	v52 =	vld.idx.msk [tilespmem:v14+s16+$0x0], $0xffff  }
0x3b2: {  	v60 =	vor.u32 v48, v12;
	v16 =	vor.u32 v45, v12;
	v14 =	vor.u32 v46, v12;
	v12 =	vld [tilespmem:$0x1FB20]  }
0x3b3: {  	v15 =	vld.idx.msk [tilespmem:v28+s24+$0x0], $0xffff  }
0x3b4: {  	v17 =	vld.idx.msk [tilespmem:v30+s24+$0x0], $0xffff  }
0x3b5: {  	v18 =	vld.idx.msk [tilespmem:v26+s24+$0x0], $0xffff;
	v55 =	vand.u32 $0x1F, v29;
	v22 =	vshll.u32 v29, $0x7  }
0x3b6: {  	v19 =	vld.idx.msk [tilespmem:v24+s24+$0x0], $0xffff;
	v61 =	vor.u32 v1, v55;
	v56 =	vor.u32 v3, v55;
	v23 =	vadd.f32 v11, v52  }
0x3b7: {  	v34 =	vld [tilespmem:$0x1FED0];
	v59 =	vor.u32 v4, v55;
	v12 =	vand.u32 $0x1F0, v12;
	v20 =	vadd.f32 v20, v52  }
0x3b8: {  	s4 =	smov.u32 s14;
	s1 =	simm.s32 $0x2;
	v30 =	vld [tilespmem:$0x1FE70];
	v54 =	vand.u32 $0xF80, v22;
	v11 =	vor.u32 v43, v12;
	v12 =	vor.u32 v5, v55;
	[tilespmem:v21+s20+$0x0] =	vst.idx.msk $0xffff, v23  }
.LBB2_33:
0x3b9: {  	p1 =	sne.s32 s1, $0x1F;
	v21 =	vor.u32 v6, v55;
	v22 =	vor.u32 v7, v55;
	v13 =	vadd.f32 v13, v52;
	s3 =	smov.u32 s1;
	s1 =	sadd.s32 $0x1, s1  }
0x3ba: {  	v15 =	vadd.f32 v15, v52;
	v9 =	vadd.f32 v9, v52;
	[tilespmem:v16+s20+$0x0] =	vst.idx.msk $0xffff, v20  }
0x3bb: {  	v16 =	vor.u32 v50, v54;
	[tilespmem:v14+s20+$0x0] =	vst.idx.msk $0xffff, v13;
	v13 =	vadd.f32 v17, v52  }
0x3bc: {  	[tilespmem:v10+s20+$0x0] =	vst.idx.msk $0xffff, v15;
	v10 =	vadd.f32 v18, v52  }
0x3bd: {  	[tilespmem:v60+s20+$0x0] =	vst.idx.msk $0xffff, v9;
	v9 =	vadd.f32 v19, v52  }
0x3be: {  	v14 =	vor.u32 v2, v55;
	[tilespmem:v58+s20+$0x0] =	vst.idx.msk $0xffff, v13  }
0x3bf: {  	[tilespmem:v57+s20+$0x0] =	vst.idx.msk $0xffff, v10;
	v57 =	vmov v16  }
0x3c0: {  	[tilespmem:v53+s20+$0x0] =	vst.idx.msk $0xffff, v9  }
0x3c1: {  	v19 =	vld.idx.msk [tilespmem:v61+s24+$0x0], $0xffff  }
0x3c2: {  	v52 =	vld.idx.msk [tilespmem:v11+s16+$0x0], $0xffff  }
0x3c3: {  	v20 =	vld.idx.msk [tilespmem:v14+s24+$0x0], $0xffff  }
0x3c4: {  	v58 =	vor.u32 v49, v54;
	v53 =	vor.u32 v51, v54;
	v9 =	vld.idx.msk [tilespmem:v12+s24+$0x0], $0xffff;
	v12 =	vor.u32 v8, v55  }
0x3c5: {  	v23 =	vor.u32 v44, v54;
	v60 =	vor.u32 v48, v54;
	v10 =	vor.u32 v47, v54;
	v13 =	vld.idx.msk [tilespmem:v56+s24+$0x0], $0xffff  }
.Ltmp15:
0x3c6: {  	v16 =	vor.u32 v45, v54;
	v11 =	vadd.s32 s3, v0;
	v14 =	vor.u32 v46, v54;
	v15 =	vld.idx.msk [tilespmem:v59+s24+$0x0], $0xffff;
	(pc) =	sbr.rel @p1 .LBB2_33-.Ltmp15, $4  }
0x3c7: {  	v18 =	vshll.u32 v11, $0x4;
	v54 =	vshll.u32 v11, $0x7;
	v55 =	vand.u32 $0x1F, v11;
	v17 =	vld.idx.msk [tilespmem:v21+s24+$0x0], $0xffff  }
0x3c8: {  	v11 =	vand.u32 $0x1F0, v18;
	v61 =	vor.u32 v1, v55;
	v21 =	vadd.f32 v19, v52;
	v18 =	vld.idx.msk [tilespmem:v22+s24+$0x0], $0xffff  }
0x3c9: {  	v11 =	vor.u32 v43, v11;
	v56 =	vor.u32 v3, v55;
	v20 =	vadd.f32 v20, v52;
	v19 =	vld.idx.msk [tilespmem:v12+s24+$0x0], $0xffff  }
0x3ca: {  	v54 =	vand.u32 $0xF80, v54;
	v59 =	vor.u32 v4, v55;
	v12 =	vor.u32 v5, v55;
	[tilespmem:v23+s20+$0x0] =	vst.idx.msk $0xffff, v21  }
0x3cb: {  	_ =	sdelay $0x2  }
0x3cc: {  	v13 =	vadd.f32 v13, v52  }
0x3cd: {  	[tilespmem:v16+s20+$0x0] =	vst.idx.msk $0xffff, v20;
	v15 =	vadd.f32 v15, v52  }
0x3ce: {  	v9 =	vadd.f32 v9, v52;
	[tilespmem:v14+s20+$0x0] =	vst.idx.msk $0xffff, v13  }
0x3cf: {  	v13 =	vadd.f32 v17, v52;
	[tilespmem:v10+s20+$0x0] =	vst.idx.msk $0xffff, v15  }
0x3d0: {  	v10 =	vadd.f32 v18, v52;
	[tilespmem:v60+s20+$0x0] =	vst.idx.msk $0xffff, v9  }
0x3d1: {  	v14 =	vor.u32 v2, v55;
	v9 =	vadd.f32 v19, v52;
	[tilespmem:v58+s20+$0x0] =	vst.idx.msk $0xffff, v13  }
0x3d2: {  	[tilespmem:v57+s20+$0x0] =	vst.idx.msk $0xffff, v10  }
0x3d3: {  	[tilespmem:v53+s20+$0x0] =	vst.idx.msk $0xffff, v9  }
0x3d4: {  	v9 =	vld.idx.msk [tilespmem:v61+s24+$0x0], $0xffff  }
0x3d5: {  	v10 =	vor.u32 v6, v55;
	v11 =	vld.idx.msk [tilespmem:v11+s16+$0x0], $0xffff  }
0x3d6: {  	v13 =	vor.u32 v7, v55;
	v14 =	vld.idx.msk [tilespmem:v14+s24+$0x0], $0xffff  }
0x3d7: {  	v17 =	vor.u32 v44, v54;
	v15 =	vor.u32 v8, v55;
	v16 =	vld.idx.msk [tilespmem:v56+s24+$0x0], $0xffff  }
0x3d8: {  	v19 =	vor.u32 v45, v54;
	v18 =	vld.idx.msk [tilespmem:v59+s24+$0x0], $0xffff  }
0x3d9: {  	v20 =	vor.u32 v46, v54;
	v12 =	vld.idx.msk [tilespmem:v12+s24+$0x0], $0xffff  }
0x3da: {  	v21 =	vor.u32 v47, v54;
	v10 =	vld.idx.msk [tilespmem:v10+s24+$0x0], $0xffff;
	v9 =	vadd.f32 v9, v11  }
0x3db: {  	v22 =	vor.u32 v48, v54;
	v13 =	vld.idx.msk [tilespmem:v13+s24+$0x0], $0xffff;
	v14 =	vadd.f32 v14, v11  }
0x3dc: {  	v23 =	vor.u32 v49, v54;
	v15 =	vld.idx.msk [tilespmem:v15+s24+$0x0], $0xffff;
	[tilespmem:v17+s20+$0x0] =	vst.idx.msk $0xffff, v9;
	v9 =	vadd.f32 v16, v11  }
0x3dd: {  	v16 =	vor.u32 v50, v54;
	[tilespmem:v19+s20+$0x0] =	vst.idx.msk $0xffff, v14;
	v14 =	vadd.f32 v18, v11  }
0x3de: {  	v12 =	vadd.f32 v12, v11;
	v17 =	vor.u32 v51, v54;
	[tilespmem:v20+s20+$0x0] =	vst.idx.msk $0xffff, v9  }
0x3df: {  	s1 =	smul.u32 $0x140000, s9;
	v9 =	vadd.f32 v10, v11;
	[tilespmem:v21+s20+$0x0] =	vst.idx.msk $0xffff, v14  }
0x3e0: {  	p1 =	seq.s32 s9, $0x13;
	v10 =	vadd.f32 v13, v11;
	[tilespmem:v22+s20+$0x0] =	vst.idx.msk $0xffff, v12  }
0x3e1: {  	s3 =	sadd.s32 @!p1 $0x2, s12;
	s1 =	sor.u32 s10, s1;
	v11 =	vadd.f32 v15, v11;
	[tilespmem:v23+s20+$0x0] =	vst.idx.msk $0xffff, v9  }
0x3e2: {  	s14 =	rddreg [dreg:$0x2];
	s12 =	smul.u32 @!p1 $0xA00, s3;
	s1 =	sshrl.u32 s1, $0x3;
	[tilespmem:v16+s20+$0x0] =	vst.idx.msk $0xffff, v10  }
0x3e3: {  	s3 =	smul.u32 @!p1 $0x140, s3;
	s1 =	sadd.s32 s14, s1;
	[tilespmem:v17+s20+$0x0] =	vst.idx.msk $0xffff, v11  }
0x3e4: {  	[hbm4b:s1+s25] =	stream.strided.scatter [tilespmem:s20], [sflag:$0x3], $0x5000, s26, s25, $0x38;
	[tilespmem:$0x1B800] =	vst v63  }
0x3e5: {  	s14 =	simm.s32 @!p1 $0x7800;
	s1 =	sshra.s32 @!p1 s12, $0x2;
	s12 =	simm.s32 @!p1 $0x280  }
0x3e6: {  	[tilespmem:s14], [sflag:$0x1] =	stream.indirect.gather @!p1 [hbm4b:s6+s12], $0x20, s1, s12, $0xb8;
	[tilespmem:$0x1B800] =	vst v63  }
0x3e7: {  	s1 =	sadd.s32 @!p1 s8, s3;
	s3 =	simm.s32 @!p1 $0x0;
	s12 =	simm.s32 @!p1 $0x6400  }
0x3e8: {  	[tilespmem:s12], [sflag:$0x1] =	stream.linear.gather @!p1 [hbm4b:s1+s3], $0xA00, $0x38;
	[tilespmem:$0x1B800] =	vst v63  }
0x3e9: {  	_ =	swait.ge [sflag:s28], $0x5000  }
0x3ea: {  	[sflag:s28] =	ssyncset.done $0x0  }
0x3eb: {  	s12 =	simm.s32 $0x0;
	[sflag:s28] =	ssyncadd.s32 $0xFFFFB000  }
0x3ec: {  	v9 =	vadd.s32 s12, v0;
	_ =	swait.ge [sflag:s28], $0xA00  }
0x3ed: {  	v11 =	vshll.u32 v9, $0x4;
	[sflag:s28] =	ssyncset.done $0x0  }
0x3ee: {  	s1 =	simm.s32 @!p0 $0x4;
	[tilespmem:$0x1FA60] =	vst v11;
	[sflag:s28] =	ssyncadd.s32 $0xFFFFF600  }
0x3ef: {  	_ =	swait.ge @!p0 [sflag:s1], $0x5000  }
0x3f0: {  	v29 =	vld [tilespmem:$0x1FF90]  }
0x3f1: {  	v10 =	vand.u32 $0x1F, v9;
	v28 =	vld [tilespmem:$0x1FF60]  }
0x3f2: {  	v12 =	vor.u32 v1, v10;
	v11 =	vand.u32 $0x1F0, v11;
	v26 =	vld [tilespmem:$0x1FF50]  }
0x3f3: {  	v11 =	vor.u32 v0, v11;
	v27 =	vld [tilespmem:$0x1FF80]  }
0x3f4: {  	v16 =	vor.u32 v2, v10;
	[tilespmem:$0x1FA70] =	vst v12;
	v24 =	vld [tilespmem:$0x1FF40]  }
0x3f5: {  	v13 =	vor.u32 v5, v10;
	[sflag:s1] =	ssyncset.done @!p0 $0x0;
	[tilespmem:$0x1FA80] =	vst v16;
	v25 =	vld [tilespmem:$0x1FE60]  }
0x3f6: {  	v52 =	vshll.u32 v9, $0x7;
	v19 =	vor.u32 v3, v10;
	[tilespmem:$0x1FA90] =	vst v13;
	v33 =	vld [tilespmem:$0x1FEC0];
	[sflag:s1] =	ssyncadd.s32 @!p0 $0xFFFFB000  }
0x3f7: {  	s14 =	simm.s32 $0x1;
	v15 =	vor.u32 v4, v10;
	v14 =	vand.u32 $0xF80, v52;
	v17 =	vor.u32 v6, v10;
	[tilespmem:$0x1FAA0] =	vst v19;
	v12 =	vld.idx.msk [tilespmem:v12+s17+$0x0], $0xffff  }
0x3f8: {  	v18 =	vor.u32 v7, v10;
	v23 =	vor.u32 v8, v10;
	v10 =	vadd.s32 s14, v0;
	[tilespmem:$0x1FAB0] =	vst v15;
	v56 =	vld.idx.msk [tilespmem:v11+s18+$0x0], $0xffff  }
0x3f9: {  	v57 =	vor.u32 v30, v14;
	v21 =	vor.u32 v0, v14;
	v60 =	vand.u32 $0x1F, v10;
	[tilespmem:$0x1FAC0] =	vst v10;
	v20 =	vld.idx.msk [tilespmem:v16+s17+$0x0], $0xffff  }
0x3fa: {  	v53 =	vshll.u32 v10, $0x7;
	v31 =	vmovc v23;
	v61 =	vor.u32 v3, v60;
	[tilespmem:$0x1FAD0] =	vst v17;
	v54 =	vld.idx.msk [tilespmem:v13+s17+$0x0], $0xffff;
	v11 =	vshll.u32 v10, $0x4  }
0x3fb: {  	v62 =	vor.u32 v4, v60;
	v13 =	vld.idx.msk [tilespmem:v19+s17+$0x0], $0xffff;
	[tilespmem:$0x1FAE0] =	vst v11;
	v11 =	vand.u32 $0x1F0, v11;
	v55 =	vor.u32 v29, v14  }
0x3fc: {  	v15 =	vld.idx.msk [tilespmem:v15+s17+$0x0], $0xffff;
	v58 =	vor.u32 v28, v14;
	v9 =	vor.u32 v26, v14;
	v16 =	vor.u32 v24, v14  }
0x3fd: {  	v17 =	vld.idx.msk [tilespmem:v17+s17+$0x0], $0xffff;
	v63 =	vor.u32 v27, v14;
	v14 =	vor.u32 v25, v14;
	v22 =	vadd.f32 v12, v56  }
0x3fe: {  	v59 =	vand.u32 $0xF80, v53;
	[tilespmem:$0x1FAF0] =	vst v18;
	v18 =	vld.idx.msk [tilespmem:v18+s17+$0x0], $0xffff;
	v10 =	vor.u32 v1, v60;
	v11 =	vor.u32 v0, v11  }
0x3ff: {  	s1 =	simm.s32 $0x2;
	v19 =	vld.idx.msk [tilespmem:v23+s17+$0x0], $0xffff;
	v20 =	vadd.f32 v20, v56;
	v12 =	vor.u32 v5, v60;
	[tilespmem:v21+s29+$0x0] =	vst.idx.msk $0xffff, v22  }
.LBB2_35:
0x400: {  	p0 =	sne.s32 s1, $0x1F;
	v21 =	vor.u32 v6, v60;
	v22 =	vor.u32 v7, v60;
	v13 =	vadd.f32 v13, v56;
	s3 =	smov.u32 s1;
	s1 =	sadd.s32 $0x1, s1  }
0x401: {  	v15 =	vadd.f32 v15, v56;
	[tilespmem:v16+s29+$0x0] =	vst.idx.msk $0xffff, v20;
	v16 =	vadd.f32 v54, v56  }
0x402: {  	v20 =	vor.u32 v29, v59;
	[tilespmem:v14+s29+$0x0] =	vst.idx.msk $0xffff, v13;
	v13 =	vadd.f32 v17, v56  }
0x403: {  	[tilespmem:v9+s29+$0x0] =	vst.idx.msk $0xffff, v15;
	v9 =	vadd.f32 v18, v56  }
0x404: {  	v14 =	vadd.f32 v19, v56;
	[tilespmem:v63+s29+$0x0] =	vst.idx.msk $0xffff, v16  }
0x405: {  	v15 =	vor.u32 v2, v60;
	[tilespmem:v58+s29+$0x0] =	vst.idx.msk $0xffff, v13  }
0x406: {  	[tilespmem:v55+s29+$0x0] =	vst.idx.msk $0xffff, v9;
	v55 =	vmov v20  }
0x407: {  	[tilespmem:v57+s29+$0x0] =	vst.idx.msk $0xffff, v14  }
0x408: {  	v19 =	vld.idx.msk [tilespmem:v10+s17+$0x0], $0xffff  }
0x409: {  	v56 =	vld.idx.msk [tilespmem:v11+s18+$0x0], $0xffff  }
0x40a: {  	v20 =	vld.idx.msk [tilespmem:v15+s17+$0x0], $0xffff  }
0x40b: {  	v58 =	vor.u32 v28, v59;
	v57 =	vor.u32 v30, v59;
	v54 =	vld.idx.msk [tilespmem:v12+s17+$0x0], $0xffff;
	v12 =	vor.u32 v8, v60  }
0x40c: {  	v23 =	vor.u32 v0, v59;
	v63 =	vor.u32 v27, v59;
	v9 =	vor.u32 v26, v59;
	v13 =	vld.idx.msk [tilespmem:v61+s17+$0x0], $0xffff  }
.Ltmp16:
0x40d: {  	v16 =	vor.u32 v24, v59;
	v14 =	vor.u32 v25, v59;
	v10 =	vadd.s32 s3, v0;
	v15 =	vld.idx.msk [tilespmem:v62+s17+$0x0], $0xffff;
	(pc) =	sbr.rel @p0 .LBB2_35-.Ltmp16, $4  }
0x40e: {  	v11 =	vshll.u32 v10, $0x4;
	v59 =	vshll.u32 v10, $0x7;
	v60 =	vand.u32 $0x1F, v10;
	v17 =	vld.idx.msk [tilespmem:v21+s17+$0x0], $0xffff  }
0x40f: {  	v11 =	vand.u32 $0x1F0, v11;
	v10 =	vor.u32 v1, v60;
	v21 =	vadd.f32 v19, v56;
	v18 =	vld.idx.msk [tilespmem:v22+s17+$0x0], $0xffff  }
0x410: {  	v11 =	vor.u32 v0, v11;
	v61 =	vor.u32 v3, v60;
	v20 =	vadd.f32 v20, v56;
	v19 =	vld.idx.msk [tilespmem:v12+s17+$0x0], $0xffff  }
0x411: {  	v59 =	vand.u32 $0xF80, v59;
	v62 =	vor.u32 v4, v60;
	v12 =	vor.u32 v5, v60;
	[tilespmem:v23+s29+$0x0] =	vst.idx.msk $0xffff, v21  }
0x412: {  	_ =	sdelay $0x2  }
0x413: {  	v13 =	vadd.f32 v13, v56  }
0x414: {  	[tilespmem:v16+s29+$0x0] =	vst.idx.msk $0xffff, v20;
	v15 =	vadd.f32 v15, v56  }
0x415: {  	v16 =	vadd.f32 v54, v56;
	[tilespmem:v14+s29+$0x0] =	vst.idx.msk $0xffff, v13  }
0x416: {  	v13 =	vadd.f32 v17, v56;
	[tilespmem:v9+s29+$0x0] =	vst.idx.msk $0xffff, v15  }
0x417: {  	v9 =	vadd.f32 v18, v56;
	[tilespmem:v63+s29+$0x0] =	vst.idx.msk $0xffff, v16  }
0x418: {  	v14 =	vadd.f32 v19, v56;
	v15 =	vor.u32 v2, v60;
	[tilespmem:v58+s29+$0x0] =	vst.idx.msk $0xffff, v13  }
0x419: {  	[tilespmem:v55+s29+$0x0] =	vst.idx.msk $0xffff, v9  }
0x41a: {  	[tilespmem:v57+s29+$0x0] =	vst.idx.msk $0xffff, v14  }
0x41b: {  	v9 =	vld.idx.msk [tilespmem:v10+s17+$0x0], $0xffff  }
0x41c: {  	v13 =	vor.u32 v7, v60;
	v11 =	vld.idx.msk [tilespmem:v11+s18+$0x0], $0xffff  }
0x41d: {  	v10 =	vor.u32 v6, v60;
	v14 =	vld.idx.msk [tilespmem:v15+s17+$0x0], $0xffff  }
0x41e: {  	v17 =	vor.u32 v0, v59;
	v15 =	vor.u32 v8, v60;
	v16 =	vld.idx.msk [tilespmem:v61+s17+$0x0], $0xffff  }
0x41f: {  	v19 =	vor.u32 v24, v59;
	v18 =	vld.idx.msk [tilespmem:v62+s17+$0x0], $0xffff  }
0x420: {  	v20 =	vor.u32 v25, v59;
	v12 =	vld.idx.msk [tilespmem:v12+s17+$0x0], $0xffff  }
0x421: {  	v21 =	vor.u32 v26, v59;
	v13 =	vld.idx.msk [tilespmem:v13+s17+$0x0], $0xffff;
	v9 =	vadd.f32 v9, v11  }
0x422: {  	v22 =	vor.u32 v27, v59;
	v10 =	vld.idx.msk [tilespmem:v10+s17+$0x0], $0xffff;
	v14 =	vadd.f32 v14, v11  }
0x423: {  	v15 =	vld.idx.msk [tilespmem:v15+s17+$0x0], $0xffff;
	[tilespmem:v17+s29+$0x0] =	vst.idx.msk $0xffff, v9;
	v9 =	vadd.f32 v16, v11  }
0x424: {  	[tilespmem:v19+s29+$0x0] =	vst.idx.msk $0xffff, v14;
	v14 =	vadd.f32 v18, v11  }
0x425: {  	v12 =	vadd.f32 v12, v11;
	[tilespmem:v20+s29+$0x0] =	vst.idx.msk $0xffff, v9  }
0x426: {  	v17 =	vor.u32 v30, v59;
	v30 =	vld [tilespmem:$0x1FF70];
	[tilespmem:v21+s29+$0x0] =	vst.idx.msk $0xffff, v14  }
0x427: {  	[tilespmem:v22+s29+$0x0] =	vst.idx.msk $0xffff, v12;
	v12 =	vld [tilespmem:$0x1FA60];
	_ =	sdelay $0x1  }
0x428: {  	v23 =	vor.u32 v28, v59  }
0x429: {  	v16 =	vor.u32 v29, v59;
	_ =	sdelay $0x1  }
0x42a: {  	v9 =	vadd.f32 v10, v11;
	v12 =	vor.u32 v30, v12  }
0x42b: {  	v10 =	vadd.f32 v13, v11  }
0x42c: {  	v11 =	vadd.f32 v15, v11;
	[tilespmem:v23+s29+$0x0] =	vst.idx.msk $0xffff, v9  }
0x42d: {  	[tilespmem:v16+s29+$0x0] =	vst.idx.msk $0xffff, v10  }
0x42e: {  	[tilespmem:v17+s29+$0x0] =	vst.idx.msk $0xffff, v11  }
0x42f: {  	v56 =	vld.idx.msk [tilespmem:v12+s18+$0x0], $0xffff  }
0x430: {  	v12 =	vld [tilespmem:$0x1FAB0];
	_ =	sdelay $0x7  }
0x431: {  	v14 =	vld.idx.msk [tilespmem:v12+s30+$0x0], $0xffff  }
0x432: {  	v12 =	vld [tilespmem:$0x1FAC0];
	_ =	sdelay $0x3  }
0x433: {  	v10 =	vld [tilespmem:$0x1FA70]  }
0x434: {  	v59 =	vand.u32 $0x1F, v12;
	v12 =	vld [tilespmem:$0x1FA90];
	_ =	sdelay $0x4  }
0x435: {  	v27 =	vld [tilespmem:$0x1FEA0]  }
0x436: {  	v9 =	vld [tilespmem:$0x1FAA0]  }
0x437: {  	v20 =	vld.idx.msk [tilespmem:v10+s30+$0x0], $0xffff  }
0x438: {  	v17 =	vld.idx.msk [tilespmem:v12+s30+$0x0], $0xffff  }
0x439: {  	v12 =	vld [tilespmem:$0x1FAE0]  }
0x43a: {  	v10 =	vld [tilespmem:$0x1FA80]  }
0x43b: {  	v28 =	vld [tilespmem:$0x1FEB0]  }
0x43c: {  	v25 =	vld [tilespmem:$0x1FE80]  }
0x43d: {  	v19 =	vld [tilespmem:$0x1FAF0]  }
0x43e: {  	v61 =	vor.u32 v30, v12;
	v12 =	vld [tilespmem:$0x1FAD0]  }
0x43f: {  	v26 =	vld [tilespmem:$0x1FE90]  }
0x440: {  	v9 =	vld.idx.msk [tilespmem:v9+s30+$0x0], $0xffff;
	_ =	sdelay $0x1  }
0x441: {  	v13 =	vld.idx.msk [tilespmem:v10+s30+$0x0], $0xffff  }
0x442: {  	v24 =	vld [tilespmem:$0x1FEE0];
	v55 =	vor.u32 v33, v52;
	v57 =	vor.u32 v34, v52;
	v18 =	vor.u32 v25, v52  }
0x443: {  	v60 =	vor.u32 v32, v52;
	v16 =	vor.u32 v26, v52;
	v11 =	vor.u32 v27, v52;
	v58 =	vld.idx.msk [tilespmem:v31+s30+$0x0], $0xffff  }
0x444: {  	v19 =	vld.idx.msk [tilespmem:v19+s30+$0x0], $0xffff;
	v62 =	vadd.f32 v9, v56;
	v20 =	vadd.f32 v20, v56;
	v10 =	vor.u32 v28, v52  }
0x445: {  	s1 =	simm.s32 $0x2;
	s14 =	smov.u32 s4;
	v54 =	vor.u32 v1, v59;
	v9 =	vor.u32 v2, v59;
	v15 =	vld.idx.msk [tilespmem:v12+s30+$0x0], $0xffff;
	v12 =	vor.u32 v3, v59  }
.LBB2_37:
0x446: {  	p0 =	sne.s32 s1, $0x1F;
	v21 =	vor.u32 v4, v59;
	v22 =	vor.u32 v5, v59;
	v13 =	vadd.f32 v13, v56;
	s3 =	smov.u32 s1;
	s1 =	sadd.s32 $0x1, s1  }
0x447: {  	v23 =	vor.u32 v6, v59;
	v63 =	vor.u32 v7, v59;
	[tilespmem:v18+s29+$0x0] =	vst.idx.msk $0xffff, v20  }
0x448: {  	v18 =	vor.u32 v33, v53;
	[tilespmem:v16+s29+$0x0] =	vst.idx.msk $0xffff, v13;
	v13 =	vadd.f32 v14, v56  }
0x449: {  	v14 =	vor.u32 v24, v52;
	v52 =	vmov v53;
	[tilespmem:v11+s29+$0x0] =	vst.idx.msk $0xffff, v62;
	v11 =	vadd.f32 v17, v56  }
0x44a: {  	[tilespmem:v10+s29+$0x0] =	vst.idx.msk $0xffff, v13;
	v10 =	vadd.f32 v15, v56  }
0x44b: {  	[tilespmem:v55+s29+$0x0] =	vst.idx.msk $0xffff, v11;
	v11 =	vadd.f32 v19, v56;
	v55 =	vmov v18  }
0x44c: {  	[tilespmem:v60+s29+$0x0] =	vst.idx.msk $0xffff, v10;
	v10 =	vadd.f32 v58, v56  }
0x44d: {  	[tilespmem:v57+s29+$0x0] =	vst.idx.msk $0xffff, v11  }
0x44e: {  	v11 =	vor.u32 v8, v59;
	[tilespmem:v14+s29+$0x0] =	vst.idx.msk $0xffff, v10  }
0x44f: {  	v12 =	vld.idx.msk [tilespmem:v12+s30+$0x0], $0xffff  }
0x450: {  	v56 =	vld.idx.msk [tilespmem:v61+s18+$0x0], $0xffff  }
0x451: {  	v20 =	vld.idx.msk [tilespmem:v54+s30+$0x0], $0xffff  }
0x452: {  	v57 =	vor.u32 v34, v52;
	v13 =	vld.idx.msk [tilespmem:v9+s30+$0x0], $0xffff  }
.Ltmp17:
0x453: {  	v60 =	vor.u32 v32, v52;
	v10 =	vor.u32 v28, v52;
	v58 =	vld.idx.msk [tilespmem:v11+s30+$0x0], $0xffff;
	v11 =	vor.u32 v27, v52;
	(pc) =	sbr.rel @p0 .LBB2_37-.Ltmp17, $4  }
0x454: {  	v16 =	vor.u32 v26, v52;
	v18 =	vor.u32 v25, v52;
	v9 =	vadd.s32 s3, v0;
	v14 =	vld.idx.msk [tilespmem:v21+s30+$0x0], $0xffff  }
0x455: {  	v15 =	vshll.u32 v9, $0x4;
	v59 =	vand.u32 $0x1F, v9;
	v53 =	vshll.u32 v9, $0x7;
	v17 =	vld.idx.msk [tilespmem:v22+s30+$0x0], $0xffff  }
0x456: {  	v61 =	vor.u32 v30, v15;
	v54 =	vor.u32 v1, v59;
	v62 =	vadd.f32 v12, v56;
	v15 =	vld.idx.msk [tilespmem:v23+s30+$0x0], $0xffff  }
0x457: {  	v9 =	vor.u32 v2, v59;
	v12 =	vor.u32 v3, v59;
	v20 =	vadd.f32 v20, v56;
	v19 =	vld.idx.msk [tilespmem:v63+s30+$0x0], $0xffff  }
0x458: {  	_ =	sdelay $0x2  }
0x459: {  	v13 =	vadd.f32 v13, v56  }
0x45a: {  	[tilespmem:v18+s29+$0x0] =	vst.idx.msk $0xffff, v20  }
0x45b: {  	[tilespmem:v16+s29+$0x0] =	vst.idx.msk $0xffff, v13;
	v13 =	vadd.f32 v14, v56  }
0x45c: {  	v14 =	vor.u32 v24, v52;
	[tilespmem:v11+s29+$0x0] =	vst.idx.msk $0xffff, v62;
	v11 =	vadd.f32 v17, v56  }
0x45d: {  	[tilespmem:v10+s29+$0x0] =	vst.idx.msk $0xffff, v13;
	v10 =	vadd.f32 v15, v56  }
0x45e: {  	[tilespmem:v55+s29+$0x0] =	vst.idx.msk $0xffff, v11;
	v11 =	vadd.f32 v19, v56  }
0x45f: {  	[tilespmem:v60+s29+$0x0] =	vst.idx.msk $0xffff, v10;
	v10 =	vadd.f32 v58, v56  }
0x460: {  	[tilespmem:v57+s29+$0x0] =	vst.idx.msk $0xffff, v11  }
0x461: {  	v11 =	vor.u32 v4, v59;
	[tilespmem:v14+s29+$0x0] =	vst.idx.msk $0xffff, v10  }
0x462: {  	v13 =	vor.u32 v8, v59;
	v14 =	vld.idx.msk [tilespmem:v61+s18+$0x0], $0xffff  }
0x463: {  	v10 =	vor.u32 v5, v59;
	v16 =	vld.idx.msk [tilespmem:v54+s30+$0x0], $0xffff  }
0x464: {  	v15 =	vor.u32 v6, v59;
	v9 =	vld.idx.msk [tilespmem:v9+s30+$0x0], $0xffff  }
0x465: {  	v18 =	vor.u32 v25, v53;
	v17 =	vor.u32 v7, v59;
	v12 =	vld.idx.msk [tilespmem:v12+s30+$0x0], $0xffff  }
0x466: {  	v19 =	vor.u32 v26, v53;
	v11 =	vld.idx.msk [tilespmem:v11+s30+$0x0], $0xffff  }
0x467: {  	v20 =	vor.u32 v27, v53;
	v13 =	vld.idx.msk [tilespmem:v13+s30+$0x0], $0xffff  }
0x468: {  	v21 =	vor.u32 v28, v53;
	v10 =	vld.idx.msk [tilespmem:v10+s30+$0x0], $0xffff;
	v16 =	vadd.f32 v16, v14  }
0x469: {  	v15 =	vld.idx.msk [tilespmem:v15+s30+$0x0], $0xffff;
	v9 =	vadd.f32 v9, v14  }
0x46a: {  	v22 =	vor.u32 v33, v53;
	v17 =	vld.idx.msk [tilespmem:v17+s30+$0x0], $0xffff;
	v12 =	vadd.f32 v12, v14;
	[tilespmem:v18+s29+$0x0] =	vst.idx.msk $0xffff, v16  }
0x46b: {  	s1 =	simm.s32 $0x0;
	[tilespmem:v19+s29+$0x0] =	vst.idx.msk $0xffff, v9;
	v9 =	vadd.f32 v11, v14  }
0x46c: {  	v23 =	vor.u32 v34, v53;
	v34 =	vld [tilespmem:$0x1FF30];
	v11 =	vadd.s32 s1, v0;
	[tilespmem:v20+s29+$0x0] =	vst.idx.msk $0xffff, v12  }
0x46d: {  	v63 =	vor.u32 v32, v53;
	v25 =	vld [tilespmem:$0x1FFB0];
	v10 =	vadd.f32 v10, v14;
	v18 =	vshll.u32 v11, $0x4;
	[tilespmem:v21+s29+$0x0] =	vst.idx.msk $0xffff, v9  }
0x46e: {  	v31 =	vld [tilespmem:$0x1FF20];
	v12 =	vor.u32 v24, v53;
	v16 =	vand.u32 $0x1F, v11;
	[tilespmem:$0x1F9B0] =	vst v18  }
0x46f: {  	v33 =	vld [tilespmem:$0x1FFE0];
	v9 =	vadd.f32 v15, v14;
	v15 =	vand.u32 $0x1F0, v18;
	v18 =	vor.u32 v1, v16;
	[tilespmem:v22+s29+$0x0] =	vst.idx.msk $0xffff, v10  }
0x470: {  	v29 =	vld [tilespmem:$0x1FF00];
	v19 =	vor.u32 v2, v16;
	[tilespmem:$0x1F9C0] =	vst v18  }
0x471: {  	v28 =	vld [tilespmem:$0x1FFD0];
	v10 =	vadd.f32 v17, v14;
	[tilespmem:$0x1F9D0] =	vst v19  }
0x472: {  	v27 =	vld [tilespmem:$0x1FEF0];
	v15 =	vor.u32 v25, v15;
	[tilespmem:v63+s29+$0x0] =	vst.idx.msk $0xffff, v9;
	v9 =	vadd.f32 v13, v14  }
0x473: {  	v26 =	vld [tilespmem:$0x1FFC0];
	v13 =	vor.u32 v5, v16;
	[tilespmem:v23+s29+$0x0] =	vst.idx.msk $0xffff, v10  }
0x474: {  	v24 =	vld [tilespmem:$0x1FF10];
	v20 =	vor.u32 v8, v16;
	v14 =	vor.u32 v4, v16;
	[tilespmem:v12+s29+$0x0] =	vst.idx.msk $0xffff, v9  }
0x475: {  	v52 =	vshll.u32 v11, $0x7;
	v17 =	vor.u32 v6, v16;
	[tilespmem:$0x1FA50] =	vst v20;
	v9 =	vor.u32 v3, v16;
	v11 =	vld.idx.msk [tilespmem:v18+s31+$0x0], $0xffff  }
0x476: {  	[tilespmem:$0x1FA20] =	vst v17;
	v10 =	vand.u32 $0xF80, v52;
	v12 =	vld.idx.msk [tilespmem:v19+s31+$0x0], $0xffff  }
0x477: {  	[tilespmem:$0x1F9E0] =	vst v13;
	v55 =	vor.u32 v34, v10;
	v58 =	vor.u32 v31, v10;
	v56 =	vld.idx.msk [tilespmem:v15+s18+$0x0], $0xffff  }
0x478: {  	s12 =	simm.s32 $0x1;
	v57 =	vor.u32 v33, v10;
	v21 =	vor.u32 v26, v10;
	v18 =	vor.u32 v7, v16;
	v54 =	vld.idx.msk [tilespmem:v13+s31+$0x0], $0xffff  }
0x479: {  	[tilespmem:$0x1FA00] =	vst v14;
	v63 =	vor.u32 v24, v10;
	v19 =	vadd.s32 s12, v0;
	v16 =	vor.u32 v28, v10;
	v15 =	vld.idx.msk [tilespmem:v14+s31+$0x0], $0xffff  }
0x47a: {  	[tilespmem:$0x1F9F0] =	vst v9;
	v60 =	vand.u32 $0x1F, v19;
	v53 =	vshll.u32 v19, $0x7;
	v14 =	vor.u32 v27, v10;
	v13 =	vld.idx.msk [tilespmem:v9+s31+$0x0], $0xffff  }
0x47b: {  	[tilespmem:$0x1FA10] =	vst v19;
	v61 =	vor.u32 v3, v60;
	v9 =	vor.u32 v29, v10;
	v10 =	vshll.u32 v19, $0x4  }
0x47c: {  	v17 =	vld.idx.msk [tilespmem:v17+s31+$0x0], $0xffff;
	[tilespmem:$0x1FA40] =	vst v18;
	v62 =	vor.u32 v4, v60;
	v19 =	vand.u32 $0x1F0, v10;
	v22 =	vadd.f32 v11, v56  }
0x47d: {  	v59 =	vand.u32 $0xF80, v53;
	[tilespmem:$0x1FA30] =	vst v10;
	v10 =	vor.u32 v1, v60;
	v18 =	vld.idx.msk [tilespmem:v18+s31+$0x0], $0xffff;
	v11 =	vor.u32 v25, v19  }
0x47e: {  	s4 =	simm.s32 $0x0;
	s1 =	simm.s32 $0x2;
	v19 =	vld.idx.msk [tilespmem:v20+s31+$0x0], $0xffff;
	v20 =	vadd.f32 v12, v56;
	v12 =	vor.u32 v5, v60;
	[tilespmem:v21+s29+$0x0] =	vst.idx.msk $0xffff, v22  }
.LBB2_39:
0x47f: {  	p0 =	sne.s32 s1, $0x1F;
	v21 =	vor.u32 v6, v60;
	v22 =	vor.u32 v7, v60;
	v13 =	vadd.f32 v13, v56;
	s3 =	smov.u32 s1;
	s1 =	sadd.s32 $0x1, s1  }
0x480: {  	v15 =	vadd.f32 v15, v56;
	[tilespmem:v16+s29+$0x0] =	vst.idx.msk $0xffff, v20;
	v16 =	vadd.f32 v54, v56  }
0x481: {  	v20 =	vor.u32 v34, v59;
	[tilespmem:v14+s29+$0x0] =	vst.idx.msk $0xffff, v13;
	v13 =	vadd.f32 v17, v56  }
0x482: {  	[tilespmem:v9+s29+$0x0] =	vst.idx.msk $0xffff, v15;
	v9 =	vadd.f32 v18, v56  }
0x483: {  	v14 =	vadd.f32 v19, v56;
	[tilespmem:v63+s29+$0x0] =	vst.idx.msk $0xffff, v16  }
0x484: {  	v15 =	vor.u32 v2, v60;
	[tilespmem:v58+s29+$0x0] =	vst.idx.msk $0xffff, v13  }
0x485: {  	[tilespmem:v55+s29+$0x0] =	vst.idx.msk $0xffff, v9;
	v55 =	vmov v20  }
0x486: {  	[tilespmem:v57+s29+$0x0] =	vst.idx.msk $0xffff, v14  }
0x487: {  	v19 =	vld.idx.msk [tilespmem:v10+s31+$0x0], $0xffff  }
0x488: {  	v56 =	vld.idx.msk [tilespmem:v11+s18+$0x0], $0xffff  }
0x489: {  	v20 =	vld.idx.msk [tilespmem:v15+s31+$0x0], $0xffff  }
0x48a: {  	v58 =	vor.u32 v31, v59;
	v57 =	vor.u32 v33, v59;
	v54 =	vld.idx.msk [tilespmem:v12+s31+$0x0], $0xffff;
	v12 =	vor.u32 v8, v60  }
0x48b: {  	v23 =	vor.u32 v26, v59;
	v63 =	vor.u32 v24, v59;
	v9 =	vor.u32 v29, v59;
	v13 =	vld.idx.msk [tilespmem:v61+s31+$0x0], $0xffff  }
.Ltmp18:
0x48c: {  	v16 =	vor.u32 v28, v59;
	v14 =	vor.u32 v27, v59;
	v10 =	vadd.s32 s3, v0;
	v15 =	vld.idx.msk [tilespmem:v62+s31+$0x0], $0xffff;
	(pc) =	sbr.rel @p0 .LBB2_39-.Ltmp18, $4  }
0x48d: {  	v11 =	vshll.u32 v10, $0x4;
	v59 =	vshll.u32 v10, $0x7;
	v60 =	vand.u32 $0x1F, v10;
	v17 =	vld.idx.msk [tilespmem:v21+s31+$0x0], $0xffff  }
0x48e: {  	v11 =	vand.u32 $0x1F0, v11;
	v10 =	vor.u32 v1, v60;
	v21 =	vadd.f32 v19, v56;
	v18 =	vld.idx.msk [tilespmem:v22+s31+$0x0], $0xffff  }
0x48f: {  	v11 =	vor.u32 v25, v11;
	v61 =	vor.u32 v3, v60;
	v20 =	vadd.f32 v20, v56;
	v19 =	vld.idx.msk [tilespmem:v12+s31+$0x0], $0xffff  }
0x490: {  	v59 =	vand.u32 $0xF80, v59;
	v62 =	vor.u32 v4, v60;
	v12 =	vor.u32 v5, v60;
	[tilespmem:v23+s29+$0x0] =	vst.idx.msk $0xffff, v21  }
0x491: {  	_ =	sdelay $0x2  }
0x492: {  	v13 =	vadd.f32 v13, v56  }
0x493: {  	[tilespmem:v16+s29+$0x0] =	vst.idx.msk $0xffff, v20;
	v15 =	vadd.f32 v15, v56  }
0x494: {  	v16 =	vadd.f32 v54, v56;
	[tilespmem:v14+s29+$0x0] =	vst.idx.msk $0xffff, v13  }
0x495: {  	v13 =	vadd.f32 v17, v56;
	[tilespmem:v9+s29+$0x0] =	vst.idx.msk $0xffff, v15  }
0x496: {  	v9 =	vadd.f32 v18, v56;
	[tilespmem:v63+s29+$0x0] =	vst.idx.msk $0xffff, v16  }
0x497: {  	v14 =	vadd.f32 v19, v56;
	v15 =	vor.u32 v2, v60;
	[tilespmem:v58+s29+$0x0] =	vst.idx.msk $0xffff, v13  }
0x498: {  	[tilespmem:v55+s29+$0x0] =	vst.idx.msk $0xffff, v9  }
0x499: {  	[tilespmem:v57+s29+$0x0] =	vst.idx.msk $0xffff, v14  }
0x49a: {  	v9 =	vld.idx.msk [tilespmem:v10+s31+$0x0], $0xffff  }
0x49b: {  	v13 =	vor.u32 v7, v60;
	v11 =	vld.idx.msk [tilespmem:v11+s18+$0x0], $0xffff  }
0x49c: {  	v10 =	vor.u32 v6, v60;
	v14 =	vld.idx.msk [tilespmem:v15+s31+$0x0], $0xffff  }
0x49d: {  	v17 =	vor.u32 v26, v59;
	v15 =	vor.u32 v8, v60;
	v16 =	vld.idx.msk [tilespmem:v61+s31+$0x0], $0xffff  }
0x49e: {  	v19 =	vor.u32 v28, v59;
	v18 =	vld.idx.msk [tilespmem:v62+s31+$0x0], $0xffff  }
0x49f: {  	v20 =	vor.u32 v27, v59;
	v12 =	vld.idx.msk [tilespmem:v12+s31+$0x0], $0xffff  }
0x4a0: {  	v21 =	vor.u32 v29, v59;
	v13 =	vld.idx.msk [tilespmem:v13+s31+$0x0], $0xffff;
	v9 =	vadd.f32 v9, v11  }
0x4a1: {  	v22 =	vor.u32 v24, v59;
	v10 =	vld.idx.msk [tilespmem:v10+s31+$0x0], $0xffff;
	v14 =	vadd.f32 v14, v11  }
0x4a2: {  	v15 =	vld.idx.msk [tilespmem:v15+s31+$0x0], $0xffff;
	[tilespmem:v17+s29+$0x0] =	vst.idx.msk $0xffff, v9;
	v9 =	vadd.f32 v16, v11  }
0x4a3: {  	[tilespmem:v19+s29+$0x0] =	vst.idx.msk $0xffff, v14;
	v14 =	vadd.f32 v18, v11  }
0x4a4: {  	v12 =	vadd.f32 v12, v11;
	[tilespmem:v20+s29+$0x0] =	vst.idx.msk $0xffff, v9  }
0x4a5: {  	v17 =	vor.u32 v33, v59;
	v33 =	vld [tilespmem:$0x1FFF0];
	[tilespmem:v21+s29+$0x0] =	vst.idx.msk $0xffff, v14  }
0x4a6: {  	[tilespmem:v22+s29+$0x0] =	vst.idx.msk $0xffff, v12;
	v12 =	vld [tilespmem:$0x1F9B0];
	_ =	sdelay $0x1  }
0x4a7: {  	v23 =	vor.u32 v31, v59  }
0x4a8: {  	v16 =	vor.u32 v34, v59;
	_ =	sdelay $0x1  }
0x4a9: {  	v9 =	vadd.f32 v10, v11;
	v12 =	vor.u32 v33, v12  }
0x4aa: {  	v10 =	vadd.f32 v13, v11  }
0x4ab: {  	v11 =	vadd.f32 v15, v11;
	[tilespmem:v23+s29+$0x0] =	vst.idx.msk $0xffff, v9  }
0x4ac: {  	[tilespmem:v16+s29+$0x0] =	vst.idx.msk $0xffff, v10  }
0x4ad: {  	[tilespmem:v17+s29+$0x0] =	vst.idx.msk $0xffff, v11  }
0x4ae: {  	v56 =	vld.idx.msk [tilespmem:v12+s18+$0x0], $0xffff  }
0x4af: {  	v12 =	vld [tilespmem:$0x1FA00];
	_ =	sdelay $0x6  }
0x4b0: {  	v10 =	vld [tilespmem:$0x1F9C0]  }
0x4b1: {  	v14 =	vld.idx.msk [tilespmem:v12+s2+$0x0], $0xffff  }
0x4b2: {  	v12 =	vld [tilespmem:$0x1FA10];
	_ =	sdelay $0x4  }
0x4b3: {  	v59 =	vand.u32 $0x1F, v12;
	v12 =	vld [tilespmem:$0x1F9E0];
	_ =	sdelay $0x2  }
0x4b4: {  	v20 =	vld.idx.msk [tilespmem:v10+s2+$0x0], $0xffff  }
0x4b5: {  	v10 =	vld [tilespmem:$0x1F9D0];
	_ =	sdelay $0x2  }
0x4b6: {  	v9 =	vld [tilespmem:$0x1F9F0]  }
0x4b7: {  	v17 =	vld.idx.msk [tilespmem:v12+s2+$0x0], $0xffff  }
0x4b8: {  	v12 =	vld [tilespmem:$0x1FA30];
	_ =	sdelay $0x1  }
0x4b9: {  	v19 =	vld [tilespmem:$0x1FA40]  }
0x4ba: {  	v13 =	vld.idx.msk [tilespmem:v10+s2+$0x0], $0xffff  }
0x4bb: {  	v10 =	vld [tilespmem:$0x1FA50]  }
0x4bc: {  	v61 =	vor.u32 v33, v12;
	v12 =	vld [tilespmem:$0x1FA20];
	_ =	sdelay $0x1  }
0x4bd: {  	v9 =	vld.idx.msk [tilespmem:v9+s2+$0x0], $0xffff;
	_ =	sdelay $0x1  }
0x4be: {  	v24 =	vld [tilespmem:$0x1FF50]  }
0x4bf: {  	v31 =	vld [tilespmem:$0x1FF60];
	v55 =	vor.u32 v39, v52;
	v57 =	vor.u32 v41, v52;
	v18 =	vor.u32 v35, v52  }
0x4c0: {  	v60 =	vor.u32 v40, v52;
	v16 =	vor.u32 v36, v52;
	v11 =	vor.u32 v37, v52;
	v19 =	vld.idx.msk [tilespmem:v19+s2+$0x0], $0xffff  }
0x4c1: {  	v62 =	vadd.f32 v9, v56;
	v20 =	vadd.f32 v20, v56;
	v54 =	vor.u32 v1, v59;
	v58 =	vld.idx.msk [tilespmem:v10+s2+$0x0], $0xffff  }
0x4c2: {  	s1 =	simm.s32 $0x2;
	v9 =	vor.u32 v2, v59;
	v10 =	vor.u32 v38, v52;
	v15 =	vld.idx.msk [tilespmem:v12+s2+$0x0], $0xffff;
	v12 =	vor.u32 v3, v59  }
.LBB2_41:
0x4c3: {  	p0 =	sne.s32 s1, $0x1F;
	v21 =	vor.u32 v4, v59;
	v22 =	vor.u32 v5, v59;
	v13 =	vadd.f32 v13, v56;
	s3 =	smov.u32 s1;
	s1 =	sadd.s32 $0x1, s1  }
0x4c4: {  	v23 =	vor.u32 v6, v59;
	v63 =	vor.u32 v7, v59;
	[tilespmem:v18+s29+$0x0] =	vst.idx.msk $0xffff, v20  }
0x4c5: {  	v18 =	vor.u32 v39, v53;
	[tilespmem:v16+s29+$0x0] =	vst.idx.msk $0xffff, v13;
	v13 =	vadd.f32 v14, v56  }
0x4c6: {  	v14 =	vor.u32 v42, v52;
	v52 =	vmov v53;
	[tilespmem:v11+s29+$0x0] =	vst.idx.msk $0xffff, v62;
	v11 =	vadd.f32 v17, v56  }
0x4c7: {  	[tilespmem:v10+s29+$0x0] =	vst.idx.msk $0xffff, v13;
	v10 =	vadd.f32 v15, v56  }
0x4c8: {  	[tilespmem:v55+s29+$0x0] =	vst.idx.msk $0xffff, v11;
	v11 =	vadd.f32 v19, v56;
	v55 =	vmov v18  }
0x4c9: {  	[tilespmem:v60+s29+$0x0] =	vst.idx.msk $0xffff, v10;
	v10 =	vadd.f32 v58, v56  }
0x4ca: {  	[tilespmem:v57+s29+$0x0] =	vst.idx.msk $0xffff, v11  }
0x4cb: {  	v11 =	vor.u32 v8, v59;
	[tilespmem:v14+s29+$0x0] =	vst.idx.msk $0xffff, v10  }
0x4cc: {  	v12 =	vld.idx.msk [tilespmem:v12+s2+$0x0], $0xffff  }
0x4cd: {  	v56 =	vld.idx.msk [tilespmem:v61+s18+$0x0], $0xffff  }
0x4ce: {  	v20 =	vld.idx.msk [tilespmem:v54+s2+$0x0], $0xffff  }
0x4cf: {  	v57 =	vor.u32 v41, v52;
	v13 =	vld.idx.msk [tilespmem:v9+s2+$0x0], $0xffff  }
.Ltmp19:
0x4d0: {  	v60 =	vor.u32 v40, v52;
	v10 =	vor.u32 v38, v52;
	v58 =	vld.idx.msk [tilespmem:v11+s2+$0x0], $0xffff;
	v11 =	vor.u32 v37, v52;
	(pc) =	sbr.rel @p0 .LBB2_41-.Ltmp19, $4  }
0x4d1: {  	v16 =	vor.u32 v36, v52;
	v18 =	vor.u32 v35, v52;
	v9 =	vadd.s32 s3, v0;
	v14 =	vld.idx.msk [tilespmem:v21+s2+$0x0], $0xffff  }
0x4d2: {  	v15 =	vshll.u32 v9, $0x4;
	v59 =	vand.u32 $0x1F, v9;
	v53 =	vshll.u32 v9, $0x7;
	v17 =	vld.idx.msk [tilespmem:v22+s2+$0x0], $0xffff  }
0x4d3: {  	v61 =	vor.u32 v33, v15;
	v54 =	vor.u32 v1, v59;
	v62 =	vadd.f32 v12, v56;
	v15 =	vld.idx.msk [tilespmem:v23+s2+$0x0], $0xffff  }
0x4d4: {  	v9 =	vor.u32 v2, v59;
	v12 =	vor.u32 v3, v59;
	v20 =	vadd.f32 v20, v56;
	v19 =	vld.idx.msk [tilespmem:v63+s2+$0x0], $0xffff  }
0x4d5: {  	_ =	sdelay $0x2  }
0x4d6: {  	v13 =	vadd.f32 v13, v56  }
0x4d7: {  	[tilespmem:v18+s29+$0x0] =	vst.idx.msk $0xffff, v20  }
0x4d8: {  	[tilespmem:v16+s29+$0x0] =	vst.idx.msk $0xffff, v13;
	v13 =	vadd.f32 v14, v56  }
0x4d9: {  	v14 =	vor.u32 v42, v52;
	[tilespmem:v11+s29+$0x0] =	vst.idx.msk $0xffff, v62;
	v11 =	vadd.f32 v17, v56  }
0x4da: {  	[tilespmem:v10+s29+$0x0] =	vst.idx.msk $0xffff, v13;
	v10 =	vadd.f32 v15, v56  }
0x4db: {  	[tilespmem:v55+s29+$0x0] =	vst.idx.msk $0xffff, v11;
	v11 =	vadd.f32 v19, v56  }
0x4dc: {  	[tilespmem:v60+s29+$0x0] =	vst.idx.msk $0xffff, v10;
	v10 =	vadd.f32 v58, v56  }
0x4dd: {  	[tilespmem:v57+s29+$0x0] =	vst.idx.msk $0xffff, v11  }
0x4de: {  	v11 =	vor.u32 v4, v59;
	[tilespmem:v14+s29+$0x0] =	vst.idx.msk $0xffff, v10  }
0x4df: {  	v10 =	vor.u32 v5, v59;
	v12 =	vld.idx.msk [tilespmem:v12+s2+$0x0], $0xffff  }
0x4e0: {  	v14 =	vld.idx.msk [tilespmem:v61+s18+$0x0], $0xffff  }
0x4e1: {  	v15 =	vor.u32 v6, v59;
	v16 =	vld.idx.msk [tilespmem:v54+s2+$0x0], $0xffff  }
0x4e2: {  	v17 =	vor.u32 v7, v59;
	v9 =	vld.idx.msk [tilespmem:v9+s2+$0x0], $0xffff  }
0x4e3: {  	v18 =	vor.u32 v35, v53;
	v13 =	vor.u32 v8, v59;
	v11 =	vld.idx.msk [tilespmem:v11+s2+$0x0], $0xffff  }
0x4e4: {  	v19 =	vor.u32 v36, v53;
	v10 =	vld.idx.msk [tilespmem:v10+s2+$0x0], $0xffff  }
0x4e5: {  	v20 =	vor.u32 v37, v53  }
0x4e6: {  	v21 =	vor.u32 v38, v53;
	v15 =	vld.idx.msk [tilespmem:v15+s2+$0x0], $0xffff;
	v16 =	vadd.f32 v16, v14  }
0x4e7: {  	v22 =	vor.u32 v39, v53;
	v23 =	vor.u32 v41, v53;
	v17 =	vld.idx.msk [tilespmem:v17+s2+$0x0], $0xffff;
	v9 =	vadd.f32 v9, v14  }
0x4e8: {  	v63 =	vor.u32 v40, v53;
	s1 =	simm.s32 $0x0;
	v13 =	vld.idx.msk [tilespmem:v13+s2+$0x0], $0xffff;
	v12 =	vadd.f32 v12, v14;
	[tilespmem:v18+s29+$0x0] =	vst.idx.msk $0xffff, v16  }
0x4e9: {  	[tilespmem:v19+s29+$0x0] =	vst.idx.msk $0xffff, v9;
	v9 =	vadd.f32 v11, v14;
	v11 =	vadd.s32 s1, v0;
	v10 =	vadd.f32 v10, v14  }
0x4ea: {  	[tilespmem:v20+s29+$0x0] =	vst.idx.msk $0xffff, v12;
	v12 =	vor.u32 v42, v53;
	v16 =	vshll.u32 v11, $0x4;
	v18 =	vand.u32 $0x1F, v11  }
0x4eb: {  	[tilespmem:v21+s29+$0x0] =	vst.idx.msk $0xffff, v9;
	v9 =	vadd.f32 v15, v14;
	v15 =	vand.u32 $0x1F0, v16;
	v16 =	vor.u32 v1, v18  }
0x4ec: {  	[tilespmem:v22+s29+$0x0] =	vst.idx.msk $0xffff, v10;
	v10 =	vadd.f32 v17, v14;
	v15 =	vor.u32 v43, v15  }
0x4ed: {  	[tilespmem:v63+s29+$0x0] =	vst.idx.msk $0xffff, v9;
	v9 =	vadd.f32 v13, v14;
	v13 =	vor.u32 v2, v18  }
0x4ee: {  	v27 =	vld [tilespmem:$0x1FF80];
	[tilespmem:v23+s29+$0x0] =	vst.idx.msk $0xffff, v10;
	v10 =	vor.u32 v5, v18  }
0x4ef: {  	v29 =	vld [tilespmem:$0x1FF90];
	v11 =	vshll.u32 v11, $0x7;
	[tilespmem:v12+s29+$0x0] =	vst.idx.msk $0xffff, v9;
	v9 =	vor.u32 v3, v18  }
0x4f0: {  	v11 =	vand.u32 $0xF80, v11;
	v20 =	vor.u32 v7, v18;
	v12 =	vor.u32 v4, v18;
	v19 =	vld.idx.msk [tilespmem:v16+s0+$0x0], $0xffff  }
0x4f1: {  	v17 =	vor.u32 v6, v18;
	v52 =	vor.u32 v50, v11;
	v22 =	vor.u32 v8, v18;
	v53 =	vld.idx.msk [tilespmem:v15+s18+$0x0], $0xffff  }
0x4f2: {  	s12 =	simm.s32 $0x1;
	v55 =	vor.u32 v49, v11;
	v54 =	vor.u32 v51, v11;
	v61 =	vor.u32 v48, v11;
	v21 =	vld.idx.msk [tilespmem:v13+s0+$0x0], $0xffff  }
0x4f3: {  	v14 =	vor.u32 v46, v11;
	v23 =	vor.u32 v44, v11;
	v60 =	vld.idx.msk [tilespmem:v10+s0+$0x0], $0xffff;
	v10 =	vadd.s32 s12, v0  }
0x4f4: {  	v16 =	vor.u32 v45, v11;
	v13 =	vld.idx.msk [tilespmem:v9+s0+$0x0], $0xffff;
	v9 =	vor.u32 v47, v11;
	v11 =	vshll.u32 v10, $0x4  }
0x4f5: {  	v15 =	vld.idx.msk [tilespmem:v12+s0+$0x0], $0xffff;
	v57 =	vand.u32 $0x1F, v10;
	v56 =	vshll.u32 v10, $0x7;
	v11 =	vand.u32 $0x1F0, v11  }
0x4f6: {  	v17 =	vld.idx.msk [tilespmem:v17+s0+$0x0], $0xffff;
	v10 =	vor.u32 v1, v57;
	v58 =	vor.u32 v3, v57;
	v34 =	vadd.f32 v19, v53  }
0x4f7: {  	v18 =	vld.idx.msk [tilespmem:v20+s0+$0x0], $0xffff;
	v59 =	vor.u32 v4, v57;
	v12 =	vor.u32 v5, v57;
	v56 =	vand.u32 $0xF80, v56  }
0x4f8: {  	s1 =	simm.s32 $0x2;
	v11 =	vor.u32 v43, v11;
	v19 =	vld.idx.msk [tilespmem:v22+s0+$0x0], $0xffff;
	v20 =	vadd.f32 v21, v53;
	[tilespmem:v23+s29+$0x0] =	vst.idx.msk $0xffff, v34  }
.LBB2_43:
0x4f9: {  	p0 =	sne.s32 s1, $0x1F;
	v21 =	vor.u32 v6, v57;
	v22 =	vor.u32 v7, v57;
	v13 =	vadd.f32 v13, v53;
	s3 =	smov.u32 s1;
	s1 =	sadd.s32 $0x1, s1  }
0x4fa: {  	v15 =	vadd.f32 v15, v53;
	[tilespmem:v16+s29+$0x0] =	vst.idx.msk $0xffff, v20;
	v16 =	vadd.f32 v60, v53  }
0x4fb: {  	v20 =	vor.u32 v50, v56;
	[tilespmem:v14+s29+$0x0] =	vst.idx.msk $0xffff, v13;
	v13 =	vadd.f32 v17, v53  }
0x4fc: {  	[tilespmem:v9+s29+$0x0] =	vst.idx.msk $0xffff, v15;
	v9 =	vadd.f32 v18, v53  }
0x4fd: {  	v14 =	vadd.f32 v19, v53;
	[tilespmem:v61+s29+$0x0] =	vst.idx.msk $0xffff, v16  }
0x4fe: {  	v15 =	vor.u32 v2, v57;
	[tilespmem:v55+s29+$0x0] =	vst.idx.msk $0xffff, v13  }
0x4ff: {  	[tilespmem:v52+s29+$0x0] =	vst.idx.msk $0xffff, v9;
	v52 =	vmov v20  }
0x500: {  	[tilespmem:v54+s29+$0x0] =	vst.idx.msk $0xffff, v14  }
0x501: {  	v19 =	vld.idx.msk [tilespmem:v10+s0+$0x0], $0xffff  }
0x502: {  	v53 =	vld.idx.msk [tilespmem:v11+s18+$0x0], $0xffff  }
0x503: {  	v20 =	vld.idx.msk [tilespmem:v15+s0+$0x0], $0xffff  }
0x504: {  	v55 =	vor.u32 v49, v56;
	v54 =	vor.u32 v51, v56;
	v60 =	vld.idx.msk [tilespmem:v12+s0+$0x0], $0xffff;
	v12 =	vor.u32 v8, v57  }
0x505: {  	v23 =	vor.u32 v44, v56;
	v61 =	vor.u32 v48, v56;
	v9 =	vor.u32 v47, v56;
	v13 =	vld.idx.msk [tilespmem:v58+s0+$0x0], $0xffff  }
.Ltmp20:
0x506: {  	v16 =	vor.u32 v45, v56;
	v14 =	vor.u32 v46, v56;
	v10 =	vadd.s32 s3, v0;
	v15 =	vld.idx.msk [tilespmem:v59+s0+$0x0], $0xffff;
	(pc) =	sbr.rel @p0 .LBB2_43-.Ltmp20, $4  }
0x507: {  	v11 =	vshll.u32 v10, $0x4;
	v56 =	vshll.u32 v10, $0x7;
	v57 =	vand.u32 $0x1F, v10;
	v17 =	vld.idx.msk [tilespmem:v21+s0+$0x0], $0xffff  }
0x508: {  	v11 =	vand.u32 $0x1F0, v11;
	v10 =	vor.u32 v1, v57;
	v21 =	vadd.f32 v19, v53;
	v18 =	vld.idx.msk [tilespmem:v22+s0+$0x0], $0xffff  }
0x509: {  	v11 =	vor.u32 v43, v11;
	v58 =	vor.u32 v3, v57;
	v20 =	vadd.f32 v20, v53;
	v19 =	vld.idx.msk [tilespmem:v12+s0+$0x0], $0xffff  }
0x50a: {  	v56 =	vand.u32 $0xF80, v56;
	v59 =	vor.u32 v4, v57;
	v12 =	vor.u32 v5, v57;
	[tilespmem:v23+s29+$0x0] =	vst.idx.msk $0xffff, v21  }
0x50b: {  	_ =	sdelay $0x2  }
0x50c: {  	v13 =	vadd.f32 v13, v53  }
0x50d: {  	[tilespmem:v16+s29+$0x0] =	vst.idx.msk $0xffff, v20;
	v15 =	vadd.f32 v15, v53  }
0x50e: {  	v22 =	vadd.f32 v60, v53;
	[tilespmem:v14+s29+$0x0] =	vst.idx.msk $0xffff, v13  }
0x50f: {  	v23 =	vadd.f32 v17, v53;
	[tilespmem:v9+s29+$0x0] =	vst.idx.msk $0xffff, v15  }
0x510: {  	v9 =	vadd.f32 v18, v53;
	[tilespmem:v61+s29+$0x0] =	vst.idx.msk $0xffff, v22  }
0x511: {  	v34 =	vadd.f32 v19, v53;
	v53 =	vor.u32 v2, v57;
	[tilespmem:v55+s29+$0x0] =	vst.idx.msk $0xffff, v23  }
0x512: {  	[tilespmem:v52+s29+$0x0] =	vst.idx.msk $0xffff, v9  }
0x513: {  	[tilespmem:v54+s29+$0x0] =	vst.idx.msk $0xffff, v34  }
0x514: {  	v9 =	vld.idx.msk [tilespmem:v10+s0+$0x0], $0xffff  }
0x515: {  	v10 =	vor.u32 v6, v57;
	v11 =	vld.idx.msk [tilespmem:v11+s18+$0x0], $0xffff  }
0x516: {  	v54 =	vor.u32 v7, v57;
	v14 =	vld.idx.msk [tilespmem:v53+s0+$0x0], $0xffff  }
0x517: {  	v55 =	vor.u32 v8, v57;
	v16 =	vld.idx.msk [tilespmem:v58+s0+$0x0], $0xffff;
	v57 =	vor.u32 v44, v56  }
0x518: {  	v58 =	vld.idx.msk [tilespmem:v59+s0+$0x0], $0xffff;
	v59 =	vor.u32 v45, v56  }
0x519: {  	v60 =	vor.u32 v46, v56;
	v12 =	vld.idx.msk [tilespmem:v12+s0+$0x0], $0xffff  }
0x51a: {  	v21 =	vor.u32 v47, v56;
	v10 =	vld.idx.msk [tilespmem:v10+s0+$0x0], $0xffff;
	v9 =	vadd.f32 v9, v11  }
0x51b: {  	v22 =	vor.u32 v48, v56;
	v13 =	vld.idx.msk [tilespmem:v54+s0+$0x0], $0xffff;
	v14 =	vadd.f32 v14, v11  }
0x51c: {  	v23 =	vor.u32 v49, v56;
	v15 =	vld.idx.msk [tilespmem:v55+s0+$0x0], $0xffff;
	[tilespmem:v57+s29+$0x0] =	vst.idx.msk $0xffff, v9;
	v9 =	vadd.f32 v16, v11  }
0x51d: {  	v61 =	vor.u32 v50, v56;
	v62 =	vadd.f32 v58, v11;
	[tilespmem:v59+s29+$0x0] =	vst.idx.msk $0xffff, v14  }
0x51e: {  	v63 =	vor.u32 v51, v56;
	s9 =	sadd.s32 $0x1, s9;
	v12 =	vadd.f32 v12, v11;
	[tilespmem:v60+s29+$0x0] =	vst.idx.msk $0xffff, v9  }
0x51f: {  	s1 =	smul.u32 $0xA0000, s11;
	p0 =	sne.s32 s9, $0x14;
	v9 =	vadd.f32 v10, v11;
	[tilespmem:v21+s29+$0x0] =	vst.idx.msk $0xffff, v62  }
.Ltmp21:
0x520: {  	v10 =	vadd.f32 v13, v11;
	[tilespmem:v22+s29+$0x0] =	vst.idx.msk $0xffff, v12;
	(pc) =	sbr.rel @p0 .LBB2_24-.Ltmp21, $4  }
0x521: {  	s1 =	sor.u32 s10, s1;
	v11 =	vadd.f32 v15, v11;
	[tilespmem:v23+s29+$0x0] =	vst.idx.msk $0xffff, v9  }
0x522: {  	s3 =	rddreg [dreg:$0x2];
	s1 =	sshrl.u32 s1, $0x3;
	[tilespmem:v61+s29+$0x0] =	vst.idx.msk $0xffff, v10  }
0x523: {  	s1 =	sadd.s32 s3, s1;
	v34 =	vld [tilespmem:$0x1FFE0];
	[tilespmem:v63+s29+$0x0] =	vst.idx.msk $0xffff, v11  }
0x524: {  	v63 =	vld [tilespmem:$0x1FF40];
	[hbm4b:s1+s25] =	stream.strided.scatter [tilespmem:s29], [sflag:$0x4], $0x5000, s26, s25, $0x38  }
0x525: {  	s1 =	simm.s32 $0x3  }
0x526: {  	_ =	swait.ge [sflag:s1], $0x5000  }
0x527: {  	[sflag:s1] =	ssyncset.done $0x0  }
0x528: {  	s3 =	simm.s32 $0x4;
	[sflag:s1] =	ssyncadd.s32 $0xFFFFB000  }
0x529: {  	_ =	swait.ge [sflag:s3], $0x5000  }
0x52a: {  	s9 =	rddreg [dreg:$0x7]  }
0x52b: {  	s13 =	rddreg [dreg:$0x6];
	s9 =	sadd.s32 $0x1, s9  }
0x52c: {  	p0 =	sne.s32 s9, s13  }
.Ltmp22:
0x52d: {  	_ = 	snop;
	(pc) =	sbr.rel @p0 .LBB2_1-.Ltmp22, $3  }
0x52e: {  	_ =	sdelay $0x1  }
0x52f: {  	[sflag:s3] =	ssyncset.done $0x0  }
0x530: {  	[sflag:s3] =	ssyncadd.s32 $0xFFFFB000  }
0x531: {  	_ =	sfence.sel $0x180000  }
0x532: {  	[bflag:$0x0] =	sbarrier.arrive $0xFFFF  }
0x533: {  	_ =	strace $0x90000047  }
0x534: {  	s0 =	stileid.u32;
	[bflag:$0x2] =	sbarrier.arrive $0xFFFF  }
0x535: {  	p0 =	sne.s32 s0, $0x0;
	s0 =	rddreg [dreg:$0x3]  }
0x536: {  	s0 =	sadd.s32 @!p0 $0x100000, s0  }
0x537: {  	[sflag:s0] =	ssyncadd.tile.s32 @!p0 $0x1;
	_ =	shalt  }
.Lfunc_end2:
_tile_overlayer_lowered:
.L_overlay_start_2:
0x538: {  	(tag) =	ssettag $0x2  }
0x539: {  	s0 =	rddreg [dreg:$0x0];
	s2 =	stileid.u32  }
0x53a: {  	s1 =	rddreg [dreg:$0x1];
	p0 =	sne.s32 s2, $0x0  }
0x53b: {  	s3 =	rddreg [dreg:$0x2];
	[bflag:$0x3] =	sbarrier.arrive $0xFFFF;
	s2 =	simm.s32 @!p0 $0x1C05  }
0x53c: {  	[timem:s3], [sflag:s2] =	dma.local @!p0 [hbm:s0], s1  }
0x53d: {  	s0 =	simm.s32 @!p0 $0x5  }
0x53e: {  	_ =	swait.ge @!p0 [sflag:s0], s1  }
0x53f: {  	s1 =	ssub.s32 @!p0 $0x0, s1;
	[sflag:s0] =	ssyncset.done @!p0 $0x0  }
0x540: {  	[sflag:s0] =	ssyncadd.s32 @!p0 s1  }
0x541: {  	[bflag:$0x3] =	sbarrier.arrive $0xFFFF  }
0x542: {  	_ =	shalt  }

</sc_bundles>
